<compile_context>
chip_gen: v7x
topology: tpu7x:2x2x1
jax: 0.10.2.dev20260603
libtpu: 0.0.44.dev20260713+nightly
codegen_flags: <defaults>
</compile_context>

<pallas_src>
import functools

import jax
import jax.numpy as jnp
from jax import lax
from jax.experimental import pallas as pl
from jax.experimental.pallas import tpu as pltpu
from jax.experimental.pallas import tpu_sc as plsc

N = 10000
E = 320000
D = 128
NITER = 3
G = 128

NP = 10240
RB = 1024
NBLK = NP // RB

NSC = 2
NTILE = 16
K = 64
EP = 327680
TPW = EP // (NSC * NTILE)
CH = TPW // K
ZR = NP // NTILE

NEG = -1e30
_P = lax.Precision.HIGHEST


def _dot(x, y, dn=None):
    if dn is None:
        return lax.dot(x, y, precision=_P, preferred_element_type=jnp.float32)
    return lax.dot_general(x, y, dn, precision=_P,
                           preferred_element_type=jnp.float32)



def _make_sc_segsum(width, gather):
    mesh = plsc.VectorSubcoreMesh(core_axis_name="c", subcore_axis_name="s",
                                  num_cores=NSC, num_subcores=NTILE)
    if width is None:
        row_shape = (K,)
        acc_words = NP
        out_shape = (NSC, NP)
        nbuf = 4
        ib = CH
    else:
        row_shape = (K, width)
        acc_words = NP * width
        out_shape = (NSC, NP, width)
        nbuf = 4
        ib = 40
    nib = CH // ib
    acc_shape = (NP,) if width is None else (NP, width)
    scratch = [
        pltpu.VMEM((ib, K), jnp.int32),
        *[pltpu.VMEM(row_shape, jnp.float32) for _ in range(nbuf)],
        pltpu.VMEM_SHARED(acc_shape, jnp.float32),
        pltpu.SemaphoreType.DMA((nbuf,)),
        pltpu.SemaphoreType.DMA((nbuf,)),
    ]
    if gather:
        scratch.insert(0, pltpu.VMEM((ib, K), jnp.int32))

    @functools.partial(
        pl.kernel,
        out_type=jax.ShapeDtypeStruct(out_shape, jnp.float32),
        mesh=mesh,
        scratch_types=scratch,
    )
    def kern(*refs):
        if gather:
            (table_hbm, src_hbm, dst_hbm, zrow_hbm, out_hbm,
             sidx_v, didx_v, *rest) = refs
        else:
            (ones_hbm, dst_hbm, zrow_hbm, out_hbm, didx_v, *rest) = refs
        bufs = rest[:nbuf]
        acc_sh, gsem, ssem = rest[nbuf:]
        cid = lax.axis_index("c")
        sid = lax.axis_index("s")
        wid = cid * NTILE + sid
        if not gather:
            for bb in range(nbuf):
                pltpu.sync_copy(ones_hbm, bufs[bb])
        pltpu.sync_copy(zrow_hbm, acc_sh.at[pl.ds(sid * ZR, ZR)])
        plsc.subcore_barrier()

        def stage_idx(nb):
            off = wid * CH + nb * ib
            pltpu.sync_copy(dst_hbm.at[pl.ds(off, ib)], didx_v)
            if gather:
                pltpu.sync_copy(src_hbm.at[pl.ds(off, ib)], sidx_v)

        def start_gather(j, b):
            return pltpu.async_copy(table_hbm.at[sidx_v.at[j]], bufs[b],
                                    gsem.at[b])

        def start_scatter(j, b):
            return pltpu.async_copy(bufs[b], acc_sh.at[didx_v.at[j]],
                                    ssem.at[b], add=True)

        def wait_gather(b):
            pltpu.make_async_copy(table_hbm.at[sidx_v.at[0]], bufs[b],
                                  gsem.at[b]).wait()

        def wait_scatter(b):
            pltpu.make_async_copy(bufs[b], acc_sh.at[didx_v.at[0]],
                                  ssem.at[b]).wait()

        if gather and width is not None:
            def blk(nb, carry):
                stage_idx(nb)
                for bb in range(nbuf):
                    start_gather(bb, bb)

                def body(g, c):
                    j0 = g * nbuf
                    for bb in range(nbuf):
                        wait_gather(bb)
                        start_scatter(j0 + bb, bb)
                    for bb in range(nbuf):
                        wait_scatter(bb)
                        start_gather(jnp.minimum(j0 + nbuf + bb, ib - 1), bb)
                    return c

                lax.fori_loop(0, ib // nbuf, body, 0)
                for bb in range(nbuf):
                    wait_gather(bb)
                return carry

            lax.fori_loop(0, nib, blk, 0)
        elif gather:
            stage_idx(0)
            for bb in range(nbuf):
                start_gather(bb, bb)

            def body(g, carry):
                j0 = g * nbuf
                for bb in range(nbuf):
                    wait_gather(bb)
                    start_scatter(j0 + bb, bb)
                for bb in range(nbuf):
                    wait_scatter(bb)
                    start_gather(jnp.minimum(j0 + nbuf + bb, CH - 1), bb)
                return carry

            lax.fori_loop(0, CH // nbuf, body, 0)
            for bb in range(nbuf):
                wait_gather(bb)
        else:
            stage_idx(0)

            def body(g, carry):
                j0 = g * nbuf
                for bb in range(nbuf):
                    start_scatter(j0 + bb, bb)
                for bb in range(nbuf):
                    wait_scatter(bb)
                return carry

            lax.fori_loop(0, CH // nbuf, body, 0)
        plsc.subcore_barrier()
        pltpu.sync_copy(acc_sh.at[pl.ds(sid * ZR, ZR)],
                        out_hbm.at[cid, pl.ds(sid * ZR, ZR)])

    return kern


def _make_sc_combo():
    mesh = plsc.VectorSubcoreMesh(core_axis_name="c", subcore_axis_name="s",
                                  num_cores=NSC, num_subcores=NTILE)
    nbuf = 4
    ib = 40
    nib = CH // ib
    scratch = [
        pltpu.VMEM((ib, K), jnp.int32),
        pltpu.VMEM((ib, K), jnp.int32),
        *[pltpu.VMEM((K, D), jnp.float32) for _ in range(nbuf)],
        *[pltpu.VMEM((K,), jnp.float32) for _ in range(nbuf)],
        pltpu.VMEM_SHARED((NP, D), jnp.float32),
        pltpu.VMEM_SHARED((NP,), jnp.float32),
        pltpu.SemaphoreType.DMA((nbuf,)),
        pltpu.SemaphoreType.DMA((nbuf,)),
        pltpu.SemaphoreType.DMA((nbuf,)),
        pltpu.SemaphoreType.DMA((nbuf,)),
    ]

    @functools.partial(
        pl.kernel,
        out_type=(jax.ShapeDtypeStruct((NSC, NP, D), jnp.float32),
                  jax.ShapeDtypeStruct((NSC, NP), jnp.float32)),
        mesh=mesh,
        scratch_types=scratch,
    )
    def kern(u_hbm, y_hbm, src_hbm, dst_hbm, zrow_hbm, zs_hbm,
             outr_hbm, outs_hbm, sidx_v, didx_v, *rest):
        rbufs = rest[:nbuf]
        sbufs = rest[nbuf:2 * nbuf]
        accr, accs, gsr, ssr, gss, sss = rest[2 * nbuf:]
        cid = lax.axis_index("c")
        sid = lax.axis_index("s")
        wid = cid * NTILE + sid
        pltpu.sync_copy(zrow_hbm, accr.at[pl.ds(sid * ZR, ZR)])
        pltpu.sync_copy(zs_hbm, accs.at[pl.ds(sid * ZR, ZR)])
        plsc.subcore_barrier()

        def gath_r(j, b):
            pltpu.async_copy(u_hbm.at[sidx_v.at[j]], rbufs[b], gsr.at[b])

        def scat_r(j, b):
            pltpu.async_copy(rbufs[b], accr.at[didx_v.at[j]], ssr.at[b],
                             add=True)

        def gath_s(j, b):
            pltpu.async_copy(y_hbm.at[sidx_v.at[j]], sbufs[b], gss.at[b])

        def scat_s(j, b):
            pltpu.async_copy(sbufs[b], accs.at[didx_v.at[j]], sss.at[b],
                             add=True)

        def wg_r(b):
            pltpu.make_async_copy(u_hbm.at[sidx_v.at[0]], rbufs[b],
                                  gsr.at[b]).wait()

        def ws_r(b):
            pltpu.make_async_copy(rbufs[b], accr.at[didx_v.at[0]],
                                  ssr.at[b]).wait()

        def wg_s(b):
            pltpu.make_async_copy(y_hbm.at[sidx_v.at[0]], sbufs[b],
                                  gss.at[b]).wait()

        def ws_s(b):
            pltpu.make_async_copy(sbufs[b], accs.at[didx_v.at[0]],
                                  sss.at[b]).wait()

        def blk(nb, carry):
            off = wid * CH + nb * ib
            pltpu.sync_copy(dst_hbm.at[pl.ds(off, ib)], didx_v)
            pltpu.sync_copy(src_hbm.at[pl.ds(off, ib)], sidx_v)
            for bb in range(nbuf):
                gath_r(bb, bb)
                gath_s(bb, bb)

            def body(g, c):
                j0 = g * nbuf
                for bb in range(nbuf):
                    wg_r(bb)
                    scat_r(j0 + bb, bb)
                    wg_s(bb)
                    scat_s(j0 + bb, bb)
                for bb in range(nbuf):
                    ws_r(bb)
                    gath_r(jnp.minimum(j0 + nbuf + bb, ib - 1), bb)
                    ws_s(bb)
                    gath_s(jnp.minimum(j0 + nbuf + bb, ib - 1), bb)
                return c

            lax.fori_loop(0, ib // nbuf, body, 0)
            for bb in range(nbuf):
                wg_r(bb)
                wg_s(bb)
            return carry

        lax.fori_loop(0, nib, blk, 0)
        plsc.subcore_barrier()
        pltpu.sync_copy(accr.at[pl.ds(sid * ZR, ZR)],
                        outr_hbm.at[cid, pl.ds(sid * ZR, ZR)])
        pltpu.sync_copy(accs.at[pl.ds(sid * ZR, ZR)],
                        outs_hbm.at[cid, pl.ds(sid * ZR, ZR)])

    return kern


_make_sc_combo = functools.lru_cache(maxsize=None)(_make_sc_combo)


_make_sc_segsum = functools.lru_cache(maxsize=None)(_make_sc_segsum)


def _sc_rows(table, src, dst, zrow):
    return _make_sc_segsum(D, True)(table, src, dst, zrow)


def _sc_scalar(table, src, dst, zrow):
    return _make_sc_segsum(None, True)(table, src, dst, zrow)


def _sc_deg(ones, dst, zrow):
    return _make_sc_segsum(None, False)(ones, dst, zrow)



def _pre_body(g_ref, w_ref, d0_ref, d1_ref, u_ref):
    deg = d0_ref[...] + d1_ref[...] + 1.0
    dis = lax.rsqrt(deg)
    u_ref[...] = _dot(g_ref[...], w_ref[...]) * dis


def _pre_call(g, w, d0, d1):
    return pl.pallas_call(
        _pre_body,
        grid=(NBLK,),
        in_specs=[
            pl.BlockSpec((RB, D), lambda i: (i, 0)),
            pl.BlockSpec((D, D), lambda i: (0, 0)),
            pl.BlockSpec((RB, 1), lambda i: (i, 0)),
            pl.BlockSpec((RB, 1), lambda i: (i, 0)),
        ],
        out_specs=pl.BlockSpec((RB, D), lambda i: (i, 0)),
        out_shape=jax.ShapeDtypeStruct((NP, D), jnp.float32),
    )(g, w, d0, d1)


def _post_body(a0_ref, a1_ref, u_ref, ea_ref, d0_ref, d1_ref, b_ref,
               wrel_ref, wroot_ref, wnext_ref, g_ref, y_ref, r_ref, un_ref):
    deg = d0_ref[...] + d1_ref[...] + 1.0
    dis = lax.rsqrt(deg)
    agg = a0_ref[0] + a1_ref[0]
    g = ea_ref[...] + dis * (agg + u_ref[...]) + b_ref[...]
    g = jnp.maximum(g, 0.0)
    rows = pl.program_id(0) * RB + lax.broadcasted_iota(jnp.int32, (RB, 1), 0)
    g = jnp.where(rows < N, g, 0.0)
    g_ref[...] = g
    y_ref[...] = _dot(g, wrel_ref[...])
    r_ref[...] = _dot(g, wroot_ref[...])
    un_ref[...] = _dot(g, wnext_ref[...]) * dis


def _post_call(aggp, u, ea, d0, d1, b, wrel, wroot, wnext):
    blk = pl.BlockSpec((RB, D), lambda i: (i, 0))
    col = pl.BlockSpec((RB, 1), lambda i: (i, 0))
    return pl.pallas_call(
        _post_body,
        grid=(NBLK,),
        in_specs=[
            pl.BlockSpec((1, RB, D), lambda i: (0, i, 0)),
            pl.BlockSpec((1, RB, D), lambda i: (1, i, 0)),
            blk, blk, col, col,
            pl.BlockSpec((1, D), lambda i: (0, 0)),
            pl.BlockSpec((D, 1), lambda i: (0, 0)),
            pl.BlockSpec((D, 1), lambda i: (0, 0)),
            pl.BlockSpec((D, D), lambda i: (0, 0)),
        ],
        out_specs=[blk, col, col, blk],
        out_shape=[
            jax.ShapeDtypeStruct((NP, D), jnp.float32),
            jax.ShapeDtypeStruct((NP, 1), jnp.float32),
            jax.ShapeDtypeStruct((NP, 1), jnp.float32),
            jax.ShapeDtypeStruct((NP, D), jnp.float32),
        ],
    )(aggp, aggp, u, ea, d0, d1, b, wrel, wroot, wnext)


def _att_final_body(b_ref, r0_ref, r1_ref, r2_ref,
                    s00_ref, s01_ref, s10_ref, s11_ref, s20_ref, s21_ref,
                    ab_ref, g0_ref, g1_ref, g2_ref, linw_ref, linb_ref,
                    at_ref, abias_ref, out_ref,
                    m_acc, s_acc, gxe0, gxe1, gxe2, sc0, sc1, sc2):
    p = pl.program_id(0)
    i = pl.program_id(1)
    batch = b_ref[...]
    lanes = lax.broadcasted_iota(jnp.int32, (RB, G), 1)
    mask = batch == lanes
    rs = (r0_ref, r1_ref, r2_ref)
    ss = ((s00_ref, s01_ref), (s10_ref, s11_ref), (s20_ref, s21_ref))
    gs = (g0_ref, g1_ref, g2_ref)
    gxes = (gxe0, gxe1, gxe2)
    scs = (sc0, sc1, sc2)

    def x_it(it):
        return rs[it][...] + ss[it][0][...] + ss[it][1][...] + ab_ref[...]

    @pl.when(jnp.logical_and(p == 0, i == 0))
    def _():
        m_acc[...] = jnp.full((NITER, G), NEG, jnp.float32)

    @pl.when(p == 0)
    def _():
        for it in range(NITER):
            xb = jnp.where(mask, x_it(it), NEG)
            m_acc[it:it + 1, :] = jnp.maximum(
                m_acc[it:it + 1, :], jnp.max(xb, axis=0, keepdims=True))

    @pl.when(jnp.logical_and(p == 1, i == 0))
    def _():
        s_acc[...] = jnp.zeros((NITER, G), jnp.float32)
        for it in range(NITER):
            gxes[it][...] = jnp.zeros((G, D), jnp.float32)

    @pl.when(p == 1)
    def _():
        maskf = mask.astype(jnp.float32)
        for it in range(NITER):
            mb = jnp.sum(maskf * m_acc[it:it + 1, :], axis=1, keepdims=True)
            e = jnp.exp(x_it(it) - mb)
            s_acc[it:it + 1, :] += jnp.sum(maskf * e, axis=0, keepdims=True)
            ge = gs[it][...] * e
            gxes[it][...] += _dot(maskf, ge, (((0,), (0,)), ((), ())))

    @pl.when(jnp.logical_and(p == 1, i == NBLK - 1))
    def _():
        ws = []
        for it in range(NITER):
            gx = gxes[it][...] / (
                jnp.transpose(s_acc[it:it + 1, :]) + 1e-16)
            gout = jnp.tanh(_dot(gx, linw_ref[...]) + linb_ref[...])
            w = jnp.sum(gout * at_ref[it:it + 1, :], axis=1, keepdims=True)
            ws.append(w + abias_ref[it:it + 1, 0:1])
        wm = jnp.maximum(jnp.maximum(ws[0], ws[1]), ws[2])
        es = [jnp.exp(w - wm) for w in ws]
        tot = es[0] + es[1] + es[2]
        for it in range(NITER):
            scs[it][...] = es[it] / tot

    @pl.when(p == 2)
    def _():
        maskf = mask.astype(jnp.float32)
        out = jnp.zeros((RB, D), jnp.float32)
        for it in range(NITER):
            sb = _dot(maskf, scs[it][...])
            out = out + gs[it][...] * sb
        out_ref[...] = out


def _att_final_call(batch, rs, sps, ab, gs, linw, linb, at, abias):
    col = pl.BlockSpec((RB, 1), lambda p, i: (i, 0))
    gblk = pl.BlockSpec((RB, D), lambda p, i: (jnp.where(p == 0, 0, i), 0))
    one = lambda shape: pl.BlockSpec(shape, lambda p, i: tuple(
        0 for _ in shape))
    sp_cols = []
    for sp in sps:
        sp_cols.append(sp[0].reshape(NP, 1))
        sp_cols.append(sp[1].reshape(NP, 1))
    return pl.pallas_call(
        _att_final_body,
        grid=(3, NBLK),
        in_specs=[col, col, col, col,
                  col, col, col, col, col, col,
                  one((1, 1)),
                  gblk, gblk, gblk,
                  one((D, D)), one((1, D)), one((NITER, D)),
                  one((NITER, 1))],
        out_specs=pl.BlockSpec((RB, D), lambda p, i: (i, 0)),
        out_shape=jax.ShapeDtypeStruct((NP, D), jnp.float32),
        scratch_shapes=[
            pltpu.VMEM((NITER, G), jnp.float32),
            pltpu.VMEM((NITER, G), jnp.float32),
            pltpu.VMEM((G, D), jnp.float32),
            pltpu.VMEM((G, D), jnp.float32),
            pltpu.VMEM((G, D), jnp.float32),
            pltpu.VMEM((G, 1), jnp.float32),
            pltpu.VMEM((G, 1), jnp.float32),
            pltpu.VMEM((G, 1), jnp.float32),
        ],
    )(batch, rs[0], rs[1], rs[2], *sp_cols, ab, gs[0], gs[1], gs[2],
      linw, linb, at, abias)



def kernel(edge_attr, line_graph_edge_index, edge_index_batch, gcn_W, gcn_b,
           att_W_root, att_W_rel, att_b, lin_gout_W, lin_gout_b, a, a_bias):
    pad = N + (jnp.arange(EP - E, dtype=jnp.int32) % (NP - N))
    src = jnp.concatenate(
        [line_graph_edge_index[0].astype(jnp.int32), pad]).reshape(EP // K, K)
    dst = jnp.concatenate(
        [line_graph_edge_index[1].astype(jnp.int32), pad]).reshape(EP // K, K)
    ea = jnp.pad(edge_attr, ((0, NP - N), (0, 0)))
    batch = jnp.pad(edge_index_batch.astype(jnp.int32), (0, NP - N),
                    constant_values=G + 7).reshape(NP, 1)
    zrow128 = jnp.zeros((ZR, D), jnp.float32)
    zrow1 = jnp.zeros((ZR,), jnp.float32)
    ones1 = jnp.ones((K,), jnp.float32)

    degp = _sc_deg(ones1, dst, zrow1)
    d0 = degp[0].reshape(NP, 1)
    d1 = degp[1].reshape(NP, 1)

    at = jnp.transpose(a[0])
    ab = jnp.transpose(a_bias[0])
    attb = att_b.reshape(1, 1)

    u = _pre_call(ea, gcn_W[0], d0, d1)
    aggp = _sc_rows(u, src, dst, zrow128)
    gs = []
    rs = []
    sps = []
    for i in range(NITER):
        g, y, r, u = _post_call(aggp, u, ea, d0, d1, gcn_b[i].reshape(1, D),
                                att_W_rel, att_W_root,
                                gcn_W[(i + 1) % NITER])
        if i < NITER - 1:
            aggp, sp = _make_sc_combo()(u, y.reshape(NP), src, dst,
                                        zrow128, zrow1)
        else:
            sp = _sc_scalar(y.reshape(NP), src, dst, zrow1)
        gs.append(g)
        rs.append(r)
        sps.append(sp)

    out = _att_final_call(batch, rs, sps, attb, gs, lin_gout_W,
                          lin_gout_b.reshape(1, D), at, ab)
    return out[:N]

# --- scband reference (transcript-rebuilt; emitter-appended) ---
"""Pipeline reference for scband-lg-gcnconv-15238543966834 (READ-ONLY COPY).

The authoritative reference and input builder live on the scoring server;
editing this copy changes nothing except your own understanding.
"""

import jax, jax.numpy as jnp
import numpy as np

N = 10000
E = 320000
D = 128
NITER = 3
NGRAPH = 128

def setup_inputs(seed: int = 0):
    key = jax.random.key(seed)
    ks = jax.random.split(key, 12)
    edge_attr = jax.random.normal(ks[0], (N, D), dtype=jnp.float32)
    line_graph_edge_index = jax.random.randint(ks[1], (2, E), 0, N)
    edge_index_batch = jnp.sort(jax.random.randint(ks[2], (N,), 0, NGRAPH))
    gcn_W = jax.random.normal(ks[3], (NITER, D, D), dtype=jnp.float32) * 0.05
    gcn_b = jnp.zeros((NITER, D), dtype=jnp.float32)
    att_W_root = jax.random.normal(ks[4], (D, 1), dtype=jnp.float32) * 0.05
    att_W_rel = jax.random.normal(ks[5], (D, 1), dtype=jnp.float32) * 0.05
    att_b = jnp.zeros((1,), dtype=jnp.float32)
    lin_gout_W = jax.random.normal(ks[6], (D, D), dtype=jnp.float32) * 0.05
    lin_gout_b = jnp.zeros((D,), dtype=jnp.float32)
    a = jax.random.normal(ks[7], (1, D, NITER), dtype=jnp.float32) * 0.1
    a_bias = jnp.zeros((1, 1, NITER), dtype=jnp.float32)
    return {"edge_attr": edge_attr, "line_graph_edge_index": line_graph_edge_index, "edge_index_batch": edge_index_batch, "gcn_W": gcn_W, "gcn_b": gcn_b, "att_W_root": att_W_root, "att_W_rel": att_W_rel, "att_b": att_b, "lin_gout_W": lin_gout_W, "lin_gout_b": lin_gout_b, "a": a, "a_bias": a_bias}

def _gcn_conv(x, src, dst, W, b):
    # PyG GCNConv: add self-loops, symmetric normalization, linear then propagate
    n = x.shape[0]
    xw = x @ W
    loop = jnp.arange(n)
    si = jnp.concatenate([src, loop])
    di = jnp.concatenate([dst, loop])
    deg = jax.ops.segment_sum(jnp.ones(si.shape[0], dtype=x.dtype), di, num_segments=n)
    dis = jnp.where(deg > 0, jax.lax.rsqrt(jnp.maximum(deg, 1e-12)), 0.0)
    norm = dis[si] * dis[di]
    out = jax.ops.segment_sum(xw[si] * norm[:, None], di, num_segments=n)
    return out + b

def _graph_conv(x, src, dst, W_root, W_rel, b):
    # PyG GraphConv (aggr='add'): W_root x_i + W_rel sum_j x_j + b
    n = x.shape[0]
    agg = jax.ops.segment_sum(x[src], dst, num_segments=n)
    return x @ W_root + agg @ W_rel + b

def _scatter_softmax(x, batch, num_graphs):
    m = jax.ops.segment_max(x, batch, num_segments=num_graphs)
    m = jnp.where(jnp.isfinite(m), m, 0.0)
    e = jnp.exp(x - m[batch])
    s = jax.ops.segment_sum(e, batch, num_segments=num_graphs)
    return e / (s[batch] + 1e-16)

def reference(edge_attr, line_graph_edge_index, edge_index_batch, gcn_W, gcn_b, att_W_root, att_W_rel, att_b, lin_gout_W, lin_gout_b, a, a_bias):
    src = line_graph_edge_index[0]
    dst = line_graph_edge_index[1]
    batch = edge_index_batch
    gcn_out = edge_attr
    out_list = []
    gout_list = []
    for i in range(NITER):
        gcn_out = jax.nn.relu(edge_attr + _gcn_conv(gcn_out, src, dst, gcn_W[i], gcn_b[i]))
        # dropout(p=0.2) treated as identity (eval mode)
        x_conv = _graph_conv(gcn_out, src, dst, att_W_root, att_W_rel, att_b)
        scores = _scatter_softmax(x_conv, batch, NGRAPH)
        gx = jax.ops.segment_sum(gcn_out * scores, batch, num_segments=NGRAPH)
        out_list.append(gcn_out)
        gout_list.append(jnp.tanh(gx @ lin_gout_W + lin_gout_b))
    gout_all = jnp.stack(gout_list, axis=-1)  # [G, D, NITER]
    out_all = jnp.stack(out_list, axis=-1)    # [N, D, NITER]
    sc = jnp.sum(gout_all * a, axis=1, keepdims=True) + a_bias  # [G, 1, NITER]
    sc = jax.nn.softmax(sc, axis=-1)
    counts = jnp.bincount(batch, length=NGRAPH)
    sc = jnp.repeat(sc, counts, axis=0, total_repeat_length=N)  # [N, 1, NITER]
    out = jnp.sum(out_all * sc, axis=-1)
    return out

if __name__ == "__main__":
    import jax
    _d = setup_inputs()
    print(jax.jit(kernel)(*tuple(_d.values())))

</pallas_src>

<mosaic_0001>
#map = affine_map<(d0, d1) -> (0)>
#map1 = affine_map<(d0, d1) -> (0, 0)>
module attributes {stable_mosaic.version = 14 : i64} {
  func.func @kern(%arg0: i32, %arg1: i32, %arg2: memref<64xf32, #tpu.memory_space<hbm>>, %arg3: memref<5120x64xi32, #tpu.memory_space<hbm>>, %arg4: memref<640xf32, #tpu.memory_space<hbm>>, %arg5: memref<2x10240xf32, #tpu.memory_space<hbm>>, %arg6: memref<160x64xi32, #tpu.memory_space<vmem>>, %arg7: memref<64xf32, #tpu.memory_space<vmem>>, %arg8: memref<64xf32, #tpu.memory_space<vmem>>, %arg9: memref<64xf32, #tpu.memory_space<vmem>>, %arg10: memref<64xf32, #tpu.memory_space<vmem>>, %arg11: memref<10240xf32, #tpu.memory_space<vmem_shared>>, %arg12: memref<4x!tpu.dma_semaphore, #tpu.memory_space<semaphore_mem>>, %arg13: memref<4x!tpu.dma_semaphore, #tpu.memory_space<semaphore_mem>>) attributes {dimension_semantics = [#tpu.dimension_semantics<core_parallel>, #tpu.dimension_semantics<subcore_parallel>], iteration_bounds = array<i64: 2, 16>, scalar_prefetch = 0 : i64, scratch_operands = 8 : i64, tpu.core_type = #tpu.core_type<sc_vector_subcore>, window_params = [{transform_indices = #map}, {transform_indices = #map1}, {transform_indices = #map}, {transform_indices = #map1}]} {
    %mul3A = arith.constant 16 : i32
    %mul3A_0 = arith.muli %arg0, %mul3A : i32
    %add3A = arith.addi %mul3A_0, %arg1 : i32
    "tpu.region"() ({
      %run_scoped3A = tpu.sem_alloc : memref<!tpu.dma_semaphore, #tpu.memory_space<semaphore_mem>>
      tpu.enqueue_dma source(%arg2 : memref<64xf32, #tpu.memory_space<hbm>>) target(%arg7 : memref<64xf32, #tpu.memory_space<vmem>>) target_semaphore(%run_scoped3A : memref<!tpu.dma_semaphore, #tpu.memory_space<semaphore_mem>>)
      tpu.wait_dma2 semaphore(%run_scoped3A : memref<!tpu.dma_semaphore, #tpu.memory_space<semaphore_mem>>) src(%arg2 : memref<64xf32, #tpu.memory_space<hbm>>) dst(%arg7 : memref<64xf32, #tpu.memory_space<vmem>>)
      tpu.yield
    }) : () -> ()
    "tpu.region"() ({
      %run_scoped3A = tpu.sem_alloc : memref<!tpu.dma_semaphore, #tpu.memory_space<semaphore_mem>>
      tpu.enqueue_dma source(%arg2 : memref<64xf32, #tpu.memory_space<hbm>>) target(%arg8 : memref<64xf32, #tpu.memory_space<vmem>>) target_semaphore(%run_scoped3A : memref<!tpu.dma_semaphore, #tpu.memory_space<semaphore_mem>>)
      tpu.wait_dma2 semaphore(%run_scoped3A : memref<!tpu.dma_semaphore, #tpu.memory_space<semaphore_mem>>) src(%arg2 : memref<64xf32, #tpu.memory_space<hbm>>) dst(%arg8 : memref<64xf32, #tpu.memory_space<vmem>>)
      tpu.yield
    }) : () -> ()
    "tpu.region"() ({
      %run_scoped3A = tpu.sem_alloc : memref<!tpu.dma_semaphore, #tpu.memory_space<semaphore_mem>>
      tpu.enqueue_dma source(%arg2 : memref<64xf32, #tpu.memory_space<hbm>>) target(%arg9 : memref<64xf32, #tpu.memory_space<vmem>>) target_semaphore(%run_scoped3A : memref<!tpu.dma_semaphore, #tpu.memory_space<semaphore_mem>>)
      tpu.wait_dma2 semaphore(%run_scoped3A : memref<!tpu.dma_semaphore, #tpu.memory_space<semaphore_mem>>) src(%arg2 : memref<64xf32, #tpu.memory_space<hbm>>) dst(%arg9 : memref<64xf32, #tpu.memory_space<vmem>>)
      tpu.yield
    }) : () -> ()
    "tpu.region"() ({
      %run_scoped3A = tpu.sem_alloc : memref<!tpu.dma_semaphore, #tpu.memory_space<semaphore_mem>>
      tpu.enqueue_dma source(%arg2 : memref<64xf32, #tpu.memory_space<hbm>>) target(%arg10 : memref<64xf32, #tpu.memory_space<vmem>>) target_semaphore(%run_scoped3A : memref<!tpu.dma_semaphore, #tpu.memory_space<semaphore_mem>>)
      tpu.wait_dma2 semaphore(%run_scoped3A : memref<!tpu.dma_semaphore, #tpu.memory_space<semaphore_mem>>) src(%arg2 : memref<64xf32, #tpu.memory_space<hbm>>) dst(%arg10 : memref<64xf32, #tpu.memory_space<vmem>>)
      tpu.yield
    }) : () -> ()
    %mul3A_1 = arith.constant 640 : i32
    %mul3A_2 = arith.muli %arg1, %mul3A_1 : i32
    "tpu.region"() ({
      %run_scoped3A = tpu.sem_alloc : memref<!tpu.dma_semaphore, #tpu.memory_space<semaphore_mem>>
      %dma_start3A = tpu.memref_slice %arg11[%mul3A_2] : memref<10240xf32, #tpu.memory_space<vmem_shared>> -> memref<640xf32, #tpu.memory_space<vmem_shared>>
      tpu.enqueue_dma source(%arg4 : memref<640xf32, #tpu.memory_space<hbm>>) target(%dma_start3A : memref<640xf32, #tpu.memory_space<vmem_shared>>) target_semaphore(%run_scoped3A : memref<!tpu.dma_semaphore, #tpu.memory_space<semaphore_mem>>)
      %dma_wait3A = tpu.memref_slice %arg11[%mul3A_2] : memref<10240xf32, #tpu.memory_space<vmem_shared>> -> memref<640xf32, #tpu.memory_space<vmem_shared>>
      tpu.wait_dma2 semaphore(%run_scoped3A : memref<!tpu.dma_semaphore, #tpu.memory_space<semaphore_mem>>) src(%arg4 : memref<640xf32, #tpu.memory_space<hbm>>) dst(%dma_wait3A : memref<640xf32, #tpu.memory_space<vmem_shared>>)
      tpu.yield
    }) : () -> ()
    %barrier3A = arith.constant 0 : index
    tpu.barrier barrier_id(%barrier3A)
    %mul3A_3 = arith.constant 160 : i32
    %mul3A_4 = arith.muli %add3A, %mul3A_3 : i32
    %add3A_5 = arith.constant 0 : i32
    %add3A_6 = arith.addi %mul3A_4, %add3A_5 : i32
    "tpu.region"() ({
      %run_scoped3A = tpu.sem_alloc : memref<!tpu.dma_semaphore, #tpu.memory_space<semaphore_mem>>
      %dma_start3A = arith.constant 0 : i32
      %dma_start3A_17 = tpu.memref_slice %arg3[%add3A_6, %dma_start3A] : memref<5120x64xi32, #tpu.memory_space<hbm>> -> memref<160x64xi32, #tpu.memory_space<hbm>>
      %dma_start3A_18 = arith.constant 0 : i32
      %dma_start3A_19 = tpu.memref_slice %arg3[%add3A_6, %dma_start3A_18] : memref<5120x64xi32, #tpu.memory_space<hbm>> -> memref<160x64xi32, #tpu.memory_space<hbm>>
      tpu.enqueue_dma source(%dma_start3A_19 : memref<160x64xi32, #tpu.memory_space<hbm>>) target(%arg6 : memref<160x64xi32, #tpu.memory_space<vmem>>) target_semaphore(%run_scoped3A : memref<!tpu.dma_semaphore, #tpu.memory_space<semaphore_mem>>)
      %dma_wait3A = arith.constant 0 : i32
      %dma_wait3A_20 = tpu.memref_slice %arg3[%add3A_6, %dma_wait3A] : memref<5120x64xi32, #tpu.memory_space<hbm>> -> memref<160x64xi32, #tpu.memory_space<hbm>>
      %dma_wait3A_21 = arith.constant 0 : i32
      %dma_wait3A_22 = tpu.memref_slice %arg3[%add3A_6, %dma_wait3A_21] : memref<5120x64xi32, #tpu.memory_space<hbm>> -> memref<160x64xi32, #tpu.memory_space<hbm>>
      tpu.wait_dma2 semaphore(%run_scoped3A : memref<!tpu.dma_semaphore, #tpu.memory_space<semaphore_mem>>) src(%dma_wait3A_22 : memref<160x64xi32, #tpu.memory_space<hbm>>) dst(%arg6 : memref<160x64xi32, #tpu.memory_space<vmem>>)
      tpu.yield
    }) : () -> ()
    %scan3A = arith.constant 0 : i32
    %scan3A_7 = arith.constant 0 : i32
    %scan3A_8 = arith.constant 40 : i32
    %scan3A_9 = arith.addi %scan3A_7, %scan3A_8 : i32
    %scan3A_10 = arith.constant 1 : i32
    scf.for %scan3A_17 = %scan3A_7 to %scan3A_9 step %scan3A_10  : i32 {
      %mul3A_18 = arith.constant 4 : i32
      %mul3A_19 = arith.muli %scan3A_17, %mul3A_18 : i32
      %add3A_20 = arith.constant 0 : i32
      %add3A_21 = arith.addi %mul3A_19, %add3A_20 : i32
      %dma_start3A = arith.constant 0 : i32
      %dma_start3A_22 = arith.constant 0 : i32
      %dma_start3A_23 = tpu.memref_slice %arg6[%add3A_21, %dma_start3A_22] : memref<160x64xi32, #tpu.memory_space<vmem>> -> memref<1x64xi32, #tpu.memory_space<vmem>>
      %dma_start3A_24 = tpu.memref_squeeze %dma_start3A_23 : memref<1x64xi32, #tpu.memory_space<vmem>> -> memref<64xi32, #tpu.memory_space<vmem>>
      %dma_start3A_25 = arith.constant 0 : i32
      %dma_start3A_26 = tpu.memref_slice %arg11[%dma_start3A_25] : memref<10240xf32, #tpu.memory_space<vmem_shared>> -> memref<10240xf32, #tpu.memory_space<vmem_shared>>
      %dma_start3A_27 = tpu.memref_slice %arg13[%dma_start3A] : memref<4x!tpu.dma_semaphore, #tpu.memory_space<semaphore_mem>> -> memref<1x!tpu.dma_semaphore, #tpu.memory_space<semaphore_mem>>
      %dma_start3A_28 = tpu.memref_squeeze %dma_start3A_27 : memref<1x!tpu.dma_semaphore, #tpu.memory_space<semaphore_mem>> -> memref<!tpu.dma_semaphore, #tpu.memory_space<semaphore_mem>>
      tpu.enqueue_indirect_dma source(%arg7 : memref<64xf32, #tpu.memory_space<vmem>>) target(%dma_start3A_26 : memref<10240xf32, #tpu.memory_space<vmem_shared>>) offsets(%dma_start3A_24 : memref<64xi32, #tpu.memory_space<vmem>>) semaphore(%dma_start3A_28 : memref<!tpu.dma_semaphore, #tpu.memory_space<semaphore_mem>>) {add = true}
      %add3A_29 = arith.constant 1 : i32
      %add3A_30 = arith.addi %mul3A_19, %add3A_29 : i32
      %dma_start3A_31 = arith.constant 1 : i32
      %dma_start3A_32 = arith.constant 0 : i32
      %dma_start3A_33 = tpu.memref_slice %arg6[%add3A_30, %dma_start3A_32] : memref<160x64xi32, #tpu.memory_space<vmem>> -> memref<1x64xi32, #tpu.memory_space<vmem>>
      %dma_start3A_34 = tpu.memref_squeeze %dma_start3A_33 : memref<1x64xi32, #tpu.memory_space<vmem>> -> memref<64xi32, #tpu.memory_space<vmem>>
      %dma_start3A_35 = arith.constant 0 : i32
      %dma_start3A_36 = tpu.memref_slice %arg11[%dma_start3A_35] : memref<10240xf32, #tpu.memory_space<vmem_shared>> -> memref<10240xf32, #tpu.memory_space<vmem_shared>>
      %dma_start3A_37 = tpu.memref_slice %arg13[%dma_start3A_31] : memref<4x!tpu.dma_semaphore, #tpu.memory_space<semaphore_mem>> -> memref<1x!tpu.dma_semaphore, #tpu.memory_space<semaphore_mem>>
      %dma_start3A_38 = tpu.memref_squeeze %dma_start3A_37 : memref<1x!tpu.dma_semaphore, #tpu.memory_space<semaphore_mem>> -> memref<!tpu.dma_semaphore, #tpu.memory_space<semaphore_mem>>
      tpu.enqueue_indirect_dma source(%arg8 : memref<64xf32, #tpu.memory_space<vmem>>) target(%dma_start3A_36 : memref<10240xf32, #tpu.memory_space<vmem_shared>>) offsets(%dma_start3A_34 : memref<64xi32, #tpu.memory_space<vmem>>) semaphore(%dma_start3A_38 : memref<!tpu.dma_semaphore, #tpu.memory_space<semaphore_mem>>) {add = true}
      %add3A_39 = arith.constant 2 : i32
      %add3A_40 = arith.addi %mul3A_19, %add3A_39 : i32
      %dma_start3A_41 = arith.constant 2 : i32
      %dma_start3A_42 = arith.constant 0 : i32
      %dma_start3A_43 = tpu.memref_slice %arg6[%add3A_40, %dma_start3A_42] : memref<160x64xi32, #tpu.memory_space<vmem>> -> memref<1x64xi32, #tpu.memory_space<vmem>>
      %dma_start3A_44 = tpu.memref_squeeze %dma_start3A_43 : memref<1x64xi32, #tpu.memory_space<vmem>> -> memref<64xi32, #tpu.memory_space<vmem>>
      %dma_start3A_45 = arith.constant 0 : i32
      %dma_start3A_46 = tpu.memref_slice %arg11[%dma_start3A_45] : memref<10240xf32, #tpu.memory_space<vmem_shared>> -> memref<10240xf32, #tpu.memory_space<vmem_shared>>
      %dma_start3A_47 = tpu.memref_slice %arg13[%dma_start3A_41] : memref<4x!tpu.dma_semaphore, #tpu.memory_space<semaphore_mem>> -> memref<1x!tpu.dma_semaphore, #tpu.memory_space<semaphore_mem>>
      %dma_start3A_48 = tpu.memref_squeeze %dma_start3A_47 : memref<1x!tpu.dma_semaphore, #tpu.memory_space<semaphore_mem>> -> memref<!tpu.dma_semaphore, #tpu.memory_space<semaphore_mem>>
      tpu.enqueue_indirect_dma source(%arg9 : memref<64xf32, #tpu.memory_space<vmem>>) target(%dma_start3A_46 : memref<10240xf32, #tpu.memory_space<vmem_shared>>) offsets(%dma_start3A_44 : memref<64xi32, #tpu.memory_space<vmem>>) semaphore(%dma_start3A_48 : memref<!tpu.dma_semaphore, #tpu.memory_space<semaphore_mem>>) {add = true}
      %add3A_49 = arith.constant 3 : i32
      %add3A_50 = arith.addi %mul3A_19, %add3A_49 : i32
      %dma_start3A_51 = arith.constant 3 : i32
      %dma_start3A_52 = arith.constant 0 : i32
      %dma_start3A_53 = tpu.memref_slice %arg6[%add3A_50, %dma_start3A_52] : memref<160x64xi32, #tpu.memory_space<vmem>> -> memref<1x64xi32, #tpu.memory_space<vmem>>
      %dma_start3A_54 = tpu.memref_squeeze %dma_start3A_53 : memref<1x64xi32, #tpu.memory_space<vmem>> -> memref<64xi32, #tpu.memory_space<vmem>>
      %dma_start3A_55 = arith.constant 0 : i32
      %dma_start3A_56 = tpu.memref_slice %arg11[%dma_start3A_55] : memref<10240xf32, #tpu.memory_space<vmem_shared>> -> memref<10240xf32, #tpu.memory_space<vmem_shared>>
      %dma_start3A_57 = tpu.memref_slice %arg13[%dma_start3A_51] : memref<4x!tpu.dma_semaphore, #tpu.memory_space<semaphore_mem>> -> memref<1x!tpu.dma_semaphore, #tpu.memory_space<semaphore_mem>>
      %dma_start3A_58 = tpu.memref_squeeze %dma_start3A_57 : memref<1x!tpu.dma_semaphore, #tpu.memory_space<semaphore_mem>> -> memref<!tpu.dma_semaphore, #tpu.memory_space<semaphore_mem>>
      tpu.enqueue_indirect_dma source(%arg10 : memref<64xf32, #tpu.memory_space<vmem>>) target(%dma_start3A_56 : memref<10240xf32, #tpu.memory_space<vmem_shared>>) offsets(%dma_start3A_54 : memref<64xi32, #tpu.memory_space<vmem>>) semaphore(%dma_start3A_58 : memref<!tpu.dma_semaphore, #tpu.memory_space<semaphore_mem>>) {add = true}
      %dma_wait3A = arith.constant 0 : i32
      %dma_wait3A_59 = arith.constant 0 : i32
      %dma_wait3A_60 = arith.constant 0 : i32
      %dma_wait3A_61 = tpu.memref_slice %arg6[%dma_wait3A, %dma_wait3A_60] : memref<160x64xi32, #tpu.memory_space<vmem>> -> memref<1x64xi32, #tpu.memory_space<vmem>>
      %dma_wait3A_62 = tpu.memref_squeeze %dma_wait3A_61 : memref<1x64xi32, #tpu.memory_space<vmem>> -> memref<64xi32, #tpu.memory_space<vmem>>
      %dma_wait3A_63 = arith.constant 0 : i32
      %dma_wait3A_64 = tpu.memref_slice %arg11[%dma_wait3A_63] : memref<10240xf32, #tpu.memory_space<vmem_shared>> -> memref<10240xf32, #tpu.memory_space<vmem_shared>>
      %dma_wait3A_65 = tpu.memref_slice %arg13[%dma_wait3A_59] : memref<4x!tpu.dma_semaphore, #tpu.memory_space<semaphore_mem>> -> memref<1x!tpu.dma_semaphore, #tpu.memory_space<semaphore_mem>>
      %dma_wait3A_66 = tpu.memref_squeeze %dma_wait3A_65 : memref<1x!tpu.dma_semaphore, #tpu.memory_space<semaphore_mem>> -> memref<!tpu.dma_semaphore, #tpu.memory_space<semaphore_mem>>
      tpu.wait_indirect_dma semaphore(%dma_wait3A_66 : memref<!tpu.dma_semaphore, #tpu.memory_space<semaphore_mem>>) src(%arg7 : memref<64xf32, #tpu.memory_space<vmem>>) dst(%dma_wait3A_64 : memref<10240xf32, #tpu.memory_space<vmem_shared>>)
      %dma_wait3A_67 = arith.constant 0 : i32
      %dma_wait3A_68 = arith.constant 1 : i32
      %dma_wait3A_69 = arith.constant 0 : i32
      %dma_wait3A_70 = tpu.memref_slice %arg6[%dma_wait3A_67, %dma_wait3A_69] : memref<160x64xi32, #tpu.memory_space<vmem>> -> memref<1x64xi32, #tpu.memory_space<vmem>>
      %dma_wait3A_71 = tpu.memref_squeeze %dma_wait3A_70 : memref<1x64xi32, #tpu.memory_space<vmem>> -> memref<64xi32, #tpu.memory_space<vmem>>
      %dma_wait3A_72 = arith.constant 0 : i32
      %dma_wait3A_73 = tpu.memref_slice %arg11[%dma_wait3A_72] : memref<10240xf32, #tpu.memory_space<vmem_shared>> -> memref<10240xf32, #tpu.memory_space<vmem_shared>>
      %dma_wait3A_74 = tpu.memref_slice %arg13[%dma_wait3A_68] : memref<4x!tpu.dma_semaphore, #tpu.memory_space<semaphore_mem>> -> memref<1x!tpu.dma_semaphore, #tpu.memory_space<semaphore_mem>>
      %dma_wait3A_75 = tpu.memref_squeeze %dma_wait3A_74 : memref<1x!tpu.dma_semaphore, #tpu.memory_space<semaphore_mem>> -> memref<!tpu.dma_semaphore, #tpu.memory_space<semaphore_mem>>
      tpu.wait_indirect_dma semaphore(%dma_wait3A_75 : memref<!tpu.dma_semaphore, #tpu.memory_space<semaphore_mem>>) src(%arg8 : memref<64xf32, #tpu.memory_space<vmem>>) dst(%dma_wait3A_73 : memref<10240xf32, #tpu.memory_space<vmem_shared>>)
      %dma_wait3A_76 = arith.constant 0 : i32
      %dma_wait3A_77 = arith.constant 2 : i32
      %dma_wait3A_78 = arith.constant 0 : i32
      %dma_wait3A_79 = tpu.memref_slice %arg6[%dma_wait3A_76, %dma_wait3A_78] : memref<160x64xi32, #tpu.memory_space<vmem>> -> memref<1x64xi32, #tpu.memory_space<vmem>>
      %dma_wait3A_80 = tpu.memref_squeeze %dma_wait3A_79 : memref<1x64xi32, #tpu.memory_space<vmem>> -> memref<64xi32, #tpu.memory_space<vmem>>
      %dma_wait3A_81 = arith.constant 0 : i32
      %dma_wait3A_82 = tpu.memref_slice %arg11[%dma_wait3A_81] : memref<10240xf32, #tpu.memory_space<vmem_shared>> -> memref<10240xf32, #tpu.memory_space<vmem_shared>>
      %dma_wait3A_83 = tpu.memref_slice %arg13[%dma_wait3A_77] : memref<4x!tpu.dma_semaphore, #tpu.memory_space<semaphore_mem>> -> memref<1x!tpu.dma_semaphore, #tpu.memory_space<semaphore_mem>>
      %dma_wait3A_84 = tpu.memref_squeeze %dma_wait3A_83 : memref<1x!tpu.dma_semaphore, #tpu.memory_space<semaphore_mem>> -> memref<!tpu.dma_semaphore, #tpu.memory_space<semaphore_mem>>
      tpu.wait_indirect_dma semaphore(%dma_wait3A_84 : memref<!tpu.dma_semaphore, #tpu.memory_space<semaphore_mem>>) src(%arg9 : memref<64xf32, #tpu.memory_space<vmem>>) dst(%dma_wait3A_82 : memref<10240xf32, #tpu.memory_space<vmem_shared>>)
      %dma_wait3A_85 = arith.constant 0 : i32
      %dma_wait3A_86 = arith.constant 3 : i32
      %dma_wait3A_87 = arith.constant 0 : i32
      %dma_wait3A_88 = tpu.memref_slice %arg6[%dma_wait3A_85, %dma_wait3A_87] : memref<160x64xi32, #tpu.memory_space<vmem>> -> memref<1x64xi32, #tpu.memory_space<vmem>>
      %dma_wait3A_89 = tpu.memref_squeeze %dma_wait3A_88 : memref<1x64xi32, #tpu.memory_space<vmem>> -> memref<64xi32, #tpu.memory_space<vmem>>
      %dma_wait3A_90 = arith.constant 0 : i32
      %dma_wait3A_91 = tpu.memref_slice %arg11[%dma_wait3A_90] : memref<10240xf32, #tpu.memory_space<vmem_shared>> -> memref<10240xf32, #tpu.memory_space<vmem_shared>>
      %dma_wait3A_92 = tpu.memref_slice %arg13[%dma_wait3A_86] : memref<4x!tpu.dma_semaphore, #tpu.memory_space<semaphore_mem>> -> memref<1x!tpu.dma_semaphore, #tpu.memory_space<semaphore_mem>>
      %dma_wait3A_93 = tpu.memref_squeeze %dma_wait3A_92 : memref<1x!tpu.dma_semaphore, #tpu.memory_space<semaphore_mem>> -> memref<!tpu.dma_semaphore, #tpu.memory_space<semaphore_mem>>
      tpu.wait_indirect_dma semaphore(%dma_wait3A_93 : memref<!tpu.dma_semaphore, #tpu.memory_space<semaphore_mem>>) src(%arg10 : memref<64xf32, #tpu.memory_space<vmem>>) dst(%dma_wait3A_91 : memref<10240xf32, #tpu.memory_space<vmem_shared>>)
    }
    %scan3A_11 = arith.constant 40 : i32
    %barrier3A_12 = arith.constant 0 : index
    tpu.barrier barrier_id(%barrier3A_12)
    %mul3A_13 = arith.constant 640 : i32
    %mul3A_14 = arith.muli %arg1, %mul3A_13 : i32
    %mul3A_15 = arith.constant 640 : i32
    %mul3A_16 = arith.muli %arg1, %mul3A_15 : i32
    "tpu.region"() ({
      %run_scoped3A = tpu.sem_alloc : memref<!tpu.dma_semaphore, #tpu.memory_space<semaphore_mem>>
      %dma_start3A = tpu.memref_slice %arg5[%arg0, %mul3A_16] : memref<2x10240xf32, #tpu.memory_space<hbm>> -> memref<1x640xf32, #tpu.memory_space<hbm>>
      %dma_start3A_17 = tpu.memref_squeeze %dma_start3A : memref<1x640xf32, #tpu.memory_space<hbm>> -> memref<640xf32, #tpu.memory_space<hbm>>
      %dma_start3A_18 = tpu.memref_slice %arg11[%mul3A_14] : memref<10240xf32, #tpu.memory_space<vmem_shared>> -> memref<640xf32, #tpu.memory_space<vmem_shared>>
      tpu.enqueue_dma source(%dma_start3A_18 : memref<640xf32, #tpu.memory_space<vmem_shared>>) target(%dma_start3A_17 : memref<640xf32, #tpu.memory_space<hbm>>) target_semaphore(%run_scoped3A : memref<!tpu.dma_semaphore, #tpu.memory_space<semaphore_mem>>)
      %dma_wait3A = tpu.memref_slice %arg5[%arg0, %mul3A_16] : memref<2x10240xf32, #tpu.memory_space<hbm>> -> memref<1x640xf32, #tpu.memory_space<hbm>>
      %dma_wait3A_19 = tpu.memref_squeeze %dma_wait3A : memref<1x640xf32, #tpu.memory_space<hbm>> -> memref<640xf32, #tpu.memory_space<hbm>>
      %dma_wait3A_20 = tpu.memref_slice %arg11[%mul3A_14] : memref<10240xf32, #tpu.memory_space<vmem_shared>> -> memref<640xf32, #tpu.memory_space<vmem_shared>>
      tpu.wait_dma2 semaphore(%run_scoped3A : memref<!tpu.dma_semaphore, #tpu.memory_space<semaphore_mem>>) src(%dma_wait3A_20 : memref<640xf32, #tpu.memory_space<vmem_shared>>) dst(%dma_wait3A_19 : memref<640xf32, #tpu.memory_space<hbm>>)
      tpu.yield
    }) : () -> ()
    return
  }
}

#map = affine_map<(d0, d1) -> (0, 0)>
#map1 = affine_map<(d0, d1) -> (0, 0, 0)>
module attributes {stable_mosaic.version = 14 : i64} {
  func.func @kern(%arg0: i32, %arg1: i32, %arg2: memref<10240x128xf32, #tpu.memory_space<hbm>>, %arg3: memref<5120x64xi32, #tpu.memory_space<hbm>>, %arg4: memref<5120x64xi32, #tpu.memory_space<hbm>>, %arg5: memref<640x128xf32, #tpu.memory_space<hbm>>, %arg6: memref<2x10240x128xf32, #tpu.memory_space<hbm>>, %arg7: memref<40x64xi32, #tpu.memory_space<vmem>>, %arg8: memref<40x64xi32, #tpu.memory_space<vmem>>, %arg9: memref<64x128xf32, #tpu.memory_space<vmem>>, %arg10: memref<64x128xf32, #tpu.memory_space<vmem>>, %arg11: memref<64x128xf32, #tpu.memory_space<vmem>>, %arg12: memref<64x128xf32, #tpu.memory_space<vmem>>, %arg13: memref<10240x128xf32, #tpu.memory_space<vmem_shared>>, %arg14: memref<4x!tpu.dma_semaphore, #tpu.memory_space<semaphore_mem>>, %arg15: memref<4x!tpu.dma_semaphore, #tpu.memory_space<semaphore_mem>>) attributes {dimension_semantics = [#tpu.dimension_semantics<core_parallel>, #tpu.dimension_semantics<subcore_parallel>], iteration_bounds = array<i64: 2, 16>, scalar_prefetch = 0 : i64, scratch_operands = 9 : i64, tpu.core_type = #tpu.core_type<sc_vector_subcore>, window_params = [{transform_indices = #map}, {transform_indices = #map}, {transform_indices = #map}, {transform_indices = #map}, {transform_indices = #map1}]} {
    %mul3A = arith.constant 16 : i32
    %mul3A_0 = arith.muli %arg0, %mul3A : i32
    %add3A = arith.addi %mul3A_0, %arg1 : i32
    %mul3A_1 = arith.constant 640 : i32
    %mul3A_2 = arith.muli %arg1, %mul3A_1 : i32
    "tpu.region"() ({
      %run_scoped3A = tpu.sem_alloc : memref<!tpu.dma_semaphore, #tpu.memory_space<semaphore_mem>>
      %dma_start3A = arith.constant 0 : i32
      %dma_start3A_13 = tpu.memref_slice %arg13[%mul3A_2, %dma_start3A] : memref<10240x128xf32, #tpu.memory_space<vmem_shared>> -> memref<640x128xf32, #tpu.memory_space<vmem_shared>>
      tpu.enqueue_dma source(%arg5 : memref<640x128xf32, #tpu.memory_space<hbm>>) target(%dma_start3A_13 : memref<640x128xf32, #tpu.memory_space<vmem_shared>>) target_semaphore(%run_scoped3A : memref<!tpu.dma_semaphore, #tpu.memory_space<semaphore_mem>>)
      %dma_wait3A = arith.constant 0 : i32
      %dma_wait3A_14 = tpu.memref_slice %arg13[%mul3A_2, %dma_wait3A] : memref<10240x128xf32, #tpu.memory_space<vmem_shared>> -> memref<640x128xf32, #tpu.memory_space<vmem_shared>>
      tpu.wait_dma2 semaphore(%run_scoped3A : memref<!tpu.dma_semaphore, #tpu.memory_space<semaphore_mem>>) src(%arg5 : memref<640x128xf32, #tpu.memory_space<hbm>>) dst(%dma_wait3A_14 : memref<640x128xf32, #tpu.memory_space<vmem_shared>>)
      tpu.yield
    }) : () -> ()
    %barrier3A = arith.constant 0 : index
    tpu.barrier barrier_id(%barrier3A)
    %scan3A = arith.constant 0 : i32
    %scan3A_3 = arith.constant 0 : i32
    %scan3A_4 = arith.constant 4 : i32
    %scan3A_5 = arith.addi %scan3A_3, %scan3A_4 : i32
    %scan3A_6 = arith.constant 1 : i32
    scf.for %scan3A_13 = %scan3A_3 to %scan3A_5 step %scan3A_6  : i32 {
      %mul3A_14 = arith.constant 160 : i32
      %mul3A_15 = arith.muli %add3A, %mul3A_14 : i32
      %mul3A_16 = arith.constant 40 : i32
      %mul3A_17 = arith.muli %scan3A_13, %mul3A_16 : i32
      %add3A_18 = arith.addi %mul3A_15, %mul3A_17 : i32
      "tpu.region"() ({
        %run_scoped3A = tpu.sem_alloc : memref<!tpu.dma_semaphore, #tpu.memory_space<semaphore_mem>>
        %dma_start3A_103 = arith.constant 0 : i32
        %dma_start3A_104 = tpu.memref_slice %arg4[%add3A_18, %dma_start3A_103] : memref<5120x64xi32, #tpu.memory_space<hbm>> -> memref<40x64xi32, #tpu.memory_space<hbm>>
        %dma_start3A_105 = arith.constant 0 : i32
        %dma_start3A_106 = tpu.memref_slice %arg4[%add3A_18, %dma_start3A_105] : memref<5120x64xi32, #tpu.memory_space<hbm>> -> memref<40x64xi32, #tpu.memory_space<hbm>>
        tpu.enqueue_dma source(%dma_start3A_106 : memref<40x64xi32, #tpu.memory_space<hbm>>) target(%arg8 : memref<40x64xi32, #tpu.memory_space<vmem>>) target_semaphore(%run_scoped3A : memref<!tpu.dma_semaphore, #tpu.memory_space<semaphore_mem>>)
        %dma_wait3A_107 = arith.constant 0 : i32
        %dma_wait3A_108 = tpu.memref_slice %arg4[%add3A_18, %dma_wait3A_107] : memref<5120x64xi32, #tpu.memory_space<hbm>> -> memref<40x64xi32, #tpu.memory_space<hbm>>
        %dma_wait3A_109 = arith.constant 0 : i32
        %dma_wait3A_110 = tpu.memref_slice %arg4[%add3A_18, %dma_wait3A_109] : memref<5120x64xi32, #tpu.memory_space<hbm>> -> memref<40x64xi32, #tpu.memory_space<hbm>>
        tpu.wait_dma2 semaphore(%run_scoped3A : memref<!tpu.dma_semaphore, #tpu.memory_space<semaphore_mem>>) src(%dma_wait3A_110 : memref<40x64xi32, #tpu.memory_space<hbm>>) dst(%arg8 : memref<40x64xi32, #tpu.memory_space<vmem>>)
        tpu.yield
      }) : () -> ()
      "tpu.region"() ({
        %run_scoped3A = tpu.sem_alloc : memref<!tpu.dma_semaphore, #tpu.memory_space<semaphore_mem>>
        %dma_start3A_103 = arith.constant 0 : i32
        %dma_start3A_104 = tpu.memref_slice %arg3[%add3A_18, %dma_start3A_103] : memref<5120x64xi32, #tpu.memory_space<hbm>> -> memref<40x64xi32, #tpu.memory_space<hbm>>
        %dma_start3A_105 = arith.constant 0 : i32
        %dma_start3A_106 = tpu.memref_slice %arg3[%add3A_18, %dma_start3A_105] : memref<5120x64xi32, #tpu.memory_space<hbm>> -> memref<40x64xi32, #tpu.memory_space<hbm>>
        tpu.enqueue_dma source(%dma_start3A_106 : memref<40x64xi32, #tpu.memory_space<hbm>>) target(%arg7 : memref<40x64xi32, #tpu.memory_space<vmem>>) target_semaphore(%run_scoped3A : memref<!tpu.dma_semaphore, #tpu.memory_space<semaphore_mem>>)
        %dma_wait3A_107 = arith.constant 0 : i32
        %dma_wait3A_108 = tpu.memref_slice %arg3[%add3A_18, %dma_wait3A_107] : memref<5120x64xi32, #tpu.memory_space<hbm>> -> memref<40x64xi32, #tpu.memory_space<hbm>>
        %dma_wait3A_109 = arith.constant 0 : i32
        %dma_wait3A_110 = tpu.memref_slice %arg3[%add3A_18, %dma_wait3A_109] : memref<5120x64xi32, #tpu.memory_space<hbm>> -> memref<40x64xi32, #tpu.memory_space<hbm>>
        tpu.wait_dma2 semaphore(%run_scoped3A : memref<!tpu.dma_semaphore, #tpu.memory_space<semaphore_mem>>) src(%dma_wait3A_110 : memref<40x64xi32, #tpu.memory_space<hbm>>) dst(%arg7 : memref<40x64xi32, #tpu.memory_space<vmem>>)
        tpu.yield
      }) : () -> ()
      %dma_start3A = arith.constant 0 : i32
      %dma_start3A_19 = arith.constant 0 : i32
      %dma_start3A_20 = arith.constant 0 : i32
      %dma_start3A_21 = tpu.memref_slice %arg7[%dma_start3A, %dma_start3A_20] : memref<40x64xi32, #tpu.memory_space<vmem>> -> memref<1x64xi32, #tpu.memory_space<vmem>>
      %dma_start3A_22 = tpu.memref_squeeze %dma_start3A_21 : memref<1x64xi32, #tpu.memory_space<vmem>> -> memref<64xi32, #tpu.memory_space<vmem>>
      %dma_start3A_23 = arith.constant 0 : i32
      %dma_start3A_24 = arith.constant 0 : i32
      %dma_start3A_25 = tpu.memref_slice %arg2[%dma_start3A_23, %dma_start3A_24] : memref<10240x128xf32, #tpu.memory_space<hbm>> -> memref<10240x128xf32, #tpu.memory_space<hbm>>
      %dma_start3A_26 = tpu.memref_slice %arg14[%dma_start3A_19] : memref<4x!tpu.dma_semaphore, #tpu.memory_space<semaphore_mem>> -> memref<1x!tpu.dma_semaphore, #tpu.memory_space<semaphore_mem>>
      %dma_start3A_27 = tpu.memref_squeeze %dma_start3A_26 : memref<1x!tpu.dma_semaphore, #tpu.memory_space<semaphore_mem>> -> memref<!tpu.dma_semaphore, #tpu.memory_space<semaphore_mem>>
      tpu.enqueue_indirect_dma source(%dma_start3A_25 : memref<10240x128xf32, #tpu.memory_space<hbm>>) target(%arg9 : memref<64x128xf32, #tpu.memory_space<vmem>>) offsets(%dma_start3A_22 : memref<64xi32, #tpu.memory_space<vmem>>) semaphore(%dma_start3A_27 : memref<!tpu.dma_semaphore, #tpu.memory_space<semaphore_mem>>)
      %dma_start3A_28 = arith.constant 1 : i32
      %dma_start3A_29 = arith.constant 1 : i32
      %dma_start3A_30 = arith.constant 0 : i32
      %dma_start3A_31 = tpu.memref_slice %arg7[%dma_start3A_28, %dma_start3A_30] : memref<40x64xi32, #tpu.memory_space<vmem>> -> memref<1x64xi32, #tpu.memory_space<vmem>>
      %dma_start3A_32 = tpu.memref_squeeze %dma_start3A_31 : memref<1x64xi32, #tpu.memory_space<vmem>> -> memref<64xi32, #tpu.memory_space<vmem>>
      %dma_start3A_33 = arith.constant 0 : i32
      %dma_start3A_34 = arith.constant 0 : i32
      %dma_start3A_35 = tpu.memref_slice %arg2[%dma_start3A_33, %dma_start3A_34] : memref<10240x128xf32, #tpu.memory_space<hbm>> -> memref<10240x128xf32, #tpu.memory_space<hbm>>
      %dma_start3A_36 = tpu.memref_slice %arg14[%dma_start3A_29] : memref<4x!tpu.dma_semaphore, #tpu.memory_space<semaphore_mem>> -> memref<1x!tpu.dma_semaphore, #tpu.memory_space<semaphore_mem>>
      %dma_start3A_37 = tpu.memref_squeeze %dma_start3A_36 : memref<1x!tpu.dma_semaphore, #tpu.memory_space<semaphore_mem>> -> memref<!tpu.dma_semaphore, #tpu.memory_space<semaphore_mem>>
      tpu.enqueue_indirect_dma source(%dma_start3A_35 : memref<10240x128xf32, #tpu.memory_space<hbm>>) target(%arg10 : memref<64x128xf32, #tpu.memory_space<vmem>>) offsets(%dma_start3A_32 : memref<64xi32, #tpu.memory_space<vmem>>) semaphore(%dma_start3A_37 : memref<!tpu.dma_semaphore, #tpu.memory_space<semaphore_mem>>)
      %dma_start3A_38 = arith.constant 2 : i32
      %dma_start3A_39 = arith.constant 2 : i32
      %dma_start3A_40 = arith.constant 0 : i32
      %dma_start3A_41 = tpu.memref_slice %arg7[%dma_start3A_38, %dma_start3A_40] : memref<40x64xi32, #tpu.memory_space<vmem>> -> memref<1x64xi32, #tpu.memory_space<vmem>>
      %dma_start3A_42 = tpu.memref_squeeze %dma_start3A_41 : memref<1x64xi32, #tpu.memory_space<vmem>> -> memref<64xi32, #tpu.memory_space<vmem>>
      %dma_start3A_43 = arith.constant 0 : i32
      %dma_start3A_44 = arith.constant 0 : i32
      %dma_start3A_45 = tpu.memref_slice %arg2[%dma_start3A_43, %dma_start3A_44] : memref<10240x128xf32, #tpu.memory_space<hbm>> -> memref<10240x128xf32, #tpu.memory_space<hbm>>
      %dma_start3A_46 = tpu.memref_slice %arg14[%dma_start3A_39] : memref<4x!tpu.dma_semaphore, #tpu.memory_space<semaphore_mem>> -> memref<1x!tpu.dma_semaphore, #tpu.memory_space<semaphore_mem>>
      %dma_start3A_47 = tpu.memref_squeeze %dma_start3A_46 : memref<1x!tpu.dma_semaphore, #tpu.memory_space<semaphore_mem>> -> memref<!tpu.dma_semaphore, #tpu.memory_space<semaphore_mem>>
      tpu.enqueue_indirect_dma source(%dma_start3A_45 : memref<10240x128xf32, #tpu.memory_space<hbm>>) target(%arg11 : memref<64x128xf32, #tpu.memory_space<vmem>>) offsets(%dma_start3A_42 : memref<64xi32, #tpu.memory_space<vmem>>) semaphore(%dma_start3A_47 : memref<!tpu.dma_semaphore, #tpu.memory_space<semaphore_mem>>)
      %dma_start3A_48 = arith.constant 3 : i32
      %dma_start3A_49 = arith.constant 3 : i32
      %dma_start3A_50 = arith.constant 0 : i32
      %dma_start3A_51 = tpu.memref_slice %arg7[%dma_start3A_48, %dma_start3A_50] : memref<40x64xi32, #tpu.memory_space<vmem>> -> memref<1x64xi32, #tpu.memory_space<vmem>>
      %dma_start3A_52 = tpu.memref_squeeze %dma_start3A_51 : memref<1x64xi32, #tpu.memory_space<vmem>> -> memref<64xi32, #tpu.memory_space<vmem>>
      %dma_start3A_53 = arith.constant 0 : i32
      %dma_start3A_54 = arith.constant 0 : i32
      %dma_start3A_55 = tpu.memref_slice %arg2[%dma_start3A_53, %dma_start3A_54] : memref<10240x128xf32, #tpu.memory_space<hbm>> -> memref<10240x128xf32, #tpu.memory_space<hbm>>
      %dma_start3A_56 = tpu.memref_slice %arg14[%dma_start3A_49] : memref<4x!tpu.dma_semaphore, #tpu.memory_space<semaphore_mem>> -> memref<1x!tpu.dma_semaphore, #tpu.memory_space<semaphore_mem>>
      %dma_start3A_57 = tpu.memref_squeeze %dma_start3A_56 : memref<1x!tpu.dma_semaphore, #tpu.memory_space<semaphore_mem>> -> memref<!tpu.dma_semaphore, #tpu.memory_space<semaphore_mem>>
      tpu.enqueue_indirect_dma source(%dma_start3A_55 : memref<10240x128xf32, #tpu.memory_space<hbm>>) target(%arg12 : memref<64x128xf32, #tpu.memory_space<vmem>>) offsets(%dma_start3A_52 : memref<64xi32, #tpu.memory_space<vmem>>) semaphore(%dma_start3A_57 : memref<!tpu.dma_semaphore, #tpu.memory_space<semaphore_mem>>)
      %scan3A_58 = arith.constant 0 : i32
      %scan3A_59 = arith.constant 0 : i32
      %scan3A_60 = arith.constant 10 : i32
      %scan3A_61 = arith.addi %scan3A_59, %scan3A_60 : i32
      %scan3A_62 = arith.constant 1 : i32
      scf.for %scan3A_103 = %scan3A_59 to %scan3A_61 step %scan3A_62  : i32 {
        %mul3A_104 = arith.constant 4 : i32
        %mul3A_105 = arith.muli %scan3A_103, %mul3A_104 : i32
        %dma_wait3A_106 = arith.constant 0 : i32
        %dma_wait3A_107 = arith.constant 0 : i32
        %dma_wait3A_108 = arith.constant 0 : i32
        %dma_wait3A_109 = tpu.memref_slice %arg7[%dma_wait3A_106, %dma_wait3A_108] : memref<40x64xi32, #tpu.memory_space<vmem>> -> memref<1x64xi32, #tpu.memory_space<vmem>>
        %dma_wait3A_110 = tpu.memref_squeeze %dma_wait3A_109 : memref<1x64xi32, #tpu.memory_space<vmem>> -> memref<64xi32, #tpu.memory_space<vmem>>
        %dma_wait3A_111 = arith.constant 0 : i32
        %dma_wait3A_112 = arith.constant 0 : i32
        %dma_wait3A_113 = tpu.memref_slice %arg2[%dma_wait3A_111, %dma_wait3A_112] : memref<10240x128xf32, #tpu.memory_space<hbm>> -> memref<10240x128xf32, #tpu.memory_space<hbm>>
        %dma_wait3A_114 = tpu.memref_slice %arg14[%dma_wait3A_107] : memref<4x!tpu.dma_semaphore, #tpu.memory_space<semaphore_mem>> -> memref<1x!tpu.dma_semaphore, #tpu.memory_space<semaphore_mem>>
        %dma_wait3A_115 = tpu.memref_squeeze %dma_wait3A_114 : memref<1x!tpu.dma_semaphore, #tpu.memory_space<semaphore_mem>> -> memref<!tpu.dma_semaphore, #tpu.memory_space<semaphore_mem>>
        tpu.wait_indirect_dma semaphore(%dma_wait3A_115 : memref<!tpu.dma_semaphore, #tpu.memory_space<semaphore_mem>>) src(%dma_wait3A_113 : memref<10240x128xf32, #tpu.memory_space<hbm>>) dst(%arg9 : memref<64x128xf32, #tpu.memory_space<vmem>>)
        %add3A_116 = arith.constant 0 : i32
        %add3A_117 = arith.addi %mul3A_105, %add3A_116 : i32
        %dma_start3A_118 = arith.constant 0 : i32
        %dma_start3A_119 = arith.constant 0 : i32
        %dma_start3A_120 = tpu.memref_slice %arg8[%add3A_117, %dma_start3A_119] : memref<40x64xi32, #tpu.memory_space<vmem>> -> memref<1x64xi32, #tpu.memory_space<vmem>>
        %dma_start3A_121 = tpu.memref_squeeze %dma_start3A_120 : memref<1x64xi32, #tpu.memory_space<vmem>> -> memref<64xi32, #tpu.memory_space<vmem>>
        %dma_start3A_122 = arith.constant 0 : i32
        %dma_start3A_123 = arith.constant 0 : i32
        %dma_start3A_124 = tpu.memref_slice %arg13[%dma_start3A_122, %dma_start3A_123] : memref<10240x128xf32, #tpu.memory_space<vmem_shared>> -> memref<10240x128xf32, #tpu.memory_space<vmem_shared>>
        %dma_start3A_125 = tpu.memref_slice %arg15[%dma_start3A_118] : memref<4x!tpu.dma_semaphore, #tpu.memory_space<semaphore_mem>> -> memref<1x!tpu.dma_semaphore, #tpu.memory_space<semaphore_mem>>
        %dma_start3A_126 = tpu.memref_squeeze %dma_start3A_125 : memref<1x!tpu.dma_semaphore, #tpu.memory_space<semaphore_mem>> -> memref<!tpu.dma_semaphore, #tpu.memory_space<semaphore_mem>>
        tpu.enqueue_indirect_dma source(%arg9 : memref<64x128xf32, #tpu.memory_space<vmem>>) target(%dma_start3A_124 : memref<10240x128xf32, #tpu.memory_space<vmem_shared>>) offsets(%dma_start3A_121 : memref<64xi32, #tpu.memory_space<vmem>>) semaphore(%dma_start3A_126 : memref<!tpu.dma_semaphore, #tpu.memory_space<semaphore_mem>>) {add = true}
        %dma_wait3A_127 = arith.constant 0 : i32
        %dma_wait3A_128 = arith.constant 1 : i32
        %dma_wait3A_129 = arith.constant 0 : i32
        %dma_wait3A_130 = tpu.memref_slice %arg7[%dma_wait3A_127, %dma_wait3A_129] : memref<40x64xi32, #tpu.memory_space<vmem>> -> memref<1x64xi32, #tpu.memory_space<vmem>>
        %dma_wait3A_131 = tpu.memref_squeeze %dma_wait3A_130 : memref<1x64xi32, #tpu.memory_space<vmem>> -> memref<64xi32, #tpu.memory_space<vmem>>
        %dma_wait3A_132 = arith.constant 0 : i32
        %dma_wait3A_133 = arith.constant 0 : i32
        %dma_wait3A_134 = tpu.memref_slice %arg2[%dma_wait3A_132, %dma_wait3A_133] : memref<10240x128xf32, #tpu.memory_space<hbm>> -> memref<10240x128xf32, #tpu.memory_space<hbm>>
        %dma_wait3A_135 = tpu.memref_slice %arg14[%dma_wait3A_128] : memref<4x!tpu.dma_semaphore, #tpu.memory_space<semaphore_mem>> -> memref<1x!tpu.dma_semaphore, #tpu.memory_space<semaphore_mem>>
        %dma_wait3A_136 = tpu.memref_squeeze %dma_wait3A_135 : memref<1x!tpu.dma_semaphore, #tpu.memory_space<semaphore_mem>> -> memref<!tpu.dma_semaphore, #tpu.memory_space<semaphore_mem>>
        tpu.wait_indirect_dma semaphore(%dma_wait3A_136 : memref<!tpu.dma_semaphore, #tpu.memory_space<semaphore_mem>>) src(%dma_wait3A_134 : memref<10240x128xf32, #tpu.memory_space<hbm>>) dst(%arg10 : memref<64x128xf32, #tpu.memory_space<vmem>>)
        %add3A_137 = arith.constant 1 : i32
        %add3A_138 = arith.addi %mul3A_105, %add3A_137 : i32
        %dma_start3A_139 = arith.constant 1 : i32
        %dma_start3A_140 = arith.constant 0 : i32
        %dma_start3A_141 = tpu.memref_slice %arg8[%add3A_138, %dma_start3A_140] : memref<40x64xi32, #tpu.memory_space<vmem>> -> memref<1x64xi32, #tpu.memory_space<vmem>>
        %dma_start3A_142 = tpu.memref_squeeze %dma_start3A_141 : memref<1x64xi32, #tpu.memory_space<vmem>> -> memref<64xi32, #tpu.memory_space<vmem>>
        %dma_start3A_143 = arith.constant 0 : i32
        %dma_start3A_144 = arith.constant 0 : i32
        %dma_start3A_145 = tpu.memref_slice %arg13[%dma_start3A_143, %dma_start3A_144] : memref<10240x128xf32, #tpu.memory_space<vmem_shared>> -> memref<10240x128xf32, #tpu.memory_space<vmem_shared>>
        %dma_start3A_146 = tpu.memref_slice %arg15[%dma_start3A_139] : memref<4x!tpu.dma_semaphore, #tpu.memory_space<semaphore_mem>> -> memref<1x!tpu.dma_semaphore, #tpu.memory_space<semaphore_mem>>
        %dma_start3A_147 = tpu.memref_squeeze %dma_start3A_146 : memref<1x!tpu.dma_semaphore, #tpu.memory_space<semaphore_mem>> -> memref<!tpu.dma_semaphore, #tpu.memory_space<semaphore_mem>>
        tpu.enqueue_indirect_dma source(%arg10 : memref<64x128xf32, #tpu.memory_space<vmem>>) target(%dma_start3A_145 : memref<10240x128xf32, #tpu.memory_space<vmem_shared>>) offsets(%dma_start3A_142 : memref<64xi32, #tpu.memory_space<vmem>>) semaphore(%dma_start3A_147 : memref<!tpu.dma_semaphore, #tpu.memory_space<semaphore_mem>>) {add = true}
        %dma_wait3A_148 = arith.constant 0 : i32
        %dma_wait3A_149 = arith.constant 2 : i32
        %dma_wait3A_150 = arith.constant 0 : i32
        %dma_wait3A_151 = tpu.memref_slice %arg7[%dma_wait3A_148, %dma_wait3A_150] : memref<40x64xi32, #tpu.memory_space<vmem>> -> memref<1x64xi32, #tpu.memory_space<vmem>>
        %dma_wait3A_152 = tpu.memref_squeeze %dma_wait3A_151 : memref<1x64xi32, #tpu.memory_space<vmem>> -> memref<64xi32, #tpu.memory_space<vmem>>
        %dma_wait3A_153 = arith.constant 0 : i32
        %dma_wait3A_154 = arith.constant 0 : i32
        %dma_wait3A_155 = tpu.memref_slice %arg2[%dma_wait3A_153, %dma_wait3A_154] : memref<10240x128xf32, #tpu.memory_space<hbm>> -> memref<10240x128xf32, #tpu.memory_space<hbm>>
        %dma_wait3A_156 = tpu.memref_slice %arg14[%dma_wait3A_149] : memref<4x!tpu.dma_semaphore, #tpu.memory_space<semaphore_mem>> -> memref<1x!tpu.dma_semaphore, #tpu.memory_space<semaphore_mem>>
        %dma_wait3A_157 = tpu.memref_squeeze %dma_wait3A_156 : memref<1x!tpu.dma_semaphore, #tpu.memory_space<semaphore_mem>> -> memref<!tpu.dma_semaphore, #tpu.memory_space<semaphore_mem>>
        tpu.wait_indirect_dma semaphore(%dma_wait3A_157 : memref<!tpu.dma_semaphore, #tpu.memory_space<semaphore_mem>>) src(%dma_wait3A_155 : memref<10240x128xf32, #tpu.memory_space<hbm>>) dst(%arg11 : memref<64x128xf32, #tpu.memory_space<vmem>>)
        %add3A_158 = arith.constant 2 : i32
        %add3A_159 = arith.addi %mul3A_105, %add3A_158 : i32
        %dma_start3A_160 = arith.constant 2 : i32
        %dma_start3A_161 = arith.constant 0 : i32
        %dma_start3A_162 = tpu.memref_slice %arg8[%add3A_159, %dma_start3A_161] : memref<40x64xi32, #tpu.memory_space<vmem>> -> memref<1x64xi32, #tpu.memory_space<vmem>>
        %dma_start3A_163 = tpu.memref_squeeze %dma_start3A_162 : memref<1x64xi32, #tpu.memory_space<vmem>> -> memref<64xi32, #tpu.memory_space<vmem>>
        %dma_start3A_164 = arith.constant 0 : i32
        %dma_start3A_165 = arith.constant 0 : i32
        %dma_start3A_166 = tpu.memref_slice %arg13[%dma_start3A_164, %dma_start3A_165] : memref<10240x128xf32, #tpu.memory_space<vmem_shared>> -> memref<10240x128xf32, #tpu.memory_space<vmem_shared>>
        %dma_start3A_167 = tpu.memref_slice %arg15[%dma_start3A_160] : memref<4x!tpu.dma_semaphore, #tpu.memory_space<semaphore_mem>> -> memref<1x!tpu.dma_semaphore, #tpu.memory_space<semaphore_mem>>
        %dma_start3A_168 = tpu.memref_squeeze %dma_start3A_167 : memref<1x!tpu.dma_semaphore, #tpu.memory_space<semaphore_mem>> -> memref<!tpu.dma_semaphore, #tpu.memory_space<semaphore_mem>>
        tpu.enqueue_indirect_dma source(%arg11 : memref<64x128xf32, #tpu.memory_space<vmem>>) target(%dma_start3A_166 : memref<10240x128xf32, #tpu.memory_space<vmem_shared>>) offsets(%dma_start3A_163 : memref<64xi32, #tpu.memory_space<vmem>>) semaphore(%dma_start3A_168 : memref<!tpu.dma_semaphore, #tpu.memory_space<semaphore_mem>>) {add = true}
        %dma_wait3A_169 = arith.constant 0 : i32
        %dma_wait3A_170 = arith.constant 3 : i32
        %dma_wait3A_171 = arith.constant 0 : i32
        %dma_wait3A_172 = tpu.memref_slice %arg7[%dma_wait3A_169, %dma_wait3A_171] : memref<40x64xi32, #tpu.memory_space<vmem>> -> memref<1x64xi32, #tpu.memory_space<vmem>>
        %dma_wait3A_173 = tpu.memref_squeeze %dma_wait3A_172 : memref<1x64xi32, #tpu.memory_space<vmem>> -> memref<64xi32, #tpu.memory_space<vmem>>
        %dma_wait3A_174 = arith.constant 0 : i32
        %dma_wait3A_175 = arith.constant 0 : i32
        %dma_wait3A_176 = tpu.memref_slice %arg2[%dma_wait3A_174, %dma_wait3A_175] : memref<10240x128xf32, #tpu.memory_space<hbm>> -> memref<10240x128xf32, #tpu.memory_space<hbm>>
        %dma_wait3A_177 = tpu.memref_slice %arg14[%dma_wait3A_170] : memref<4x!tpu.dma_semaphore, #tpu.memory_space<semaphore_mem>> -> memref<1x!tpu.dma_semaphore, #tpu.memory_space<semaphore_mem>>
        %dma_wait3A_178 = tpu.memref_squeeze %dma_wait3A_177 : memref<1x!tpu.dma_semaphore, #tpu.memory_space<semaphore_mem>> -> memref<!tpu.dma_semaphore, #tpu.memory_space<semaphore_mem>>
        tpu.wait_indirect_dma semaphore(%dma_wait3A_178 : memref<!tpu.dma_semaphore, #tpu.memory_space<semaphore_mem>>) src(%dma_wait3A_176 : memref<10240x128xf32, #tpu.memory_space<hbm>>) dst(%arg12 : memref<64x128xf32, #tpu.memory_space<vmem>>)
        %add3A_179 = arith.constant 3 : i32
        %add3A_180 = arith.addi %mul3A_105, %add3A_179 : i32
        %dma_start3A_181 = arith.constant 3 : i32
        %dma_start3A_182 = arith.constant 0 : i32
        %dma_start3A_183 = tpu.memref_slice %arg8[%add3A_180, %dma_start3A_182] : memref<40x64xi32, #tpu.memory_space<vmem>> -> memref<1x64xi32, #tpu.memory_space<vmem>>
        %dma_start3A_184 = tpu.memref_squeeze %dma_start3A_183 : memref<1x64xi32, #tpu.memory_space<vmem>> -> memref<64xi32, #tpu.memory_space<vmem>>
        %dma_start3A_185 = arith.constant 0 : i32
        %dma_start3A_186 = arith.constant 0 : i32
        %dma_start3A_187 = tpu.memref_slice %arg13[%dma_start3A_185, %dma_start3A_186] : memref<10240x128xf32, #tpu.memory_space<vmem_shared>> -> memref<10240x128xf32, #tpu.memory_space<vmem_shared>>
        %dma_start3A_188 = tpu.memref_slice %arg15[%dma_start3A_181] : memref<4x!tpu.dma_semaphore, #tpu.memory_space<semaphore_mem>> -> memref<1x!tpu.dma_semaphore, #tpu.memory_space<semaphore_mem>>
        %dma_start3A_189 = tpu.memref_squeeze %dma_start3A_188 : memref<1x!tpu.dma_semaphore, #tpu.memory_space<semaphore_mem>> -> memref<!tpu.dma_semaphore, #tpu.memory_space<semaphore_mem>>
        tpu.enqueue_indirect_dma source(%arg12 : memref<64x128xf32, #tpu.memory_space<vmem>>) target(%dma_start3A_187 : memref<10240x128xf32, #tpu.memory_space<vmem_shared>>) offsets(%dma_start3A_184 : memref<64xi32, #tpu.memory_space<vmem>>) semaphore(%dma_start3A_189 : memref<!tpu.dma_semaphore, #tpu.memory_space<semaphore_mem>>) {add = true}
        %dma_wait3A_190 = arith.constant 0 : i32
        %dma_wait3A_191 = arith.constant 0 : i32
        %dma_wait3A_192 = arith.constant 0 : i32
        %dma_wait3A_193 = tpu.memref_slice %arg8[%dma_wait3A_190, %dma_wait3A_192] : memref<40x64xi32, #tpu.memory_space<vmem>> -> memref<1x64xi32, #tpu.memory_space<vmem>>
        %dma_wait3A_194 = tpu.memref_squeeze %dma_wait3A_193 : memref<1x64xi32, #tpu.memory_space<vmem>> -> memref<64xi32, #tpu.memory_space<vmem>>
        %dma_wait3A_195 = arith.constant 0 : i32
        %dma_wait3A_196 = arith.constant 0 : i32
        %dma_wait3A_197 = tpu.memref_slice %arg13[%dma_wait3A_195, %dma_wait3A_196] : memref<10240x128xf32, #tpu.memory_space<vmem_shared>> -> memref<10240x128xf32, #tpu.memory_space<vmem_shared>>
        %dma_wait3A_198 = tpu.memref_slice %arg15[%dma_wait3A_191] : memref<4x!tpu.dma_semaphore, #tpu.memory_space<semaphore_mem>> -> memref<1x!tpu.dma_semaphore, #tpu.memory_space<semaphore_mem>>
        %dma_wait3A_199 = tpu.memref_squeeze %dma_wait3A_198 : memref<1x!tpu.dma_semaphore, #tpu.memory_space<semaphore_mem>> -> memref<!tpu.dma_semaphore, #tpu.memory_space<semaphore_mem>>
        tpu.wait_indirect_dma semaphore(%dma_wait3A_199 : memref<!tpu.dma_semaphore, #tpu.memory_space<semaphore_mem>>) src(%arg9 : memref<64x128xf32, #tpu.memory_space<vmem>>) dst(%dma_wait3A_197 : memref<10240x128xf32, #tpu.memory_space<vmem_shared>>)
        %add3A_200 = arith.constant 4 : i32
        %add3A_201 = arith.addi %mul3A_105, %add3A_200 : i32
        %add3A_202 = arith.constant 0 : i32
        %add3A_203 = arith.addi %add3A_201, %add3A_202 : i32
        %min3A = arith.constant 39 : i32
        %min3A_204 = arith.minsi %add3A_203, %min3A : i32
        %dma_start3A_205 = arith.constant 0 : i32
        %dma_start3A_206 = arith.constant 0 : i32
        %dma_start3A_207 = tpu.memref_slice %arg7[%min3A_204, %dma_start3A_206] : memref<40x64xi32, #tpu.memory_space<vmem>> -> memref<1x64xi32, #tpu.memory_space<vmem>>
        %dma_start3A_208 = tpu.memref_squeeze %dma_start3A_207 : memref<1x64xi32, #tpu.memory_space<vmem>> -> memref<64xi32, #tpu.memory_space<vmem>>
        %dma_start3A_209 = arith.constant 0 : i32
        %dma_start3A_210 = arith.constant 0 : i32
        %dma_start3A_211 = tpu.memref_slice %arg2[%dma_start3A_209, %dma_start3A_210] : memref<10240x128xf32, #tpu.memory_space<hbm>> -> memref<10240x128xf32, #tpu.memory_space<hbm>>
        %dma_start3A_212 = tpu.memref_slice %arg14[%dma_start3A_205] : memref<4x!tpu.dma_semaphore, #tpu.memory_space<semaphore_mem>> -> memref<1x!tpu.dma_semaphore, #tpu.memory_space<semaphore_mem>>
        %dma_start3A_213 = tpu.memref_squeeze %dma_start3A_212 : memref<1x!tpu.dma_semaphore, #tpu.memory_space<semaphore_mem>> -> memref<!tpu.dma_semaphore, #tpu.memory_space<semaphore_mem>>
        tpu.enqueue_indirect_dma source(%dma_start3A_211 : memref<10240x128xf32, #tpu.memory_space<hbm>>) target(%arg9 : memref<64x128xf32, #tpu.memory_space<vmem>>) offsets(%dma_start3A_208 : memref<64xi32, #tpu.memory_space<vmem>>) semaphore(%dma_start3A_213 : memref<!tpu.dma_semaphore, #tpu.memory_space<semaphore_mem>>)
        %dma_wait3A_214 = arith.constant 0 : i32
        %dma_wait3A_215 = arith.constant 1 : i32
        %dma_wait3A_216 = arith.constant 0 : i32
        %dma_wait3A_217 = tpu.memref_slice %arg8[%dma_wait3A_214, %dma_wait3A_216] : memref<40x64xi32, #tpu.memory_space<vmem>> -> memref<1x64xi32, #tpu.memory_space<vmem>>
        %dma_wait3A_218 = tpu.memref_squeeze %dma_wait3A_217 : memref<1x64xi32, #tpu.memory_space<vmem>> -> memref<64xi32, #tpu.memory_space<vmem>>
        %dma_wait3A_219 = arith.constant 0 : i32
        %dma_wait3A_220 = arith.constant 0 : i32
        %dma_wait3A_221 = tpu.memref_slice %arg13[%dma_wait3A_219, %dma_wait3A_220] : memref<10240x128xf32, #tpu.memory_space<vmem_shared>> -> memref<10240x128xf32, #tpu.memory_space<vmem_shared>>
        %dma_wait3A_222 = tpu.memref_slice %arg15[%dma_wait3A_215] : memref<4x!tpu.dma_semaphore, #tpu.memory_space<semaphore_mem>> -> memref<1x!tpu.dma_semaphore, #tpu.memory_space<semaphore_mem>>
        %dma_wait3A_223 = tpu.memref_squeeze %dma_wait3A_222 : memref<1x!tpu.dma_semaphore, #tpu.memory_space<semaphore_mem>> -> memref<!tpu.dma_semaphore, #tpu.memory_space<semaphore_mem>>
        tpu.wait_indirect_dma semaphore(%dma_wait3A_223 : memref<!tpu.dma_semaphore, #tpu.memory_space<semaphore_mem>>) src(%arg10 : memref<64x128xf32, #tpu.memory_space<vmem>>) dst(%dma_wait3A_221 : memref<10240x128xf32, #tpu.memory_space<vmem_shared>>)
        %add3A_224 = arith.constant 4 : i32
        %add3A_225 = arith.addi %mul3A_105, %add3A_224 : i32
        %add3A_226 = arith.constant 1 : i32
        %add3A_227 = arith.addi %add3A_225, %add3A_226 : i32
        %min3A_228 = arith.constant 39 : i32
        %min3A_229 = arith.minsi %add3A_227, %min3A_228 : i32
        %dma_start3A_230 = arith.constant 1 : i32
        %dma_start3A_231 = arith.constant 0 : i32
        %dma_start3A_232 = tpu.memref_slice %arg7[%min3A_229, %dma_start3A_231] : memref<40x64xi32, #tpu.memory_space<vmem>> -> memref<1x64xi32, #tpu.memory_space<vmem>>
        %dma_start3A_233 = tpu.memref_squeeze %dma_start3A_232 : memref<1x64xi32, #tpu.memory_space<vmem>> -> memref<64xi32, #tpu.memory_space<vmem>>
        %dma_start3A_234 = arith.constant 0 : i32
        %dma_start3A_235 = arith.constant 0 : i32
        %dma_start3A_236 = tpu.memref_slice %arg2[%dma_start3A_234, %dma_start3A_235] : memref<10240x128xf32, #tpu.memory_space<hbm>> -> memref<10240x128xf32, #tpu.memory_space<hbm>>
        %dma_start3A_237 = tpu.memref_slice %arg14[%dma_start3A_230] : memref<4x!tpu.dma_semaphore, #tpu.memory_space<semaphore_mem>> -> memref<1x!tpu.dma_semaphore, #tpu.memory_space<semaphore_mem>>
        %dma_start3A_238 = tpu.memref_squeeze %dma_start3A_237 : memref<1x!tpu.dma_semaphore, #tpu.memory_space<semaphore_mem>> -> memref<!tpu.dma_semaphore, #tpu.memory_space<semaphore_mem>>
        tpu.enqueue_indirect_dma source(%dma_start3A_236 : memref<10240x128xf32, #tpu.memory_space<hbm>>) target(%arg10 : memref<64x128xf32, #tpu.memory_space<vmem>>) offsets(%dma_start3A_233 : memref<64xi32, #tpu.memory_space<vmem>>) semaphore(%dma_start3A_238 : memref<!tpu.dma_semaphore, #tpu.memory_space<semaphore_mem>>)
        %dma_wait3A_239 = arith.constant 0 : i32
        %dma_wait3A_240 = arith.constant 2 : i32
        %dma_wait3A_241 = arith.constant 0 : i32
        %dma_wait3A_242 = tpu.memref_slice %arg8[%dma_wait3A_239, %dma_wait3A_241] : memref<40x64xi32, #tpu.memory_space<vmem>> -> memref<1x64xi32, #tpu.memory_space<vmem>>
        %dma_wait3A_243 = tpu.memref_squeeze %dma_wait3A_242 : memref<1x64xi32, #tpu.memory_space<vmem>> -> memref<64xi32, #tpu.memory_space<vmem>>
        %dma_wait3A_244 = arith.constant 0 : i32
        %dma_wait3A_245 = arith.constant 0 : i32
        %dma_wait3A_246 = tpu.memref_slice %arg13[%dma_wait3A_244, %dma_wait3A_245] : memref<10240x128xf32, #tpu.memory_space<vmem_shared>> -> memref<10240x128xf32, #tpu.memory_space<vmem_shared>>
        %dma_wait3A_247 = tpu.memref_slice %arg15[%dma_wait3A_240] : memref<4x!tpu.dma_semaphore, #tpu.memory_space<semaphore_mem>> -> memref<1x!tpu.dma_semaphore, #tpu.memory_space<semaphore_mem>>
        %dma_wait3A_248 = tpu.memref_squeeze %dma_wait3A_247 : memref<1x!tpu.dma_semaphore, #tpu.memory_space<semaphore_mem>> -> memref<!tpu.dma_semaphore, #tpu.memory_space<semaphore_mem>>
        tpu.wait_indirect_dma semaphore(%dma_wait3A_248 : memref<!tpu.dma_semaphore, #tpu.memory_space<semaphore_mem>>) src(%arg11 : memref<64x128xf32, #tpu.memory_space<vmem>>) dst(%dma_wait3A_246 : memref<10240x128xf32, #tpu.memory_space<vmem_shared>>)
        %add3A_249 = arith.constant 4 : i32
        %add3A_250 = arith.addi %mul3A_105, %add3A_249 : i32
        %add3A_251 = arith.constant 2 : i32
        %add3A_252 = arith.addi %add3A_250, %add3A_251 : i32
        %min3A_253 = arith.constant 39 : i32
        %min3A_254 = arith.minsi %add3A_252, %min3A_253 : i32
        %dma_start3A_255 = arith.constant 2 : i32
        %dma_start3A_256 = arith.constant 0 : i32
        %dma_start3A_257 = tpu.memref_slice %arg7[%min3A_254, %dma_start3A_256] : memref<40x64xi32, #tpu.memory_space<vmem>> -> memref<1x64xi32, #tpu.memory_space<vmem>>
        %dma_start3A_258 = tpu.memref_squeeze %dma_start3A_257 : memref<1x64xi32, #tpu.memory_space<vmem>> -> memref<64xi32, #tpu.memory_space<vmem>>
        %dma_start3A_259 = arith.constant 0 : i32
        %dma_start3A_260 = arith.constant 0 : i32
        %dma_start3A_261 = tpu.memref_slice %arg2[%dma_start3A_259, %dma_start3A_260] : memref<10240x128xf32, #tpu.memory_space<hbm>> -> memref<10240x128xf32, #tpu.memory_space<hbm>>
        %dma_start3A_262 = tpu.memref_slice %arg14[%dma_start3A_255] : memref<4x!tpu.dma_semaphore, #tpu.memory_space<semaphore_mem>> -> memref<1x!tpu.dma_semaphore, #tpu.memory_space<semaphore_mem>>
        %dma_start3A_263 = tpu.memref_squeeze %dma_start3A_262 : memref<1x!tpu.dma_semaphore, #tpu.memory_space<semaphore_mem>> -> memref<!tpu.dma_semaphore, #tpu.memory_space<semaphore_mem>>
        tpu.enqueue_indirect_dma source(%dma_start3A_261 : memref<10240x128xf32, #tpu.memory_space<hbm>>) target(%arg11 : memref<64x128xf32, #tpu.memory_space<vmem>>) offsets(%dma_start3A_258 : memref<64xi32, #tpu.memory_space<vmem>>) semaphore(%dma_start3A_263 : memref<!tpu.dma_semaphore, #tpu.memory_space<semaphore_mem>>)
        %dma_wait3A_264 = arith.constant 0 : i32
        %dma_wait3A_265 = arith.constant 3 : i32
        %dma_wait3A_266 = arith.constant 0 : i32
        %dma_wait3A_267 = tpu.memref_slice %arg8[%dma_wait3A_264, %dma_wait3A_266] : memref<40x64xi32, #tpu.memory_space<vmem>> -> memref<1x64xi32, #tpu.memory_space<vmem>>
        %dma_wait3A_268 = tpu.memref_squeeze %dma_wait3A_267 : memref<1x64xi32, #tpu.memory_space<vmem>> -> memref<64xi32, #tpu.memory_space<vmem>>
        %dma_wait3A_269 = arith.constant 0 : i32
        %dma_wait3A_270 = arith.constant 0 : i32
        %dma_wait3A_271 = tpu.memref_slice %arg13[%dma_wait3A_269, %dma_wait3A_270] : memref<10240x128xf32, #tpu.memory_space<vmem_shared>> -> memref<10240x128xf32, #tpu.memory_space<vmem_shared>>
        %dma_wait3A_272 = tpu.memref_slice %arg15[%dma_wait3A_265] : memref<4x!tpu.dma_semaphore, #tpu.memory_space<semaphore_mem>> -> memref<1x!tpu.dma_semaphore, #tpu.memory_space<semaphore_mem>>
        %dma_wait3A_273 = tpu.memref_squeeze %dma_wait3A_272 : memref<1x!tpu.dma_semaphore, #tpu.memory_space<semaphore_mem>> -> memref<!tpu.dma_semaphore, #tpu.memory_space<semaphore_mem>>
        tpu.wait_indirect_dma semaphore(%dma_wait3A_273 : memref<!tpu.dma_semaphore, #tpu.memory_space<semaphore_mem>>) src(%arg12 : memref<64x128xf32, #tpu.memory_space<vmem>>) dst(%dma_wait3A_271 : memref<10240x128xf32, #tpu.memory_space<vmem_shared>>)
        %add3A_274 = arith.constant 4 : i32
        %add3A_275 = arith.addi %mul3A_105, %add3A_274 : i32
        %add3A_276 = arith.constant 3 : i32
        %add3A_277 = arith.addi %add3A_275, %add3A_276 : i32
        %min3A_278 = arith.constant 39 : i32
        %min3A_279 = arith.minsi %add3A_277, %min3A_278 : i32
        %dma_start3A_280 = arith.constant 3 : i32
        %dma_start3A_281 = arith.constant 0 : i32
        %dma_start3A_282 = tpu.memref_slice %arg7[%min3A_279, %dma_start3A_281] : memref<40x64xi32, #tpu.memory_space<vmem>> -> memref<1x64xi32, #tpu.memory_space<vmem>>
        %dma_start3A_283 = tpu.memref_squeeze %dma_start3A_282 : memref<1x64xi32, #tpu.memory_space<vmem>> -> memref<64xi32, #tpu.memory_space<vmem>>
        %dma_start3A_284 = arith.constant 0 : i32
        %dma_start3A_285 = arith.constant 0 : i32
        %dma_start3A_286 = tpu.memref_slice %arg2[%dma_start3A_284, %dma_start3A_285] : memref<10240x128xf32, #tpu.memory_space<hbm>> -> memref<10240x128xf32, #tpu.memory_space<hbm>>
        %dma_start3A_287 = tpu.memref_slice %arg14[%dma_start3A_280] : memref<4x!tpu.dma_semaphore, #tpu.memory_space<semaphore_mem>> -> memref<1x!tpu.dma_semaphore, #tpu.memory_space<semaphore_mem>>
        %dma_start3A_288 = tpu.memref_squeeze %dma_start3A_287 : memref<1x!tpu.dma_semaphore, #tpu.memory_space<semaphore_mem>> -> memref<!tpu.dma_semaphore, #tpu.memory_space<semaphore_mem>>
        tpu.enqueue_indirect_dma source(%dma_start3A_286 : memref<10240x128xf32, #tpu.memory_space<hbm>>) target(%arg12 : memref<64x128xf32, #tpu.memory_space<vmem>>) offsets(%dma_start3A_283 : memref<64xi32, #tpu.memory_space<vmem>>) semaphore(%dma_start3A_288 : memref<!tpu.dma_semaphore, #tpu.memory_space<semaphore_mem>>)
      }
      %scan3A_63 = arith.constant 10 : i32
      %dma_wait3A = arith.constant 0 : i32
      %dma_wait3A_64 = arith.constant 0 : i32
      %dma_wait3A_65 = arith.constant 0 : i32
      %dma_wait3A_66 = tpu.memref_slice %arg7[%dma_wait3A, %dma_wait3A_65] : memref<40x64xi32, #tpu.memory_space<vmem>> -> memref<1x64xi32, #tpu.memory_space<vmem>>
      %dma_wait3A_67 = tpu.memref_squeeze %dma_wait3A_66 : memref<1x64xi32, #tpu.memory_space<vmem>> -> memref<64xi32, #tpu.memory_space<vmem>>
      %dma_wait3A_68 = arith.constant 0 : i32
      %dma_wait3A_69 = arith.constant 0 : i32
      %dma_wait3A_70 = tpu.memref_slice %arg2[%dma_wait3A_68, %dma_wait3A_69] : memref<10240x128xf32, #tpu.memory_space<hbm>> -> memref<10240x128xf32, #tpu.memory_space<hbm>>
      %dma_wait3A_71 = tpu.memref_slice %arg14[%dma_wait3A_64] : memref<4x!tpu.dma_semaphore, #tpu.memory_space<semaphore_mem>> -> memref<1x!tpu.dma_semaphore, #tpu.memory_space<semaphore_mem>>
      %dma_wait3A_72 = tpu.memref_squeeze %dma_wait3A_71 : memref<1x!tpu.dma_semaphore, #tpu.memory_space<semaphore_mem>> -> memref<!tpu.dma_semaphore, #tpu.memory_space<semaphore_mem>>
      tpu.wait_indirect_dma semaphore(%dma_wait3A_72 : memref<!tpu.dma_semaphore, #tpu.memory_space<semaphore_mem>>) src(%dma_wait3A_70 : memref<10240x128xf32, #tpu.memory_space<hbm>>) dst(%arg9 : memref<64x128xf32, #tpu.memory_space<vmem>>)
      %dma_wait3A_73 = arith.constant 0 : i32
      %dma_wait3A_74 = arith.constant 1 : i32
      %dma_wait3A_75 = arith.constant 0 : i32
      %dma_wait3A_76 = tpu.memref_slice %arg7[%dma_wait3A_73, %dma_wait3A_75] : memref<40x64xi32, #tpu.memory_space<vmem>> -> memref<1x64xi32, #tpu.memory_space<vmem>>
      %dma_wait3A_77 = tpu.memref_squeeze %dma_wait3A_76 : memref<1x64xi32, #tpu.memory_space<vmem>> -> memref<64xi32, #tpu.memory_space<vmem>>
      %dma_wait3A_78 = arith.constant 0 : i32
      %dma_wait3A_79 = arith.constant 0 : i32
      %dma_wait3A_80 = tpu.memref_slice %arg2[%dma_wait3A_78, %dma_wait3A_79] : memref<10240x128xf32, #tpu.memory_space<hbm>> -> memref<10240x128xf32, #tpu.memory_space<hbm>>
      %dma_wait3A_81 = tpu.memref_slice %arg14[%dma_wait3A_74] : memref<4x!tpu.dma_semaphore, #tpu.memory_space<semaphore_mem>> -> memref<1x!tpu.dma_semaphore, #tpu.memory_space<semaphore_mem>>
      %dma_wait3A_82 = tpu.memref_squeeze %dma_wait3A_81 : memref<1x!tpu.dma_semaphore, #tpu.memory_space<semaphore_mem>> -> memref<!tpu.dma_semaphore, #tpu.memory_space<semaphore_mem>>
      tpu.wait_indirect_dma semaphore(%dma_wait3A_82 : memref<!tpu.dma_semaphore, #tpu.memory_space<semaphore_mem>>) src(%dma_wait3A_80 : memref<10240x128xf32, #tpu.memory_space<hbm>>) dst(%arg10 : memref<64x128xf32, #tpu.memory_space<vmem>>)
      %dma_wait3A_83 = arith.constant 0 : i32
      %dma_wait3A_84 = arith.constant 2 : i32
      %dma_wait3A_85 = arith.constant 0 : i32
      %dma_wait3A_86 = tpu.memref_slice %arg7[%dma_wait3A_83, %dma_wait3A_85] : memref<40x64xi32, #tpu.memory_space<vmem>> -> memref<1x64xi32, #tpu.memory_space<vmem>>
      %dma_wait3A_87 = tpu.memref_squeeze %dma_wait3A_86 : memref<1x64xi32, #tpu.memory_space<vmem>> -> memref<64xi32, #tpu.memory_space<vmem>>
      %dma_wait3A_88 = arith.constant 0 : i32
      %dma_wait3A_89 = arith.constant 0 : i32
      %dma_wait3A_90 = tpu.memref_slice %arg2[%dma_wait3A_88, %dma_wait3A_89] : memref<10240x128xf32, #tpu.memory_space<hbm>> -> memref<10240x128xf32, #tpu.memory_space<hbm>>
      %dma_wait3A_91 = tpu.memref_slice %arg14[%dma_wait3A_84] : memref<4x!tpu.dma_semaphore, #tpu.memory_space<semaphore_mem>> -> memref<1x!tpu.dma_semaphore, #tpu.memory_space<semaphore_mem>>
      %dma_wait3A_92 = tpu.memref_squeeze %dma_wait3A_91 : memref<1x!tpu.dma_semaphore, #tpu.memory_space<semaphore_mem>> -> memref<!tpu.dma_semaphore, #tpu.memory_space<semaphore_mem>>
      tpu.wait_indirect_dma semaphore(%dma_wait3A_92 : memref<!tpu.dma_semaphore, #tpu.memory_space<semaphore_mem>>) src(%dma_wait3A_90 : memref<10240x128xf32, #tpu.memory_space<hbm>>) dst(%arg11 : memref<64x128xf32, #tpu.memory_space<vmem>>)
      %dma_wait3A_93 = arith.constant 0 : i32
      %dma_wait3A_94 = arith.constant 3 : i32
      %dma_wait3A_95 = arith.constant 0 : i32
      %dma_wait3A_96 = tpu.memref_slice %arg7[%dma_wait3A_93, %dma_wait3A_95] : memref<40x64xi32, #tpu.memory_space<vmem>> -> memref<1x64xi32, #tpu.memory_space<vmem>>
      %dma_wait3A_97 = tpu.memref_squeeze %dma_wait3A_96 : memref<1x64xi32, #tpu.memory_space<vmem>> -> memref<64xi32, #tpu.memory_space<vmem>>
      %dma_wait3A_98 = arith.constant 0 : i32
      %dma_wait3A_99 = arith.constant 0 : i32
      %dma_wait3A_100 = tpu.memref_slice %arg2[%dma_wait3A_98, %dma_wait3A_99] : memref<10240x128xf32, #tpu.memory_space<hbm>> -> memref<10240x128xf32, #tpu.memory_space<hbm>>
      %dma_wait3A_101 = tpu.memref_slice %arg14[%dma_wait3A_94] : memref<4x!tpu.dma_semaphore, #tpu.memory_space<semaphore_mem>> -> memref<1x!tpu.dma_semaphore, #tpu.memory_space<semaphore_mem>>
      %dma_wait3A_102 = tpu.memref_squeeze %dma_wait3A_101 : memref<1x!tpu.dma_semaphore, #tpu.memory_space<semaphore_mem>> -> memref<!tpu.dma_semaphore, #tpu.memory_space<semaphore_mem>>
      tpu.wait_indirect_dma semaphore(%dma_wait3A_102 : memref<!tpu.dma_semaphore, #tpu.memory_space<semaphore_mem>>) src(%dma_wait3A_100 : memref<10240x128xf32, #tpu.memory_space<hbm>>) dst(%arg12 : memref<64x128xf32, #tpu.memory_space<vmem>>)
    }
    %scan3A_7 = arith.constant 4 : i32
    %barrier3A_8 = arith.constant 0 : index
    tpu.barrier barrier_id(%barrier3A_8)
    %mul3A_9 = arith.constant 640 : i32
    %mul3A_10 = arith.muli %arg1, %mul3A_9 : i32
    %mul3A_11 = arith.constant 640 : i32
    %mul3A_12 = arith.muli %arg1, %mul3A_11 : i32
    "tpu.region"() ({
      %run_scoped3A = tpu.sem_alloc : memref<!tpu.dma_semaphore, #tpu.memory_space<semaphore_mem>>
      %dma_start3A = arith.constant 0 : i32
      %dma_start3A_13 = tpu.memref_slice %arg6[%arg0, %mul3A_12, %dma_start3A] : memref<2x10240x128xf32, #tpu.memory_space<hbm>> -> memref<1x640x128xf32, #tpu.memory_space<hbm>>
      %dma_start3A_14 = tpu.memref_squeeze %dma_start3A_13 : memref<1x640x128xf32, #tpu.memory_space<hbm>> -> memref<640x128xf32, #tpu.memory_space<hbm>>
      %dma_start3A_15 = arith.constant 0 : i32
      %dma_start3A_16 = tpu.memref_slice %arg13[%mul3A_10, %dma_start3A_15] : memref<10240x128xf32, #tpu.memory_space<vmem_shared>> -> memref<640x128xf32, #tpu.memory_space<vmem_shared>>
      tpu.enqueue_dma source(%dma_start3A_16 : memref<640x128xf32, #tpu.memory_space<vmem_shared>>) target(%dma_start3A_14 : memref<640x128xf32, #tpu.memory_space<hbm>>) target_semaphore(%run_scoped3A : memref<!tpu.dma_semaphore, #tpu.memory_space<semaphore_mem>>)
      %dma_wait3A = arith.constant 0 : i32
      %dma_wait3A_17 = tpu.memref_slice %arg6[%arg0, %mul3A_12, %dma_wait3A] : memref<2x10240x128xf32, #tpu.memory_space<hbm>> -> memref<1x640x128xf32, #tpu.memory_space<hbm>>
      %dma_wait3A_18 = tpu.memref_squeeze %dma_wait3A_17 : memref<1x640x128xf32, #tpu.memory_space<hbm>> -> memref<640x128xf32, #tpu.memory_space<hbm>>
      %dma_wait3A_19 = arith.constant 0 : i32
      %dma_wait3A_20 = tpu.memref_slice %arg13[%mul3A_10, %dma_wait3A_19] : memref<10240x128xf32, #tpu.memory_space<vmem_shared>> -> memref<640x128xf32, #tpu.memory_space<vmem_shared>>
      tpu.wait_dma2 semaphore(%run_scoped3A : memref<!tpu.dma_semaphore, #tpu.memory_space<semaphore_mem>>) src(%dma_wait3A_20 : memref<640x128xf32, #tpu.memory_space<vmem_shared>>) dst(%dma_wait3A_18 : memref<640x128xf32, #tpu.memory_space<hbm>>)
      tpu.yield
    }) : () -> ()
    return
  }
}

#map = affine_map<(d0, d1) -> (0, 0)>
#map1 = affine_map<(d0, d1) -> (0)>
#map2 = affine_map<(d0, d1) -> (0, 0, 0)>
module attributes {stable_mosaic.version = 14 : i64} {
  func.func @kern(%arg0: i32, %arg1: i32, %arg2: memref<10240x128xf32, #tpu.memory_space<hbm>>, %arg3: memref<10240xf32, #tpu.memory_space<hbm>>, %arg4: memref<5120x64xi32, #tpu.memory_space<hbm>>, %arg5: memref<5120x64xi32, #tpu.memory_space<hbm>>, %arg6: memref<640x128xf32, #tpu.memory_space<hbm>>, %arg7: memref<640xf32, #tpu.memory_space<hbm>>, %arg8: memref<2x10240x128xf32, #tpu.memory_space<hbm>>, %arg9: memref<2x10240xf32, #tpu.memory_space<hbm>>, %arg10: memref<40x64xi32, #tpu.memory_space<vmem>>, %arg11: memref<40x64xi32, #tpu.memory_space<vmem>>, %arg12: memref<64x128xf32, #tpu.memory_space<vmem>>, %arg13: memref<64x128xf32, #tpu.memory_space<vmem>>, %arg14: memref<64x128xf32, #tpu.memory_space<vmem>>, %arg15: memref<64x128xf32, #tpu.memory_space<vmem>>, %arg16: memref<64xf32, #tpu.memory_space<vmem>>, %arg17: memref<64xf32, #tpu.memory_space<vmem>>, %arg18: memref<64xf32, #tpu.memory_space<vmem>>, %arg19: memref<64xf32, #tpu.memory_space<vmem>>, %arg20: memref<10240x128xf32, #tpu.memory_space<vmem_shared>>, %arg21: memref<10240xf32, #tpu.memory_space<vmem_shared>>, %arg22: memref<4x!tpu.dma_semaphore, #tpu.memory_space<semaphore_mem>>, %arg23: memref<4x!tpu.dma_semaphore, #tpu.memory_space<semaphore_mem>>, %arg24: memref<4x!tpu.dma_semaphore, #tpu.memory_space<semaphore_mem>>, %arg25: memref<4x!tpu.dma_semaphore, #tpu.memory_space<semaphore_mem>>) attributes {dimension_semantics = [#tpu.dimension_semantics<core_parallel>, #tpu.dimension_semantics<subcore_parallel>], iteration_bounds = array<i64: 2, 16>, scalar_prefetch = 0 : i64, scratch_operands = 16 : i64, tpu.core_type = #tpu.core_type<sc_vector_subcore>, window_params = [{transform_indices = #map}, {transform_indices = #map1}, {transform_indices = #map}, {transform_indices = #map}, {transform_indices = #map}, {transform_indices = #map1}, {transform_indices = #map2}, {transform_indices = #map}]} {
    %mul3A = arith.constant 16 : i32
    %mul3A_0 = arith.muli %arg0, %mul3A : i32
    %add3A = arith.addi %mul3A_0, %arg1 : i32
    %mul3A_1 = arith.constant 640 : i32
    %mul3A_2 = arith.muli %arg1, %mul3A_1 : i32
    "tpu.region"() ({
      %run_scoped3A = tpu.sem_alloc : memref<!tpu.dma_semaphore, #tpu.memory_space<semaphore_mem>>
      %dma_start3A = arith.constant 0 : i32
      %dma_start3A_19 = tpu.memref_slice %arg20[%mul3A_2, %dma_start3A] : memref<10240x128xf32, #tpu.memory_space<vmem_shared>> -> memref<640x128xf32, #tpu.memory_space<vmem_shared>>
      tpu.enqueue_dma source(%arg6 : memref<640x128xf32, #tpu.memory_space<hbm>>) target(%dma_start3A_19 : memref<640x128xf32, #tpu.memory_space<vmem_shared>>) target_semaphore(%run_scoped3A : memref<!tpu.dma_semaphore, #tpu.memory_space<semaphore_mem>>)
      %dma_wait3A = arith.constant 0 : i32
      %dma_wait3A_20 = tpu.memref_slice %arg20[%mul3A_2, %dma_wait3A] : memref<10240x128xf32, #tpu.memory_space<vmem_shared>> -> memref<640x128xf32, #tpu.memory_space<vmem_shared>>
      tpu.wait_dma2 semaphore(%run_scoped3A : memref<!tpu.dma_semaphore, #tpu.memory_space<semaphore_mem>>) src(%arg6 : memref<640x128xf32, #tpu.memory_space<hbm>>) dst(%dma_wait3A_20 : memref<640x128xf32, #tpu.memory_space<vmem_shared>>)
      tpu.yield
    }) : () -> ()
    %mul3A_3 = arith.constant 640 : i32
    %mul3A_4 = arith.muli %arg1, %mul3A_3 : i32
    "tpu.region"() ({
      %run_scoped3A = tpu.sem_alloc : memref<!tpu.dma_semaphore, #tpu.memory_space<semaphore_mem>>
      %dma_start3A = tpu.memref_slice %arg21[%mul3A_4] : memref<10240xf32, #tpu.memory_space<vmem_shared>> -> memref<640xf32, #tpu.memory_space<vmem_shared>>
      tpu.enqueue_dma source(%arg7 : memref<640xf32, #tpu.memory_space<hbm>>) target(%dma_start3A : memref<640xf32, #tpu.memory_space<vmem_shared>>) target_semaphore(%run_scoped3A : memref<!tpu.dma_semaphore, #tpu.memory_space<semaphore_mem>>)
      %dma_wait3A = tpu.memref_slice %arg21[%mul3A_4] : memref<10240xf32, #tpu.memory_space<vmem_shared>> -> memref<640xf32, #tpu.memory_space<vmem_shared>>
      tpu.wait_dma2 semaphore(%run_scoped3A : memref<!tpu.dma_semaphore, #tpu.memory_space<semaphore_mem>>) src(%arg7 : memref<640xf32, #tpu.memory_space<hbm>>) dst(%dma_wait3A : memref<640xf32, #tpu.memory_space<vmem_shared>>)
      tpu.yield
    }) : () -> ()
    %barrier3A = arith.constant 0 : index
    tpu.barrier barrier_id(%barrier3A)
    %scan3A = arith.constant 0 : i32
    %scan3A_5 = arith.constant 0 : i32
    %scan3A_6 = arith.constant 4 : i32
    %scan3A_7 = arith.addi %scan3A_5, %scan3A_6 : i32
    %scan3A_8 = arith.constant 1 : i32
    scf.for %scan3A_19 = %scan3A_5 to %scan3A_7 step %scan3A_8  : i32 {
      %mul3A_20 = arith.constant 160 : i32
      %mul3A_21 = arith.muli %add3A, %mul3A_20 : i32
      %mul3A_22 = arith.constant 40 : i32
      %mul3A_23 = arith.muli %scan3A_19, %mul3A_22 : i32
      %add3A_24 = arith.addi %mul3A_21, %mul3A_23 : i32
      "tpu.region"() ({
        %run_scoped3A = tpu.sem_alloc : memref<!tpu.dma_semaphore, #tpu.memory_space<semaphore_mem>>
        %dma_start3A_181 = arith.constant 0 : i32
        %dma_start3A_182 = tpu.memref_slice %arg5[%add3A_24, %dma_start3A_181] : memref<5120x64xi32, #tpu.memory_space<hbm>> -> memref<40x64xi32, #tpu.memory_space<hbm>>
        %dma_start3A_183 = arith.constant 0 : i32
        %dma_start3A_184 = tpu.memref_slice %arg5[%add3A_24, %dma_start3A_183] : memref<5120x64xi32, #tpu.memory_space<hbm>> -> memref<40x64xi32, #tpu.memory_space<hbm>>
        tpu.enqueue_dma source(%dma_start3A_184 : memref<40x64xi32, #tpu.memory_space<hbm>>) target(%arg11 : memref<40x64xi32, #tpu.memory_space<vmem>>) target_semaphore(%run_scoped3A : memref<!tpu.dma_semaphore, #tpu.memory_space<semaphore_mem>>)
        %dma_wait3A_185 = arith.constant 0 : i32
        %dma_wait3A_186 = tpu.memref_slice %arg5[%add3A_24, %dma_wait3A_185] : memref<5120x64xi32, #tpu.memory_space<hbm>> -> memref<40x64xi32, #tpu.memory_space<hbm>>
        %dma_wait3A_187 = arith.constant 0 : i32
        %dma_wait3A_188 = tpu.memref_slice %arg5[%add3A_24, %dma_wait3A_187] : memref<5120x64xi32, #tpu.memory_space<hbm>> -> memref<40x64xi32, #tpu.memory_space<hbm>>
        tpu.wait_dma2 semaphore(%run_scoped3A : memref<!tpu.dma_semaphore, #tpu.memory_space<semaphore_mem>>) src(%dma_wait3A_188 : memref<40x64xi32, #tpu.memory_space<hbm>>) dst(%arg11 : memref<40x64xi32, #tpu.memory_space<vmem>>)
        tpu.yield
      }) : () -> ()
      "tpu.region"() ({
        %run_scoped3A = tpu.sem_alloc : memref<!tpu.dma_semaphore, #tpu.memory_space<semaphore_mem>>
        %dma_start3A_181 = arith.constant 0 : i32
        %dma_start3A_182 = tpu.memref_slice %arg4[%add3A_24, %dma_start3A_181] : memref<5120x64xi32, #tpu.memory_space<hbm>> -> memref<40x64xi32, #tpu.memory_space<hbm>>
        %dma_start3A_183 = arith.constant 0 : i32
        %dma_start3A_184 = tpu.memref_slice %arg4[%add3A_24, %dma_start3A_183] : memref<5120x64xi32, #tpu.memory_space<hbm>> -> memref<40x64xi32, #tpu.memory_space<hbm>>
        tpu.enqueue_dma source(%dma_start3A_184 : memref<40x64xi32, #tpu.memory_space<hbm>>) target(%arg10 : memref<40x64xi32, #tpu.memory_space<vmem>>) target_semaphore(%run_scoped3A : memref<!tpu.dma_semaphore, #tpu.memory_space<semaphore_mem>>)
        %dma_wait3A_185 = arith.constant 0 : i32
        %dma_wait3A_186 = tpu.memref_slice %arg4[%add3A_24, %dma_wait3A_185] : memref<5120x64xi32, #tpu.memory_space<hbm>> -> memref<40x64xi32, #tpu.memory_space<hbm>>
        %dma_wait3A_187 = arith.constant 0 : i32
        %dma_wait3A_188 = tpu.memref_slice %arg4[%add3A_24, %dma_wait3A_187] : memref<5120x64xi32, #tpu.memory_space<hbm>> -> memref<40x64xi32, #tpu.memory_space<hbm>>
        tpu.wait_dma2 semaphore(%run_scoped3A : memref<!tpu.dma_semaphore, #tpu.memory_space<semaphore_mem>>) src(%dma_wait3A_188 : memref<40x64xi32, #tpu.memory_space<hbm>>) dst(%arg10 : memref<40x64xi32, #tpu.memory_space<vmem>>)
        tpu.yield
      }) : () -> ()
      %dma_start3A = arith.constant 0 : i32
      %dma_start3A_25 = arith.constant 0 : i32
      %dma_start3A_26 = arith.constant 0 : i32
      %dma_start3A_27 = tpu.memref_slice %arg10[%dma_start3A, %dma_start3A_26] : memref<40x64xi32, #tpu.memory_space<vmem>> -> memref<1x64xi32, #tpu.memory_space<vmem>>
      %dma_start3A_28 = tpu.memref_squeeze %dma_start3A_27 : memref<1x64xi32, #tpu.memory_space<vmem>> -> memref<64xi32, #tpu.memory_space<vmem>>
      %dma_start3A_29 = arith.constant 0 : i32
      %dma_start3A_30 = arith.constant 0 : i32
      %dma_start3A_31 = tpu.memref_slice %arg2[%dma_start3A_29, %dma_start3A_30] : memref<10240x128xf32, #tpu.memory_space<hbm>> -> memref<10240x128xf32, #tpu.memory_space<hbm>>
      %dma_start3A_32 = tpu.memref_slice %arg22[%dma_start3A_25] : memref<4x!tpu.dma_semaphore, #tpu.memory_space<semaphore_mem>> -> memref<1x!tpu.dma_semaphore, #tpu.memory_space<semaphore_mem>>
      %dma_start3A_33 = tpu.memref_squeeze %dma_start3A_32 : memref<1x!tpu.dma_semaphore, #tpu.memory_space<semaphore_mem>> -> memref<!tpu.dma_semaphore, #tpu.memory_space<semaphore_mem>>
      tpu.enqueue_indirect_dma source(%dma_start3A_31 : memref<10240x128xf32, #tpu.memory_space<hbm>>) target(%arg12 : memref<64x128xf32, #tpu.memory_space<vmem>>) offsets(%dma_start3A_28 : memref<64xi32, #tpu.memory_space<vmem>>) semaphore(%dma_start3A_33 : memref<!tpu.dma_semaphore, #tpu.memory_space<semaphore_mem>>)
      %dma_start3A_34 = arith.constant 0 : i32
      %dma_start3A_35 = arith.constant 0 : i32
      %dma_start3A_36 = arith.constant 0 : i32
      %dma_start3A_37 = tpu.memref_slice %arg10[%dma_start3A_34, %dma_start3A_36] : memref<40x64xi32, #tpu.memory_space<vmem>> -> memref<1x64xi32, #tpu.memory_space<vmem>>
      %dma_start3A_38 = tpu.memref_squeeze %dma_start3A_37 : memref<1x64xi32, #tpu.memory_space<vmem>> -> memref<64xi32, #tpu.memory_space<vmem>>
      %dma_start3A_39 = arith.constant 0 : i32
      %dma_start3A_40 = tpu.memref_slice %arg3[%dma_start3A_39] : memref<10240xf32, #tpu.memory_space<hbm>> -> memref<10240xf32, #tpu.memory_space<hbm>>
      %dma_start3A_41 = tpu.memref_slice %arg24[%dma_start3A_35] : memref<4x!tpu.dma_semaphore, #tpu.memory_space<semaphore_mem>> -> memref<1x!tpu.dma_semaphore, #tpu.memory_space<semaphore_mem>>
      %dma_start3A_42 = tpu.memref_squeeze %dma_start3A_41 : memref<1x!tpu.dma_semaphore, #tpu.memory_space<semaphore_mem>> -> memref<!tpu.dma_semaphore, #tpu.memory_space<semaphore_mem>>
      tpu.enqueue_indirect_dma source(%dma_start3A_40 : memref<10240xf32, #tpu.memory_space<hbm>>) target(%arg16 : memref<64xf32, #tpu.memory_space<vmem>>) offsets(%dma_start3A_38 : memref<64xi32, #tpu.memory_space<vmem>>) semaphore(%dma_start3A_42 : memref<!tpu.dma_semaphore, #tpu.memory_space<semaphore_mem>>)
      %dma_start3A_43 = arith.constant 1 : i32
      %dma_start3A_44 = arith.constant 1 : i32
      %dma_start3A_45 = arith.constant 0 : i32
      %dma_start3A_46 = tpu.memref_slice %arg10[%dma_start3A_43, %dma_start3A_45] : memref<40x64xi32, #tpu.memory_space<vmem>> -> memref<1x64xi32, #tpu.memory_space<vmem>>
      %dma_start3A_47 = tpu.memref_squeeze %dma_start3A_46 : memref<1x64xi32, #tpu.memory_space<vmem>> -> memref<64xi32, #tpu.memory_space<vmem>>
      %dma_start3A_48 = arith.constant 0 : i32
      %dma_start3A_49 = arith.constant 0 : i32
      %dma_start3A_50 = tpu.memref_slice %arg2[%dma_start3A_48, %dma_start3A_49] : memref<10240x128xf32, #tpu.memory_space<hbm>> -> memref<10240x128xf32, #tpu.memory_space<hbm>>
      %dma_start3A_51 = tpu.memref_slice %arg22[%dma_start3A_44] : memref<4x!tpu.dma_semaphore, #tpu.memory_space<semaphore_mem>> -> memref<1x!tpu.dma_semaphore, #tpu.memory_space<semaphore_mem>>
      %dma_start3A_52 = tpu.memref_squeeze %dma_start3A_51 : memref<1x!tpu.dma_semaphore, #tpu.memory_space<semaphore_mem>> -> memref<!tpu.dma_semaphore, #tpu.memory_space<semaphore_mem>>
      tpu.enqueue_indirect_dma source(%dma_start3A_50 : memref<10240x128xf32, #tpu.memory_space<hbm>>) target(%arg13 : memref<64x128xf32, #tpu.memory_space<vmem>>) offsets(%dma_start3A_47 : memref<64xi32, #tpu.memory_space<vmem>>) semaphore(%dma_start3A_52 : memref<!tpu.dma_semaphore, #tpu.memory_space<semaphore_mem>>)
      %dma_start3A_53 = arith.constant 1 : i32
      %dma_start3A_54 = arith.constant 1 : i32
      %dma_start3A_55 = arith.constant 0 : i32
      %dma_start3A_56 = tpu.memref_slice %arg10[%dma_start3A_53, %dma_start3A_55] : memref<40x64xi32, #tpu.memory_space<vmem>> -> memref<1x64xi32, #tpu.memory_space<vmem>>
      %dma_start3A_57 = tpu.memref_squeeze %dma_start3A_56 : memref<1x64xi32, #tpu.memory_space<vmem>> -> memref<64xi32, #tpu.memory_space<vmem>>
      %dma_start3A_58 = arith.constant 0 : i32
      %dma_start3A_59 = tpu.memref_slice %arg3[%dma_start3A_58] : memref<10240xf32, #tpu.memory_space<hbm>> -> memref<10240xf32, #tpu.memory_space<hbm>>
      %dma_start3A_60 = tpu.memref_slice %arg24[%dma_start3A_54] : memref<4x!tpu.dma_semaphore, #tpu.memory_space<semaphore_mem>> -> memref<1x!tpu.dma_semaphore, #tpu.memory_space<semaphore_mem>>
      %dma_start3A_61 = tpu.memref_squeeze %dma_start3A_60 : memref<1x!tpu.dma_semaphore, #tpu.memory_space<semaphore_mem>> -> memref<!tpu.dma_semaphore, #tpu.memory_space<semaphore_mem>>
      tpu.enqueue_indirect_dma source(%dma_start3A_59 : memref<10240xf32, #tpu.memory_space<hbm>>) target(%arg17 : memref<64xf32, #tpu.memory_space<vmem>>) offsets(%dma_start3A_57 : memref<64xi32, #tpu.memory_space<vmem>>) semaphore(%dma_start3A_61 : memref<!tpu.dma_semaphore, #tpu.memory_space<semaphore_mem>>)
      %dma_start3A_62 = arith.constant 2 : i32
      %dma_start3A_63 = arith.constant 2 : i32
      %dma_start3A_64 = arith.constant 0 : i32
      %dma_start3A_65 = tpu.memref_slice %arg10[%dma_start3A_62, %dma_start3A_64] : memref<40x64xi32, #tpu.memory_space<vmem>> -> memref<1x64xi32, #tpu.memory_space<vmem>>
      %dma_start3A_66 = tpu.memref_squeeze %dma_start3A_65 : memref<1x64xi32, #tpu.memory_space<vmem>> -> memref<64xi32, #tpu.memory_space<vmem>>
      %dma_start3A_67 = arith.constant 0 : i32
      %dma_start3A_68 = arith.constant 0 : i32
      %dma_start3A_69 = tpu.memref_slice %arg2[%dma_start3A_67, %dma_start3A_68] : memref<10240x128xf32, #tpu.memory_space<hbm>> -> memref<10240x128xf32, #tpu.memory_space<hbm>>
      %dma_start3A_70 = tpu.memref_slice %arg22[%dma_start3A_63] : memref<4x!tpu.dma_semaphore, #tpu.memory_space<semaphore_mem>> -> memref<1x!tpu.dma_semaphore, #tpu.memory_space<semaphore_mem>>
      %dma_start3A_71 = tpu.memref_squeeze %dma_start3A_70 : memref<1x!tpu.dma_semaphore, #tpu.memory_space<semaphore_mem>> -> memref<!tpu.dma_semaphore, #tpu.memory_space<semaphore_mem>>
      tpu.enqueue_indirect_dma source(%dma_start3A_69 : memref<10240x128xf32, #tpu.memory_space<hbm>>) target(%arg14 : memref<64x128xf32, #tpu.memory_space<vmem>>) offsets(%dma_start3A_66 : memref<64xi32, #tpu.memory_space<vmem>>) semaphore(%dma_start3A_71 : memref<!tpu.dma_semaphore, #tpu.memory_space<semaphore_mem>>)
      %dma_start3A_72 = arith.constant 2 : i32
      %dma_start3A_73 = arith.constant 2 : i32
      %dma_start3A_74 = arith.constant 0 : i32
      %dma_start3A_75 = tpu.memref_slice %arg10[%dma_start3A_72, %dma_start3A_74] : memref<40x64xi32, #tpu.memory_space<vmem>> -> memref<1x64xi32, #tpu.memory_space<vmem>>
      %dma_start3A_76 = tpu.memref_squeeze %dma_start3A_75 : memref<1x64xi32, #tpu.memory_space<vmem>> -> memref<64xi32, #tpu.memory_space<vmem>>
      %dma_start3A_77 = arith.constant 0 : i32
      %dma_start3A_78 = tpu.memref_slice %arg3[%dma_start3A_77] : memref<10240xf32, #tpu.memory_space<hbm>> -> memref<10240xf32, #tpu.memory_space<hbm>>
      %dma_start3A_79 = tpu.memref_slice %arg24[%dma_start3A_73] : memref<4x!tpu.dma_semaphore, #tpu.memory_space<semaphore_mem>> -> memref<1x!tpu.dma_semaphore, #tpu.memory_space<semaphore_mem>>
      %dma_start3A_80 = tpu.memref_squeeze %dma_start3A_79 : memref<1x!tpu.dma_semaphore, #tpu.memory_space<semaphore_mem>> -> memref<!tpu.dma_semaphore, #tpu.memory_space<semaphore_mem>>
      tpu.enqueue_indirect_dma source(%dma_start3A_78 : memref<10240xf32, #tpu.memory_space<hbm>>) target(%arg18 : memref<64xf32, #tpu.memory_space<vmem>>) offsets(%dma_start3A_76 : memref<64xi32, #tpu.memory_space<vmem>>) semaphore(%dma_start3A_80 : memref<!tpu.dma_semaphore, #tpu.memory_space<semaphore_mem>>)
      %dma_start3A_81 = arith.constant 3 : i32
      %dma_start3A_82 = arith.constant 3 : i32
      %dma_start3A_83 = arith.constant 0 : i32
      %dma_start3A_84 = tpu.memref_slice %arg10[%dma_start3A_81, %dma_start3A_83] : memref<40x64xi32, #tpu.memory_space<vmem>> -> memref<1x64xi32, #tpu.memory_space<vmem>>
      %dma_start3A_85 = tpu.memref_squeeze %dma_start3A_84 : memref<1x64xi32, #tpu.memory_space<vmem>> -> memref<64xi32, #tpu.memory_space<vmem>>
      %dma_start3A_86 = arith.constant 0 : i32
      %dma_start3A_87 = arith.constant 0 : i32
      %dma_start3A_88 = tpu.memref_slice %arg2[%dma_start3A_86, %dma_start3A_87] : memref<10240x128xf32, #tpu.memory_space<hbm>> -> memref<10240x128xf32, #tpu.memory_space<hbm>>
      %dma_start3A_89 = tpu.memref_slice %arg22[%dma_start3A_82] : memref<4x!tpu.dma_semaphore, #tpu.memory_space<semaphore_mem>> -> memref<1x!tpu.dma_semaphore, #tpu.memory_space<semaphore_mem>>
      %dma_start3A_90 = tpu.memref_squeeze %dma_start3A_89 : memref<1x!tpu.dma_semaphore, #tpu.memory_space<semaphore_mem>> -> memref<!tpu.dma_semaphore, #tpu.memory_space<semaphore_mem>>
      tpu.enqueue_indirect_dma source(%dma_start3A_88 : memref<10240x128xf32, #tpu.memory_space<hbm>>) target(%arg15 : memref<64x128xf32, #tpu.memory_space<vmem>>) offsets(%dma_start3A_85 : memref<64xi32, #tpu.memory_space<vmem>>) semaphore(%dma_start3A_90 : memref<!tpu.dma_semaphore, #tpu.memory_space<semaphore_mem>>)
      %dma_start3A_91 = arith.constant 3 : i32
      %dma_start3A_92 = arith.constant 3 : i32
      %dma_start3A_93 = arith.constant 0 : i32
      %dma_start3A_94 = tpu.memref_slice %arg10[%dma_start3A_91, %dma_start3A_93] : memref<40x64xi32, #tpu.memory_space<vmem>> -> memref<1x64xi32, #tpu.memory_space<vmem>>
      %dma_start3A_95 = tpu.memref_squeeze %dma_start3A_94 : memref<1x64xi32, #tpu.memory_space<vmem>> -> memref<64xi32, #tpu.memory_space<vmem>>
      %dma_start3A_96 = arith.constant 0 : i32
      %dma_start3A_97 = tpu.memref_slice %arg3[%dma_start3A_96] : memref<10240xf32, #tpu.memory_space<hbm>> -> memref<10240xf32, #tpu.memory_space<hbm>>
      %dma_start3A_98 = tpu.memref_slice %arg24[%dma_start3A_92] : memref<4x!tpu.dma_semaphore, #tpu.memory_space<semaphore_mem>> -> memref<1x!tpu.dma_semaphore, #tpu.memory_space<semaphore_mem>>
      %dma_start3A_99 = tpu.memref_squeeze %dma_start3A_98 : memref<1x!tpu.dma_semaphore, #tpu.memory_space<semaphore_mem>> -> memref<!tpu.dma_semaphore, #tpu.memory_space<semaphore_mem>>
      tpu.enqueue_indirect_dma source(%dma_start3A_97 : memref<10240xf32, #tpu.memory_space<hbm>>) target(%arg19 : memref<64xf32, #tpu.memory_space<vmem>>) offsets(%dma_start3A_95 : memref<64xi32, #tpu.memory_space<vmem>>) semaphore(%dma_start3A_99 : memref<!tpu.dma_semaphore, #tpu.memory_space<semaphore_mem>>)
      %scan3A_100 = arith.constant 0 : i32
      %scan3A_101 = arith.constant 0 : i32
      %scan3A_102 = arith.constant 10 : i32
      %scan3A_103 = arith.addi %scan3A_101, %scan3A_102 : i32
      %scan3A_104 = arith.constant 1 : i32
      scf.for %scan3A_181 = %scan3A_101 to %scan3A_103 step %scan3A_104  : i32 {
        %mul3A_182 = arith.constant 4 : i32
        %mul3A_183 = arith.muli %scan3A_181, %mul3A_182 : i32
        %dma_wait3A_184 = arith.constant 0 : i32
        %dma_wait3A_185 = arith.constant 0 : i32
        %dma_wait3A_186 = arith.constant 0 : i32
        %dma_wait3A_187 = tpu.memref_slice %arg10[%dma_wait3A_184, %dma_wait3A_186] : memref<40x64xi32, #tpu.memory_space<vmem>> -> memref<1x64xi32, #tpu.memory_space<vmem>>
        %dma_wait3A_188 = tpu.memref_squeeze %dma_wait3A_187 : memref<1x64xi32, #tpu.memory_space<vmem>> -> memref<64xi32, #tpu.memory_space<vmem>>
        %dma_wait3A_189 = arith.constant 0 : i32
        %dma_wait3A_190 = arith.constant 0 : i32
        %dma_wait3A_191 = tpu.memref_slice %arg2[%dma_wait3A_189, %dma_wait3A_190] : memref<10240x128xf32, #tpu.memory_space<hbm>> -> memref<10240x128xf32, #tpu.memory_space<hbm>>
        %dma_wait3A_192 = tpu.memref_slice %arg22[%dma_wait3A_185] : memref<4x!tpu.dma_semaphore, #tpu.memory_space<semaphore_mem>> -> memref<1x!tpu.dma_semaphore, #tpu.memory_space<semaphore_mem>>
        %dma_wait3A_193 = tpu.memref_squeeze %dma_wait3A_192 : memref<1x!tpu.dma_semaphore, #tpu.memory_space<semaphore_mem>> -> memref<!tpu.dma_semaphore, #tpu.memory_space<semaphore_mem>>
        tpu.wait_indirect_dma semaphore(%dma_wait3A_193 : memref<!tpu.dma_semaphore, #tpu.memory_space<semaphore_mem>>) src(%dma_wait3A_191 : memref<10240x128xf32, #tpu.memory_space<hbm>>) dst(%arg12 : memref<64x128xf32, #tpu.memory_space<vmem>>)
        %add3A_194 = arith.constant 0 : i32
        %add3A_195 = arith.addi %mul3A_183, %add3A_194 : i32
        %dma_start3A_196 = arith.constant 0 : i32
        %dma_start3A_197 = arith.constant 0 : i32
        %dma_start3A_198 = tpu.memref_slice %arg11[%add3A_195, %dma_start3A_197] : memref<40x64xi32, #tpu.memory_space<vmem>> -> memref<1x64xi32, #tpu.memory_space<vmem>>
        %dma_start3A_199 = tpu.memref_squeeze %dma_start3A_198 : memref<1x64xi32, #tpu.memory_space<vmem>> -> memref<64xi32, #tpu.memory_space<vmem>>
        %dma_start3A_200 = arith.constant 0 : i32
        %dma_start3A_201 = arith.constant 0 : i32
        %dma_start3A_202 = tpu.memref_slice %arg20[%dma_start3A_200, %dma_start3A_201] : memref<10240x128xf32, #tpu.memory_space<vmem_shared>> -> memref<10240x128xf32, #tpu.memory_space<vmem_shared>>
        %dma_start3A_203 = tpu.memref_slice %arg23[%dma_start3A_196] : memref<4x!tpu.dma_semaphore, #tpu.memory_space<semaphore_mem>> -> memref<1x!tpu.dma_semaphore, #tpu.memory_space<semaphore_mem>>
        %dma_start3A_204 = tpu.memref_squeeze %dma_start3A_203 : memref<1x!tpu.dma_semaphore, #tpu.memory_space<semaphore_mem>> -> memref<!tpu.dma_semaphore, #tpu.memory_space<semaphore_mem>>
        tpu.enqueue_indirect_dma source(%arg12 : memref<64x128xf32, #tpu.memory_space<vmem>>) target(%dma_start3A_202 : memref<10240x128xf32, #tpu.memory_space<vmem_shared>>) offsets(%dma_start3A_199 : memref<64xi32, #tpu.memory_space<vmem>>) semaphore(%dma_start3A_204 : memref<!tpu.dma_semaphore, #tpu.memory_space<semaphore_mem>>) {add = true}
        %dma_wait3A_205 = arith.constant 0 : i32
        %dma_wait3A_206 = arith.constant 0 : i32
        %dma_wait3A_207 = arith.constant 0 : i32
        %dma_wait3A_208 = tpu.memref_slice %arg10[%dma_wait3A_205, %dma_wait3A_207] : memref<40x64xi32, #tpu.memory_space<vmem>> -> memref<1x64xi32, #tpu.memory_space<vmem>>
        %dma_wait3A_209 = tpu.memref_squeeze %dma_wait3A_208 : memref<1x64xi32, #tpu.memory_space<vmem>> -> memref<64xi32, #tpu.memory_space<vmem>>
        %dma_wait3A_210 = arith.constant 0 : i32
        %dma_wait3A_211 = tpu.memref_slice %arg3[%dma_wait3A_210] : memref<10240xf32, #tpu.memory_space<hbm>> -> memref<10240xf32, #tpu.memory_space<hbm>>
        %dma_wait3A_212 = tpu.memref_slice %arg24[%dma_wait3A_206] : memref<4x!tpu.dma_semaphore, #tpu.memory_space<semaphore_mem>> -> memref<1x!tpu.dma_semaphore, #tpu.memory_space<semaphore_mem>>
        %dma_wait3A_213 = tpu.memref_squeeze %dma_wait3A_212 : memref<1x!tpu.dma_semaphore, #tpu.memory_space<semaphore_mem>> -> memref<!tpu.dma_semaphore, #tpu.memory_space<semaphore_mem>>
        tpu.wait_indirect_dma semaphore(%dma_wait3A_213 : memref<!tpu.dma_semaphore, #tpu.memory_space<semaphore_mem>>) src(%dma_wait3A_211 : memref<10240xf32, #tpu.memory_space<hbm>>) dst(%arg16 : memref<64xf32, #tpu.memory_space<vmem>>)
        %add3A_214 = arith.constant 0 : i32
        %add3A_215 = arith.addi %mul3A_183, %add3A_214 : i32
        %dma_start3A_216 = arith.constant 0 : i32
        %dma_start3A_217 = arith.constant 0 : i32
        %dma_start3A_218 = tpu.memref_slice %arg11[%add3A_215, %dma_start3A_217] : memref<40x64xi32, #tpu.memory_space<vmem>> -> memref<1x64xi32, #tpu.memory_space<vmem>>
        %dma_start3A_219 = tpu.memref_squeeze %dma_start3A_218 : memref<1x64xi32, #tpu.memory_space<vmem>> -> memref<64xi32, #tpu.memory_space<vmem>>
        %dma_start3A_220 = arith.constant 0 : i32
        %dma_start3A_221 = tpu.memref_slice %arg21[%dma_start3A_220] : memref<10240xf32, #tpu.memory_space<vmem_shared>> -> memref<10240xf32, #tpu.memory_space<vmem_shared>>
        %dma_start3A_222 = tpu.memref_slice %arg25[%dma_start3A_216] : memref<4x!tpu.dma_semaphore, #tpu.memory_space<semaphore_mem>> -> memref<1x!tpu.dma_semaphore, #tpu.memory_space<semaphore_mem>>
        %dma_start3A_223 = tpu.memref_squeeze %dma_start3A_222 : memref<1x!tpu.dma_semaphore, #tpu.memory_space<semaphore_mem>> -> memref<!tpu.dma_semaphore, #tpu.memory_space<semaphore_mem>>
        tpu.enqueue_indirect_dma source(%arg16 : memref<64xf32, #tpu.memory_space<vmem>>) target(%dma_start3A_221 : memref<10240xf32, #tpu.memory_space<vmem_shared>>) offsets(%dma_start3A_219 : memref<64xi32, #tpu.memory_space<vmem>>) semaphore(%dma_start3A_223 : memref<!tpu.dma_semaphore, #tpu.memory_space<semaphore_mem>>) {add = true}
        %dma_wait3A_224 = arith.constant 0 : i32
        %dma_wait3A_225 = arith.constant 1 : i32
        %dma_wait3A_226 = arith.constant 0 : i32
        %dma_wait3A_227 = tpu.memref_slice %arg10[%dma_wait3A_224, %dma_wait3A_226] : memref<40x64xi32, #tpu.memory_space<vmem>> -> memref<1x64xi32, #tpu.memory_space<vmem>>
        %dma_wait3A_228 = tpu.memref_squeeze %dma_wait3A_227 : memref<1x64xi32, #tpu.memory_space<vmem>> -> memref<64xi32, #tpu.memory_space<vmem>>
        %dma_wait3A_229 = arith.constant 0 : i32
        %dma_wait3A_230 = arith.constant 0 : i32
        %dma_wait3A_231 = tpu.memref_slice %arg2[%dma_wait3A_229, %dma_wait3A_230] : memref<10240x128xf32, #tpu.memory_space<hbm>> -> memref<10240x128xf32, #tpu.memory_space<hbm>>
        %dma_wait3A_232 = tpu.memref_slice %arg22[%dma_wait3A_225] : memref<4x!tpu.dma_semaphore, #tpu.memory_space<semaphore_mem>> -> memref<1x!tpu.dma_semaphore, #tpu.memory_space<semaphore_mem>>
        %dma_wait3A_233 = tpu.memref_squeeze %dma_wait3A_232 : memref<1x!tpu.dma_semaphore, #tpu.memory_space<semaphore_mem>> -> memref<!tpu.dma_semaphore, #tpu.memory_space<semaphore_mem>>
        tpu.wait_indirect_dma semaphore(%dma_wait3A_233 : memref<!tpu.dma_semaphore, #tpu.memory_space<semaphore_mem>>) src(%dma_wait3A_231 : memref<10240x128xf32, #tpu.memory_space<hbm>>) dst(%arg13 : memref<64x128xf32, #tpu.memory_space<vmem>>)
        %add3A_234 = arith.constant 1 : i32
        %add3A_235 = arith.addi %mul3A_183, %add3A_234 : i32
        %dma_start3A_236 = arith.constant 1 : i32
        %dma_start3A_237 = arith.constant 0 : i32
        %dma_start3A_238 = tpu.memref_slice %arg11[%add3A_235, %dma_start3A_237] : memref<40x64xi32, #tpu.memory_space<vmem>> -> memref<1x64xi32, #tpu.memory_space<vmem>>
        %dma_start3A_239 = tpu.memref_squeeze %dma_start3A_238 : memref<1x64xi32, #tpu.memory_space<vmem>> -> memref<64xi32, #tpu.memory_space<vmem>>
        %dma_start3A_240 = arith.constant 0 : i32
        %dma_start3A_241 = arith.constant 0 : i32
        %dma_start3A_242 = tpu.memref_slice %arg20[%dma_start3A_240, %dma_start3A_241] : memref<10240x128xf32, #tpu.memory_space<vmem_shared>> -> memref<10240x128xf32, #tpu.memory_space<vmem_shared>>
        %dma_start3A_243 = tpu.memref_slice %arg23[%dma_start3A_236] : memref<4x!tpu.dma_semaphore, #tpu.memory_space<semaphore_mem>> -> memref<1x!tpu.dma_semaphore, #tpu.memory_space<semaphore_mem>>
        %dma_start3A_244 = tpu.memref_squeeze %dma_start3A_243 : memref<1x!tpu.dma_semaphore, #tpu.memory_space<semaphore_mem>> -> memref<!tpu.dma_semaphore, #tpu.memory_space<semaphore_mem>>
        tpu.enqueue_indirect_dma source(%arg13 : memref<64x128xf32, #tpu.memory_space<vmem>>) target(%dma_start3A_242 : memref<10240x128xf32, #tpu.memory_space<vmem_shared>>) offsets(%dma_start3A_239 : memref<64xi32, #tpu.memory_space<vmem>>) semaphore(%dma_start3A_244 : memref<!tpu.dma_semaphore, #tpu.memory_space<semaphore_mem>>) {add = true}
        %dma_wait3A_245 = arith.constant 0 : i32
        %dma_wait3A_246 = arith.constant 1 : i32
        %dma_wait3A_247 = arith.constant 0 : i32
        %dma_wait3A_248 = tpu.memref_slice %arg10[%dma_wait3A_245, %dma_wait3A_247] : memref<40x64xi32, #tpu.memory_space<vmem>> -> memref<1x64xi32, #tpu.memory_space<vmem>>
        %dma_wait3A_249 = tpu.memref_squeeze %dma_wait3A_248 : memref<1x64xi32, #tpu.memory_space<vmem>> -> memref<64xi32, #tpu.memory_space<vmem>>
        %dma_wait3A_250 = arith.constant 0 : i32
        %dma_wait3A_251 = tpu.memref_slice %arg3[%dma_wait3A_250] : memref<10240xf32, #tpu.memory_space<hbm>> -> memref<10240xf32, #tpu.memory_space<hbm>>
        %dma_wait3A_252 = tpu.memref_slice %arg24[%dma_wait3A_246] : memref<4x!tpu.dma_semaphore, #tpu.memory_space<semaphore_mem>> -> memref<1x!tpu.dma_semaphore, #tpu.memory_space<semaphore_mem>>
        %dma_wait3A_253 = tpu.memref_squeeze %dma_wait3A_252 : memref<1x!tpu.dma_semaphore, #tpu.memory_space<semaphore_mem>> -> memref<!tpu.dma_semaphore, #tpu.memory_space<semaphore_mem>>
        tpu.wait_indirect_dma semaphore(%dma_wait3A_253 : memref<!tpu.dma_semaphore, #tpu.memory_space<semaphore_mem>>) src(%dma_wait3A_251 : memref<10240xf32, #tpu.memory_space<hbm>>) dst(%arg17 : memref<64xf32, #tpu.memory_space<vmem>>)
        %add3A_254 = arith.constant 1 : i32
        %add3A_255 = arith.addi %mul3A_183, %add3A_254 : i32
        %dma_start3A_256 = arith.constant 1 : i32
        %dma_start3A_257 = arith.constant 0 : i32
        %dma_start3A_258 = tpu.memref_slice %arg11[%add3A_255, %dma_start3A_257] : memref<40x64xi32, #tpu.memory_space<vmem>> -> memref<1x64xi32, #tpu.memory_space<vmem>>
        %dma_start3A_259 = tpu.memref_squeeze %dma_start3A_258 : memref<1x64xi32, #tpu.memory_space<vmem>> -> memref<64xi32, #tpu.memory_space<vmem>>
        %dma_start3A_260 = arith.constant 0 : i32
        %dma_start3A_261 = tpu.memref_slice %arg21[%dma_start3A_260] : memref<10240xf32, #tpu.memory_space<vmem_shared>> -> memref<10240xf32, #tpu.memory_space<vmem_shared>>
        %dma_start3A_262 = tpu.memref_slice %arg25[%dma_start3A_256] : memref<4x!tpu.dma_semaphore, #tpu.memory_space<semaphore_mem>> -> memref<1x!tpu.dma_semaphore, #tpu.memory_space<semaphore_mem>>
        %dma_start3A_263 = tpu.memref_squeeze %dma_start3A_262 : memref<1x!tpu.dma_semaphore, #tpu.memory_space<semaphore_mem>> -> memref<!tpu.dma_semaphore, #tpu.memory_space<semaphore_mem>>
        tpu.enqueue_indirect_dma source(%arg17 : memref<64xf32, #tpu.memory_space<vmem>>) target(%dma_start3A_261 : memref<10240xf32, #tpu.memory_space<vmem_shared>>) offsets(%dma_start3A_259 : memref<64xi32, #tpu.memory_space<vmem>>) semaphore(%dma_start3A_263 : memref<!tpu.dma_semaphore, #tpu.memory_space<semaphore_mem>>) {add = true}
        %dma_wait3A_264 = arith.constant 0 : i32
        %dma_wait3A_265 = arith.constant 2 : i32
        %dma_wait3A_266 = arith.constant 0 : i32
        %dma_wait3A_267 = tpu.memref_slice %arg10[%dma_wait3A_264, %dma_wait3A_266] : memref<40x64xi32, #tpu.memory_space<vmem>> -> memref<1x64xi32, #tpu.memory_space<vmem>>
        %dma_wait3A_268 = tpu.memref_squeeze %dma_wait3A_267 : memref<1x64xi32, #tpu.memory_space<vmem>> -> memref<64xi32, #tpu.memory_space<vmem>>
        %dma_wait3A_269 = arith.constant 0 : i32
        %dma_wait3A_270 = arith.constant 0 : i32
        %dma_wait3A_271 = tpu.memref_slice %arg2[%dma_wait3A_269, %dma_wait3A_270] : memref<10240x128xf32, #tpu.memory_space<hbm>> -> memref<10240x128xf32, #tpu.memory_space<hbm>>
        %dma_wait3A_272 = tpu.memref_slice %arg22[%dma_wait3A_265] : memref<4x!tpu.dma_semaphore, #tpu.memory_space<semaphore_mem>> -> memref<1x!tpu.dma_semaphore, #tpu.memory_space<semaphore_mem>>
        %dma_wait3A_273 = tpu.memref_squeeze %dma_wait3A_272 : memref<1x!tpu.dma_semaphore, #tpu.memory_space<semaphore_mem>> -> memref<!tpu.dma_semaphore, #tpu.memory_space<semaphore_mem>>
        tpu.wait_indirect_dma semaphore(%dma_wait3A_273 : memref<!tpu.dma_semaphore, #tpu.memory_space<semaphore_mem>>) src(%dma_wait3A_271 : memref<10240x128xf32, #tpu.memory_space<hbm>>) dst(%arg14 : memref<64x128xf32, #tpu.memory_space<vmem>>)
        %add3A_274 = arith.constant 2 : i32
        %add3A_275 = arith.addi %mul3A_183, %add3A_274 : i32
        %dma_start3A_276 = arith.constant 2 : i32
        %dma_start3A_277 = arith.constant 0 : i32
        %dma_start3A_278 = tpu.memref_slice %arg11[%add3A_275, %dma_start3A_277] : memref<40x64xi32, #tpu.memory_space<vmem>> -> memref<1x64xi32, #tpu.memory_space<vmem>>
        %dma_start3A_279 = tpu.memref_squeeze %dma_start3A_278 : memref<1x64xi32, #tpu.memory_space<vmem>> -> memref<64xi32, #tpu.memory_space<vmem>>
        %dma_start3A_280 = arith.constant 0 : i32
        %dma_start3A_281 = arith.constant 0 : i32
        %dma_start3A_282 = tpu.memref_slice %arg20[%dma_start3A_280, %dma_start3A_281] : memref<10240x128xf32, #tpu.memory_space<vmem_shared>> -> memref<10240x128xf32, #tpu.memory_space<vmem_shared>>
        %dma_start3A_283 = tpu.memref_slice %arg23[%dma_start3A_276] : memref<4x!tpu.dma_semaphore, #tpu.memory_space<semaphore_mem>> -> memref<1x!tpu.dma_semaphore, #tpu.memory_space<semaphore_mem>>
        %dma_start3A_284 = tpu.memref_squeeze %dma_start3A_283 : memref<1x!tpu.dma_semaphore, #tpu.memory_space<semaphore_mem>> -> memref<!tpu.dma_semaphore, #tpu.memory_space<semaphore_mem>>
        tpu.enqueue_indirect_dma source(%arg14 : memref<64x128xf32, #tpu.memory_space<vmem>>) target(%dma_start3A_282 : memref<10240x128xf32, #tpu.memory_space<vmem_shared>>) offsets(%dma_start3A_279 : memref<64xi32, #tpu.memory_space<vmem>>) semaphore(%dma_start3A_284 : memref<!tpu.dma_semaphore, #tpu.memory_space<semaphore_mem>>) {add = true}
        %dma_wait3A_285 = arith.constant 0 : i32
        %dma_wait3A_286 = arith.constant 2 : i32
        %dma_wait3A_287 = arith.constant 0 : i32
        %dma_wait3A_288 = tpu.memref_slice %arg10[%dma_wait3A_285, %dma_wait3A_287] : memref<40x64xi32, #tpu.memory_space<vmem>> -> memref<1x64xi32, #tpu.memory_space<vmem>>
        %dma_wait3A_289 = tpu.memref_squeeze %dma_wait3A_288 : memref<1x64xi32, #tpu.memory_space<vmem>> -> memref<64xi32, #tpu.memory_space<vmem>>
        %dma_wait3A_290 = arith.constant 0 : i32
        %dma_wait3A_291 = tpu.memref_slice %arg3[%dma_wait3A_290] : memref<10240xf32, #tpu.memory_space<hbm>> -> memref<10240xf32, #tpu.memory_space<hbm>>
        %dma_wait3A_292 = tpu.memref_slice %arg24[%dma_wait3A_286] : memref<4x!tpu.dma_semaphore, #tpu.memory_space<semaphore_mem>> -> memref<1x!tpu.dma_semaphore, #tpu.memory_space<semaphore_mem>>
        %dma_wait3A_293 = tpu.memref_squeeze %dma_wait3A_292 : memref<1x!tpu.dma_semaphore, #tpu.memory_space<semaphore_mem>> -> memref<!tpu.dma_semaphore, #tpu.memory_space<semaphore_mem>>
        tpu.wait_indirect_dma semaphore(%dma_wait3A_293 : memref<!tpu.dma_semaphore, #tpu.memory_space<semaphore_mem>>) src(%dma_wait3A_291 : memref<10240xf32, #tpu.memory_space<hbm>>) dst(%arg18 : memref<64xf32, #tpu.memory_space<vmem>>)
        %add3A_294 = arith.constant 2 : i32
        %add3A_295 = arith.addi %mul3A_183, %add3A_294 : i32
        %dma_start3A_296 = arith.constant 2 : i32
        %dma_start3A_297 = arith.constant 0 : i32
        %dma_start3A_298 = tpu.memref_slice %arg11[%add3A_295, %dma_start3A_297] : memref<40x64xi32, #tpu.memory_space<vmem>> -> memref<1x64xi32, #tpu.memory_space<vmem>>
        %dma_start3A_299 = tpu.memref_squeeze %dma_start3A_298 : memref<1x64xi32, #tpu.memory_space<vmem>> -> memref<64xi32, #tpu.memory_space<vmem>>
        %dma_start3A_300 = arith.constant 0 : i32
        %dma_start3A_301 = tpu.memref_slice %arg21[%dma_start3A_300] : memref<10240xf32, #tpu.memory_space<vmem_shared>> -> memref<10240xf32, #tpu.memory_space<vmem_shared>>
        %dma_start3A_302 = tpu.memref_slice %arg25[%dma_start3A_296] : memref<4x!tpu.dma_semaphore, #tpu.memory_space<semaphore_mem>> -> memref<1x!tpu.dma_semaphore, #tpu.memory_space<semaphore_mem>>
        %dma_start3A_303 = tpu.memref_squeeze %dma_start3A_302 : memref<1x!tpu.dma_semaphore, #tpu.memory_space<semaphore_mem>> -> memref<!tpu.dma_semaphore, #tpu.memory_space<semaphore_mem>>
        tpu.enqueue_indirect_dma source(%arg18 : memref<64xf32, #tpu.memory_space<vmem>>) target(%dma_start3A_301 : memref<10240xf32, #tpu.memory_space<vmem_shared>>) offsets(%dma_start3A_299 : memref<64xi32, #tpu.memory_space<vmem>>) semaphore(%dma_start3A_303 : memref<!tpu.dma_semaphore, #tpu.memory_space<semaphore_mem>>) {add = true}
        %dma_wait3A_304 = arith.constant 0 : i32
        %dma_wait3A_305 = arith.constant 3 : i32
        %dma_wait3A_306 = arith.constant 0 : i32
        %dma_wait3A_307 = tpu.memref_slice %arg10[%dma_wait3A_304, %dma_wait3A_306] : memref<40x64xi32, #tpu.memory_space<vmem>> -> memref<1x64xi32, #tpu.memory_space<vmem>>
        %dma_wait3A_308 = tpu.memref_squeeze %dma_wait3A_307 : memref<1x64xi32, #tpu.memory_space<vmem>> -> memref<64xi32, #tpu.memory_space<vmem>>
        %dma_wait3A_309 = arith.constant 0 : i32
        %dma_wait3A_310 = arith.constant 0 : i32
        %dma_wait3A_311 = tpu.memref_slice %arg2[%dma_wait3A_309, %dma_wait3A_310] : memref<10240x128xf32, #tpu.memory_space<hbm>> -> memref<10240x128xf32, #tpu.memory_space<hbm>>
        %dma_wait3A_312 = tpu.memref_slice %arg22[%dma_wait3A_305] : memref<4x!tpu.dma_semaphore, #tpu.memory_space<semaphore_mem>> -> memref<1x!tpu.dma_semaphore, #tpu.memory_space<semaphore_mem>>
        %dma_wait3A_313 = tpu.memref_squeeze %dma_wait3A_312 : memref<1x!tpu.dma_semaphore, #tpu.memory_space<semaphore_mem>> -> memref<!tpu.dma_semaphore, #tpu.memory_space<semaphore_mem>>
        tpu.wait_indirect_dma semaphore(%dma_wait3A_313 : memref<!tpu.dma_semaphore, #tpu.memory_space<semaphore_mem>>) src(%dma_wait3A_311 : memref<10240x128xf32, #tpu.memory_space<hbm>>) dst(%arg15 : memref<64x128xf32, #tpu.memory_space<vmem>>)
        %add3A_314 = arith.constant 3 : i32
        %add3A_315 = arith.addi %mul3A_183, %add3A_314 : i32
        %dma_start3A_316 = arith.constant 3 : i32
        %dma_start3A_317 = arith.constant 0 : i32
        %dma_start3A_318 = tpu.memref_slice %arg11[%add3A_315, %dma_start3A_317] : memref<40x64xi32, #tpu.memory_space<vmem>> -> memref<1x64xi32, #tpu.memory_space<vmem>>
        %dma_start3A_319 = tpu.memref_squeeze %dma_start3A_318 : memref<1x64xi32, #tpu.memory_space<vmem>> -> memref<64xi32, #tpu.memory_space<vmem>>
        %dma_start3A_320 = arith.constant 0 : i32
        %dma_start3A_321 = arith.constant 0 : i32
        %dma_start3A_322 = tpu.memref_slice %arg20[%dma_start3A_320, %dma_start3A_321] : memref<10240x128xf32, #tpu.memory_space<vmem_shared>> -> memref<10240x128xf32, #tpu.memory_space<vmem_shared>>
        %dma_start3A_323 = tpu.memref_slice %arg23[%dma_start3A_316] : memref<4x!tpu.dma_semaphore, #tpu.memory_space<semaphore_mem>> -> memref<1x!tpu.dma_semaphore, #tpu.memory_space<semaphore_mem>>
        %dma_start3A_324 = tpu.memref_squeeze %dma_start3A_323 : memref<1x!tpu.dma_semaphore, #tpu.memory_space<semaphore_mem>> -> memref<!tpu.dma_semaphore, #tpu.memory_space<semaphore_mem>>
        tpu.enqueue_indirect_dma source(%arg15 : memref<64x128xf32, #tpu.memory_space<vmem>>) target(%dma_start3A_322 : memref<10240x128xf32, #tpu.memory_space<vmem_shared>>) offsets(%dma_start3A_319 : memref<64xi32, #tpu.memory_space<vmem>>) semaphore(%dma_start3A_324 : memref<!tpu.dma_semaphore, #tpu.memory_space<semaphore_mem>>) {add = true}
        %dma_wait3A_325 = arith.constant 0 : i32
        %dma_wait3A_326 = arith.constant 3 : i32
        %dma_wait3A_327 = arith.constant 0 : i32
        %dma_wait3A_328 = tpu.memref_slice %arg10[%dma_wait3A_325, %dma_wait3A_327] : memref<40x64xi32, #tpu.memory_space<vmem>> -> memref<1x64xi32, #tpu.memory_space<vmem>>
        %dma_wait3A_329 = tpu.memref_squeeze %dma_wait3A_328 : memref<1x64xi32, #tpu.memory_space<vmem>> -> memref<64xi32, #tpu.memory_space<vmem>>
        %dma_wait3A_330 = arith.constant 0 : i32
        %dma_wait3A_331 = tpu.memref_slice %arg3[%dma_wait3A_330] : memref<10240xf32, #tpu.memory_space<hbm>> -> memref<10240xf32, #tpu.memory_space<hbm>>
        %dma_wait3A_332 = tpu.memref_slice %arg24[%dma_wait3A_326] : memref<4x!tpu.dma_semaphore, #tpu.memory_space<semaphore_mem>> -> memref<1x!tpu.dma_semaphore, #tpu.memory_space<semaphore_mem>>
        %dma_wait3A_333 = tpu.memref_squeeze %dma_wait3A_332 : memref<1x!tpu.dma_semaphore, #tpu.memory_space<semaphore_mem>> -> memref<!tpu.dma_semaphore, #tpu.memory_space<semaphore_mem>>
        tpu.wait_indirect_dma semaphore(%dma_wait3A_333 : memref<!tpu.dma_semaphore, #tpu.memory_space<semaphore_mem>>) src(%dma_wait3A_331 : memref<10240xf32, #tpu.memory_space<hbm>>) dst(%arg19 : memref<64xf32, #tpu.memory_space<vmem>>)
        %add3A_334 = arith.constant 3 : i32
        %add3A_335 = arith.addi %mul3A_183, %add3A_334 : i32
        %dma_start3A_336 = arith.constant 3 : i32
        %dma_start3A_337 = arith.constant 0 : i32
        %dma_start3A_338 = tpu.memref_slice %arg11[%add3A_335, %dma_start3A_337] : memref<40x64xi32, #tpu.memory_space<vmem>> -> memref<1x64xi32, #tpu.memory_space<vmem>>
        %dma_start3A_339 = tpu.memref_squeeze %dma_start3A_338 : memref<1x64xi32, #tpu.memory_space<vmem>> -> memref<64xi32, #tpu.memory_space<vmem>>
        %dma_start3A_340 = arith.constant 0 : i32
        %dma_start3A_341 = tpu.memref_slice %arg21[%dma_start3A_340] : memref<10240xf32, #tpu.memory_space<vmem_shared>> -> memref<10240xf32, #tpu.memory_space<vmem_shared>>
        %dma_start3A_342 = tpu.memref_slice %arg25[%dma_start3A_336] : memref<4x!tpu.dma_semaphore, #tpu.memory_space<semaphore_mem>> -> memref<1x!tpu.dma_semaphore, #tpu.memory_space<semaphore_mem>>
        %dma_start3A_343 = tpu.memref_squeeze %dma_start3A_342 : memref<1x!tpu.dma_semaphore, #tpu.memory_space<semaphore_mem>> -> memref<!tpu.dma_semaphore, #tpu.memory_space<semaphore_mem>>
        tpu.enqueue_indirect_dma source(%arg19 : memref<64xf32, #tpu.memory_space<vmem>>) target(%dma_start3A_341 : memref<10240xf32, #tpu.memory_space<vmem_shared>>) offsets(%dma_start3A_339 : memref<64xi32, #tpu.memory_space<vmem>>) semaphore(%dma_start3A_343 : memref<!tpu.dma_semaphore, #tpu.memory_space<semaphore_mem>>) {add = true}
        %dma_wait3A_344 = arith.constant 0 : i32
        %dma_wait3A_345 = arith.constant 0 : i32
        %dma_wait3A_346 = arith.constant 0 : i32
        %dma_wait3A_347 = tpu.memref_slice %arg11[%dma_wait3A_344, %dma_wait3A_346] : memref<40x64xi32, #tpu.memory_space<vmem>> -> memref<1x64xi32, #tpu.memory_space<vmem>>
        %dma_wait3A_348 = tpu.memref_squeeze %dma_wait3A_347 : memref<1x64xi32, #tpu.memory_space<vmem>> -> memref<64xi32, #tpu.memory_space<vmem>>
        %dma_wait3A_349 = arith.constant 0 : i32
        %dma_wait3A_350 = arith.constant 0 : i32
        %dma_wait3A_351 = tpu.memref_slice %arg20[%dma_wait3A_349, %dma_wait3A_350] : memref<10240x128xf32, #tpu.memory_space<vmem_shared>> -> memref<10240x128xf32, #tpu.memory_space<vmem_shared>>
        %dma_wait3A_352 = tpu.memref_slice %arg23[%dma_wait3A_345] : memref<4x!tpu.dma_semaphore, #tpu.memory_space<semaphore_mem>> -> memref<1x!tpu.dma_semaphore, #tpu.memory_space<semaphore_mem>>
        %dma_wait3A_353 = tpu.memref_squeeze %dma_wait3A_352 : memref<1x!tpu.dma_semaphore, #tpu.memory_space<semaphore_mem>> -> memref<!tpu.dma_semaphore, #tpu.memory_space<semaphore_mem>>
        tpu.wait_indirect_dma semaphore(%dma_wait3A_353 : memref<!tpu.dma_semaphore, #tpu.memory_space<semaphore_mem>>) src(%arg12 : memref<64x128xf32, #tpu.memory_space<vmem>>) dst(%dma_wait3A_351 : memref<10240x128xf32, #tpu.memory_space<vmem_shared>>)
        %add3A_354 = arith.constant 4 : i32
        %add3A_355 = arith.addi %mul3A_183, %add3A_354 : i32
        %add3A_356 = arith.constant 0 : i32
        %add3A_357 = arith.addi %add3A_355, %add3A_356 : i32
        %min3A = arith.constant 39 : i32
        %min3A_358 = arith.minsi %add3A_357, %min3A : i32
        %dma_start3A_359 = arith.constant 0 : i32
        %dma_start3A_360 = arith.constant 0 : i32
        %dma_start3A_361 = tpu.memref_slice %arg10[%min3A_358, %dma_start3A_360] : memref<40x64xi32, #tpu.memory_space<vmem>> -> memref<1x64xi32, #tpu.memory_space<vmem>>
        %dma_start3A_362 = tpu.memref_squeeze %dma_start3A_361 : memref<1x64xi32, #tpu.memory_space<vmem>> -> memref<64xi32, #tpu.memory_space<vmem>>
        %dma_start3A_363 = arith.constant 0 : i32
        %dma_start3A_364 = arith.constant 0 : i32
        %dma_start3A_365 = tpu.memref_slice %arg2[%dma_start3A_363, %dma_start3A_364] : memref<10240x128xf32, #tpu.memory_space<hbm>> -> memref<10240x128xf32, #tpu.memory_space<hbm>>
        %dma_start3A_366 = tpu.memref_slice %arg22[%dma_start3A_359] : memref<4x!tpu.dma_semaphore, #tpu.memory_space<semaphore_mem>> -> memref<1x!tpu.dma_semaphore, #tpu.memory_space<semaphore_mem>>
        %dma_start3A_367 = tpu.memref_squeeze %dma_start3A_366 : memref<1x!tpu.dma_semaphore, #tpu.memory_space<semaphore_mem>> -> memref<!tpu.dma_semaphore, #tpu.memory_space<semaphore_mem>>
        tpu.enqueue_indirect_dma source(%dma_start3A_365 : memref<10240x128xf32, #tpu.memory_space<hbm>>) target(%arg12 : memref<64x128xf32, #tpu.memory_space<vmem>>) offsets(%dma_start3A_362 : memref<64xi32, #tpu.memory_space<vmem>>) semaphore(%dma_start3A_367 : memref<!tpu.dma_semaphore, #tpu.memory_space<semaphore_mem>>)
        %dma_wait3A_368 = arith.constant 0 : i32
        %dma_wait3A_369 = arith.constant 0 : i32
        %dma_wait3A_370 = arith.constant 0 : i32
        %dma_wait3A_371 = tpu.memref_slice %arg11[%dma_wait3A_368, %dma_wait3A_370] : memref<40x64xi32, #tpu.memory_space<vmem>> -> memref<1x64xi32, #tpu.memory_space<vmem>>
        %dma_wait3A_372 = tpu.memref_squeeze %dma_wait3A_371 : memref<1x64xi32, #tpu.memory_space<vmem>> -> memref<64xi32, #tpu.memory_space<vmem>>
        %dma_wait3A_373 = arith.constant 0 : i32
        %dma_wait3A_374 = tpu.memref_slice %arg21[%dma_wait3A_373] : memref<10240xf32, #tpu.memory_space<vmem_shared>> -> memref<10240xf32, #tpu.memory_space<vmem_shared>>
        %dma_wait3A_375 = tpu.memref_slice %arg25[%dma_wait3A_369] : memref<4x!tpu.dma_semaphore, #tpu.memory_space<semaphore_mem>> -> memref<1x!tpu.dma_semaphore, #tpu.memory_space<semaphore_mem>>
        %dma_wait3A_376 = tpu.memref_squeeze %dma_wait3A_375 : memref<1x!tpu.dma_semaphore, #tpu.memory_space<semaphore_mem>> -> memref<!tpu.dma_semaphore, #tpu.memory_space<semaphore_mem>>
        tpu.wait_indirect_dma semaphore(%dma_wait3A_376 : memref<!tpu.dma_semaphore, #tpu.memory_space<semaphore_mem>>) src(%arg16 : memref<64xf32, #tpu.memory_space<vmem>>) dst(%dma_wait3A_374 : memref<10240xf32, #tpu.memory_space<vmem_shared>>)
        %add3A_377 = arith.constant 4 : i32
        %add3A_378 = arith.addi %mul3A_183, %add3A_377 : i32
        %add3A_379 = arith.constant 0 : i32
        %add3A_380 = arith.addi %add3A_378, %add3A_379 : i32
        %min3A_381 = arith.constant 39 : i32
        %min3A_382 = arith.minsi %add3A_380, %min3A_381 : i32
        %dma_start3A_383 = arith.constant 0 : i32
        %dma_start3A_384 = arith.constant 0 : i32
        %dma_start3A_385 = tpu.memref_slice %arg10[%min3A_382, %dma_start3A_384] : memref<40x64xi32, #tpu.memory_space<vmem>> -> memref<1x64xi32, #tpu.memory_space<vmem>>
        %dma_start3A_386 = tpu.memref_squeeze %dma_start3A_385 : memref<1x64xi32, #tpu.memory_space<vmem>> -> memref<64xi32, #tpu.memory_space<vmem>>
        %dma_start3A_387 = arith.constant 0 : i32
        %dma_start3A_388 = tpu.memref_slice %arg3[%dma_start3A_387] : memref<10240xf32, #tpu.memory_space<hbm>> -> memref<10240xf32, #tpu.memory_space<hbm>>
        %dma_start3A_389 = tpu.memref_slice %arg24[%dma_start3A_383] : memref<4x!tpu.dma_semaphore, #tpu.memory_space<semaphore_mem>> -> memref<1x!tpu.dma_semaphore, #tpu.memory_space<semaphore_mem>>
        %dma_start3A_390 = tpu.memref_squeeze %dma_start3A_389 : memref<1x!tpu.dma_semaphore, #tpu.memory_space<semaphore_mem>> -> memref<!tpu.dma_semaphore, #tpu.memory_space<semaphore_mem>>
        tpu.enqueue_indirect_dma source(%dma_start3A_388 : memref<10240xf32, #tpu.memory_space<hbm>>) target(%arg16 : memref<64xf32, #tpu.memory_space<vmem>>) offsets(%dma_start3A_386 : memref<64xi32, #tpu.memory_space<vmem>>) semaphore(%dma_start3A_390 : memref<!tpu.dma_semaphore, #tpu.memory_space<semaphore_mem>>)
        %dma_wait3A_391 = arith.constant 0 : i32
        %dma_wait3A_392 = arith.constant 1 : i32
        %dma_wait3A_393 = arith.constant 0 : i32
        %dma_wait3A_394 = tpu.memref_slice %arg11[%dma_wait3A_391, %dma_wait3A_393] : memref<40x64xi32, #tpu.memory_space<vmem>> -> memref<1x64xi32, #tpu.memory_space<vmem>>
        %dma_wait3A_395 = tpu.memref_squeeze %dma_wait3A_394 : memref<1x64xi32, #tpu.memory_space<vmem>> -> memref<64xi32, #tpu.memory_space<vmem>>
        %dma_wait3A_396 = arith.constant 0 : i32
        %dma_wait3A_397 = arith.constant 0 : i32
        %dma_wait3A_398 = tpu.memref_slice %arg20[%dma_wait3A_396, %dma_wait3A_397] : memref<10240x128xf32, #tpu.memory_space<vmem_shared>> -> memref<10240x128xf32, #tpu.memory_space<vmem_shared>>
        %dma_wait3A_399 = tpu.memref_slice %arg23[%dma_wait3A_392] : memref<4x!tpu.dma_semaphore, #tpu.memory_space<semaphore_mem>> -> memref<1x!tpu.dma_semaphore, #tpu.memory_space<semaphore_mem>>
        %dma_wait3A_400 = tpu.memref_squeeze %dma_wait3A_399 : memref<1x!tpu.dma_semaphore, #tpu.memory_space<semaphore_mem>> -> memref<!tpu.dma_semaphore, #tpu.memory_space<semaphore_mem>>
        tpu.wait_indirect_dma semaphore(%dma_wait3A_400 : memref<!tpu.dma_semaphore, #tpu.memory_space<semaphore_mem>>) src(%arg13 : memref<64x128xf32, #tpu.memory_space<vmem>>) dst(%dma_wait3A_398 : memref<10240x128xf32, #tpu.memory_space<vmem_shared>>)
        %add3A_401 = arith.constant 4 : i32
        %add3A_402 = arith.addi %mul3A_183, %add3A_401 : i32
        %add3A_403 = arith.constant 1 : i32
        %add3A_404 = arith.addi %add3A_402, %add3A_403 : i32
        %min3A_405 = arith.constant 39 : i32
        %min3A_406 = arith.minsi %add3A_404, %min3A_405 : i32
        %dma_start3A_407 = arith.constant 1 : i32
        %dma_start3A_408 = arith.constant 0 : i32
        %dma_start3A_409 = tpu.memref_slice %arg10[%min3A_406, %dma_start3A_408] : memref<40x64xi32, #tpu.memory_space<vmem>> -> memref<1x64xi32, #tpu.memory_space<vmem>>
        %dma_start3A_410 = tpu.memref_squeeze %dma_start3A_409 : memref<1x64xi32, #tpu.memory_space<vmem>> -> memref<64xi32, #tpu.memory_space<vmem>>
        %dma_start3A_411 = arith.constant 0 : i32
        %dma_start3A_412 = arith.constant 0 : i32
        %dma_start3A_413 = tpu.memref_slice %arg2[%dma_start3A_411, %dma_start3A_412] : memref<10240x128xf32, #tpu.memory_space<hbm>> -> memref<10240x128xf32, #tpu.memory_space<hbm>>
        %dma_start3A_414 = tpu.memref_slice %arg22[%dma_start3A_407] : memref<4x!tpu.dma_semaphore, #tpu.memory_space<semaphore_mem>> -> memref<1x!tpu.dma_semaphore, #tpu.memory_space<semaphore_mem>>
        %dma_start3A_415 = tpu.memref_squeeze %dma_start3A_414 : memref<1x!tpu.dma_semaphore, #tpu.memory_space<semaphore_mem>> -> memref<!tpu.dma_semaphore, #tpu.memory_space<semaphore_mem>>
        tpu.enqueue_indirect_dma source(%dma_start3A_413 : memref<10240x128xf32, #tpu.memory_space<hbm>>) target(%arg13 : memref<64x128xf32, #tpu.memory_space<vmem>>) offsets(%dma_start3A_410 : memref<64xi32, #tpu.memory_space<vmem>>) semaphore(%dma_start3A_415 : memref<!tpu.dma_semaphore, #tpu.memory_space<semaphore_mem>>)
        %dma_wait3A_416 = arith.constant 0 : i32
        %dma_wait3A_417 = arith.constant 1 : i32
        %dma_wait3A_418 = arith.constant 0 : i32
        %dma_wait3A_419 = tpu.memref_slice %arg11[%dma_wait3A_416, %dma_wait3A_418] : memref<40x64xi32, #tpu.memory_space<vmem>> -> memref<1x64xi32, #tpu.memory_space<vmem>>
        %dma_wait3A_420 = tpu.memref_squeeze %dma_wait3A_419 : memref<1x64xi32, #tpu.memory_space<vmem>> -> memref<64xi32, #tpu.memory_space<vmem>>
        %dma_wait3A_421 = arith.constant 0 : i32
        %dma_wait3A_422 = tpu.memref_slice %arg21[%dma_wait3A_421] : memref<10240xf32, #tpu.memory_space<vmem_shared>> -> memref<10240xf32, #tpu.memory_space<vmem_shared>>
        %dma_wait3A_423 = tpu.memref_slice %arg25[%dma_wait3A_417] : memref<4x!tpu.dma_semaphore, #tpu.memory_space<semaphore_mem>> -> memref<1x!tpu.dma_semaphore, #tpu.memory_space<semaphore_mem>>
        %dma_wait3A_424 = tpu.memref_squeeze %dma_wait3A_423 : memref<1x!tpu.dma_semaphore, #tpu.memory_space<semaphore_mem>> -> memref<!tpu.dma_semaphore, #tpu.memory_space<semaphore_mem>>
        tpu.wait_indirect_dma semaphore(%dma_wait3A_424 : memref<!tpu.dma_semaphore, #tpu.memory_space<semaphore_mem>>) src(%arg17 : memref<64xf32, #tpu.memory_space<vmem>>) dst(%dma_wait3A_422 : memref<10240xf32, #tpu.memory_space<vmem_shared>>)
        %add3A_425 = arith.constant 4 : i32
        %add3A_426 = arith.addi %mul3A_183, %add3A_425 : i32
        %add3A_427 = arith.constant 1 : i32
        %add3A_428 = arith.addi %add3A_426, %add3A_427 : i32
        %min3A_429 = arith.constant 39 : i32
        %min3A_430 = arith.minsi %add3A_428, %min3A_429 : i32
        %dma_start3A_431 = arith.constant 1 : i32
        %dma_start3A_432 = arith.constant 0 : i32
        %dma_start3A_433 = tpu.memref_slice %arg10[%min3A_430, %dma_start3A_432] : memref<40x64xi32, #tpu.memory_space<vmem>> -> memref<1x64xi32, #tpu.memory_space<vmem>>
        %dma_start3A_434 = tpu.memref_squeeze %dma_start3A_433 : memref<1x64xi32, #tpu.memory_space<vmem>> -> memref<64xi32, #tpu.memory_space<vmem>>
        %dma_start3A_435 = arith.constant 0 : i32
        %dma_start3A_436 = tpu.memref_slice %arg3[%dma_start3A_435] : memref<10240xf32, #tpu.memory_space<hbm>> -> memref<10240xf32, #tpu.memory_space<hbm>>
        %dma_start3A_437 = tpu.memref_slice %arg24[%dma_start3A_431] : memref<4x!tpu.dma_semaphore, #tpu.memory_space<semaphore_mem>> -> memref<1x!tpu.dma_semaphore, #tpu.memory_space<semaphore_mem>>
        %dma_start3A_438 = tpu.memref_squeeze %dma_start3A_437 : memref<1x!tpu.dma_semaphore, #tpu.memory_space<semaphore_mem>> -> memref<!tpu.dma_semaphore, #tpu.memory_space<semaphore_mem>>
        tpu.enqueue_indirect_dma source(%dma_start3A_436 : memref<10240xf32, #tpu.memory_space<hbm>>) target(%arg17 : memref<64xf32, #tpu.memory_space<vmem>>) offsets(%dma_start3A_434 : memref<64xi32, #tpu.memory_space<vmem>>) semaphore(%dma_start3A_438 : memref<!tpu.dma_semaphore, #tpu.memory_space<semaphore_mem>>)
        %dma_wait3A_439 = arith.constant 0 : i32
        %dma_wait3A_440 = arith.constant 2 : i32
        %dma_wait3A_441 = arith.constant 0 : i32
        %dma_wait3A_442 = tpu.memref_slice %arg11[%dma_wait3A_439, %dma_wait3A_441] : memref<40x64xi32, #tpu.memory_space<vmem>> -> memref<1x64xi32, #tpu.memory_space<vmem>>
        %dma_wait3A_443 = tpu.memref_squeeze %dma_wait3A_442 : memref<1x64xi32, #tpu.memory_space<vmem>> -> memref<64xi32, #tpu.memory_space<vmem>>
        %dma_wait3A_444 = arith.constant 0 : i32
        %dma_wait3A_445 = arith.constant 0 : i32
        %dma_wait3A_446 = tpu.memref_slice %arg20[%dma_wait3A_444, %dma_wait3A_445] : memref<10240x128xf32, #tpu.memory_space<vmem_shared>> -> memref<10240x128xf32, #tpu.memory_space<vmem_shared>>
        %dma_wait3A_447 = tpu.memref_slice %arg23[%dma_wait3A_440] : memref<4x!tpu.dma_semaphore, #tpu.memory_space<semaphore_mem>> -> memref<1x!tpu.dma_semaphore, #tpu.memory_space<semaphore_mem>>
        %dma_wait3A_448 = tpu.memref_squeeze %dma_wait3A_447 : memref<1x!tpu.dma_semaphore, #tpu.memory_space<semaphore_mem>> -> memref<!tpu.dma_semaphore, #tpu.memory_space<semaphore_mem>>
        tpu.wait_indirect_dma semaphore(%dma_wait3A_448 : memref<!tpu.dma_semaphore, #tpu.memory_space<semaphore_mem>>) src(%arg14 : memref<64x128xf32, #tpu.memory_space<vmem>>) dst(%dma_wait3A_446 : memref<10240x128xf32, #tpu.memory_space<vmem_shared>>)
        %add3A_449 = arith.constant 4 : i32
        %add3A_450 = arith.addi %mul3A_183, %add3A_449 : i32
        %add3A_451 = arith.constant 2 : i32
        %add3A_452 = arith.addi %add3A_450, %add3A_451 : i32
        %min3A_453 = arith.constant 39 : i32
        %min3A_454 = arith.minsi %add3A_452, %min3A_453 : i32
        %dma_start3A_455 = arith.constant 2 : i32
        %dma_start3A_456 = arith.constant 0 : i32
        %dma_start3A_457 = tpu.memref_slice %arg10[%min3A_454, %dma_start3A_456] : memref<40x64xi32, #tpu.memory_space<vmem>> -> memref<1x64xi32, #tpu.memory_space<vmem>>
        %dma_start3A_458 = tpu.memref_squeeze %dma_start3A_457 : memref<1x64xi32, #tpu.memory_space<vmem>> -> memref<64xi32, #tpu.memory_space<vmem>>
        %dma_start3A_459 = arith.constant 0 : i32
        %dma_start3A_460 = arith.constant 0 : i32
        %dma_start3A_461 = tpu.memref_slice %arg2[%dma_start3A_459, %dma_start3A_460] : memref<10240x128xf32, #tpu.memory_space<hbm>> -> memref<10240x128xf32, #tpu.memory_space<hbm>>
        %dma_start3A_462 = tpu.memref_slice %arg22[%dma_start3A_455] : memref<4x!tpu.dma_semaphore, #tpu.memory_space<semaphore_mem>> -> memref<1x!tpu.dma_semaphore, #tpu.memory_space<semaphore_mem>>
        %dma_start3A_463 = tpu.memref_squeeze %dma_start3A_462 : memref<1x!tpu.dma_semaphore, #tpu.memory_space<semaphore_mem>> -> memref<!tpu.dma_semaphore, #tpu.memory_space<semaphore_mem>>
        tpu.enqueue_indirect_dma source(%dma_start3A_461 : memref<10240x128xf32, #tpu.memory_space<hbm>>) target(%arg14 : memref<64x128xf32, #tpu.memory_space<vmem>>) offsets(%dma_start3A_458 : memref<64xi32, #tpu.memory_space<vmem>>) semaphore(%dma_start3A_463 : memref<!tpu.dma_semaphore, #tpu.memory_space<semaphore_mem>>)
        %dma_wait3A_464 = arith.constant 0 : i32
        %dma_wait3A_465 = arith.constant 2 : i32
        %dma_wait3A_466 = arith.constant 0 : i32
        %dma_wait3A_467 = tpu.memref_slice %arg11[%dma_wait3A_464, %dma_wait3A_466] : memref<40x64xi32, #tpu.memory_space<vmem>> -> memref<1x64xi32, #tpu.memory_space<vmem>>
        %dma_wait3A_468 = tpu.memref_squeeze %dma_wait3A_467 : memref<1x64xi32, #tpu.memory_space<vmem>> -> memref<64xi32, #tpu.memory_space<vmem>>
        %dma_wait3A_469 = arith.constant 0 : i32
        %dma_wait3A_470 = tpu.memref_slice %arg21[%dma_wait3A_469] : memref<10240xf32, #tpu.memory_space<vmem_shared>> -> memref<10240xf32, #tpu.memory_space<vmem_shared>>
        %dma_wait3A_471 = tpu.memref_slice %arg25[%dma_wait3A_465] : memref<4x!tpu.dma_semaphore, #tpu.memory_space<semaphore_mem>> -> memref<1x!tpu.dma_semaphore, #tpu.memory_space<semaphore_mem>>
        %dma_wait3A_472 = tpu.memref_squeeze %dma_wait3A_471 : memref<1x!tpu.dma_semaphore, #tpu.memory_space<semaphore_mem>> -> memref<!tpu.dma_semaphore, #tpu.memory_space<semaphore_mem>>
        tpu.wait_indirect_dma semaphore(%dma_wait3A_472 : memref<!tpu.dma_semaphore, #tpu.memory_space<semaphore_mem>>) src(%arg18 : memref<64xf32, #tpu.memory_space<vmem>>) dst(%dma_wait3A_470 : memref<10240xf32, #tpu.memory_space<vmem_shared>>)
        %add3A_473 = arith.constant 4 : i32
        %add3A_474 = arith.addi %mul3A_183, %add3A_473 : i32
        %add3A_475 = arith.constant 2 : i32
        %add3A_476 = arith.addi %add3A_474, %add3A_475 : i32
        %min3A_477 = arith.constant 39 : i32
        %min3A_478 = arith.minsi %add3A_476, %min3A_477 : i32
        %dma_start3A_479 = arith.constant 2 : i32
        %dma_start3A_480 = arith.constant 0 : i32
        %dma_start3A_481 = tpu.memref_slice %arg10[%min3A_478, %dma_start3A_480] : memref<40x64xi32, #tpu.memory_space<vmem>> -> memref<1x64xi32, #tpu.memory_space<vmem>>
        %dma_start3A_482 = tpu.memref_squeeze %dma_start3A_481 : memref<1x64xi32, #tpu.memory_space<vmem>> -> memref<64xi32, #tpu.memory_space<vmem>>
        %dma_start3A_483 = arith.constant 0 : i32
        %dma_start3A_484 = tpu.memref_slice %arg3[%dma_start3A_483] : memref<10240xf32, #tpu.memory_space<hbm>> -> memref<10240xf32, #tpu.memory_space<hbm>>
        %dma_start3A_485 = tpu.memref_slice %arg24[%dma_start3A_479] : memref<4x!tpu.dma_semaphore, #tpu.memory_space<semaphore_mem>> -> memref<1x!tpu.dma_semaphore, #tpu.memory_space<semaphore_mem>>
        %dma_start3A_486 = tpu.memref_squeeze %dma_start3A_485 : memref<1x!tpu.dma_semaphore, #tpu.memory_space<semaphore_mem>> -> memref<!tpu.dma_semaphore, #tpu.memory_space<semaphore_mem>>
        tpu.enqueue_indirect_dma source(%dma_start3A_484 : memref<10240xf32, #tpu.memory_space<hbm>>) target(%arg18 : memref<64xf32, #tpu.memory_space<vmem>>) offsets(%dma_start3A_482 : memref<64xi32, #tpu.memory_space<vmem>>) semaphore(%dma_start3A_486 : memref<!tpu.dma_semaphore, #tpu.memory_space<semaphore_mem>>)
        %dma_wait3A_487 = arith.constant 0 : i32
        %dma_wait3A_488 = arith.constant 3 : i32
        %dma_wait3A_489 = arith.constant 0 : i32
        %dma_wait3A_490 = tpu.memref_slice %arg11[%dma_wait3A_487, %dma_wait3A_489] : memref<40x64xi32, #tpu.memory_space<vmem>> -> memref<1x64xi32, #tpu.memory_space<vmem>>
        %dma_wait3A_491 = tpu.memref_squeeze %dma_wait3A_490 : memref<1x64xi32, #tpu.memory_space<vmem>> -> memref<64xi32, #tpu.memory_space<vmem>>
        %dma_wait3A_492 = arith.constant 0 : i32
        %dma_wait3A_493 = arith.constant 0 : i32
        %dma_wait3A_494 = tpu.memref_slice %arg20[%dma_wait3A_492, %dma_wait3A_493] : memref<10240x128xf32, #tpu.memory_space<vmem_shared>> -> memref<10240x128xf32, #tpu.memory_space<vmem_shared>>
        %dma_wait3A_495 = tpu.memref_slice %arg23[%dma_wait3A_488] : memref<4x!tpu.dma_semaphore, #tpu.memory_space<semaphore_mem>> -> memref<1x!tpu.dma_semaphore, #tpu.memory_space<semaphore_mem>>
        %dma_wait3A_496 = tpu.memref_squeeze %dma_wait3A_495 : memref<1x!tpu.dma_semaphore, #tpu.memory_space<semaphore_mem>> -> memref<!tpu.dma_semaphore, #tpu.memory_space<semaphore_mem>>
        tpu.wait_indirect_dma semaphore(%dma_wait3A_496 : memref<!tpu.dma_semaphore, #tpu.memory_space<semaphore_mem>>) src(%arg15 : memref<64x128xf32, #tpu.memory_space<vmem>>) dst(%dma_wait3A_494 : memref<10240x128xf32, #tpu.memory_space<vmem_shared>>)
        %add3A_497 = arith.constant 4 : i32
        %add3A_498 = arith.addi %mul3A_183, %add3A_497 : i32
        %add3A_499 = arith.constant 3 : i32
        %add3A_500 = arith.addi %add3A_498, %add3A_499 : i32
        %min3A_501 = arith.constant 39 : i32
        %min3A_502 = arith.minsi %add3A_500, %min3A_501 : i32
        %dma_start3A_503 = arith.constant 3 : i32
        %dma_start3A_504 = arith.constant 0 : i32
        %dma_start3A_505 = tpu.memref_slice %arg10[%min3A_502, %dma_start3A_504] : memref<40x64xi32, #tpu.memory_space<vmem>> -> memref<1x64xi32, #tpu.memory_space<vmem>>
        %dma_start3A_506 = tpu.memref_squeeze %dma_start3A_505 : memref<1x64xi32, #tpu.memory_space<vmem>> -> memref<64xi32, #tpu.memory_space<vmem>>
        %dma_start3A_507 = arith.constant 0 : i32
        %dma_start3A_508 = arith.constant 0 : i32
        %dma_start3A_509 = tpu.memref_slice %arg2[%dma_start3A_507, %dma_start3A_508] : memref<10240x128xf32, #tpu.memory_space<hbm>> -> memref<10240x128xf32, #tpu.memory_space<hbm>>
        %dma_start3A_510 = tpu.memref_slice %arg22[%dma_start3A_503] : memref<4x!tpu.dma_semaphore, #tpu.memory_space<semaphore_mem>> -> memref<1x!tpu.dma_semaphore, #tpu.memory_space<semaphore_mem>>
        %dma_start3A_511 = tpu.memref_squeeze %dma_start3A_510 : memref<1x!tpu.dma_semaphore, #tpu.memory_space<semaphore_mem>> -> memref<!tpu.dma_semaphore, #tpu.memory_space<semaphore_mem>>
        tpu.enqueue_indirect_dma source(%dma_start3A_509 : memref<10240x128xf32, #tpu.memory_space<hbm>>) target(%arg15 : memref<64x128xf32, #tpu.memory_space<vmem>>) offsets(%dma_start3A_506 : memref<64xi32, #tpu.memory_space<vmem>>) semaphore(%dma_start3A_511 : memref<!tpu.dma_semaphore, #tpu.memory_space<semaphore_mem>>)
        %dma_wait3A_512 = arith.constant 0 : i32
        %dma_wait3A_513 = arith.constant 3 : i32
        %dma_wait3A_514 = arith.constant 0 : i32
        %dma_wait3A_515 = tpu.memref_slice %arg11[%dma_wait3A_512, %dma_wait3A_514] : memref<40x64xi32, #tpu.memory_space<vmem>> -> memref<1x64xi32, #tpu.memory_space<vmem>>
        %dma_wait3A_516 = tpu.memref_squeeze %dma_wait3A_515 : memref<1x64xi32, #tpu.memory_space<vmem>> -> memref<64xi32, #tpu.memory_space<vmem>>
        %dma_wait3A_517 = arith.constant 0 : i32
        %dma_wait3A_518 = tpu.memref_slice %arg21[%dma_wait3A_517] : memref<10240xf32, #tpu.memory_space<vmem_shared>> -> memref<10240xf32, #tpu.memory_space<vmem_shared>>
        %dma_wait3A_519 = tpu.memref_slice %arg25[%dma_wait3A_513] : memref<4x!tpu.dma_semaphore, #tpu.memory_space<semaphore_mem>> -> memref<1x!tpu.dma_semaphore, #tpu.memory_space<semaphore_mem>>
        %dma_wait3A_520 = tpu.memref_squeeze %dma_wait3A_519 : memref<1x!tpu.dma_semaphore, #tpu.memory_space<semaphore_mem>> -> memref<!tpu.dma_semaphore, #tpu.memory_space<semaphore_mem>>
        tpu.wait_indirect_dma semaphore(%dma_wait3A_520 : memref<!tpu.dma_semaphore, #tpu.memory_space<semaphore_mem>>) src(%arg19 : memref<64xf32, #tpu.memory_space<vmem>>) dst(%dma_wait3A_518 : memref<10240xf32, #tpu.memory_space<vmem_shared>>)
        %add3A_521 = arith.constant 4 : i32
        %add3A_522 = arith.addi %mul3A_183, %add3A_521 : i32
        %add3A_523 = arith.constant 3 : i32
        %add3A_524 = arith.addi %add3A_522, %add3A_523 : i32
        %min3A_525 = arith.constant 39 : i32
        %min3A_526 = arith.minsi %add3A_524, %min3A_525 : i32
        %dma_start3A_527 = arith.constant 3 : i32
        %dma_start3A_528 = arith.constant 0 : i32
        %dma_start3A_529 = tpu.memref_slice %arg10[%min3A_526, %dma_start3A_528] : memref<40x64xi32, #tpu.memory_space<vmem>> -> memref<1x64xi32, #tpu.memory_space<vmem>>
        %dma_start3A_530 = tpu.memref_squeeze %dma_start3A_529 : memref<1x64xi32, #tpu.memory_space<vmem>> -> memref<64xi32, #tpu.memory_space<vmem>>
        %dma_start3A_531 = arith.constant 0 : i32
        %dma_start3A_532 = tpu.memref_slice %arg3[%dma_start3A_531] : memref<10240xf32, #tpu.memory_space<hbm>> -> memref<10240xf32, #tpu.memory_space<hbm>>
        %dma_start3A_533 = tpu.memref_slice %arg24[%dma_start3A_527] : memref<4x!tpu.dma_semaphore, #tpu.memory_space<semaphore_mem>> -> memref<1x!tpu.dma_semaphore, #tpu.memory_space<semaphore_mem>>
        %dma_start3A_534 = tpu.memref_squeeze %dma_start3A_533 : memref<1x!tpu.dma_semaphore, #tpu.memory_space<semaphore_mem>> -> memref<!tpu.dma_semaphore, #tpu.memory_space<semaphore_mem>>
        tpu.enqueue_indirect_dma source(%dma_start3A_532 : memref<10240xf32, #tpu.memory_space<hbm>>) target(%arg19 : memref<64xf32, #tpu.memory_space<vmem>>) offsets(%dma_start3A_530 : memref<64xi32, #tpu.memory_space<vmem>>) semaphore(%dma_start3A_534 : memref<!tpu.dma_semaphore, #tpu.memory_space<semaphore_mem>>)
      }
      %scan3A_105 = arith.constant 10 : i32
      %dma_wait3A = arith.constant 0 : i32
      %dma_wait3A_106 = arith.constant 0 : i32
      %dma_wait3A_107 = arith.constant 0 : i32
      %dma_wait3A_108 = tpu.memref_slice %arg10[%dma_wait3A, %dma_wait3A_107] : memref<40x64xi32, #tpu.memory_space<vmem>> -> memref<1x64xi32, #tpu.memory_space<vmem>>
      %dma_wait3A_109 = tpu.memref_squeeze %dma_wait3A_108 : memref<1x64xi32, #tpu.memory_space<vmem>> -> memref<64xi32, #tpu.memory_space<vmem>>
      %dma_wait3A_110 = arith.constant 0 : i32
      %dma_wait3A_111 = arith.constant 0 : i32
      %dma_wait3A_112 = tpu.memref_slice %arg2[%dma_wait3A_110, %dma_wait3A_111] : memref<10240x128xf32, #tpu.memory_space<hbm>> -> memref<10240x128xf32, #tpu.memory_space<hbm>>
      %dma_wait3A_113 = tpu.memref_slice %arg22[%dma_wait3A_106] : memref<4x!tpu.dma_semaphore, #tpu.memory_space<semaphore_mem>> -> memref<1x!tpu.dma_semaphore, #tpu.memory_space<semaphore_mem>>
      %dma_wait3A_114 = tpu.memref_squeeze %dma_wait3A_113 : memref<1x!tpu.dma_semaphore, #tpu.memory_space<semaphore_mem>> -> memref<!tpu.dma_semaphore, #tpu.memory_space<semaphore_mem>>
      tpu.wait_indirect_dma semaphore(%dma_wait3A_114 : memref<!tpu.dma_semaphore, #tpu.memory_space<semaphore_mem>>) src(%dma_wait3A_112 : memref<10240x128xf32, #tpu.memory_space<hbm>>) dst(%arg12 : memref<64x128xf32, #tpu.memory_space<vmem>>)
      %dma_wait3A_115 = arith.constant 0 : i32
      %dma_wait3A_116 = arith.constant 0 : i32
      %dma_wait3A_117 = arith.constant 0 : i32
      %dma_wait3A_118 = tpu.memref_slice %arg10[%dma_wait3A_115, %dma_wait3A_117] : memref<40x64xi32, #tpu.memory_space<vmem>> -> memref<1x64xi32, #tpu.memory_space<vmem>>
      %dma_wait3A_119 = tpu.memref_squeeze %dma_wait3A_118 : memref<1x64xi32, #tpu.memory_space<vmem>> -> memref<64xi32, #tpu.memory_space<vmem>>
      %dma_wait3A_120 = arith.constant 0 : i32
      %dma_wait3A_121 = tpu.memref_slice %arg3[%dma_wait3A_120] : memref<10240xf32, #tpu.memory_space<hbm>> -> memref<10240xf32, #tpu.memory_space<hbm>>
      %dma_wait3A_122 = tpu.memref_slice %arg24[%dma_wait3A_116] : memref<4x!tpu.dma_semaphore, #tpu.memory_space<semaphore_mem>> -> memref<1x!tpu.dma_semaphore, #tpu.memory_space<semaphore_mem>>
      %dma_wait3A_123 = tpu.memref_squeeze %dma_wait3A_122 : memref<1x!tpu.dma_semaphore, #tpu.memory_space<semaphore_mem>> -> memref<!tpu.dma_semaphore, #tpu.memory_space<semaphore_mem>>
      tpu.wait_indirect_dma semaphore(%dma_wait3A_123 : memref<!tpu.dma_semaphore, #tpu.memory_space<semaphore_mem>>) src(%dma_wait3A_121 : memref<10240xf32, #tpu.memory_space<hbm>>) dst(%arg16 : memref<64xf32, #tpu.memory_space<vmem>>)
      %dma_wait3A_124 = arith.constant 0 : i32
      %dma_wait3A_125 = arith.constant 1 : i32
      %dma_wait3A_126 = arith.constant 0 : i32
      %dma_wait3A_127 = tpu.memref_slice %arg10[%dma_wait3A_124, %dma_wait3A_126] : memref<40x64xi32, #tpu.memory_space<vmem>> -> memref<1x64xi32, #tpu.memory_space<vmem>>
      %dma_wait3A_128 = tpu.memref_squeeze %dma_wait3A_127 : memref<1x64xi32, #tpu.memory_space<vmem>> -> memref<64xi32, #tpu.memory_space<vmem>>
      %dma_wait3A_129 = arith.constant 0 : i32
      %dma_wait3A_130 = arith.constant 0 : i32
      %dma_wait3A_131 = tpu.memref_slice %arg2[%dma_wait3A_129, %dma_wait3A_130] : memref<10240x128xf32, #tpu.memory_space<hbm>> -> memref<10240x128xf32, #tpu.memory_space<hbm>>
      %dma_wait3A_132 = tpu.memref_slice %arg22[%dma_wait3A_125] : memref<4x!tpu.dma_semaphore, #tpu.memory_space<semaphore_mem>> -> memref<1x!tpu.dma_semaphore, #tpu.memory_space<semaphore_mem>>
      %dma_wait3A_133 = tpu.memref_squeeze %dma_wait3A_132 : memref<1x!tpu.dma_semaphore, #tpu.memory_space<semaphore_mem>> -> memref<!tpu.dma_semaphore, #tpu.memory_space<semaphore_mem>>
      tpu.wait_indirect_dma semaphore(%dma_wait3A_133 : memref<!tpu.dma_semaphore, #tpu.memory_space<semaphore_mem>>) src(%dma_wait3A_131 : memref<10240x128xf32, #tpu.memory_space<hbm>>) dst(%arg13 : memref<64x128xf32, #tpu.memory_space<vmem>>)
      %dma_wait3A_134 = arith.constant 0 : i32
      %dma_wait3A_135 = arith.constant 1 : i32
      %dma_wait3A_136 = arith.constant 0 : i32
      %dma_wait3A_137 = tpu.memref_slice %arg10[%dma_wait3A_134, %dma_wait3A_136] : memref<40x64xi32, #tpu.memory_space<vmem>> -> memref<1x64xi32, #tpu.memory_space<vmem>>
      %dma_wait3A_138 = tpu.memref_squeeze %dma_wait3A_137 : memref<1x64xi32, #tpu.memory_space<vmem>> -> memref<64xi32, #tpu.memory_space<vmem>>
      %dma_wait3A_139 = arith.constant 0 : i32
      %dma_wait3A_140 = tpu.memref_slice %arg3[%dma_wait3A_139] : memref<10240xf32, #tpu.memory_space<hbm>> -> memref<10240xf32, #tpu.memory_space<hbm>>
      %dma_wait3A_141 = tpu.memref_slice %arg24[%dma_wait3A_135] : memref<4x!tpu.dma_semaphore, #tpu.memory_space<semaphore_mem>> -> memref<1x!tpu.dma_semaphore, #tpu.memory_space<semaphore_mem>>
      %dma_wait3A_142 = tpu.memref_squeeze %dma_wait3A_141 : memref<1x!tpu.dma_semaphore, #tpu.memory_space<semaphore_mem>> -> memref<!tpu.dma_semaphore, #tpu.memory_space<semaphore_mem>>
      tpu.wait_indirect_dma semaphore(%dma_wait3A_142 : memref<!tpu.dma_semaphore, #tpu.memory_space<semaphore_mem>>) src(%dma_wait3A_140 : memref<10240xf32, #tpu.memory_space<hbm>>) dst(%arg17 : memref<64xf32, #tpu.memory_space<vmem>>)
      %dma_wait3A_143 = arith.constant 0 : i32
      %dma_wait3A_144 = arith.constant 2 : i32
      %dma_wait3A_145 = arith.constant 0 : i32
      %dma_wait3A_146 = tpu.memref_slice %arg10[%dma_wait3A_143, %dma_wait3A_145] : memref<40x64xi32, #tpu.memory_space<vmem>> -> memref<1x64xi32, #tpu.memory_space<vmem>>
      %dma_wait3A_147 = tpu.memref_squeeze %dma_wait3A_146 : memref<1x64xi32, #tpu.memory_space<vmem>> -> memref<64xi32, #tpu.memory_space<vmem>>
      %dma_wait3A_148 = arith.constant 0 : i32
      %dma_wait3A_149 = arith.constant 0 : i32
      %dma_wait3A_150 = tpu.memref_slice %arg2[%dma_wait3A_148, %dma_wait3A_149] : memref<10240x128xf32, #tpu.memory_space<hbm>> -> memref<10240x128xf32, #tpu.memory_space<hbm>>
      %dma_wait3A_151 = tpu.memref_slice %arg22[%dma_wait3A_144] : memref<4x!tpu.dma_semaphore, #tpu.memory_space<semaphore_mem>> -> memref<1x!tpu.dma_semaphore, #tpu.memory_space<semaphore_mem>>
      %dma_wait3A_152 = tpu.memref_squeeze %dma_wait3A_151 : memref<1x!tpu.dma_semaphore, #tpu.memory_space<semaphore_mem>> -> memref<!tpu.dma_semaphore, #tpu.memory_space<semaphore_mem>>
      tpu.wait_indirect_dma semaphore(%dma_wait3A_152 : memref<!tpu.dma_semaphore, #tpu.memory_space<semaphore_mem>>) src(%dma_wait3A_150 : memref<10240x128xf32, #tpu.memory_space<hbm>>) dst(%arg14 : memref<64x128xf32, #tpu.memory_space<vmem>>)
      %dma_wait3A_153 = arith.constant 0 : i32
      %dma_wait3A_154 = arith.constant 2 : i32
      %dma_wait3A_155 = arith.constant 0 : i32
      %dma_wait3A_156 = tpu.memref_slice %arg10[%dma_wait3A_153, %dma_wait3A_155] : memref<40x64xi32, #tpu.memory_space<vmem>> -> memref<1x64xi32, #tpu.memory_space<vmem>>
      %dma_wait3A_157 = tpu.memref_squeeze %dma_wait3A_156 : memref<1x64xi32, #tpu.memory_space<vmem>> -> memref<64xi32, #tpu.memory_space<vmem>>
      %dma_wait3A_158 = arith.constant 0 : i32
      %dma_wait3A_159 = tpu.memref_slice %arg3[%dma_wait3A_158] : memref<10240xf32, #tpu.memory_space<hbm>> -> memref<10240xf32, #tpu.memory_space<hbm>>
      %dma_wait3A_160 = tpu.memref_slice %arg24[%dma_wait3A_154] : memref<4x!tpu.dma_semaphore, #tpu.memory_space<semaphore_mem>> -> memref<1x!tpu.dma_semaphore, #tpu.memory_space<semaphore_mem>>
      %dma_wait3A_161 = tpu.memref_squeeze %dma_wait3A_160 : memref<1x!tpu.dma_semaphore, #tpu.memory_space<semaphore_mem>> -> memref<!tpu.dma_semaphore, #tpu.memory_space<semaphore_mem>>
      tpu.wait_indirect_dma semaphore(%dma_wait3A_161 : memref<!tpu.dma_semaphore, #tpu.memory_space<semaphore_mem>>) src(%dma_wait3A_159 : memref<10240xf32, #tpu.memory_space<hbm>>) dst(%arg18 : memref<64xf32, #tpu.memory_space<vmem>>)
      %dma_wait3A_162 = arith.constant 0 : i32
      %dma_wait3A_163 = arith.constant 3 : i32
      %dma_wait3A_164 = arith.constant 0 : i32
      %dma_wait3A_165 = tpu.memref_slice %arg10[%dma_wait3A_162, %dma_wait3A_164] : memref<40x64xi32, #tpu.memory_space<vmem>> -> memref<1x64xi32, #tpu.memory_space<vmem>>
      %dma_wait3A_166 = tpu.memref_squeeze %dma_wait3A_165 : memref<1x64xi32, #tpu.memory_space<vmem>> -> memref<64xi32, #tpu.memory_space<vmem>>
      %dma_wait3A_167 = arith.constant 0 : i32
      %dma_wait3A_168 = arith.constant 0 : i32
      %dma_wait3A_169 = tpu.memref_slice %arg2[%dma_wait3A_167, %dma_wait3A_168] : memref<10240x128xf32, #tpu.memory_space<hbm>> -> memref<10240x128xf32, #tpu.memory_space<hbm>>
      %dma_wait3A_170 = tpu.memref_slice %arg22[%dma_wait3A_163] : memref<4x!tpu.dma_semaphore, #tpu.memory_space<semaphore_mem>> -> memref<1x!tpu.dma_semaphore, #tpu.memory_space<semaphore_mem>>
      %dma_wait3A_171 = tpu.memref_squeeze %dma_wait3A_170 : memref<1x!tpu.dma_semaphore, #tpu.memory_space<semaphore_mem>> -> memref<!tpu.dma_semaphore, #tpu.memory_space<semaphore_mem>>
      tpu.wait_indirect_dma semaphore(%dma_wait3A_171 : memref<!tpu.dma_semaphore, #tpu.memory_space<semaphore_mem>>) src(%dma_wait3A_169 : memref<10240x128xf32, #tpu.memory_space<hbm>>) dst(%arg15 : memref<64x128xf32, #tpu.memory_space<vmem>>)
      %dma_wait3A_172 = arith.constant 0 : i32
      %dma_wait3A_173 = arith.constant 3 : i32
      %dma_wait3A_174 = arith.constant 0 : i32
      %dma_wait3A_175 = tpu.memref_slice %arg10[%dma_wait3A_172, %dma_wait3A_174] : memref<40x64xi32, #tpu.memory_space<vmem>> -> memref<1x64xi32, #tpu.memory_space<vmem>>
      %dma_wait3A_176 = tpu.memref_squeeze %dma_wait3A_175 : memref<1x64xi32, #tpu.memory_space<vmem>> -> memref<64xi32, #tpu.memory_space<vmem>>
      %dma_wait3A_177 = arith.constant 0 : i32
      %dma_wait3A_178 = tpu.memref_slice %arg3[%dma_wait3A_177] : memref<10240xf32, #tpu.memory_space<hbm>> -> memref<10240xf32, #tpu.memory_space<hbm>>
      %dma_wait3A_179 = tpu.memref_slice %arg24[%dma_wait3A_173] : memref<4x!tpu.dma_semaphore, #tpu.memory_space<semaphore_mem>> -> memref<1x!tpu.dma_semaphore, #tpu.memory_space<semaphore_mem>>
      %dma_wait3A_180 = tpu.memref_squeeze %dma_wait3A_179 : memref<1x!tpu.dma_semaphore, #tpu.memory_space<semaphore_mem>> -> memref<!tpu.dma_semaphore, #tpu.memory_space<semaphore_mem>>
      tpu.wait_indirect_dma semaphore(%dma_wait3A_180 : memref<!tpu.dma_semaphore, #tpu.memory_space<semaphore_mem>>) src(%dma_wait3A_178 : memref<10240xf32, #tpu.memory_space<hbm>>) dst(%arg19 : memref<64xf32, #tpu.memory_space<vmem>>)
    }
    %scan3A_9 = arith.constant 4 : i32
    %barrier3A_10 = arith.constant 0 : index
    tpu.barrier barrier_id(%barrier3A_10)
    %mul3A_11 = arith.constant 640 : i32
    %mul3A_12 = arith.muli %arg1, %mul3A_11 : i32
    %mul3A_13 = arith.constant 640 : i32
    %mul3A_14 = arith.muli %arg1, %mul3A_13 : i32
    "tpu.region"() ({
      %run_scoped3A = tpu.sem_alloc : memref<!tpu.dma_semaphore, #tpu.memory_space<semaphore_mem>>
      %dma_start3A = arith.constant 0 : i32
      %dma_start3A_19 = tpu.memref_slice %arg8[%arg0, %mul3A_14, %dma_start3A] : memref<2x10240x128xf32, #tpu.memory_space<hbm>> -> memref<1x640x128xf32, #tpu.memory_space<hbm>>
      %dma_start3A_20 = tpu.memref_squeeze %dma_start3A_19 : memref<1x640x128xf32, #tpu.memory_space<hbm>> -> memref<640x128xf32, #tpu.memory_space<hbm>>
      %dma_start3A_21 = arith.constant 0 : i32
      %dma_start3A_22 = tpu.memref_slice %arg20[%mul3A_12, %dma_start3A_21] : memref<10240x128xf32, #tpu.memory_space<vmem_shared>> -> memref<640x128xf32, #tpu.memory_space<vmem_shared>>
      tpu.enqueue_dma source(%dma_start3A_22 : memref<640x128xf32, #tpu.memory_space<vmem_shared>>) target(%dma_start3A_20 : memref<640x128xf32, #tpu.memory_space<hbm>>) target_semaphore(%run_scoped3A : memref<!tpu.dma_semaphore, #tpu.memory_space<semaphore_mem>>)
      %dma_wait3A = arith.constant 0 : i32
      %dma_wait3A_23 = tpu.memref_slice %arg8[%arg0, %mul3A_14, %dma_wait3A] : memref<2x10240x128xf32, #tpu.memory_space<hbm>> -> memref<1x640x128xf32, #tpu.memory_space<hbm>>
      %dma_wait3A_24 = tpu.memref_squeeze %dma_wait3A_23 : memref<1x640x128xf32, #tpu.memory_space<hbm>> -> memref<640x128xf32, #tpu.memory_space<hbm>>
      %dma_wait3A_25 = arith.constant 0 : i32
      %dma_wait3A_26 = tpu.memref_slice %arg20[%mul3A_12, %dma_wait3A_25] : memref<10240x128xf32, #tpu.memory_space<vmem_shared>> -> memref<640x128xf32, #tpu.memory_space<vmem_shared>>
      tpu.wait_dma2 semaphore(%run_scoped3A : memref<!tpu.dma_semaphore, #tpu.memory_space<semaphore_mem>>) src(%dma_wait3A_26 : memref<640x128xf32, #tpu.memory_space<vmem_shared>>) dst(%dma_wait3A_24 : memref<640x128xf32, #tpu.memory_space<hbm>>)
      tpu.yield
    }) : () -> ()
    %mul3A_15 = arith.constant 640 : i32
    %mul3A_16 = arith.muli %arg1, %mul3A_15 : i32
    %mul3A_17 = arith.constant 640 : i32
    %mul3A_18 = arith.muli %arg1, %mul3A_17 : i32
    "tpu.region"() ({
      %run_scoped3A = tpu.sem_alloc : memref<!tpu.dma_semaphore, #tpu.memory_space<semaphore_mem>>
      %dma_start3A = tpu.memref_slice %arg9[%arg0, %mul3A_18] : memref<2x10240xf32, #tpu.memory_space<hbm>> -> memref<1x640xf32, #tpu.memory_space<hbm>>
      %dma_start3A_19 = tpu.memref_squeeze %dma_start3A : memref<1x640xf32, #tpu.memory_space<hbm>> -> memref<640xf32, #tpu.memory_space<hbm>>
      %dma_start3A_20 = tpu.memref_slice %arg21[%mul3A_16] : memref<10240xf32, #tpu.memory_space<vmem_shared>> -> memref<640xf32, #tpu.memory_space<vmem_shared>>
      tpu.enqueue_dma source(%dma_start3A_20 : memref<640xf32, #tpu.memory_space<vmem_shared>>) target(%dma_start3A_19 : memref<640xf32, #tpu.memory_space<hbm>>) target_semaphore(%run_scoped3A : memref<!tpu.dma_semaphore, #tpu.memory_space<semaphore_mem>>)
      %dma_wait3A = tpu.memref_slice %arg9[%arg0, %mul3A_18] : memref<2x10240xf32, #tpu.memory_space<hbm>> -> memref<1x640xf32, #tpu.memory_space<hbm>>
      %dma_wait3A_21 = tpu.memref_squeeze %dma_wait3A : memref<1x640xf32, #tpu.memory_space<hbm>> -> memref<640xf32, #tpu.memory_space<hbm>>
      %dma_wait3A_22 = tpu.memref_slice %arg21[%mul3A_16] : memref<10240xf32, #tpu.memory_space<vmem_shared>> -> memref<640xf32, #tpu.memory_space<vmem_shared>>
      tpu.wait_dma2 semaphore(%run_scoped3A : memref<!tpu.dma_semaphore, #tpu.memory_space<semaphore_mem>>) src(%dma_wait3A_22 : memref<640xf32, #tpu.memory_space<vmem_shared>>) dst(%dma_wait3A_21 : memref<640xf32, #tpu.memory_space<hbm>>)
      tpu.yield
    }) : () -> ()
    return
  }
}

#map = affine_map<(d0, d1) -> (0, 0)>
#map1 = affine_map<(d0, d1) -> (0)>
#map2 = affine_map<(d0, d1) -> (0, 0, 0)>
module attributes {stable_mosaic.version = 14 : i64} {
  func.func @kern(%arg0: i32, %arg1: i32, %arg2: memref<10240x128xf32, #tpu.memory_space<hbm>>, %arg3: memref<10240xf32, #tpu.memory_space<hbm>>, %arg4: memref<5120x64xi32, #tpu.memory_space<hbm>>, %arg5: memref<5120x64xi32, #tpu.memory_space<hbm>>, %arg6: memref<640x128xf32, #tpu.memory_space<hbm>>, %arg7: memref<640xf32, #tpu.memory_space<hbm>>, %arg8: memref<2x10240x128xf32, #tpu.memory_space<hbm>>, %arg9: memref<2x10240xf32, #tpu.memory_space<hbm>>, %arg10: memref<40x64xi32, #tpu.memory_space<vmem>>, %arg11: memref<40x64xi32, #tpu.memory_space<vmem>>, %arg12: memref<64x128xf32, #tpu.memory_space<vmem>>, %arg13: memref<64x128xf32, #tpu.memory_space<vmem>>, %arg14: memref<64x128xf32, #tpu.memory_space<vmem>>, %arg15: memref<64x128xf32, #tpu.memory_space<vmem>>, %arg16: memref<64xf32, #tpu.memory_space<vmem>>, %arg17: memref<64xf32, #tpu.memory_space<vmem>>, %arg18: memref<64xf32, #tpu.memory_space<vmem>>, %arg19: memref<64xf32, #tpu.memory_space<vmem>>, %arg20: memref<10240x128xf32, #tpu.memory_space<vmem_shared>>, %arg21: memref<10240xf32, #tpu.memory_space<vmem_shared>>, %arg22: memref<4x!tpu.dma_semaphore, #tpu.memory_space<semaphore_mem>>, %arg23: memref<4x!tpu.dma_semaphore, #tpu.memory_space<semaphore_mem>>, %arg24: memref<4x!tpu.dma_semaphore, #tpu.memory_space<semaphore_mem>>, %arg25: memref<4x!tpu.dma_semaphore, #tpu.memory_space<semaphore_mem>>) attributes {dimension_semantics = [#tpu.dimension_semantics<core_parallel>, #tpu.dimension_semantics<subcore_parallel>], iteration_bounds = array<i64: 2, 16>, scalar_prefetch = 0 : i64, scratch_operands = 16 : i64, tpu.core_type = #tpu.core_type<sc_vector_subcore>, window_params = [{transform_indices = #map}, {transform_indices = #map1}, {transform_indices = #map}, {transform_indices = #map}, {transform_indices = #map}, {transform_indices = #map1}, {transform_indices = #map2}, {transform_indices = #map}]} {
    %mul3A = arith.constant 16 : i32
    %mul3A_0 = arith.muli %arg0, %mul3A : i32
    %add3A = arith.addi %mul3A_0, %arg1 : i32
    %mul3A_1 = arith.constant 640 : i32
    %mul3A_2 = arith.muli %arg1, %mul3A_1 : i32
    "tpu.region"() ({
      %run_scoped3A = tpu.sem_alloc : memref<!tpu.dma_semaphore, #tpu.memory_space<semaphore_mem>>
      %dma_start3A = arith.constant 0 : i32
      %dma_start3A_19 = tpu.memref_slice %arg20[%mul3A_2, %dma_start3A] : memref<10240x128xf32, #tpu.memory_space<vmem_shared>> -> memref<640x128xf32, #tpu.memory_space<vmem_shared>>
      tpu.enqueue_dma source(%arg6 : memref<640x128xf32, #tpu.memory_space<hbm>>) target(%dma_start3A_19 : memref<640x128xf32, #tpu.memory_space<vmem_shared>>) target_semaphore(%run_scoped3A : memref<!tpu.dma_semaphore, #tpu.memory_space<semaphore_mem>>)
      %dma_wait3A = arith.constant 0 : i32
      %dma_wait3A_20 = tpu.memref_slice %arg20[%mul3A_2, %dma_wait3A] : memref<10240x128xf32, #tpu.memory_space<vmem_shared>> -> memref<640x128xf32, #tpu.memory_space<vmem_shared>>
      tpu.wait_dma2 semaphore(%run_scoped3A : memref<!tpu.dma_semaphore, #tpu.memory_space<semaphore_mem>>) src(%arg6 : memref<640x128xf32, #tpu.memory_space<hbm>>) dst(%dma_wait3A_20 : memref<640x128xf32, #tpu.memory_space<vmem_shared>>)
      tpu.yield
    }) : () -> ()
    %mul3A_3 = arith.constant 640 : i32
    %mul3A_4 = arith.muli %arg1, %mul3A_3 : i32
    "tpu.region"() ({
      %run_scoped3A = tpu.sem_alloc : memref<!tpu.dma_semaphore, #tpu.memory_space<semaphore_mem>>
      %dma_start3A = tpu.memref_slice %arg21[%mul3A_4] : memref<10240xf32, #tpu.memory_space<vmem_shared>> -> memref<640xf32, #tpu.memory_space<vmem_shared>>
      tpu.enqueue_dma source(%arg7 : memref<640xf32, #tpu.memory_space<hbm>>) target(%dma_start3A : memref<640xf32, #tpu.memory_space<vmem_shared>>) target_semaphore(%run_scoped3A : memref<!tpu.dma_semaphore, #tpu.memory_space<semaphore_mem>>)
      %dma_wait3A = tpu.memref_slice %arg21[%mul3A_4] : memref<10240xf32, #tpu.memory_space<vmem_shared>> -> memref<640xf32, #tpu.memory_space<vmem_shared>>
      tpu.wait_dma2 semaphore(%run_scoped3A : memref<!tpu.dma_semaphore, #tpu.memory_space<semaphore_mem>>) src(%arg7 : memref<640xf32, #tpu.memory_space<hbm>>) dst(%dma_wait3A : memref<640xf32, #tpu.memory_space<vmem_shared>>)
      tpu.yield
    }) : () -> ()
    %barrier3A = arith.constant 0 : index
    tpu.barrier barrier_id(%barrier3A)
    %scan3A = arith.constant 0 : i32
    %scan3A_5 = arith.constant 0 : i32
    %scan3A_6 = arith.constant 4 : i32
    %scan3A_7 = arith.addi %scan3A_5, %scan3A_6 : i32
    %scan3A_8 = arith.constant 1 : i32
    scf.for %scan3A_19 = %scan3A_5 to %scan3A_7 step %scan3A_8  : i32 {
      %mul3A_20 = arith.constant 160 : i32
      %mul3A_21 = arith.muli %add3A, %mul3A_20 : i32
      %mul3A_22 = arith.constant 40 : i32
      %mul3A_23 = arith.muli %scan3A_19, %mul3A_22 : i32
      %add3A_24 = arith.addi %mul3A_21, %mul3A_23 : i32
      "tpu.region"() ({
        %run_scoped3A = tpu.sem_alloc : memref<!tpu.dma_semaphore, #tpu.memory_space<semaphore_mem>>
        %dma_start3A_181 = arith.constant 0 : i32
        %dma_start3A_182 = tpu.memref_slice %arg5[%add3A_24, %dma_start3A_181] : memref<5120x64xi32, #tpu.memory_space<hbm>> -> memref<40x64xi32, #tpu.memory_space<hbm>>
        %dma_start3A_183 = arith.constant 0 : i32
        %dma_start3A_184 = tpu.memref_slice %arg5[%add3A_24, %dma_start3A_183] : memref<5120x64xi32, #tpu.memory_space<hbm>> -> memref<40x64xi32, #tpu.memory_space<hbm>>
        tpu.enqueue_dma source(%dma_start3A_184 : memref<40x64xi32, #tpu.memory_space<hbm>>) target(%arg11 : memref<40x64xi32, #tpu.memory_space<vmem>>) target_semaphore(%run_scoped3A : memref<!tpu.dma_semaphore, #tpu.memory_space<semaphore_mem>>)
        %dma_wait3A_185 = arith.constant 0 : i32
        %dma_wait3A_186 = tpu.memref_slice %arg5[%add3A_24, %dma_wait3A_185] : memref<5120x64xi32, #tpu.memory_space<hbm>> -> memref<40x64xi32, #tpu.memory_space<hbm>>
        %dma_wait3A_187 = arith.constant 0 : i32
        %dma_wait3A_188 = tpu.memref_slice %arg5[%add3A_24, %dma_wait3A_187] : memref<5120x64xi32, #tpu.memory_space<hbm>> -> memref<40x64xi32, #tpu.memory_space<hbm>>
        tpu.wait_dma2 semaphore(%run_scoped3A : memref<!tpu.dma_semaphore, #tpu.memory_space<semaphore_mem>>) src(%dma_wait3A_188 : memref<40x64xi32, #tpu.memory_space<hbm>>) dst(%arg11 : memref<40x64xi32, #tpu.memory_space<vmem>>)
        tpu.yield
      }) : () -> ()
      "tpu.region"() ({
        %run_scoped3A = tpu.sem_alloc : memref<!tpu.dma_semaphore, #tpu.memory_space<semaphore_mem>>
        %dma_start3A_181 = arith.constant 0 : i32
        %dma_start3A_182 = tpu.memref_slice %arg4[%add3A_24, %dma_start3A_181] : memref<5120x64xi32, #tpu.memory_space<hbm>> -> memref<40x64xi32, #tpu.memory_space<hbm>>
        %dma_start3A_183 = arith.constant 0 : i32
        %dma_start3A_184 = tpu.memref_slice %arg4[%add3A_24, %dma_start3A_183] : memref<5120x64xi32, #tpu.memory_space<hbm>> -> memref<40x64xi32, #tpu.memory_space<hbm>>
        tpu.enqueue_dma source(%dma_start3A_184 : memref<40x64xi32, #tpu.memory_space<hbm>>) target(%arg10 : memref<40x64xi32, #tpu.memory_space<vmem>>) target_semaphore(%run_scoped3A : memref<!tpu.dma_semaphore, #tpu.memory_space<semaphore_mem>>)
        %dma_wait3A_185 = arith.constant 0 : i32
        %dma_wait3A_186 = tpu.memref_slice %arg4[%add3A_24, %dma_wait3A_185] : memref<5120x64xi32, #tpu.memory_space<hbm>> -> memref<40x64xi32, #tpu.memory_space<hbm>>
        %dma_wait3A_187 = arith.constant 0 : i32
        %dma_wait3A_188 = tpu.memref_slice %arg4[%add3A_24, %dma_wait3A_187] : memref<5120x64xi32, #tpu.memory_space<hbm>> -> memref<40x64xi32, #tpu.memory_space<hbm>>
        tpu.wait_dma2 semaphore(%run_scoped3A : memref<!tpu.dma_semaphore, #tpu.memory_space<semaphore_mem>>) src(%dma_wait3A_188 : memref<40x64xi32, #tpu.memory_space<hbm>>) dst(%arg10 : memref<40x64xi32, #tpu.memory_space<vmem>>)
        tpu.yield
      }) : () -> ()
      %dma_start3A = arith.constant 0 : i32
      %dma_start3A_25 = arith.constant 0 : i32
      %dma_start3A_26 = arith.constant 0 : i32
      %dma_start3A_27 = tpu.memref_slice %arg10[%dma_start3A, %dma_start3A_26] : memref<40x64xi32, #tpu.memory_space<vmem>> -> memref<1x64xi32, #tpu.memory_space<vmem>>
      %dma_start3A_28 = tpu.memref_squeeze %dma_start3A_27 : memref<1x64xi32, #tpu.memory_space<vmem>> -> memref<64xi32, #tpu.memory_space<vmem>>
      %dma_start3A_29 = arith.constant 0 : i32
      %dma_start3A_30 = arith.constant 0 : i32
      %dma_start3A_31 = tpu.memref_slice %arg2[%dma_start3A_29, %dma_start3A_30] : memref<10240x128xf32, #tpu.memory_space<hbm>> -> memref<10240x128xf32, #tpu.memory_space<hbm>>
      %dma_start3A_32 = tpu.memref_slice %arg22[%dma_start3A_25] : memref<4x!tpu.dma_semaphore, #tpu.memory_space<semaphore_mem>> -> memref<1x!tpu.dma_semaphore, #tpu.memory_space<semaphore_mem>>
      %dma_start3A_33 = tpu.memref_squeeze %dma_start3A_32 : memref<1x!tpu.dma_semaphore, #tpu.memory_space<semaphore_mem>> -> memref<!tpu.dma_semaphore, #tpu.memory_space<semaphore_mem>>
      tpu.enqueue_indirect_dma source(%dma_start3A_31 : memref<10240x128xf32, #tpu.memory_space<hbm>>) target(%arg12 : memref<64x128xf32, #tpu.memory_space<vmem>>) offsets(%dma_start3A_28 : memref<64xi32, #tpu.memory_space<vmem>>) semaphore(%dma_start3A_33 : memref<!tpu.dma_semaphore, #tpu.memory_space<semaphore_mem>>)
      %dma_start3A_34 = arith.constant 0 : i32
      %dma_start3A_35 = arith.constant 0 : i32
      %dma_start3A_36 = arith.constant 0 : i32
      %dma_start3A_37 = tpu.memref_slice %arg10[%dma_start3A_34, %dma_start3A_36] : memref<40x64xi32, #tpu.memory_space<vmem>> -> memref<1x64xi32, #tpu.memory_space<vmem>>
      %dma_start3A_38 = tpu.memref_squeeze %dma_start3A_37 : memref<1x64xi32, #tpu.memory_space<vmem>> -> memref<64xi32, #tpu.memory_space<vmem>>
      %dma_start3A_39 = arith.constant 0 : i32
      %dma_start3A_40 = tpu.memref_slice %arg3[%dma_start3A_39] : memref<10240xf32, #tpu.memory_space<hbm>> -> memref<10240xf32, #tpu.memory_space<hbm>>
      %dma_start3A_41 = tpu.memref_slice %arg24[%dma_start3A_35] : memref<4x!tpu.dma_semaphore, #tpu.memory_space<semaphore_mem>> -> memref<1x!tpu.dma_semaphore, #tpu.memory_space<semaphore_mem>>
      %dma_start3A_42 = tpu.memref_squeeze %dma_start3A_41 : memref<1x!tpu.dma_semaphore, #tpu.memory_space<semaphore_mem>> -> memref<!tpu.dma_semaphore, #tpu.memory_space<semaphore_mem>>
      tpu.enqueue_indirect_dma source(%dma_start3A_40 : memref<10240xf32, #tpu.memory_space<hbm>>) target(%arg16 : memref<64xf32, #tpu.memory_space<vmem>>) offsets(%dma_start3A_38 : memref<64xi32, #tpu.memory_space<vmem>>) semaphore(%dma_start3A_42 : memref<!tpu.dma_semaphore, #tpu.memory_space<semaphore_mem>>)
      %dma_start3A_43 = arith.constant 1 : i32
      %dma_start3A_44 = arith.constant 1 : i32
      %dma_start3A_45 = arith.constant 0 : i32
      %dma_start3A_46 = tpu.memref_slice %arg10[%dma_start3A_43, %dma_start3A_45] : memref<40x64xi32, #tpu.memory_space<vmem>> -> memref<1x64xi32, #tpu.memory_space<vmem>>
      %dma_start3A_47 = tpu.memref_squeeze %dma_start3A_46 : memref<1x64xi32, #tpu.memory_space<vmem>> -> memref<64xi32, #tpu.memory_space<vmem>>
      %dma_start3A_48 = arith.constant 0 : i32
      %dma_start3A_49 = arith.constant 0 : i32
      %dma_start3A_50 = tpu.memref_slice %arg2[%dma_start3A_48, %dma_start3A_49] : memref<10240x128xf32, #tpu.memory_space<hbm>> -> memref<10240x128xf32, #tpu.memory_space<hbm>>
      %dma_start3A_51 = tpu.memref_slice %arg22[%dma_start3A_44] : memref<4x!tpu.dma_semaphore, #tpu.memory_space<semaphore_mem>> -> memref<1x!tpu.dma_semaphore, #tpu.memory_space<semaphore_mem>>
      %dma_start3A_52 = tpu.memref_squeeze %dma_start3A_51 : memref<1x!tpu.dma_semaphore, #tpu.memory_space<semaphore_mem>> -> memref<!tpu.dma_semaphore, #tpu.memory_space<semaphore_mem>>
      tpu.enqueue_indirect_dma source(%dma_start3A_50 : memref<10240x128xf32, #tpu.memory_space<hbm>>) target(%arg13 : memref<64x128xf32, #tpu.memory_space<vmem>>) offsets(%dma_start3A_47 : memref<64xi32, #tpu.memory_space<vmem>>) semaphore(%dma_start3A_52 : memref<!tpu.dma_semaphore, #tpu.memory_space<semaphore_mem>>)
      %dma_start3A_53 = arith.constant 1 : i32
      %dma_start3A_54 = arith.constant 1 : i32
      %dma_start3A_55 = arith.constant 0 : i32
      %dma_start3A_56 = tpu.memref_slice %arg10[%dma_start3A_53, %dma_start3A_55] : memref<40x64xi32, #tpu.memory_space<vmem>> -> memref<1x64xi32, #tpu.memory_space<vmem>>
      %dma_start3A_57 = tpu.memref_squeeze %dma_start3A_56 : memref<1x64xi32, #tpu.memory_space<vmem>> -> memref<64xi32, #tpu.memory_space<vmem>>
      %dma_start3A_58 = arith.constant 0 : i32
      %dma_start3A_59 = tpu.memref_slice %arg3[%dma_start3A_58] : memref<10240xf32, #tpu.memory_space<hbm>> -> memref<10240xf32, #tpu.memory_space<hbm>>
      %dma_start3A_60 = tpu.memref_slice %arg24[%dma_start3A_54] : memref<4x!tpu.dma_semaphore, #tpu.memory_space<semaphore_mem>> -> memref<1x!tpu.dma_semaphore, #tpu.memory_space<semaphore_mem>>
      %dma_start3A_61 = tpu.memref_squeeze %dma_start3A_60 : memref<1x!tpu.dma_semaphore, #tpu.memory_space<semaphore_mem>> -> memref<!tpu.dma_semaphore, #tpu.memory_space<semaphore_mem>>
      tpu.enqueue_indirect_dma source(%dma_start3A_59 : memref<10240xf32, #tpu.memory_space<hbm>>) target(%arg17 : memref<64xf32, #tpu.memory_space<vmem>>) offsets(%dma_start3A_57 : memref<64xi32, #tpu.memory_space<vmem>>) semaphore(%dma_start3A_61 : memref<!tpu.dma_semaphore, #tpu.memory_space<semaphore_mem>>)
      %dma_start3A_62 = arith.constant 2 : i32
      %dma_start3A_63 = arith.constant 2 : i32
      %dma_start3A_64 = arith.constant 0 : i32
      %dma_start3A_65 = tpu.memref_slice %arg10[%dma_start3A_62, %dma_start3A_64] : memref<40x64xi32, #tpu.memory_space<vmem>> -> memref<1x64xi32, #tpu.memory_space<vmem>>
      %dma_start3A_66 = tpu.memref_squeeze %dma_start3A_65 : memref<1x64xi32, #tpu.memory_space<vmem>> -> memref<64xi32, #tpu.memory_space<vmem>>
      %dma_start3A_67 = arith.constant 0 : i32
      %dma_start3A_68 = arith.constant 0 : i32
      %dma_start3A_69 = tpu.memref_slice %arg2[%dma_start3A_67, %dma_start3A_68] : memref<10240x128xf32, #tpu.memory_space<hbm>> -> memref<10240x128xf32, #tpu.memory_space<hbm>>
      %dma_start3A_70 = tpu.memref_slice %arg22[%dma_start3A_63] : memref<4x!tpu.dma_semaphore, #tpu.memory_space<semaphore_mem>> -> memref<1x!tpu.dma_semaphore, #tpu.memory_space<semaphore_mem>>
      %dma_start3A_71 = tpu.memref_squeeze %dma_start3A_70 : memref<1x!tpu.dma_semaphore, #tpu.memory_space<semaphore_mem>> -> memref<!tpu.dma_semaphore, #tpu.memory_space<semaphore_mem>>
      tpu.enqueue_indirect_dma source(%dma_start3A_69 : memref<10240x128xf32, #tpu.memory_space<hbm>>) target(%arg14 : memref<64x128xf32, #tpu.memory_space<vmem>>) offsets(%dma_start3A_66 : memref<64xi32, #tpu.memory_space<vmem>>) semaphore(%dma_start3A_71 : memref<!tpu.dma_semaphore, #tpu.memory_space<semaphore_mem>>)
      %dma_start3A_72 = arith.constant 2 : i32
      %dma_start3A_73 = arith.constant 2 : i32
      %dma_start3A_74 = arith.constant 0 : i32
      %dma_start3A_75 = tpu.memref_slice %arg10[%dma_start3A_72, %dma_start3A_74] : memref<40x64xi32, #tpu.memory_space<vmem>> -> memref<1x64xi32, #tpu.memory_space<vmem>>
      %dma_start3A_76 = tpu.memref_squeeze %dma_start3A_75 : memref<1x64xi32, #tpu.memory_space<vmem>> -> memref<64xi32, #tpu.memory_space<vmem>>
      %dma_start3A_77 = arith.constant 0 : i32
      %dma_start3A_78 = tpu.memref_slice %arg3[%dma_start3A_77] : memref<10240xf32, #tpu.memory_space<hbm>> -> memref<10240xf32, #tpu.memory_space<hbm>>
      %dma_start3A_79 = tpu.memref_slice %arg24[%dma_start3A_73] : memref<4x!tpu.dma_semaphore, #tpu.memory_space<semaphore_mem>> -> memref<1x!tpu.dma_semaphore, #tpu.memory_space<semaphore_mem>>
      %dma_start3A_80 = tpu.memref_squeeze %dma_start3A_79 : memref<1x!tpu.dma_semaphore, #tpu.memory_space<semaphore_mem>> -> memref<!tpu.dma_semaphore, #tpu.memory_space<semaphore_mem>>
      tpu.enqueue_indirect_dma source(%dma_start3A_78 : memref<10240xf32, #tpu.memory_space<hbm>>) target(%arg18 : memref<64xf32, #tpu.memory_space<vmem>>) offsets(%dma_start3A_76 : memref<64xi32, #tpu.memory_space<vmem>>) semaphore(%dma_start3A_80 : memref<!tpu.dma_semaphore, #tpu.memory_space<semaphore_mem>>)
      %dma_start3A_81 = arith.constant 3 : i32
      %dma_start3A_82 = arith.constant 3 : i32
      %dma_start3A_83 = arith.constant 0 : i32
      %dma_start3A_84 = tpu.memref_slice %arg10[%dma_start3A_81, %dma_start3A_83] : memref<40x64xi32, #tpu.memory_space<vmem>> -> memref<1x64xi32, #tpu.memory_space<vmem>>
      %dma_start3A_85 = tpu.memref_squeeze %dma_start3A_84 : memref<1x64xi32, #tpu.memory_space<vmem>> -> memref<64xi32, #tpu.memory_space<vmem>>
      %dma_start3A_86 = arith.constant 0 : i32
      %dma_start3A_87 = arith.constant 0 : i32
      %dma_start3A_88 = tpu.memref_slice %arg2[%dma_start3A_86, %dma_start3A_87] : memref<10240x128xf32, #tpu.memory_space<hbm>> -> memref<10240x128xf32, #tpu.memory_space<hbm>>
      %dma_start3A_89 = tpu.memref_slice %arg22[%dma_start3A_82] : memref<4x!tpu.dma_semaphore, #tpu.memory_space<semaphore_mem>> -> memref<1x!tpu.dma_semaphore, #tpu.memory_space<semaphore_mem>>
      %dma_start3A_90 = tpu.memref_squeeze %dma_start3A_89 : memref<1x!tpu.dma_semaphore, #tpu.memory_space<semaphore_mem>> -> memref<!tpu.dma_semaphore, #tpu.memory_space<semaphore_mem>>
      tpu.enqueue_indirect_dma source(%dma_start3A_88 : memref<10240x128xf32, #tpu.memory_space<hbm>>) target(%arg15 : memref<64x128xf32, #tpu.memory_space<vmem>>) offsets(%dma_start3A_85 : memref<64xi32, #tpu.memory_space<vmem>>) semaphore(%dma_start3A_90 : memref<!tpu.dma_semaphore, #tpu.memory_space<semaphore_mem>>)
      %dma_start3A_91 = arith.constant 3 : i32
      %dma_start3A_92 = arith.constant 3 : i32
      %dma_start3A_93 = arith.constant 0 : i32
      %dma_start3A_94 = tpu.memref_slice %arg10[%dma_start3A_91, %dma_start3A_93] : memref<40x64xi32, #tpu.memory_space<vmem>> -> memref<1x64xi32, #tpu.memory_space<vmem>>
      %dma_start3A_95 = tpu.memref_squeeze %dma_start3A_94 : memref<1x64xi32, #tpu.memory_space<vmem>> -> memref<64xi32, #tpu.memory_space<vmem>>
      %dma_start3A_96 = arith.constant 0 : i32
      %dma_start3A_97 = tpu.memref_slice %arg3[%dma_start3A_96] : memref<10240xf32, #tpu.memory_space<hbm>> -> memref<10240xf32, #tpu.memory_space<hbm>>
      %dma_start3A_98 = tpu.memref_slice %arg24[%dma_start3A_92] : memref<4x!tpu.dma_semaphore, #tpu.memory_space<semaphore_mem>> -> memref<1x!tpu.dma_semaphore, #tpu.memory_space<semaphore_mem>>
      %dma_start3A_99 = tpu.memref_squeeze %dma_start3A_98 : memref<1x!tpu.dma_semaphore, #tpu.memory_space<semaphore_mem>> -> memref<!tpu.dma_semaphore, #tpu.memory_space<semaphore_mem>>
      tpu.enqueue_indirect_dma source(%dma_start3A_97 : memref<10240xf32, #tpu.memory_space<hbm>>) target(%arg19 : memref<64xf32, #tpu.memory_space<vmem>>) offsets(%dma_start3A_95 : memref<64xi32, #tpu.memory_space<vmem>>) semaphore(%dma_start3A_99 : memref<!tpu.dma_semaphore, #tpu.memory_space<semaphore_mem>>)
      %scan3A_100 = arith.constant 0 : i32
      %scan3A_101 = arith.constant 0 : i32
      %scan3A_102 = arith.constant 10 : i32
      %scan3A_103 = arith.addi %scan3A_101, %scan3A_102 : i32
      %scan3A_104 = arith.constant 1 : i32
      scf.for %scan3A_181 = %scan3A_101 to %scan3A_103 step %scan3A_104  : i32 {
        %mul3A_182 = arith.constant 4 : i32
        %mul3A_183 = arith.muli %scan3A_181, %mul3A_182 : i32
        %dma_wait3A_184 = arith.constant 0 : i32
        %dma_wait3A_185 = arith.constant 0 : i32
        %dma_wait3A_186 = arith.constant 0 : i32
        %dma_wait3A_187 = tpu.memref_slice %arg10[%dma_wait3A_184, %dma_wait3A_186] : memref<40x64xi32, #tpu.memory_space<vmem>> -> memref<1x64xi32, #tpu.memory_space<vmem>>
        %dma_wait3A_188 = tpu.memref_squeeze %dma_wait3A_187 : memref<1x64xi32, #tpu.memory_space<vmem>> -> memref<64xi32, #tpu.memory_space<vmem>>
        %dma_wait3A_189 = arith.constant 0 : i32
        %dma_wait3A_190 = arith.constant 0 : i32
        %dma_wait3A_191 = tpu.memref_slice %arg2[%dma_wait3A_189, %dma_wait3A_190] : memref<10240x128xf32, #tpu.memory_space<hbm>> -> memref<10240x128xf32, #tpu.memory_space<hbm>>
        %dma_wait3A_192 = tpu.memref_slice %arg22[%dma_wait3A_185] : memref<4x!tpu.dma_semaphore, #tpu.memory_space<semaphore_mem>> -> memref<1x!tpu.dma_semaphore, #tpu.memory_space<semaphore_mem>>
        %dma_wait3A_193 = tpu.memref_squeeze %dma_wait3A_192 : memref<1x!tpu.dma_semaphore, #tpu.memory_space<semaphore_mem>> -> memref<!tpu.dma_semaphore, #tpu.memory_space<semaphore_mem>>
        tpu.wait_indirect_dma semaphore(%dma_wait3A_193 : memref<!tpu.dma_semaphore, #tpu.memory_space<semaphore_mem>>) src(%dma_wait3A_191 : memref<10240x128xf32, #tpu.memory_space<hbm>>) dst(%arg12 : memref<64x128xf32, #tpu.memory_space<vmem>>)
        %add3A_194 = arith.constant 0 : i32
        %add3A_195 = arith.addi %mul3A_183, %add3A_194 : i32
        %dma_start3A_196 = arith.constant 0 : i32
        %dma_start3A_197 = arith.constant 0 : i32
        %dma_start3A_198 = tpu.memref_slice %arg11[%add3A_195, %dma_start3A_197] : memref<40x64xi32, #tpu.memory_space<vmem>> -> memref<1x64xi32, #tpu.memory_space<vmem>>
        %dma_start3A_199 = tpu.memref_squeeze %dma_start3A_198 : memref<1x64xi32, #tpu.memory_space<vmem>> -> memref<64xi32, #tpu.memory_space<vmem>>
        %dma_start3A_200 = arith.constant 0 : i32
        %dma_start3A_201 = arith.constant 0 : i32
        %dma_start3A_202 = tpu.memref_slice %arg20[%dma_start3A_200, %dma_start3A_201] : memref<10240x128xf32, #tpu.memory_space<vmem_shared>> -> memref<10240x128xf32, #tpu.memory_space<vmem_shared>>
        %dma_start3A_203 = tpu.memref_slice %arg23[%dma_start3A_196] : memref<4x!tpu.dma_semaphore, #tpu.memory_space<semaphore_mem>> -> memref<1x!tpu.dma_semaphore, #tpu.memory_space<semaphore_mem>>
        %dma_start3A_204 = tpu.memref_squeeze %dma_start3A_203 : memref<1x!tpu.dma_semaphore, #tpu.memory_space<semaphore_mem>> -> memref<!tpu.dma_semaphore, #tpu.memory_space<semaphore_mem>>
        tpu.enqueue_indirect_dma source(%arg12 : memref<64x128xf32, #tpu.memory_space<vmem>>) target(%dma_start3A_202 : memref<10240x128xf32, #tpu.memory_space<vmem_shared>>) offsets(%dma_start3A_199 : memref<64xi32, #tpu.memory_space<vmem>>) semaphore(%dma_start3A_204 : memref<!tpu.dma_semaphore, #tpu.memory_space<semaphore_mem>>) {add = true}
        %dma_wait3A_205 = arith.constant 0 : i32
        %dma_wait3A_206 = arith.constant 0 : i32
        %dma_wait3A_207 = arith.constant 0 : i32
        %dma_wait3A_208 = tpu.memref_slice %arg10[%dma_wait3A_205, %dma_wait3A_207] : memref<40x64xi32, #tpu.memory_space<vmem>> -> memref<1x64xi32, #tpu.memory_space<vmem>>
        %dma_wait3A_209 = tpu.memref_squeeze %dma_wait3A_208 : memref<1x64xi32, #tpu.memory_space<vmem>> -> memref<64xi32, #tpu.memory_space<vmem>>
        %dma_wait3A_210 = arith.constant 0 : i32
        %dma_wait3A_211 = tpu.memref_slice %arg3[%dma_wait3A_210] : memref<10240xf32, #tpu.memory_space<hbm>> -> memref<10240xf32, #tpu.memory_space<hbm>>
        %dma_wait3A_212 = tpu.memref_slice %arg24[%dma_wait3A_206] : memref<4x!tpu.dma_semaphore, #tpu.memory_space<semaphore_mem>> -> memref<1x!tpu.dma_semaphore, #tpu.memory_space<semaphore_mem>>
        %dma_wait3A_213 = tpu.memref_squeeze %dma_wait3A_212 : memref<1x!tpu.dma_semaphore, #tpu.memory_space<semaphore_mem>> -> memref<!tpu.dma_semaphore, #tpu.memory_space<semaphore_mem>>
        tpu.wait_indirect_dma semaphore(%dma_wait3A_213 : memref<!tpu.dma_semaphore, #tpu.memory_space<semaphore_mem>>) src(%dma_wait3A_211 : memref<10240xf32, #tpu.memory_space<hbm>>) dst(%arg16 : memref<64xf32, #tpu.memory_space<vmem>>)
        %add3A_214 = arith.constant 0 : i32
        %add3A_215 = arith.addi %mul3A_183, %add3A_214 : i32
        %dma_start3A_216 = arith.constant 0 : i32
        %dma_start3A_217 = arith.constant 0 : i32
        %dma_start3A_218 = tpu.memref_slice %arg11[%add3A_215, %dma_start3A_217] : memref<40x64xi32, #tpu.memory_space<vmem>> -> memref<1x64xi32, #tpu.memory_space<vmem>>
        %dma_start3A_219 = tpu.memref_squeeze %dma_start3A_218 : memref<1x64xi32, #tpu.memory_space<vmem>> -> memref<64xi32, #tpu.memory_space<vmem>>
        %dma_start3A_220 = arith.constant 0 : i32
        %dma_start3A_221 = tpu.memref_slice %arg21[%dma_start3A_220] : memref<10240xf32, #tpu.memory_space<vmem_shared>> -> memref<10240xf32, #tpu.memory_space<vmem_shared>>
        %dma_start3A_222 = tpu.memref_slice %arg25[%dma_start3A_216] : memref<4x!tpu.dma_semaphore, #tpu.memory_space<semaphore_mem>> -> memref<1x!tpu.dma_semaphore, #tpu.memory_space<semaphore_mem>>
        %dma_start3A_223 = tpu.memref_squeeze %dma_start3A_222 : memref<1x!tpu.dma_semaphore, #tpu.memory_space<semaphore_mem>> -> memref<!tpu.dma_semaphore, #tpu.memory_space<semaphore_mem>>
        tpu.enqueue_indirect_dma source(%arg16 : memref<64xf32, #tpu.memory_space<vmem>>) target(%dma_start3A_221 : memref<10240xf32, #tpu.memory_space<vmem_shared>>) offsets(%dma_start3A_219 : memref<64xi32, #tpu.memory_space<vmem>>) semaphore(%dma_start3A_223 : memref<!tpu.dma_semaphore, #tpu.memory_space<semaphore_mem>>) {add = true}
        %dma_wait3A_224 = arith.constant 0 : i32
        %dma_wait3A_225 = arith.constant 1 : i32
        %dma_wait3A_226 = arith.constant 0 : i32
        %dma_wait3A_227 = tpu.memref_slice %arg10[%dma_wait3A_224, %dma_wait3A_226] : memref<40x64xi32, #tpu.memory_space<vmem>> -> memref<1x64xi32, #tpu.memory_space<vmem>>
        %dma_wait3A_228 = tpu.memref_squeeze %dma_wait3A_227 : memref<1x64xi32, #tpu.memory_space<vmem>> -> memref<64xi32, #tpu.memory_space<vmem>>
        %dma_wait3A_229 = arith.constant 0 : i32
        %dma_wait3A_230 = arith.constant 0 : i32
        %dma_wait3A_231 = tpu.memref_slice %arg2[%dma_wait3A_229, %dma_wait3A_230] : memref<10240x128xf32, #tpu.memory_space<hbm>> -> memref<10240x128xf32, #tpu.memory_space<hbm>>
        %dma_wait3A_232 = tpu.memref_slice %arg22[%dma_wait3A_225] : memref<4x!tpu.dma_semaphore, #tpu.memory_space<semaphore_mem>> -> memref<1x!tpu.dma_semaphore, #tpu.memory_space<semaphore_mem>>
        %dma_wait3A_233 = tpu.memref_squeeze %dma_wait3A_232 : memref<1x!tpu.dma_semaphore, #tpu.memory_space<semaphore_mem>> -> memref<!tpu.dma_semaphore, #tpu.memory_space<semaphore_mem>>
        tpu.wait_indirect_dma semaphore(%dma_wait3A_233 : memref<!tpu.dma_semaphore, #tpu.memory_space<semaphore_mem>>) src(%dma_wait3A_231 : memref<10240x128xf32, #tpu.memory_space<hbm>>) dst(%arg13 : memref<64x128xf32, #tpu.memory_space<vmem>>)
        %add3A_234 = arith.constant 1 : i32
        %add3A_235 = arith.addi %mul3A_183, %add3A_234 : i32
        %dma_start3A_236 = arith.constant 1 : i32
        %dma_start3A_237 = arith.constant 0 : i32
        %dma_start3A_238 = tpu.memref_slice %arg11[%add3A_235, %dma_start3A_237] : memref<40x64xi32, #tpu.memory_space<vmem>> -> memref<1x64xi32, #tpu.memory_space<vmem>>
        %dma_start3A_239 = tpu.memref_squeeze %dma_start3A_238 : memref<1x64xi32, #tpu.memory_space<vmem>> -> memref<64xi32, #tpu.memory_space<vmem>>
        %dma_start3A_240 = arith.constant 0 : i32
        %dma_start3A_241 = arith.constant 0 : i32
        %dma_start3A_242 = tpu.memref_slice %arg20[%dma_start3A_240, %dma_start3A_241] : memref<10240x128xf32, #tpu.memory_space<vmem_shared>> -> memref<10240x128xf32, #tpu.memory_space<vmem_shared>>
        %dma_start3A_243 = tpu.memref_slice %arg23[%dma_start3A_236] : memref<4x!tpu.dma_semaphore, #tpu.memory_space<semaphore_mem>> -> memref<1x!tpu.dma_semaphore, #tpu.memory_space<semaphore_mem>>
        %dma_start3A_244 = tpu.memref_squeeze %dma_start3A_243 : memref<1x!tpu.dma_semaphore, #tpu.memory_space<semaphore_mem>> -> memref<!tpu.dma_semaphore, #tpu.memory_space<semaphore_mem>>
        tpu.enqueue_indirect_dma source(%arg13 : memref<64x128xf32, #tpu.memory_space<vmem>>) target(%dma_start3A_242 : memref<10240x128xf32, #tpu.memory_space<vmem_shared>>) offsets(%dma_start3A_239 : memref<64xi32, #tpu.memory_space<vmem>>) semaphore(%dma_start3A_244 : memref<!tpu.dma_semaphore, #tpu.memory_space<semaphore_mem>>) {add = true}
        %dma_wait3A_245 = arith.constant 0 : i32
        %dma_wait3A_246 = arith.constant 1 : i32
        %dma_wait3A_247 = arith.constant 0 : i32
        %dma_wait3A_248 = tpu.memref_slice %arg10[%dma_wait3A_245, %dma_wait3A_247] : memref<40x64xi32, #tpu.memory_space<vmem>> -> memref<1x64xi32, #tpu.memory_space<vmem>>
        %dma_wait3A_249 = tpu.memref_squeeze %dma_wait3A_248 : memref<1x64xi32, #tpu.memory_space<vmem>> -> memref<64xi32, #tpu.memory_space<vmem>>
        %dma_wait3A_250 = arith.constant 0 : i32
        %dma_wait3A_251 = tpu.memref_slice %arg3[%dma_wait3A_250] : memref<10240xf32, #tpu.memory_space<hbm>> -> memref<10240xf32, #tpu.memory_space<hbm>>
        %dma_wait3A_252 = tpu.memref_slice %arg24[%dma_wait3A_246] : memref<4x!tpu.dma_semaphore, #tpu.memory_space<semaphore_mem>> -> memref<1x!tpu.dma_semaphore, #tpu.memory_space<semaphore_mem>>
        %dma_wait3A_253 = tpu.memref_squeeze %dma_wait3A_252 : memref<1x!tpu.dma_semaphore, #tpu.memory_space<semaphore_mem>> -> memref<!tpu.dma_semaphore, #tpu.memory_space<semaphore_mem>>
        tpu.wait_indirect_dma semaphore(%dma_wait3A_253 : memref<!tpu.dma_semaphore, #tpu.memory_space<semaphore_mem>>) src(%dma_wait3A_251 : memref<10240xf32, #tpu.memory_space<hbm>>) dst(%arg17 : memref<64xf32, #tpu.memory_space<vmem>>)
        %add3A_254 = arith.constant 1 : i32
        %add3A_255 = arith.addi %mul3A_183, %add3A_254 : i32
        %dma_start3A_256 = arith.constant 1 : i32
        %dma_start3A_257 = arith.constant 0 : i32
        %dma_start3A_258 = tpu.memref_slice %arg11[%add3A_255, %dma_start3A_257] : memref<40x64xi32, #tpu.memory_space<vmem>> -> memref<1x64xi32, #tpu.memory_space<vmem>>
        %dma_start3A_259 = tpu.memref_squeeze %dma_start3A_258 : memref<1x64xi32, #tpu.memory_space<vmem>> -> memref<64xi32, #tpu.memory_space<vmem>>
        %dma_start3A_260 = arith.constant 0 : i32
        %dma_start3A_261 = tpu.memref_slice %arg21[%dma_start3A_260] : memref<10240xf32, #tpu.memory_space<vmem_shared>> -> memref<10240xf32, #tpu.memory_space<vmem_shared>>
        %dma_start3A_262 = tpu.memref_slice %arg25[%dma_start3A_256] : memref<4x!tpu.dma_semaphore, #tpu.memory_space<semaphore_mem>> -> memref<1x!tpu.dma_semaphore, #tpu.memory_space<semaphore_mem>>
        %dma_start3A_263 = tpu.memref_squeeze %dma_start3A_262 : memref<1x!tpu.dma_semaphore, #tpu.memory_space<semaphore_mem>> -> memref<!tpu.dma_semaphore, #tpu.memory_space<semaphore_mem>>
        tpu.enqueue_indirect_dma source(%arg17 : memref<64xf32, #tpu.memory_space<vmem>>) target(%dma_start3A_261 : memref<10240xf32, #tpu.memory_space<vmem_shared>>) offsets(%dma_start3A_259 : memref<64xi32, #tpu.memory_space<vmem>>) semaphore(%dma_start3A_263 : memref<!tpu.dma_semaphore, #tpu.memory_space<semaphore_mem>>) {add = true}
        %dma_wait3A_264 = arith.constant 0 : i32
        %dma_wait3A_265 = arith.constant 2 : i32
        %dma_wait3A_266 = arith.constant 0 : i32
        %dma_wait3A_267 = tpu.memref_slice %arg10[%dma_wait3A_264, %dma_wait3A_266] : memref<40x64xi32, #tpu.memory_space<vmem>> -> memref<1x64xi32, #tpu.memory_space<vmem>>
        %dma_wait3A_268 = tpu.memref_squeeze %dma_wait3A_267 : memref<1x64xi32, #tpu.memory_space<vmem>> -> memref<64xi32, #tpu.memory_space<vmem>>
        %dma_wait3A_269 = arith.constant 0 : i32
        %dma_wait3A_270 = arith.constant 0 : i32
        %dma_wait3A_271 = tpu.memref_slice %arg2[%dma_wait3A_269, %dma_wait3A_270] : memref<10240x128xf32, #tpu.memory_space<hbm>> -> memref<10240x128xf32, #tpu.memory_space<hbm>>
        %dma_wait3A_272 = tpu.memref_slice %arg22[%dma_wait3A_265] : memref<4x!tpu.dma_semaphore, #tpu.memory_space<semaphore_mem>> -> memref<1x!tpu.dma_semaphore, #tpu.memory_space<semaphore_mem>>
        %dma_wait3A_273 = tpu.memref_squeeze %dma_wait3A_272 : memref<1x!tpu.dma_semaphore, #tpu.memory_space<semaphore_mem>> -> memref<!tpu.dma_semaphore, #tpu.memory_space<semaphore_mem>>
        tpu.wait_indirect_dma semaphore(%dma_wait3A_273 : memref<!tpu.dma_semaphore, #tpu.memory_space<semaphore_mem>>) src(%dma_wait3A_271 : memref<10240x128xf32, #tpu.memory_space<hbm>>) dst(%arg14 : memref<64x128xf32, #tpu.memory_space<vmem>>)
        %add3A_274 = arith.constant 2 : i32
        %add3A_275 = arith.addi %mul3A_183, %add3A_274 : i32
        %dma_start3A_276 = arith.constant 2 : i32
        %dma_start3A_277 = arith.constant 0 : i32
        %dma_start3A_278 = tpu.memref_slice %arg11[%add3A_275, %dma_start3A_277] : memref<40x64xi32, #tpu.memory_space<vmem>> -> memref<1x64xi32, #tpu.memory_space<vmem>>
        %dma_start3A_279 = tpu.memref_squeeze %dma_start3A_278 : memref<1x64xi32, #tpu.memory_space<vmem>> -> memref<64xi32, #tpu.memory_space<vmem>>
        %dma_start3A_280 = arith.constant 0 : i32
        %dma_start3A_281 = arith.constant 0 : i32
        %dma_start3A_282 = tpu.memref_slice %arg20[%dma_start3A_280, %dma_start3A_281] : memref<10240x128xf32, #tpu.memory_space<vmem_shared>> -> memref<10240x128xf32, #tpu.memory_space<vmem_shared>>
        %dma_start3A_283 = tpu.memref_slice %arg23[%dma_start3A_276] : memref<4x!tpu.dma_semaphore, #tpu.memory_space<semaphore_mem>> -> memref<1x!tpu.dma_semaphore, #tpu.memory_space<semaphore_mem>>
        %dma_start3A_284 = tpu.memref_squeeze %dma_start3A_283 : memref<1x!tpu.dma_semaphore, #tpu.memory_space<semaphore_mem>> -> memref<!tpu.dma_semaphore, #tpu.memory_space<semaphore_mem>>
        tpu.enqueue_indirect_dma source(%arg14 : memref<64x128xf32, #tpu.memory_space<vmem>>) target(%dma_start3A_282 : memref<10240x128xf32, #tpu.memory_space<vmem_shared>>) offsets(%dma_start3A_279 : memref<64xi32, #tpu.memory_space<vmem>>) semaphore(%dma_start3A_284 : memref<!tpu.dma_semaphore, #tpu.memory_space<semaphore_mem>>) {add = true}
        %dma_wait3A_285 = arith.constant 0 : i32
        %dma_wait3A_286 = arith.constant 2 : i32
        %dma_wait3A_287 = arith.constant 0 : i32
        %dma_wait3A_288 = tpu.memref_slice %arg10[%dma_wait3A_285, %dma_wait3A_287] : memref<40x64xi32, #tpu.memory_space<vmem>> -> memref<1x64xi32, #tpu.memory_space<vmem>>
        %dma_wait3A_289 = tpu.memref_squeeze %dma_wait3A_288 : memref<1x64xi32, #tpu.memory_space<vmem>> -> memref<64xi32, #tpu.memory_space<vmem>>
        %dma_wait3A_290 = arith.constant 0 : i32
        %dma_wait3A_291 = tpu.memref_slice %arg3[%dma_wait3A_290] : memref<10240xf32, #tpu.memory_space<hbm>> -> memref<10240xf32, #tpu.memory_space<hbm>>
        %dma_wait3A_292 = tpu.memref_slice %arg24[%dma_wait3A_286] : memref<4x!tpu.dma_semaphore, #tpu.memory_space<semaphore_mem>> -> memref<1x!tpu.dma_semaphore, #tpu.memory_space<semaphore_mem>>
        %dma_wait3A_293 = tpu.memref_squeeze %dma_wait3A_292 : memref<1x!tpu.dma_semaphore, #tpu.memory_space<semaphore_mem>> -> memref<!tpu.dma_semaphore, #tpu.memory_space<semaphore_mem>>
        tpu.wait_indirect_dma semaphore(%dma_wait3A_293 : memref<!tpu.dma_semaphore, #tpu.memory_space<semaphore_mem>>) src(%dma_wait3A_291 : memref<10240xf32, #tpu.memory_space<hbm>>) dst(%arg18 : memref<64xf32, #tpu.memory_space<vmem>>)
        %add3A_294 = arith.constant 2 : i32
        %add3A_295 = arith.addi %mul3A_183, %add3A_294 : i32
        %dma_start3A_296 = arith.constant 2 : i32
        %dma_start3A_297 = arith.constant 0 : i32
        %dma_start3A_298 = tpu.memref_slice %arg11[%add3A_295, %dma_start3A_297] : memref<40x64xi32, #tpu.memory_space<vmem>> -> memref<1x64xi32, #tpu.memory_space<vmem>>
        %dma_start3A_299 = tpu.memref_squeeze %dma_start3A_298 : memref<1x64xi32, #tpu.memory_space<vmem>> -> memref<64xi32, #tpu.memory_space<vmem>>
        %dma_start3A_300 = arith.constant 0 : i32
        %dma_start3A_301 = tpu.memref_slice %arg21[%dma_start3A_300] : memref<10240xf32, #tpu.memory_space<vmem_shared>> -> memref<10240xf32, #tpu.memory_space<vmem_shared>>
        %dma_start3A_302 = tpu.memref_slice %arg25[%dma_start3A_296] : memref<4x!tpu.dma_semaphore, #tpu.memory_space<semaphore_mem>> -> memref<1x!tpu.dma_semaphore, #tpu.memory_space<semaphore_mem>>
        %dma_start3A_303 = tpu.memref_squeeze %dma_start3A_302 : memref<1x!tpu.dma_semaphore, #tpu.memory_space<semaphore_mem>> -> memref<!tpu.dma_semaphore, #tpu.memory_space<semaphore_mem>>
        tpu.enqueue_indirect_dma source(%arg18 : memref<64xf32, #tpu.memory_space<vmem>>) target(%dma_start3A_301 : memref<10240xf32, #tpu.memory_space<vmem_shared>>) offsets(%dma_start3A_299 : memref<64xi32, #tpu.memory_space<vmem>>) semaphore(%dma_start3A_303 : memref<!tpu.dma_semaphore, #tpu.memory_space<semaphore_mem>>) {add = true}
        %dma_wait3A_304 = arith.constant 0 : i32
        %dma_wait3A_305 = arith.constant 3 : i32
        %dma_wait3A_306 = arith.constant 0 : i32
        %dma_wait3A_307 = tpu.memref_slice %arg10[%dma_wait3A_304, %dma_wait3A_306] : memref<40x64xi32, #tpu.memory_space<vmem>> -> memref<1x64xi32, #tpu.memory_space<vmem>>
        %dma_wait3A_308 = tpu.memref_squeeze %dma_wait3A_307 : memref<1x64xi32, #tpu.memory_space<vmem>> -> memref<64xi32, #tpu.memory_space<vmem>>
        %dma_wait3A_309 = arith.constant 0 : i32
        %dma_wait3A_310 = arith.constant 0 : i32
        %dma_wait3A_311 = tpu.memref_slice %arg2[%dma_wait3A_309, %dma_wait3A_310] : memref<10240x128xf32, #tpu.memory_space<hbm>> -> memref<10240x128xf32, #tpu.memory_space<hbm>>
        %dma_wait3A_312 = tpu.memref_slice %arg22[%dma_wait3A_305] : memref<4x!tpu.dma_semaphore, #tpu.memory_space<semaphore_mem>> -> memref<1x!tpu.dma_semaphore, #tpu.memory_space<semaphore_mem>>
        %dma_wait3A_313 = tpu.memref_squeeze %dma_wait3A_312 : memref<1x!tpu.dma_semaphore, #tpu.memory_space<semaphore_mem>> -> memref<!tpu.dma_semaphore, #tpu.memory_space<semaphore_mem>>
        tpu.wait_indirect_dma semaphore(%dma_wait3A_313 : memref<!tpu.dma_semaphore, #tpu.memory_space<semaphore_mem>>) src(%dma_wait3A_311 : memref<10240x128xf32, #tpu.memory_space<hbm>>) dst(%arg15 : memref<64x128xf32, #tpu.memory_space<vmem>>)
        %add3A_314 = arith.constant 3 : i32
        %add3A_315 = arith.addi %mul3A_183, %add3A_314 : i32
        %dma_start3A_316 = arith.constant 3 : i32
        %dma_start3A_317 = arith.constant 0 : i32
        %dma_start3A_318 = tpu.memref_slice %arg11[%add3A_315, %dma_start3A_317] : memref<40x64xi32, #tpu.memory_space<vmem>> -> memref<1x64xi32, #tpu.memory_space<vmem>>
        %dma_start3A_319 = tpu.memref_squeeze %dma_start3A_318 : memref<1x64xi32, #tpu.memory_space<vmem>> -> memref<64xi32, #tpu.memory_space<vmem>>
        %dma_start3A_320 = arith.constant 0 : i32
        %dma_start3A_321 = arith.constant 0 : i32
        %dma_start3A_322 = tpu.memref_slice %arg20[%dma_start3A_320, %dma_start3A_321] : memref<10240x128xf32, #tpu.memory_space<vmem_shared>> -> memref<10240x128xf32, #tpu.memory_space<vmem_shared>>
        %dma_start3A_323 = tpu.memref_slice %arg23[%dma_start3A_316] : memref<4x!tpu.dma_semaphore, #tpu.memory_space<semaphore_mem>> -> memref<1x!tpu.dma_semaphore, #tpu.memory_space<semaphore_mem>>
        %dma_start3A_324 = tpu.memref_squeeze %dma_start3A_323 : memref<1x!tpu.dma_semaphore, #tpu.memory_space<semaphore_mem>> -> memref<!tpu.dma_semaphore, #tpu.memory_space<semaphore_mem>>
        tpu.enqueue_indirect_dma source(%arg15 : memref<64x128xf32, #tpu.memory_space<vmem>>) target(%dma_start3A_322 : memref<10240x128xf32, #tpu.memory_space<vmem_shared>>) offsets(%dma_start3A_319 : memref<64xi32, #tpu.memory_space<vmem>>) semaphore(%dma_start3A_324 : memref<!tpu.dma_semaphore, #tpu.memory_space<semaphore_mem>>) {add = true}
        %dma_wait3A_325 = arith.constant 0 : i32
        %dma_wait3A_326 = arith.constant 3 : i32
        %dma_wait3A_327 = arith.constant 0 : i32
        %dma_wait3A_328 = tpu.memref_slice %arg10[%dma_wait3A_325, %dma_wait3A_327] : memref<40x64xi32, #tpu.memory_space<vmem>> -> memref<1x64xi32, #tpu.memory_space<vmem>>
        %dma_wait3A_329 = tpu.memref_squeeze %dma_wait3A_328 : memref<1x64xi32, #tpu.memory_space<vmem>> -> memref<64xi32, #tpu.memory_space<vmem>>
        %dma_wait3A_330 = arith.constant 0 : i32
        %dma_wait3A_331 = tpu.memref_slice %arg3[%dma_wait3A_330] : memref<10240xf32, #tpu.memory_space<hbm>> -> memref<10240xf32, #tpu.memory_space<hbm>>
        %dma_wait3A_332 = tpu.memref_slice %arg24[%dma_wait3A_326] : memref<4x!tpu.dma_semaphore, #tpu.memory_space<semaphore_mem>> -> memref<1x!tpu.dma_semaphore, #tpu.memory_space<semaphore_mem>>
        %dma_wait3A_333 = tpu.memref_squeeze %dma_wait3A_332 : memref<1x!tpu.dma_semaphore, #tpu.memory_space<semaphore_mem>> -> memref<!tpu.dma_semaphore, #tpu.memory_space<semaphore_mem>>
        tpu.wait_indirect_dma semaphore(%dma_wait3A_333 : memref<!tpu.dma_semaphore, #tpu.memory_space<semaphore_mem>>) src(%dma_wait3A_331 : memref<10240xf32, #tpu.memory_space<hbm>>) dst(%arg19 : memref<64xf32, #tpu.memory_space<vmem>>)
        %add3A_334 = arith.constant 3 : i32
        %add3A_335 = arith.addi %mul3A_183, %add3A_334 : i32
        %dma_start3A_336 = arith.constant 3 : i32
        %dma_start3A_337 = arith.constant 0 : i32
        %dma_start3A_338 = tpu.memref_slice %arg11[%add3A_335, %dma_start3A_337] : memref<40x64xi32, #tpu.memory_space<vmem>> -> memref<1x64xi32, #tpu.memory_space<vmem>>
        %dma_start3A_339 = tpu.memref_squeeze %dma_start3A_338 : memref<1x64xi32, #tpu.memory_space<vmem>> -> memref<64xi32, #tpu.memory_space<vmem>>
        %dma_start3A_340 = arith.constant 0 : i32
        %dma_start3A_341 = tpu.memref_slice %arg21[%dma_start3A_340] : memref<10240xf32, #tpu.memory_space<vmem_shared>> -> memref<10240xf32, #tpu.memory_space<vmem_shared>>
        %dma_start3A_342 = tpu.memref_slice %arg25[%dma_start3A_336] : memref<4x!tpu.dma_semaphore, #tpu.memory_space<semaphore_mem>> -> memref<1x!tpu.dma_semaphore, #tpu.memory_space<semaphore_mem>>
        %dma_start3A_343 = tpu.memref_squeeze %dma_start3A_342 : memref<1x!tpu.dma_semaphore, #tpu.memory_space<semaphore_mem>> -> memref<!tpu.dma_semaphore, #tpu.memory_space<semaphore_mem>>
        tpu.enqueue_indirect_dma source(%arg19 : memref<64xf32, #tpu.memory_space<vmem>>) target(%dma_start3A_341 : memref<10240xf32, #tpu.memory_space<vmem_shared>>) offsets(%dma_start3A_339 : memref<64xi32, #tpu.memory_space<vmem>>) semaphore(%dma_start3A_343 : memref<!tpu.dma_semaphore, #tpu.memory_space<semaphore_mem>>) {add = true}
        %dma_wait3A_344 = arith.constant 0 : i32
        %dma_wait3A_345 = arith.constant 0 : i32
        %dma_wait3A_346 = arith.constant 0 : i32
        %dma_wait3A_347 = tpu.memref_slice %arg11[%dma_wait3A_344, %dma_wait3A_346] : memref<40x64xi32, #tpu.memory_space<vmem>> -> memref<1x64xi32, #tpu.memory_space<vmem>>
        %dma_wait3A_348 = tpu.memref_squeeze %dma_wait3A_347 : memref<1x64xi32, #tpu.memory_space<vmem>> -> memref<64xi32, #tpu.memory_space<vmem>>
        %dma_wait3A_349 = arith.constant 0 : i32
        %dma_wait3A_350 = arith.constant 0 : i32
        %dma_wait3A_351 = tpu.memref_slice %arg20[%dma_wait3A_349, %dma_wait3A_350] : memref<10240x128xf32, #tpu.memory_space<vmem_shared>> -> memref<10240x128xf32, #tpu.memory_space<vmem_shared>>
        %dma_wait3A_352 = tpu.memref_slice %arg23[%dma_wait3A_345] : memref<4x!tpu.dma_semaphore, #tpu.memory_space<semaphore_mem>> -> memref<1x!tpu.dma_semaphore, #tpu.memory_space<semaphore_mem>>
        %dma_wait3A_353 = tpu.memref_squeeze %dma_wait3A_352 : memref<1x!tpu.dma_semaphore, #tpu.memory_space<semaphore_mem>> -> memref<!tpu.dma_semaphore, #tpu.memory_space<semaphore_mem>>
        tpu.wait_indirect_dma semaphore(%dma_wait3A_353 : memref<!tpu.dma_semaphore, #tpu.memory_space<semaphore_mem>>) src(%arg12 : memref<64x128xf32, #tpu.memory_space<vmem>>) dst(%dma_wait3A_351 : memref<10240x128xf32, #tpu.memory_space<vmem_shared>>)
        %add3A_354 = arith.constant 4 : i32
        %add3A_355 = arith.addi %mul3A_183, %add3A_354 : i32
        %add3A_356 = arith.constant 0 : i32
        %add3A_357 = arith.addi %add3A_355, %add3A_356 : i32
        %min3A = arith.constant 39 : i32
        %min3A_358 = arith.minsi %add3A_357, %min3A : i32
        %dma_start3A_359 = arith.constant 0 : i32
        %dma_start3A_360 = arith.constant 0 : i32
        %dma_start3A_361 = tpu.memref_slice %arg10[%min3A_358, %dma_start3A_360] : memref<40x64xi32, #tpu.memory_space<vmem>> -> memref<1x64xi32, #tpu.memory_space<vmem>>
        %dma_start3A_362 = tpu.memref_squeeze %dma_start3A_361 : memref<1x64xi32, #tpu.memory_space<vmem>> -> memref<64xi32, #tpu.memory_space<vmem>>
        %dma_start3A_363 = arith.constant 0 : i32
        %dma_start3A_364 = arith.constant 0 : i32
        %dma_start3A_365 = tpu.memref_slice %arg2[%dma_start3A_363, %dma_start3A_364] : memref<10240x128xf32, #tpu.memory_space<hbm>> -> memref<10240x128xf32, #tpu.memory_space<hbm>>
        %dma_start3A_366 = tpu.memref_slice %arg22[%dma_start3A_359] : memref<4x!tpu.dma_semaphore, #tpu.memory_space<semaphore_mem>> -> memref<1x!tpu.dma_semaphore, #tpu.memory_space<semaphore_mem>>
        %dma_start3A_367 = tpu.memref_squeeze %dma_start3A_366 : memref<1x!tpu.dma_semaphore, #tpu.memory_space<semaphore_mem>> -> memref<!tpu.dma_semaphore, #tpu.memory_space<semaphore_mem>>
        tpu.enqueue_indirect_dma source(%dma_start3A_365 : memref<10240x128xf32, #tpu.memory_space<hbm>>) target(%arg12 : memref<64x128xf32, #tpu.memory_space<vmem>>) offsets(%dma_start3A_362 : memref<64xi32, #tpu.memory_space<vmem>>) semaphore(%dma_start3A_367 : memref<!tpu.dma_semaphore, #tpu.memory_space<semaphore_mem>>)
        %dma_wait3A_368 = arith.constant 0 : i32
        %dma_wait3A_369 = arith.constant 0 : i32
        %dma_wait3A_370 = arith.constant 0 : i32
        %dma_wait3A_371 = tpu.memref_slice %arg11[%dma_wait3A_368, %dma_wait3A_370] : memref<40x64xi32, #tpu.memory_space<vmem>> -> memref<1x64xi32, #tpu.memory_space<vmem>>
        %dma_wait3A_372 = tpu.memref_squeeze %dma_wait3A_371 : memref<1x64xi32, #tpu.memory_space<vmem>> -> memref<64xi32, #tpu.memory_space<vmem>>
        %dma_wait3A_373 = arith.constant 0 : i32
        %dma_wait3A_374 = tpu.memref_slice %arg21[%dma_wait3A_373] : memref<10240xf32, #tpu.memory_space<vmem_shared>> -> memref<10240xf32, #tpu.memory_space<vmem_shared>>
        %dma_wait3A_375 = tpu.memref_slice %arg25[%dma_wait3A_369] : memref<4x!tpu.dma_semaphore, #tpu.memory_space<semaphore_mem>> -> memref<1x!tpu.dma_semaphore, #tpu.memory_space<semaphore_mem>>
        %dma_wait3A_376 = tpu.memref_squeeze %dma_wait3A_375 : memref<1x!tpu.dma_semaphore, #tpu.memory_space<semaphore_mem>> -> memref<!tpu.dma_semaphore, #tpu.memory_space<semaphore_mem>>
        tpu.wait_indirect_dma semaphore(%dma_wait3A_376 : memref<!tpu.dma_semaphore, #tpu.memory_space<semaphore_mem>>) src(%arg16 : memref<64xf32, #tpu.memory_space<vmem>>) dst(%dma_wait3A_374 : memref<10240xf32, #tpu.memory_space<vmem_shared>>)
        %add3A_377 = arith.constant 4 : i32
        %add3A_378 = arith.addi %mul3A_183, %add3A_377 : i32
        %add3A_379 = arith.constant 0 : i32
        %add3A_380 = arith.addi %add3A_378, %add3A_379 : i32
        %min3A_381 = arith.constant 39 : i32
        %min3A_382 = arith.minsi %add3A_380, %min3A_381 : i32
        %dma_start3A_383 = arith.constant 0 : i32
        %dma_start3A_384 = arith.constant 0 : i32
        %dma_start3A_385 = tpu.memref_slice %arg10[%min3A_382, %dma_start3A_384] : memref<40x64xi32, #tpu.memory_space<vmem>> -> memref<1x64xi32, #tpu.memory_space<vmem>>
        %dma_start3A_386 = tpu.memref_squeeze %dma_start3A_385 : memref<1x64xi32, #tpu.memory_space<vmem>> -> memref<64xi32, #tpu.memory_space<vmem>>
        %dma_start3A_387 = arith.constant 0 : i32
        %dma_start3A_388 = tpu.memref_slice %arg3[%dma_start3A_387] : memref<10240xf32, #tpu.memory_space<hbm>> -> memref<10240xf32, #tpu.memory_space<hbm>>
        %dma_start3A_389 = tpu.memref_slice %arg24[%dma_start3A_383] : memref<4x!tpu.dma_semaphore, #tpu.memory_space<semaphore_mem>> -> memref<1x!tpu.dma_semaphore, #tpu.memory_space<semaphore_mem>>
        %dma_start3A_390 = tpu.memref_squeeze %dma_start3A_389 : memref<1x!tpu.dma_semaphore, #tpu.memory_space<semaphore_mem>> -> memref<!tpu.dma_semaphore, #tpu.memory_space<semaphore_mem>>
        tpu.enqueue_indirect_dma source(%dma_start3A_388 : memref<10240xf32, #tpu.memory_space<hbm>>) target(%arg16 : memref<64xf32, #tpu.memory_space<vmem>>) offsets(%dma_start3A_386 : memref<64xi32, #tpu.memory_space<vmem>>) semaphore(%dma_start3A_390 : memref<!tpu.dma_semaphore, #tpu.memory_space<semaphore_mem>>)
        %dma_wait3A_391 = arith.constant 0 : i32
        %dma_wait3A_392 = arith.constant 1 : i32
        %dma_wait3A_393 = arith.constant 0 : i32
        %dma_wait3A_394 = tpu.memref_slice %arg11[%dma_wait3A_391, %dma_wait3A_393] : memref<40x64xi32, #tpu.memory_space<vmem>> -> memref<1x64xi32, #tpu.memory_space<vmem>>
        %dma_wait3A_395 = tpu.memref_squeeze %dma_wait3A_394 : memref<1x64xi32, #tpu.memory_space<vmem>> -> memref<64xi32, #tpu.memory_space<vmem>>
        %dma_wait3A_396 = arith.constant 0 : i32
        %dma_wait3A_397 = arith.constant 0 : i32
        %dma_wait3A_398 = tpu.memref_slice %arg20[%dma_wait3A_396, %dma_wait3A_397] : memref<10240x128xf32, #tpu.memory_space<vmem_shared>> -> memref<10240x128xf32, #tpu.memory_space<vmem_shared>>
        %dma_wait3A_399 = tpu.memref_slice %arg23[%dma_wait3A_392] : memref<4x!tpu.dma_semaphore, #tpu.memory_space<semaphore_mem>> -> memref<1x!tpu.dma_semaphore, #tpu.memory_space<semaphore_mem>>
        %dma_wait3A_400 = tpu.memref_squeeze %dma_wait3A_399 : memref<1x!tpu.dma_semaphore, #tpu.memory_space<semaphore_mem>> -> memref<!tpu.dma_semaphore, #tpu.memory_space<semaphore_mem>>
        tpu.wait_indirect_dma semaphore(%dma_wait3A_400 : memref<!tpu.dma_semaphore, #tpu.memory_space<semaphore_mem>>) src(%arg13 : memref<64x128xf32, #tpu.memory_space<vmem>>) dst(%dma_wait3A_398 : memref<10240x128xf32, #tpu.memory_space<vmem_shared>>)
        %add3A_401 = arith.constant 4 : i32
        %add3A_402 = arith.addi %mul3A_183, %add3A_401 : i32
        %add3A_403 = arith.constant 1 : i32
        %add3A_404 = arith.addi %add3A_402, %add3A_403 : i32
        %min3A_405 = arith.constant 39 : i32
        %min3A_406 = arith.minsi %add3A_404, %min3A_405 : i32
        %dma_start3A_407 = arith.constant 1 : i32
        %dma_start3A_408 = arith.constant 0 : i32
        %dma_start3A_409 = tpu.memref_slice %arg10[%min3A_406, %dma_start3A_408] : memref<40x64xi32, #tpu.memory_space<vmem>> -> memref<1x64xi32, #tpu.memory_space<vmem>>
        %dma_start3A_410 = tpu.memref_squeeze %dma_start3A_409 : memref<1x64xi32, #tpu.memory_space<vmem>> -> memref<64xi32, #tpu.memory_space<vmem>>
        %dma_start3A_411 = arith.constant 0 : i32
        %dma_start3A_412 = arith.constant 0 : i32
        %dma_start3A_413 = tpu.memref_slice %arg2[%dma_start3A_411, %dma_start3A_412] : memref<10240x128xf32, #tpu.memory_space<hbm>> -> memref<10240x128xf32, #tpu.memory_space<hbm>>
        %dma_start3A_414 = tpu.memref_slice %arg22[%dma_start3A_407] : memref<4x!tpu.dma_semaphore, #tpu.memory_space<semaphore_mem>> -> memref<1x!tpu.dma_semaphore, #tpu.memory_space<semaphore_mem>>
        %dma_start3A_415 = tpu.memref_squeeze %dma_start3A_414 : memref<1x!tpu.dma_semaphore, #tpu.memory_space<semaphore_mem>> -> memref<!tpu.dma_semaphore, #tpu.memory_space<semaphore_mem>>
        tpu.enqueue_indirect_dma source(%dma_start3A_413 : memref<10240x128xf32, #tpu.memory_space<hbm>>) target(%arg13 : memref<64x128xf32, #tpu.memory_space<vmem>>) offsets(%dma_start3A_410 : memref<64xi32, #tpu.memory_space<vmem>>) semaphore(%dma_start3A_415 : memref<!tpu.dma_semaphore, #tpu.memory_space<semaphore_mem>>)
        %dma_wait3A_416 = arith.constant 0 : i32
        %dma_wait3A_417 = arith.constant 1 : i32
        %dma_wait3A_418 = arith.constant 0 : i32
        %dma_wait3A_419 = tpu.memref_slice %arg11[%dma_wait3A_416, %dma_wait3A_418] : memref<40x64xi32, #tpu.memory_space<vmem>> -> memref<1x64xi32, #tpu.memory_space<vmem>>
        %dma_wait3A_420 = tpu.memref_squeeze %dma_wait3A_419 : memref<1x64xi32, #tpu.memory_space<vmem>> -> memref<64xi32, #tpu.memory_space<vmem>>
        %dma_wait3A_421 = arith.constant 0 : i32
        %dma_wait3A_422 = tpu.memref_slice %arg21[%dma_wait3A_421] : memref<10240xf32, #tpu.memory_space<vmem_shared>> -> memref<10240xf32, #tpu.memory_space<vmem_shared>>
        %dma_wait3A_423 = tpu.memref_slice %arg25[%dma_wait3A_417] : memref<4x!tpu.dma_semaphore, #tpu.memory_space<semaphore_mem>> -> memref<1x!tpu.dma_semaphore, #tpu.memory_space<semaphore_mem>>
        %dma_wait3A_424 = tpu.memref_squeeze %dma_wait3A_423 : memref<1x!tpu.dma_semaphore, #tpu.memory_space<semaphore_mem>> -> memref<!tpu.dma_semaphore, #tpu.memory_space<semaphore_mem>>
        tpu.wait_indirect_dma semaphore(%dma_wait3A_424 : memref<!tpu.dma_semaphore, #tpu.memory_space<semaphore_mem>>) src(%arg17 : memref<64xf32, #tpu.memory_space<vmem>>) dst(%dma_wait3A_422 : memref<10240xf32, #tpu.memory_space<vmem_shared>>)
        %add3A_425 = arith.constant 4 : i32
        %add3A_426 = arith.addi %mul3A_183, %add3A_425 : i32
        %add3A_427 = arith.constant 1 : i32
        %add3A_428 = arith.addi %add3A_426, %add3A_427 : i32
        %min3A_429 = arith.constant 39 : i32
        %min3A_430 = arith.minsi %add3A_428, %min3A_429 : i32
        %dma_start3A_431 = arith.constant 1 : i32
        %dma_start3A_432 = arith.constant 0 : i32
        %dma_start3A_433 = tpu.memref_slice %arg10[%min3A_430, %dma_start3A_432] : memref<40x64xi32, #tpu.memory_space<vmem>> -> memref<1x64xi32, #tpu.memory_space<vmem>>
        %dma_start3A_434 = tpu.memref_squeeze %dma_start3A_433 : memref<1x64xi32, #tpu.memory_space<vmem>> -> memref<64xi32, #tpu.memory_space<vmem>>
        %dma_start3A_435 = arith.constant 0 : i32
        %dma_start3A_436 = tpu.memref_slice %arg3[%dma_start3A_435] : memref<10240xf32, #tpu.memory_space<hbm>> -> memref<10240xf32, #tpu.memory_space<hbm>>
        %dma_start3A_437 = tpu.memref_slice %arg24[%dma_start3A_431] : memref<4x!tpu.dma_semaphore, #tpu.memory_space<semaphore_mem>> -> memref<1x!tpu.dma_semaphore, #tpu.memory_space<semaphore_mem>>
        %dma_start3A_438 = tpu.memref_squeeze %dma_start3A_437 : memref<1x!tpu.dma_semaphore, #tpu.memory_space<semaphore_mem>> -> memref<!tpu.dma_semaphore, #tpu.memory_space<semaphore_mem>>
        tpu.enqueue_indirect_dma source(%dma_start3A_436 : memref<10240xf32, #tpu.memory_space<hbm>>) target(%arg17 : memref<64xf32, #tpu.memory_space<vmem>>) offsets(%dma_start3A_434 : memref<64xi32, #tpu.memory_space<vmem>>) semaphore(%dma_start3A_438 : memref<!tpu.dma_semaphore, #tpu.memory_space<semaphore_mem>>)
        %dma_wait3A_439 = arith.constant 0 : i32
        %dma_wait3A_440 = arith.constant 2 : i32
        %dma_wait3A_441 = arith.constant 0 : i32
        %dma_wait3A_442 = tpu.memref_slice %arg11[%dma_wait3A_439, %dma_wait3A_441] : memref<40x64xi32, #tpu.memory_space<vmem>> -> memref<1x64xi32, #tpu.memory_space<vmem>>
        %dma_wait3A_443 = tpu.memref_squeeze %dma_wait3A_442 : memref<1x64xi32, #tpu.memory_space<vmem>> -> memref<64xi32, #tpu.memory_space<vmem>>
        %dma_wait3A_444 = arith.constant 0 : i32
        %dma_wait3A_445 = arith.constant 0 : i32
        %dma_wait3A_446 = tpu.memref_slice %arg20[%dma_wait3A_444, %dma_wait3A_445] : memref<10240x128xf32, #tpu.memory_space<vmem_shared>> -> memref<10240x128xf32, #tpu.memory_space<vmem_shared>>
        %dma_wait3A_447 = tpu.memref_slice %arg23[%dma_wait3A_440] : memref<4x!tpu.dma_semaphore, #tpu.memory_space<semaphore_mem>> -> memref<1x!tpu.dma_semaphore, #tpu.memory_space<semaphore_mem>>
        %dma_wait3A_448 = tpu.memref_squeeze %dma_wait3A_447 : memref<1x!tpu.dma_semaphore, #tpu.memory_space<semaphore_mem>> -> memref<!tpu.dma_semaphore, #tpu.memory_space<semaphore_mem>>
        tpu.wait_indirect_dma semaphore(%dma_wait3A_448 : memref<!tpu.dma_semaphore, #tpu.memory_space<semaphore_mem>>) src(%arg14 : memref<64x128xf32, #tpu.memory_space<vmem>>) dst(%dma_wait3A_446 : memref<10240x128xf32, #tpu.memory_space<vmem_shared>>)
        %add3A_449 = arith.constant 4 : i32
        %add3A_450 = arith.addi %mul3A_183, %add3A_449 : i32
        %add3A_451 = arith.constant 2 : i32
        %add3A_452 = arith.addi %add3A_450, %add3A_451 : i32
        %min3A_453 = arith.constant 39 : i32
        %min3A_454 = arith.minsi %add3A_452, %min3A_453 : i32
        %dma_start3A_455 = arith.constant 2 : i32
        %dma_start3A_456 = arith.constant 0 : i32
        %dma_start3A_457 = tpu.memref_slice %arg10[%min3A_454, %dma_start3A_456] : memref<40x64xi32, #tpu.memory_space<vmem>> -> memref<1x64xi32, #tpu.memory_space<vmem>>
        %dma_start3A_458 = tpu.memref_squeeze %dma_start3A_457 : memref<1x64xi32, #tpu.memory_space<vmem>> -> memref<64xi32, #tpu.memory_space<vmem>>
        %dma_start3A_459 = arith.constant 0 : i32
        %dma_start3A_460 = arith.constant 0 : i32
        %dma_start3A_461 = tpu.memref_slice %arg2[%dma_start3A_459, %dma_start3A_460] : memref<10240x128xf32, #tpu.memory_space<hbm>> -> memref<10240x128xf32, #tpu.memory_space<hbm>>
        %dma_start3A_462 = tpu.memref_slice %arg22[%dma_start3A_455] : memref<4x!tpu.dma_semaphore, #tpu.memory_space<semaphore_mem>> -> memref<1x!tpu.dma_semaphore, #tpu.memory_space<semaphore_mem>>
        %dma_start3A_463 = tpu.memref_squeeze %dma_start3A_462 : memref<1x!tpu.dma_semaphore, #tpu.memory_space<semaphore_mem>> -> memref<!tpu.dma_semaphore, #tpu.memory_space<semaphore_mem>>
        tpu.enqueue_indirect_dma source(%dma_start3A_461 : memref<10240x128xf32, #tpu.memory_space<hbm>>) target(%arg14 : memref<64x128xf32, #tpu.memory_space<vmem>>) offsets(%dma_start3A_458 : memref<64xi32, #tpu.memory_space<vmem>>) semaphore(%dma_start3A_463 : memref<!tpu.dma_semaphore, #tpu.memory_space<semaphore_mem>>)
        %dma_wait3A_464 = arith.constant 0 : i32
        %dma_wait3A_465 = arith.constant 2 : i32
        %dma_wait3A_466 = arith.constant 0 : i32
        %dma_wait3A_467 = tpu.memref_slice %arg11[%dma_wait3A_464, %dma_wait3A_466] : memref<40x64xi32, #tpu.memory_space<vmem>> -> memref<1x64xi32, #tpu.memory_space<vmem>>
        %dma_wait3A_468 = tpu.memref_squeeze %dma_wait3A_467 : memref<1x64xi32, #tpu.memory_space<vmem>> -> memref<64xi32, #tpu.memory_space<vmem>>
        %dma_wait3A_469 = arith.constant 0 : i32
        %dma_wait3A_470 = tpu.memref_slice %arg21[%dma_wait3A_469] : memref<10240xf32, #tpu.memory_space<vmem_shared>> -> memref<10240xf32, #tpu.memory_space<vmem_shared>>
        %dma_wait3A_471 = tpu.memref_slice %arg25[%dma_wait3A_465] : memref<4x!tpu.dma_semaphore, #tpu.memory_space<semaphore_mem>> -> memref<1x!tpu.dma_semaphore, #tpu.memory_space<semaphore_mem>>
        %dma_wait3A_472 = tpu.memref_squeeze %dma_wait3A_471 : memref<1x!tpu.dma_semaphore, #tpu.memory_space<semaphore_mem>> -> memref<!tpu.dma_semaphore, #tpu.memory_space<semaphore_mem>>
        tpu.wait_indirect_dma semaphore(%dma_wait3A_472 : memref<!tpu.dma_semaphore, #tpu.memory_space<semaphore_mem>>) src(%arg18 : memref<64xf32, #tpu.memory_space<vmem>>) dst(%dma_wait3A_470 : memref<10240xf32, #tpu.memory_space<vmem_shared>>)
        %add3A_473 = arith.constant 4 : i32
        %add3A_474 = arith.addi %mul3A_183, %add3A_473 : i32
        %add3A_475 = arith.constant 2 : i32
        %add3A_476 = arith.addi %add3A_474, %add3A_475 : i32
        %min3A_477 = arith.constant 39 : i32
        %min3A_478 = arith.minsi %add3A_476, %min3A_477 : i32
        %dma_start3A_479 = arith.constant 2 : i32
        %dma_start3A_480 = arith.constant 0 : i32
        %dma_start3A_481 = tpu.memref_slice %arg10[%min3A_478, %dma_start3A_480] : memref<40x64xi32, #tpu.memory_space<vmem>> -> memref<1x64xi32, #tpu.memory_space<vmem>>
        %dma_start3A_482 = tpu.memref_squeeze %dma_start3A_481 : memref<1x64xi32, #tpu.memory_space<vmem>> -> memref<64xi32, #tpu.memory_space<vmem>>
        %dma_start3A_483 = arith.constant 0 : i32
        %dma_start3A_484 = tpu.memref_slice %arg3[%dma_start3A_483] : memref<10240xf32, #tpu.memory_space<hbm>> -> memref<10240xf32, #tpu.memory_space<hbm>>
        %dma_start3A_485 = tpu.memref_slice %arg24[%dma_start3A_479] : memref<4x!tpu.dma_semaphore, #tpu.memory_space<semaphore_mem>> -> memref<1x!tpu.dma_semaphore, #tpu.memory_space<semaphore_mem>>
        %dma_start3A_486 = tpu.memref_squeeze %dma_start3A_485 : memref<1x!tpu.dma_semaphore, #tpu.memory_space<semaphore_mem>> -> memref<!tpu.dma_semaphore, #tpu.memory_space<semaphore_mem>>
        tpu.enqueue_indirect_dma source(%dma_start3A_484 : memref<10240xf32, #tpu.memory_space<hbm>>) target(%arg18 : memref<64xf32, #tpu.memory_space<vmem>>) offsets(%dma_start3A_482 : memref<64xi32, #tpu.memory_space<vmem>>) semaphore(%dma_start3A_486 : memref<!tpu.dma_semaphore, #tpu.memory_space<semaphore_mem>>)
        %dma_wait3A_487 = arith.constant 0 : i32
        %dma_wait3A_488 = arith.constant 3 : i32
        %dma_wait3A_489 = arith.constant 0 : i32
        %dma_wait3A_490 = tpu.memref_slice %arg11[%dma_wait3A_487, %dma_wait3A_489] : memref<40x64xi32, #tpu.memory_space<vmem>> -> memref<1x64xi32, #tpu.memory_space<vmem>>
        %dma_wait3A_491 = tpu.memref_squeeze %dma_wait3A_490 : memref<1x64xi32, #tpu.memory_space<vmem>> -> memref<64xi32, #tpu.memory_space<vmem>>
        %dma_wait3A_492 = arith.constant 0 : i32
        %dma_wait3A_493 = arith.constant 0 : i32
        %dma_wait3A_494 = tpu.memref_slice %arg20[%dma_wait3A_492, %dma_wait3A_493] : memref<10240x128xf32, #tpu.memory_space<vmem_shared>> -> memref<10240x128xf32, #tpu.memory_space<vmem_shared>>
        %dma_wait3A_495 = tpu.memref_slice %arg23[%dma_wait3A_488] : memref<4x!tpu.dma_semaphore, #tpu.memory_space<semaphore_mem>> -> memref<1x!tpu.dma_semaphore, #tpu.memory_space<semaphore_mem>>
        %dma_wait3A_496 = tpu.memref_squeeze %dma_wait3A_495 : memref<1x!tpu.dma_semaphore, #tpu.memory_space<semaphore_mem>> -> memref<!tpu.dma_semaphore, #tpu.memory_space<semaphore_mem>>
        tpu.wait_indirect_dma semaphore(%dma_wait3A_496 : memref<!tpu.dma_semaphore, #tpu.memory_space<semaphore_mem>>) src(%arg15 : memref<64x128xf32, #tpu.memory_space<vmem>>) dst(%dma_wait3A_494 : memref<10240x128xf32, #tpu.memory_space<vmem_shared>>)
        %add3A_497 = arith.constant 4 : i32
        %add3A_498 = arith.addi %mul3A_183, %add3A_497 : i32
        %add3A_499 = arith.constant 3 : i32
        %add3A_500 = arith.addi %add3A_498, %add3A_499 : i32
        %min3A_501 = arith.constant 39 : i32
        %min3A_502 = arith.minsi %add3A_500, %min3A_501 : i32
        %dma_start3A_503 = arith.constant 3 : i32
        %dma_start3A_504 = arith.constant 0 : i32
        %dma_start3A_505 = tpu.memref_slice %arg10[%min3A_502, %dma_start3A_504] : memref<40x64xi32, #tpu.memory_space<vmem>> -> memref<1x64xi32, #tpu.memory_space<vmem>>
        %dma_start3A_506 = tpu.memref_squeeze %dma_start3A_505 : memref<1x64xi32, #tpu.memory_space<vmem>> -> memref<64xi32, #tpu.memory_space<vmem>>
        %dma_start3A_507 = arith.constant 0 : i32
        %dma_start3A_508 = arith.constant 0 : i32
        %dma_start3A_509 = tpu.memref_slice %arg2[%dma_start3A_507, %dma_start3A_508] : memref<10240x128xf32, #tpu.memory_space<hbm>> -> memref<10240x128xf32, #tpu.memory_space<hbm>>
        %dma_start3A_510 = tpu.memref_slice %arg22[%dma_start3A_503] : memref<4x!tpu.dma_semaphore, #tpu.memory_space<semaphore_mem>> -> memref<1x!tpu.dma_semaphore, #tpu.memory_space<semaphore_mem>>
        %dma_start3A_511 = tpu.memref_squeeze %dma_start3A_510 : memref<1x!tpu.dma_semaphore, #tpu.memory_space<semaphore_mem>> -> memref<!tpu.dma_semaphore, #tpu.memory_space<semaphore_mem>>
        tpu.enqueue_indirect_dma source(%dma_start3A_509 : memref<10240x128xf32, #tpu.memory_space<hbm>>) target(%arg15 : memref<64x128xf32, #tpu.memory_space<vmem>>) offsets(%dma_start3A_506 : memref<64xi32, #tpu.memory_space<vmem>>) semaphore(%dma_start3A_511 : memref<!tpu.dma_semaphore, #tpu.memory_space<semaphore_mem>>)
        %dma_wait3A_512 = arith.constant 0 : i32
        %dma_wait3A_513 = arith.constant 3 : i32
        %dma_wait3A_514 = arith.constant 0 : i32
        %dma_wait3A_515 = tpu.memref_slice %arg11[%dma_wait3A_512, %dma_wait3A_514] : memref<40x64xi32, #tpu.memory_space<vmem>> -> memref<1x64xi32, #tpu.memory_space<vmem>>
        %dma_wait3A_516 = tpu.memref_squeeze %dma_wait3A_515 : memref<1x64xi32, #tpu.memory_space<vmem>> -> memref<64xi32, #tpu.memory_space<vmem>>
        %dma_wait3A_517 = arith.constant 0 : i32
        %dma_wait3A_518 = tpu.memref_slice %arg21[%dma_wait3A_517] : memref<10240xf32, #tpu.memory_space<vmem_shared>> -> memref<10240xf32, #tpu.memory_space<vmem_shared>>
        %dma_wait3A_519 = tpu.memref_slice %arg25[%dma_wait3A_513] : memref<4x!tpu.dma_semaphore, #tpu.memory_space<semaphore_mem>> -> memref<1x!tpu.dma_semaphore, #tpu.memory_space<semaphore_mem>>
        %dma_wait3A_520 = tpu.memref_squeeze %dma_wait3A_519 : memref<1x!tpu.dma_semaphore, #tpu.memory_space<semaphore_mem>> -> memref<!tpu.dma_semaphore, #tpu.memory_space<semaphore_mem>>
        tpu.wait_indirect_dma semaphore(%dma_wait3A_520 : memref<!tpu.dma_semaphore, #tpu.memory_space<semaphore_mem>>) src(%arg19 : memref<64xf32, #tpu.memory_space<vmem>>) dst(%dma_wait3A_518 : memref<10240xf32, #tpu.memory_space<vmem_shared>>)
        %add3A_521 = arith.constant 4 : i32
        %add3A_522 = arith.addi %mul3A_183, %add3A_521 : i32
        %add3A_523 = arith.constant 3 : i32
        %add3A_524 = arith.addi %add3A_522, %add3A_523 : i32
        %min3A_525 = arith.constant 39 : i32
        %min3A_526 = arith.minsi %add3A_524, %min3A_525 : i32
        %dma_start3A_527 = arith.constant 3 : i32
        %dma_start3A_528 = arith.constant 0 : i32
        %dma_start3A_529 = tpu.memref_slice %arg10[%min3A_526, %dma_start3A_528] : memref<40x64xi32, #tpu.memory_space<vmem>> -> memref<1x64xi32, #tpu.memory_space<vmem>>
        %dma_start3A_530 = tpu.memref_squeeze %dma_start3A_529 : memref<1x64xi32, #tpu.memory_space<vmem>> -> memref<64xi32, #tpu.memory_space<vmem>>
        %dma_start3A_531 = arith.constant 0 : i32
        %dma_start3A_532 = tpu.memref_slice %arg3[%dma_start3A_531] : memref<10240xf32, #tpu.memory_space<hbm>> -> memref<10240xf32, #tpu.memory_space<hbm>>
        %dma_start3A_533 = tpu.memref_slice %arg24[%dma_start3A_527] : memref<4x!tpu.dma_semaphore, #tpu.memory_space<semaphore_mem>> -> memref<1x!tpu.dma_semaphore, #tpu.memory_space<semaphore_mem>>
        %dma_start3A_534 = tpu.memref_squeeze %dma_start3A_533 : memref<1x!tpu.dma_semaphore, #tpu.memory_space<semaphore_mem>> -> memref<!tpu.dma_semaphore, #tpu.memory_space<semaphore_mem>>
        tpu.enqueue_indirect_dma source(%dma_start3A_532 : memref<10240xf32, #tpu.memory_space<hbm>>) target(%arg19 : memref<64xf32, #tpu.memory_space<vmem>>) offsets(%dma_start3A_530 : memref<64xi32, #tpu.memory_space<vmem>>) semaphore(%dma_start3A_534 : memref<!tpu.dma_semaphore, #tpu.memory_space<semaphore_mem>>)
      }
      %scan3A_105 = arith.constant 10 : i32
      %dma_wait3A = arith.constant 0 : i32
      %dma_wait3A_106 = arith.constant 0 : i32
      %dma_wait3A_107 = arith.constant 0 : i32
      %dma_wait3A_108 = tpu.memref_slice %arg10[%dma_wait3A, %dma_wait3A_107] : memref<40x64xi32, #tpu.memory_space<vmem>> -> memref<1x64xi32, #tpu.memory_space<vmem>>
      %dma_wait3A_109 = tpu.memref_squeeze %dma_wait3A_108 : memref<1x64xi32, #tpu.memory_space<vmem>> -> memref<64xi32, #tpu.memory_space<vmem>>
      %dma_wait3A_110 = arith.constant 0 : i32
      %dma_wait3A_111 = arith.constant 0 : i32
      %dma_wait3A_112 = tpu.memref_slice %arg2[%dma_wait3A_110, %dma_wait3A_111] : memref<10240x128xf32, #tpu.memory_space<hbm>> -> memref<10240x128xf32, #tpu.memory_space<hbm>>
      %dma_wait3A_113 = tpu.memref_slice %arg22[%dma_wait3A_106] : memref<4x!tpu.dma_semaphore, #tpu.memory_space<semaphore_mem>> -> memref<1x!tpu.dma_semaphore, #tpu.memory_space<semaphore_mem>>
      %dma_wait3A_114 = tpu.memref_squeeze %dma_wait3A_113 : memref<1x!tpu.dma_semaphore, #tpu.memory_space<semaphore_mem>> -> memref<!tpu.dma_semaphore, #tpu.memory_space<semaphore_mem>>
      tpu.wait_indirect_dma semaphore(%dma_wait3A_114 : memref<!tpu.dma_semaphore, #tpu.memory_space<semaphore_mem>>) src(%dma_wait3A_112 : memref<10240x128xf32, #tpu.memory_space<hbm>>) dst(%arg12 : memref<64x128xf32, #tpu.memory_space<vmem>>)
      %dma_wait3A_115 = arith.constant 0 : i32
      %dma_wait3A_116 = arith.constant 0 : i32
      %dma_wait3A_117 = arith.constant 0 : i32
      %dma_wait3A_118 = tpu.memref_slice %arg10[%dma_wait3A_115, %dma_wait3A_117] : memref<40x64xi32, #tpu.memory_space<vmem>> -> memref<1x64xi32, #tpu.memory_space<vmem>>
      %dma_wait3A_119 = tpu.memref_squeeze %dma_wait3A_118 : memref<1x64xi32, #tpu.memory_space<vmem>> -> memref<64xi32, #tpu.memory_space<vmem>>
      %dma_wait3A_120 = arith.constant 0 : i32
      %dma_wait3A_121 = tpu.memref_slice %arg3[%dma_wait3A_120] : memref<10240xf32, #tpu.memory_space<hbm>> -> memref<10240xf32, #tpu.memory_space<hbm>>
      %dma_wait3A_122 = tpu.memref_slice %arg24[%dma_wait3A_116] : memref<4x!tpu.dma_semaphore, #tpu.memory_space<semaphore_mem>> -> memref<1x!tpu.dma_semaphore, #tpu.memory_space<semaphore_mem>>
      %dma_wait3A_123 = tpu.memref_squeeze %dma_wait3A_122 : memref<1x!tpu.dma_semaphore, #tpu.memory_space<semaphore_mem>> -> memref<!tpu.dma_semaphore, #tpu.memory_space<semaphore_mem>>
      tpu.wait_indirect_dma semaphore(%dma_wait3A_123 : memref<!tpu.dma_semaphore, #tpu.memory_space<semaphore_mem>>) src(%dma_wait3A_121 : memref<10240xf32, #tpu.memory_space<hbm>>) dst(%arg16 : memref<64xf32, #tpu.memory_space<vmem>>)
      %dma_wait3A_124 = arith.constant 0 : i32
      %dma_wait3A_125 = arith.constant 1 : i32
      %dma_wait3A_126 = arith.constant 0 : i32
      %dma_wait3A_127 = tpu.memref_slice %arg10[%dma_wait3A_124, %dma_wait3A_126] : memref<40x64xi32, #tpu.memory_space<vmem>> -> memref<1x64xi32, #tpu.memory_space<vmem>>
      %dma_wait3A_128 = tpu.memref_squeeze %dma_wait3A_127 : memref<1x64xi32, #tpu.memory_space<vmem>> -> memref<64xi32, #tpu.memory_space<vmem>>
      %dma_wait3A_129 = arith.constant 0 : i32
      %dma_wait3A_130 = arith.constant 0 : i32
      %dma_wait3A_131 = tpu.memref_slice %arg2[%dma_wait3A_129, %dma_wait3A_130] : memref<10240x128xf32, #tpu.memory_space<hbm>> -> memref<10240x128xf32, #tpu.memory_space<hbm>>
      %dma_wait3A_132 = tpu.memref_slice %arg22[%dma_wait3A_125] : memref<4x!tpu.dma_semaphore, #tpu.memory_space<semaphore_mem>> -> memref<1x!tpu.dma_semaphore, #tpu.memory_space<semaphore_mem>>
      %dma_wait3A_133 = tpu.memref_squeeze %dma_wait3A_132 : memref<1x!tpu.dma_semaphore, #tpu.memory_space<semaphore_mem>> -> memref<!tpu.dma_semaphore, #tpu.memory_space<semaphore_mem>>
      tpu.wait_indirect_dma semaphore(%dma_wait3A_133 : memref<!tpu.dma_semaphore, #tpu.memory_space<semaphore_mem>>) src(%dma_wait3A_131 : memref<10240x128xf32, #tpu.memory_space<hbm>>) dst(%arg13 : memref<64x128xf32, #tpu.memory_space<vmem>>)
      %dma_wait3A_134 = arith.constant 0 : i32
      %dma_wait3A_135 = arith.constant 1 : i32
      %dma_wait3A_136 = arith.constant 0 : i32
      %dma_wait3A_137 = tpu.memref_slice %arg10[%dma_wait3A_134, %dma_wait3A_136] : memref<40x64xi32, #tpu.memory_space<vmem>> -> memref<1x64xi32, #tpu.memory_space<vmem>>
      %dma_wait3A_138 = tpu.memref_squeeze %dma_wait3A_137 : memref<1x64xi32, #tpu.memory_space<vmem>> -> memref<64xi32, #tpu.memory_space<vmem>>
      %dma_wait3A_139 = arith.constant 0 : i32
      %dma_wait3A_140 = tpu.memref_slice %arg3[%dma_wait3A_139] : memref<10240xf32, #tpu.memory_space<hbm>> -> memref<10240xf32, #tpu.memory_space<hbm>>
      %dma_wait3A_141 = tpu.memref_slice %arg24[%dma_wait3A_135] : memref<4x!tpu.dma_semaphore, #tpu.memory_space<semaphore_mem>> -> memref<1x!tpu.dma_semaphore, #tpu.memory_space<semaphore_mem>>
      %dma_wait3A_142 = tpu.memref_squeeze %dma_wait3A_141 : memref<1x!tpu.dma_semaphore, #tpu.memory_space<semaphore_mem>> -> memref<!tpu.dma_semaphore, #tpu.memory_space<semaphore_mem>>
      tpu.wait_indirect_dma semaphore(%dma_wait3A_142 : memref<!tpu.dma_semaphore, #tpu.memory_space<semaphore_mem>>) src(%dma_wait3A_140 : memref<10240xf32, #tpu.memory_space<hbm>>) dst(%arg17 : memref<64xf32, #tpu.memory_space<vmem>>)
      %dma_wait3A_143 = arith.constant 0 : i32
      %dma_wait3A_144 = arith.constant 2 : i32
      %dma_wait3A_145 = arith.constant 0 : i32
      %dma_wait3A_146 = tpu.memref_slice %arg10[%dma_wait3A_143, %dma_wait3A_145] : memref<40x64xi32, #tpu.memory_space<vmem>> -> memref<1x64xi32, #tpu.memory_space<vmem>>
      %dma_wait3A_147 = tpu.memref_squeeze %dma_wait3A_146 : memref<1x64xi32, #tpu.memory_space<vmem>> -> memref<64xi32, #tpu.memory_space<vmem>>
      %dma_wait3A_148 = arith.constant 0 : i32
      %dma_wait3A_149 = arith.constant 0 : i32
      %dma_wait3A_150 = tpu.memref_slice %arg2[%dma_wait3A_148, %dma_wait3A_149] : memref<10240x128xf32, #tpu.memory_space<hbm>> -> memref<10240x128xf32, #tpu.memory_space<hbm>>
      %dma_wait3A_151 = tpu.memref_slice %arg22[%dma_wait3A_144] : memref<4x!tpu.dma_semaphore, #tpu.memory_space<semaphore_mem>> -> memref<1x!tpu.dma_semaphore, #tpu.memory_space<semaphore_mem>>
      %dma_wait3A_152 = tpu.memref_squeeze %dma_wait3A_151 : memref<1x!tpu.dma_semaphore, #tpu.memory_space<semaphore_mem>> -> memref<!tpu.dma_semaphore, #tpu.memory_space<semaphore_mem>>
      tpu.wait_indirect_dma semaphore(%dma_wait3A_152 : memref<!tpu.dma_semaphore, #tpu.memory_space<semaphore_mem>>) src(%dma_wait3A_150 : memref<10240x128xf32, #tpu.memory_space<hbm>>) dst(%arg14 : memref<64x128xf32, #tpu.memory_space<vmem>>)
      %dma_wait3A_153 = arith.constant 0 : i32
      %dma_wait3A_154 = arith.constant 2 : i32
      %dma_wait3A_155 = arith.constant 0 : i32
      %dma_wait3A_156 = tpu.memref_slice %arg10[%dma_wait3A_153, %dma_wait3A_155] : memref<40x64xi32, #tpu.memory_space<vmem>> -> memref<1x64xi32, #tpu.memory_space<vmem>>
      %dma_wait3A_157 = tpu.memref_squeeze %dma_wait3A_156 : memref<1x64xi32, #tpu.memory_space<vmem>> -> memref<64xi32, #tpu.memory_space<vmem>>
      %dma_wait3A_158 = arith.constant 0 : i32
      %dma_wait3A_159 = tpu.memref_slice %arg3[%dma_wait3A_158] : memref<10240xf32, #tpu.memory_space<hbm>> -> memref<10240xf32, #tpu.memory_space<hbm>>
      %dma_wait3A_160 = tpu.memref_slice %arg24[%dma_wait3A_154] : memref<4x!tpu.dma_semaphore, #tpu.memory_space<semaphore_mem>> -> memref<1x!tpu.dma_semaphore, #tpu.memory_space<semaphore_mem>>
      %dma_wait3A_161 = tpu.memref_squeeze %dma_wait3A_160 : memref<1x!tpu.dma_semaphore, #tpu.memory_space<semaphore_mem>> -> memref<!tpu.dma_semaphore, #tpu.memory_space<semaphore_mem>>
      tpu.wait_indirect_dma semaphore(%dma_wait3A_161 : memref<!tpu.dma_semaphore, #tpu.memory_space<semaphore_mem>>) src(%dma_wait3A_159 : memref<10240xf32, #tpu.memory_space<hbm>>) dst(%arg18 : memref<64xf32, #tpu.memory_space<vmem>>)
      %dma_wait3A_162 = arith.constant 0 : i32
      %dma_wait3A_163 = arith.constant 3 : i32
      %dma_wait3A_164 = arith.constant 0 : i32
      %dma_wait3A_165 = tpu.memref_slice %arg10[%dma_wait3A_162, %dma_wait3A_164] : memref<40x64xi32, #tpu.memory_space<vmem>> -> memref<1x64xi32, #tpu.memory_space<vmem>>
      %dma_wait3A_166 = tpu.memref_squeeze %dma_wait3A_165 : memref<1x64xi32, #tpu.memory_space<vmem>> -> memref<64xi32, #tpu.memory_space<vmem>>
      %dma_wait3A_167 = arith.constant 0 : i32
      %dma_wait3A_168 = arith.constant 0 : i32
      %dma_wait3A_169 = tpu.memref_slice %arg2[%dma_wait3A_167, %dma_wait3A_168] : memref<10240x128xf32, #tpu.memory_space<hbm>> -> memref<10240x128xf32, #tpu.memory_space<hbm>>
      %dma_wait3A_170 = tpu.memref_slice %arg22[%dma_wait3A_163] : memref<4x!tpu.dma_semaphore, #tpu.memory_space<semaphore_mem>> -> memref<1x!tpu.dma_semaphore, #tpu.memory_space<semaphore_mem>>
      %dma_wait3A_171 = tpu.memref_squeeze %dma_wait3A_170 : memref<1x!tpu.dma_semaphore, #tpu.memory_space<semaphore_mem>> -> memref<!tpu.dma_semaphore, #tpu.memory_space<semaphore_mem>>
      tpu.wait_indirect_dma semaphore(%dma_wait3A_171 : memref<!tpu.dma_semaphore, #tpu.memory_space<semaphore_mem>>) src(%dma_wait3A_169 : memref<10240x128xf32, #tpu.memory_space<hbm>>) dst(%arg15 : memref<64x128xf32, #tpu.memory_space<vmem>>)
      %dma_wait3A_172 = arith.constant 0 : i32
      %dma_wait3A_173 = arith.constant 3 : i32
      %dma_wait3A_174 = arith.constant 0 : i32
      %dma_wait3A_175 = tpu.memref_slice %arg10[%dma_wait3A_172, %dma_wait3A_174] : memref<40x64xi32, #tpu.memory_space<vmem>> -> memref<1x64xi32, #tpu.memory_space<vmem>>
      %dma_wait3A_176 = tpu.memref_squeeze %dma_wait3A_175 : memref<1x64xi32, #tpu.memory_space<vmem>> -> memref<64xi32, #tpu.memory_space<vmem>>
      %dma_wait3A_177 = arith.constant 0 : i32
      %dma_wait3A_178 = tpu.memref_slice %arg3[%dma_wait3A_177] : memref<10240xf32, #tpu.memory_space<hbm>> -> memref<10240xf32, #tpu.memory_space<hbm>>
      %dma_wait3A_179 = tpu.memref_slice %arg24[%dma_wait3A_173] : memref<4x!tpu.dma_semaphore, #tpu.memory_space<semaphore_mem>> -> memref<1x!tpu.dma_semaphore, #tpu.memory_space<semaphore_mem>>
      %dma_wait3A_180 = tpu.memref_squeeze %dma_wait3A_179 : memref<1x!tpu.dma_semaphore, #tpu.memory_space<semaphore_mem>> -> memref<!tpu.dma_semaphore, #tpu.memory_space<semaphore_mem>>
      tpu.wait_indirect_dma semaphore(%dma_wait3A_180 : memref<!tpu.dma_semaphore, #tpu.memory_space<semaphore_mem>>) src(%dma_wait3A_178 : memref<10240xf32, #tpu.memory_space<hbm>>) dst(%arg19 : memref<64xf32, #tpu.memory_space<vmem>>)
    }
    %scan3A_9 = arith.constant 4 : i32
    %barrier3A_10 = arith.constant 0 : index
    tpu.barrier barrier_id(%barrier3A_10)
    %mul3A_11 = arith.constant 640 : i32
    %mul3A_12 = arith.muli %arg1, %mul3A_11 : i32
    %mul3A_13 = arith.constant 640 : i32
    %mul3A_14 = arith.muli %arg1, %mul3A_13 : i32
    "tpu.region"() ({
      %run_scoped3A = tpu.sem_alloc : memref<!tpu.dma_semaphore, #tpu.memory_space<semaphore_mem>>
      %dma_start3A = arith.constant 0 : i32
      %dma_start3A_19 = tpu.memref_slice %arg8[%arg0, %mul3A_14, %dma_start3A] : memref<2x10240x128xf32, #tpu.memory_space<hbm>> -> memref<1x640x128xf32, #tpu.memory_space<hbm>>
      %dma_start3A_20 = tpu.memref_squeeze %dma_start3A_19 : memref<1x640x128xf32, #tpu.memory_space<hbm>> -> memref<640x128xf32, #tpu.memory_space<hbm>>
      %dma_start3A_21 = arith.constant 0 : i32
      %dma_start3A_22 = tpu.memref_slice %arg20[%mul3A_12, %dma_start3A_21] : memref<10240x128xf32, #tpu.memory_space<vmem_shared>> -> memref<640x128xf32, #tpu.memory_space<vmem_shared>>
      tpu.enqueue_dma source(%dma_start3A_22 : memref<640x128xf32, #tpu.memory_space<vmem_shared>>) target(%dma_start3A_20 : memref<640x128xf32, #tpu.memory_space<hbm>>) target_semaphore(%run_scoped3A : memref<!tpu.dma_semaphore, #tpu.memory_space<semaphore_mem>>)
      %dma_wait3A = arith.constant 0 : i32
      %dma_wait3A_23 = tpu.memref_slice %arg8[%arg0, %mul3A_14, %dma_wait3A] : memref<2x10240x128xf32, #tpu.memory_space<hbm>> -> memref<1x640x128xf32, #tpu.memory_space<hbm>>
      %dma_wait3A_24 = tpu.memref_squeeze %dma_wait3A_23 : memref<1x640x128xf32, #tpu.memory_space<hbm>> -> memref<640x128xf32, #tpu.memory_space<hbm>>
      %dma_wait3A_25 = arith.constant 0 : i32
      %dma_wait3A_26 = tpu.memref_slice %arg20[%mul3A_12, %dma_wait3A_25] : memref<10240x128xf32, #tpu.memory_space<vmem_shared>> -> memref<640x128xf32, #tpu.memory_space<vmem_shared>>
      tpu.wait_dma2 semaphore(%run_scoped3A : memref<!tpu.dma_semaphore, #tpu.memory_space<semaphore_mem>>) src(%dma_wait3A_26 : memref<640x128xf32, #tpu.memory_space<vmem_shared>>) dst(%dma_wait3A_24 : memref<640x128xf32, #tpu.memory_space<hbm>>)
      tpu.yield
    }) : () -> ()
    %mul3A_15 = arith.constant 640 : i32
    %mul3A_16 = arith.muli %arg1, %mul3A_15 : i32
    %mul3A_17 = arith.constant 640 : i32
    %mul3A_18 = arith.muli %arg1, %mul3A_17 : i32
    "tpu.region"() ({
      %run_scoped3A = tpu.sem_alloc : memref<!tpu.dma_semaphore, #tpu.memory_space<semaphore_mem>>
      %dma_start3A = tpu.memref_slice %arg9[%arg0, %mul3A_18] : memref<2x10240xf32, #tpu.memory_space<hbm>> -> memref<1x640xf32, #tpu.memory_space<hbm>>
      %dma_start3A_19 = tpu.memref_squeeze %dma_start3A : memref<1x640xf32, #tpu.memory_space<hbm>> -> memref<640xf32, #tpu.memory_space<hbm>>
      %dma_start3A_20 = tpu.memref_slice %arg21[%mul3A_16] : memref<10240xf32, #tpu.memory_space<vmem_shared>> -> memref<640xf32, #tpu.memory_space<vmem_shared>>
      tpu.enqueue_dma source(%dma_start3A_20 : memref<640xf32, #tpu.memory_space<vmem_shared>>) target(%dma_start3A_19 : memref<640xf32, #tpu.memory_space<hbm>>) target_semaphore(%run_scoped3A : memref<!tpu.dma_semaphore, #tpu.memory_space<semaphore_mem>>)
      %dma_wait3A = tpu.memref_slice %arg9[%arg0, %mul3A_18] : memref<2x10240xf32, #tpu.memory_space<hbm>> -> memref<1x640xf32, #tpu.memory_space<hbm>>
      %dma_wait3A_21 = tpu.memref_squeeze %dma_wait3A : memref<1x640xf32, #tpu.memory_space<hbm>> -> memref<640xf32, #tpu.memory_space<hbm>>
      %dma_wait3A_22 = tpu.memref_slice %arg21[%mul3A_16] : memref<10240xf32, #tpu.memory_space<vmem_shared>> -> memref<640xf32, #tpu.memory_space<vmem_shared>>
      tpu.wait_dma2 semaphore(%run_scoped3A : memref<!tpu.dma_semaphore, #tpu.memory_space<semaphore_mem>>) src(%dma_wait3A_22 : memref<640xf32, #tpu.memory_space<vmem_shared>>) dst(%dma_wait3A_21 : memref<640xf32, #tpu.memory_space<hbm>>)
      tpu.yield
    }) : () -> ()
    return
  }
}

#map = affine_map<(d0, d1) -> (0)>
#map1 = affine_map<(d0, d1) -> (0, 0)>
module attributes {stable_mosaic.version = 14 : i64} {
  func.func @kern(%arg0: i32, %arg1: i32, %arg2: memref<10240xf32, #tpu.memory_space<hbm>>, %arg3: memref<5120x64xi32, #tpu.memory_space<hbm>>, %arg4: memref<5120x64xi32, #tpu.memory_space<hbm>>, %arg5: memref<640xf32, #tpu.memory_space<hbm>>, %arg6: memref<2x10240xf32, #tpu.memory_space<hbm>>, %arg7: memref<160x64xi32, #tpu.memory_space<vmem>>, %arg8: memref<160x64xi32, #tpu.memory_space<vmem>>, %arg9: memref<64xf32, #tpu.memory_space<vmem>>, %arg10: memref<64xf32, #tpu.memory_space<vmem>>, %arg11: memref<64xf32, #tpu.memory_space<vmem>>, %arg12: memref<64xf32, #tpu.memory_space<vmem>>, %arg13: memref<10240xf32, #tpu.memory_space<vmem_shared>>, %arg14: memref<4x!tpu.dma_semaphore, #tpu.memory_space<semaphore_mem>>, %arg15: memref<4x!tpu.dma_semaphore, #tpu.memory_space<semaphore_mem>>) attributes {dimension_semantics = [#tpu.dimension_semantics<core_parallel>, #tpu.dimension_semantics<subcore_parallel>], iteration_bounds = array<i64: 2, 16>, scalar_prefetch = 0 : i64, scratch_operands = 9 : i64, tpu.core_type = #tpu.core_type<sc_vector_subcore>, window_params = [{transform_indices = #map}, {transform_indices = #map1}, {transform_indices = #map1}, {transform_indices = #map}, {transform_indices = #map1}]} {
    %mul3A = arith.constant 16 : i32
    %mul3A_0 = arith.muli %arg0, %mul3A : i32
    %add3A = arith.addi %mul3A_0, %arg1 : i32
    %mul3A_1 = arith.constant 640 : i32
    %mul3A_2 = arith.muli %arg1, %mul3A_1 : i32
    "tpu.region"() ({
      %run_scoped3A = tpu.sem_alloc : memref<!tpu.dma_semaphore, #tpu.memory_space<semaphore_mem>>
      %dma_start3A_87 = tpu.memref_slice %arg13[%mul3A_2] : memref<10240xf32, #tpu.memory_space<vmem_shared>> -> memref<640xf32, #tpu.memory_space<vmem_shared>>
      tpu.enqueue_dma source(%arg5 : memref<640xf32, #tpu.memory_space<hbm>>) target(%dma_start3A_87 : memref<640xf32, #tpu.memory_space<vmem_shared>>) target_semaphore(%run_scoped3A : memref<!tpu.dma_semaphore, #tpu.memory_space<semaphore_mem>>)
      %dma_wait3A_88 = tpu.memref_slice %arg13[%mul3A_2] : memref<10240xf32, #tpu.memory_space<vmem_shared>> -> memref<640xf32, #tpu.memory_space<vmem_shared>>
      tpu.wait_dma2 semaphore(%run_scoped3A : memref<!tpu.dma_semaphore, #tpu.memory_space<semaphore_mem>>) src(%arg5 : memref<640xf32, #tpu.memory_space<hbm>>) dst(%dma_wait3A_88 : memref<640xf32, #tpu.memory_space<vmem_shared>>)
      tpu.yield
    }) : () -> ()
    %barrier3A = arith.constant 0 : index
    tpu.barrier barrier_id(%barrier3A)
    %mul3A_3 = arith.constant 160 : i32
    %mul3A_4 = arith.muli %add3A, %mul3A_3 : i32
    %add3A_5 = arith.constant 0 : i32
    %add3A_6 = arith.addi %mul3A_4, %add3A_5 : i32
    "tpu.region"() ({
      %run_scoped3A = tpu.sem_alloc : memref<!tpu.dma_semaphore, #tpu.memory_space<semaphore_mem>>
      %dma_start3A_87 = arith.constant 0 : i32
      %dma_start3A_88 = tpu.memref_slice %arg4[%add3A_6, %dma_start3A_87] : memref<5120x64xi32, #tpu.memory_space<hbm>> -> memref<160x64xi32, #tpu.memory_space<hbm>>
      %dma_start3A_89 = arith.constant 0 : i32
      %dma_start3A_90 = tpu.memref_slice %arg4[%add3A_6, %dma_start3A_89] : memref<5120x64xi32, #tpu.memory_space<hbm>> -> memref<160x64xi32, #tpu.memory_space<hbm>>
      tpu.enqueue_dma source(%dma_start3A_90 : memref<160x64xi32, #tpu.memory_space<hbm>>) target(%arg8 : memref<160x64xi32, #tpu.memory_space<vmem>>) target_semaphore(%run_scoped3A : memref<!tpu.dma_semaphore, #tpu.memory_space<semaphore_mem>>)
      %dma_wait3A_91 = arith.constant 0 : i32
      %dma_wait3A_92 = tpu.memref_slice %arg4[%add3A_6, %dma_wait3A_91] : memref<5120x64xi32, #tpu.memory_space<hbm>> -> memref<160x64xi32, #tpu.memory_space<hbm>>
      %dma_wait3A_93 = arith.constant 0 : i32
      %dma_wait3A_94 = tpu.memref_slice %arg4[%add3A_6, %dma_wait3A_93] : memref<5120x64xi32, #tpu.memory_space<hbm>> -> memref<160x64xi32, #tpu.memory_space<hbm>>
      tpu.wait_dma2 semaphore(%run_scoped3A : memref<!tpu.dma_semaphore, #tpu.memory_space<semaphore_mem>>) src(%dma_wait3A_94 : memref<160x64xi32, #tpu.memory_space<hbm>>) dst(%arg8 : memref<160x64xi32, #tpu.memory_space<vmem>>)
      tpu.yield
    }) : () -> ()
    "tpu.region"() ({
      %run_scoped3A = tpu.sem_alloc : memref<!tpu.dma_semaphore, #tpu.memory_space<semaphore_mem>>
      %dma_start3A_87 = arith.constant 0 : i32
      %dma_start3A_88 = tpu.memref_slice %arg3[%add3A_6, %dma_start3A_87] : memref<5120x64xi32, #tpu.memory_space<hbm>> -> memref<160x64xi32, #tpu.memory_space<hbm>>
      %dma_start3A_89 = arith.constant 0 : i32
      %dma_start3A_90 = tpu.memref_slice %arg3[%add3A_6, %dma_start3A_89] : memref<5120x64xi32, #tpu.memory_space<hbm>> -> memref<160x64xi32, #tpu.memory_space<hbm>>
      tpu.enqueue_dma source(%dma_start3A_90 : memref<160x64xi32, #tpu.memory_space<hbm>>) target(%arg7 : memref<160x64xi32, #tpu.memory_space<vmem>>) target_semaphore(%run_scoped3A : memref<!tpu.dma_semaphore, #tpu.memory_space<semaphore_mem>>)
      %dma_wait3A_91 = arith.constant 0 : i32
      %dma_wait3A_92 = tpu.memref_slice %arg3[%add3A_6, %dma_wait3A_91] : memref<5120x64xi32, #tpu.memory_space<hbm>> -> memref<160x64xi32, #tpu.memory_space<hbm>>
      %dma_wait3A_93 = arith.constant 0 : i32
      %dma_wait3A_94 = tpu.memref_slice %arg3[%add3A_6, %dma_wait3A_93] : memref<5120x64xi32, #tpu.memory_space<hbm>> -> memref<160x64xi32, #tpu.memory_space<hbm>>
      tpu.wait_dma2 semaphore(%run_scoped3A : memref<!tpu.dma_semaphore, #tpu.memory_space<semaphore_mem>>) src(%dma_wait3A_94 : memref<160x64xi32, #tpu.memory_space<hbm>>) dst(%arg7 : memref<160x64xi32, #tpu.memory_space<vmem>>)
      tpu.yield
    }) : () -> ()
    %dma_start3A = arith.constant 0 : i32
    %dma_start3A_7 = arith.constant 0 : i32
    %dma_start3A_8 = arith.constant 0 : i32
    %dma_start3A_9 = tpu.memref_slice %arg7[%dma_start3A, %dma_start3A_8] : memref<160x64xi32, #tpu.memory_space<vmem>> -> memref<1x64xi32, #tpu.memory_space<vmem>>
    %dma_start3A_10 = tpu.memref_squeeze %dma_start3A_9 : memref<1x64xi32, #tpu.memory_space<vmem>> -> memref<64xi32, #tpu.memory_space<vmem>>
    %dma_start3A_11 = arith.constant 0 : i32
    %dma_start3A_12 = tpu.memref_slice %arg2[%dma_start3A_11] : memref<10240xf32, #tpu.memory_space<hbm>> -> memref<10240xf32, #tpu.memory_space<hbm>>
    %dma_start3A_13 = tpu.memref_slice %arg14[%dma_start3A_7] : memref<4x!tpu.dma_semaphore, #tpu.memory_space<semaphore_mem>> -> memref<1x!tpu.dma_semaphore, #tpu.memory_space<semaphore_mem>>
    %dma_start3A_14 = tpu.memref_squeeze %dma_start3A_13 : memref<1x!tpu.dma_semaphore, #tpu.memory_space<semaphore_mem>> -> memref<!tpu.dma_semaphore, #tpu.memory_space<semaphore_mem>>
    tpu.enqueue_indirect_dma source(%dma_start3A_12 : memref<10240xf32, #tpu.memory_space<hbm>>) target(%arg9 : memref<64xf32, #tpu.memory_space<vmem>>) offsets(%dma_start3A_10 : memref<64xi32, #tpu.memory_space<vmem>>) semaphore(%dma_start3A_14 : memref<!tpu.dma_semaphore, #tpu.memory_space<semaphore_mem>>)
    %dma_start3A_15 = arith.constant 1 : i32
    %dma_start3A_16 = arith.constant 1 : i32
    %dma_start3A_17 = arith.constant 0 : i32
    %dma_start3A_18 = tpu.memref_slice %arg7[%dma_start3A_15, %dma_start3A_17] : memref<160x64xi32, #tpu.memory_space<vmem>> -> memref<1x64xi32, #tpu.memory_space<vmem>>
    %dma_start3A_19 = tpu.memref_squeeze %dma_start3A_18 : memref<1x64xi32, #tpu.memory_space<vmem>> -> memref<64xi32, #tpu.memory_space<vmem>>
    %dma_start3A_20 = arith.constant 0 : i32
    %dma_start3A_21 = tpu.memref_slice %arg2[%dma_start3A_20] : memref<10240xf32, #tpu.memory_space<hbm>> -> memref<10240xf32, #tpu.memory_space<hbm>>
    %dma_start3A_22 = tpu.memref_slice %arg14[%dma_start3A_16] : memref<4x!tpu.dma_semaphore, #tpu.memory_space<semaphore_mem>> -> memref<1x!tpu.dma_semaphore, #tpu.memory_space<semaphore_mem>>
    %dma_start3A_23 = tpu.memref_squeeze %dma_start3A_22 : memref<1x!tpu.dma_semaphore, #tpu.memory_space<semaphore_mem>> -> memref<!tpu.dma_semaphore, #tpu.memory_space<semaphore_mem>>
    tpu.enqueue_indirect_dma source(%dma_start3A_21 : memref<10240xf32, #tpu.memory_space<hbm>>) target(%arg10 : memref<64xf32, #tpu.memory_space<vmem>>) offsets(%dma_start3A_19 : memref<64xi32, #tpu.memory_space<vmem>>) semaphore(%dma_start3A_23 : memref<!tpu.dma_semaphore, #tpu.memory_space<semaphore_mem>>)
    %dma_start3A_24 = arith.constant 2 : i32
    %dma_start3A_25 = arith.constant 2 : i32
    %dma_start3A_26 = arith.constant 0 : i32
    %dma_start3A_27 = tpu.memref_slice %arg7[%dma_start3A_24, %dma_start3A_26] : memref<160x64xi32, #tpu.memory_space<vmem>> -> memref<1x64xi32, #tpu.memory_space<vmem>>
    %dma_start3A_28 = tpu.memref_squeeze %dma_start3A_27 : memref<1x64xi32, #tpu.memory_space<vmem>> -> memref<64xi32, #tpu.memory_space<vmem>>
    %dma_start3A_29 = arith.constant 0 : i32
    %dma_start3A_30 = tpu.memref_slice %arg2[%dma_start3A_29] : memref<10240xf32, #tpu.memory_space<hbm>> -> memref<10240xf32, #tpu.memory_space<hbm>>
    %dma_start3A_31 = tpu.memref_slice %arg14[%dma_start3A_25] : memref<4x!tpu.dma_semaphore, #tpu.memory_space<semaphore_mem>> -> memref<1x!tpu.dma_semaphore, #tpu.memory_space<semaphore_mem>>
    %dma_start3A_32 = tpu.memref_squeeze %dma_start3A_31 : memref<1x!tpu.dma_semaphore, #tpu.memory_space<semaphore_mem>> -> memref<!tpu.dma_semaphore, #tpu.memory_space<semaphore_mem>>
    tpu.enqueue_indirect_dma source(%dma_start3A_30 : memref<10240xf32, #tpu.memory_space<hbm>>) target(%arg11 : memref<64xf32, #tpu.memory_space<vmem>>) offsets(%dma_start3A_28 : memref<64xi32, #tpu.memory_space<vmem>>) semaphore(%dma_start3A_32 : memref<!tpu.dma_semaphore, #tpu.memory_space<semaphore_mem>>)
    %dma_start3A_33 = arith.constant 3 : i32
    %dma_start3A_34 = arith.constant 3 : i32
    %dma_start3A_35 = arith.constant 0 : i32
    %dma_start3A_36 = tpu.memref_slice %arg7[%dma_start3A_33, %dma_start3A_35] : memref<160x64xi32, #tpu.memory_space<vmem>> -> memref<1x64xi32, #tpu.memory_space<vmem>>
    %dma_start3A_37 = tpu.memref_squeeze %dma_start3A_36 : memref<1x64xi32, #tpu.memory_space<vmem>> -> memref<64xi32, #tpu.memory_space<vmem>>
    %dma_start3A_38 = arith.constant 0 : i32
    %dma_start3A_39 = tpu.memref_slice %arg2[%dma_start3A_38] : memref<10240xf32, #tpu.memory_space<hbm>> -> memref<10240xf32, #tpu.memory_space<hbm>>
    %dma_start3A_40 = tpu.memref_slice %arg14[%dma_start3A_34] : memref<4x!tpu.dma_semaphore, #tpu.memory_space<semaphore_mem>> -> memref<1x!tpu.dma_semaphore, #tpu.memory_space<semaphore_mem>>
    %dma_start3A_41 = tpu.memref_squeeze %dma_start3A_40 : memref<1x!tpu.dma_semaphore, #tpu.memory_space<semaphore_mem>> -> memref<!tpu.dma_semaphore, #tpu.memory_space<semaphore_mem>>
    tpu.enqueue_indirect_dma source(%dma_start3A_39 : memref<10240xf32, #tpu.memory_space<hbm>>) target(%arg12 : memref<64xf32, #tpu.memory_space<vmem>>) offsets(%dma_start3A_37 : memref<64xi32, #tpu.memory_space<vmem>>) semaphore(%dma_start3A_41 : memref<!tpu.dma_semaphore, #tpu.memory_space<semaphore_mem>>)
    %scan3A = arith.constant 0 : i32
    %scan3A_42 = arith.constant 0 : i32
    %scan3A_43 = arith.constant 40 : i32
    %scan3A_44 = arith.addi %scan3A_42, %scan3A_43 : i32
    %scan3A_45 = arith.constant 1 : i32
    scf.for %scan3A_87 = %scan3A_42 to %scan3A_44 step %scan3A_45  : i32 {
      %mul3A_88 = arith.constant 4 : i32
      %mul3A_89 = arith.muli %scan3A_87, %mul3A_88 : i32
      %dma_wait3A_90 = arith.constant 0 : i32
      %dma_wait3A_91 = arith.constant 0 : i32
      %dma_wait3A_92 = arith.constant 0 : i32
      %dma_wait3A_93 = tpu.memref_slice %arg7[%dma_wait3A_90, %dma_wait3A_92] : memref<160x64xi32, #tpu.memory_space<vmem>> -> memref<1x64xi32, #tpu.memory_space<vmem>>
      %dma_wait3A_94 = tpu.memref_squeeze %dma_wait3A_93 : memref<1x64xi32, #tpu.memory_space<vmem>> -> memref<64xi32, #tpu.memory_space<vmem>>
      %dma_wait3A_95 = arith.constant 0 : i32
      %dma_wait3A_96 = tpu.memref_slice %arg2[%dma_wait3A_95] : memref<10240xf32, #tpu.memory_space<hbm>> -> memref<10240xf32, #tpu.memory_space<hbm>>
      %dma_wait3A_97 = tpu.memref_slice %arg14[%dma_wait3A_91] : memref<4x!tpu.dma_semaphore, #tpu.memory_space<semaphore_mem>> -> memref<1x!tpu.dma_semaphore, #tpu.memory_space<semaphore_mem>>
      %dma_wait3A_98 = tpu.memref_squeeze %dma_wait3A_97 : memref<1x!tpu.dma_semaphore, #tpu.memory_space<semaphore_mem>> -> memref<!tpu.dma_semaphore, #tpu.memory_space<semaphore_mem>>
      tpu.wait_indirect_dma semaphore(%dma_wait3A_98 : memref<!tpu.dma_semaphore, #tpu.memory_space<semaphore_mem>>) src(%dma_wait3A_96 : memref<10240xf32, #tpu.memory_space<hbm>>) dst(%arg9 : memref<64xf32, #tpu.memory_space<vmem>>)
      %add3A_99 = arith.constant 0 : i32
      %add3A_100 = arith.addi %mul3A_89, %add3A_99 : i32
      %dma_start3A_101 = arith.constant 0 : i32
      %dma_start3A_102 = arith.constant 0 : i32
      %dma_start3A_103 = tpu.memref_slice %arg8[%add3A_100, %dma_start3A_102] : memref<160x64xi32, #tpu.memory_space<vmem>> -> memref<1x64xi32, #tpu.memory_space<vmem>>
      %dma_start3A_104 = tpu.memref_squeeze %dma_start3A_103 : memref<1x64xi32, #tpu.memory_space<vmem>> -> memref<64xi32, #tpu.memory_space<vmem>>
      %dma_start3A_105 = arith.constant 0 : i32
      %dma_start3A_106 = tpu.memref_slice %arg13[%dma_start3A_105] : memref<10240xf32, #tpu.memory_space<vmem_shared>> -> memref<10240xf32, #tpu.memory_space<vmem_shared>>
      %dma_start3A_107 = tpu.memref_slice %arg15[%dma_start3A_101] : memref<4x!tpu.dma_semaphore, #tpu.memory_space<semaphore_mem>> -> memref<1x!tpu.dma_semaphore, #tpu.memory_space<semaphore_mem>>
      %dma_start3A_108 = tpu.memref_squeeze %dma_start3A_107 : memref<1x!tpu.dma_semaphore, #tpu.memory_space<semaphore_mem>> -> memref<!tpu.dma_semaphore, #tpu.memory_space<semaphore_mem>>
      tpu.enqueue_indirect_dma source(%arg9 : memref<64xf32, #tpu.memory_space<vmem>>) target(%dma_start3A_106 : memref<10240xf32, #tpu.memory_space<vmem_shared>>) offsets(%dma_start3A_104 : memref<64xi32, #tpu.memory_space<vmem>>) semaphore(%dma_start3A_108 : memref<!tpu.dma_semaphore, #tpu.memory_space<semaphore_mem>>) {add = true}
      %dma_wait3A_109 = arith.constant 0 : i32
      %dma_wait3A_110 = arith.constant 1 : i32
      %dma_wait3A_111 = arith.constant 0 : i32
      %dma_wait3A_112 = tpu.memref_slice %arg7[%dma_wait3A_109, %dma_wait3A_111] : memref<160x64xi32, #tpu.memory_space<vmem>> -> memref<1x64xi32, #tpu.memory_space<vmem>>
      %dma_wait3A_113 = tpu.memref_squeeze %dma_wait3A_112 : memref<1x64xi32, #tpu.memory_space<vmem>> -> memref<64xi32, #tpu.memory_space<vmem>>
      %dma_wait3A_114 = arith.constant 0 : i32
      %dma_wait3A_115 = tpu.memref_slice %arg2[%dma_wait3A_114] : memref<10240xf32, #tpu.memory_space<hbm>> -> memref<10240xf32, #tpu.memory_space<hbm>>
      %dma_wait3A_116 = tpu.memref_slice %arg14[%dma_wait3A_110] : memref<4x!tpu.dma_semaphore, #tpu.memory_space<semaphore_mem>> -> memref<1x!tpu.dma_semaphore, #tpu.memory_space<semaphore_mem>>
      %dma_wait3A_117 = tpu.memref_squeeze %dma_wait3A_116 : memref<1x!tpu.dma_semaphore, #tpu.memory_space<semaphore_mem>> -> memref<!tpu.dma_semaphore, #tpu.memory_space<semaphore_mem>>
      tpu.wait_indirect_dma semaphore(%dma_wait3A_117 : memref<!tpu.dma_semaphore, #tpu.memory_space<semaphore_mem>>) src(%dma_wait3A_115 : memref<10240xf32, #tpu.memory_space<hbm>>) dst(%arg10 : memref<64xf32, #tpu.memory_space<vmem>>)
      %add3A_118 = arith.constant 1 : i32
      %add3A_119 = arith.addi %mul3A_89, %add3A_118 : i32
      %dma_start3A_120 = arith.constant 1 : i32
      %dma_start3A_121 = arith.constant 0 : i32
      %dma_start3A_122 = tpu.memref_slice %arg8[%add3A_119, %dma_start3A_121] : memref<160x64xi32, #tpu.memory_space<vmem>> -> memref<1x64xi32, #tpu.memory_space<vmem>>
      %dma_start3A_123 = tpu.memref_squeeze %dma_start3A_122 : memref<1x64xi32, #tpu.memory_space<vmem>> -> memref<64xi32, #tpu.memory_space<vmem>>
      %dma_start3A_124 = arith.constant 0 : i32
      %dma_start3A_125 = tpu.memref_slice %arg13[%dma_start3A_124] : memref<10240xf32, #tpu.memory_space<vmem_shared>> -> memref<10240xf32, #tpu.memory_space<vmem_shared>>
      %dma_start3A_126 = tpu.memref_slice %arg15[%dma_start3A_120] : memref<4x!tpu.dma_semaphore, #tpu.memory_space<semaphore_mem>> -> memref<1x!tpu.dma_semaphore, #tpu.memory_space<semaphore_mem>>
      %dma_start3A_127 = tpu.memref_squeeze %dma_start3A_126 : memref<1x!tpu.dma_semaphore, #tpu.memory_space<semaphore_mem>> -> memref<!tpu.dma_semaphore, #tpu.memory_space<semaphore_mem>>
      tpu.enqueue_indirect_dma source(%arg10 : memref<64xf32, #tpu.memory_space<vmem>>) target(%dma_start3A_125 : memref<10240xf32, #tpu.memory_space<vmem_shared>>) offsets(%dma_start3A_123 : memref<64xi32, #tpu.memory_space<vmem>>) semaphore(%dma_start3A_127 : memref<!tpu.dma_semaphore, #tpu.memory_space<semaphore_mem>>) {add = true}
      %dma_wait3A_128 = arith.constant 0 : i32
      %dma_wait3A_129 = arith.constant 2 : i32
      %dma_wait3A_130 = arith.constant 0 : i32
      %dma_wait3A_131 = tpu.memref_slice %arg7[%dma_wait3A_128, %dma_wait3A_130] : memref<160x64xi32, #tpu.memory_space<vmem>> -> memref<1x64xi32, #tpu.memory_space<vmem>>
      %dma_wait3A_132 = tpu.memref_squeeze %dma_wait3A_131 : memref<1x64xi32, #tpu.memory_space<vmem>> -> memref<64xi32, #tpu.memory_space<vmem>>
      %dma_wait3A_133 = arith.constant 0 : i32
      %dma_wait3A_134 = tpu.memref_slice %arg2[%dma_wait3A_133] : memref<10240xf32, #tpu.memory_space<hbm>> -> memref<10240xf32, #tpu.memory_space<hbm>>
      %dma_wait3A_135 = tpu.memref_slice %arg14[%dma_wait3A_129] : memref<4x!tpu.dma_semaphore, #tpu.memory_space<semaphore_mem>> -> memref<1x!tpu.dma_semaphore, #tpu.memory_space<semaphore_mem>>
      %dma_wait3A_136 = tpu.memref_squeeze %dma_wait3A_135 : memref<1x!tpu.dma_semaphore, #tpu.memory_space<semaphore_mem>> -> memref<!tpu.dma_semaphore, #tpu.memory_space<semaphore_mem>>
      tpu.wait_indirect_dma semaphore(%dma_wait3A_136 : memref<!tpu.dma_semaphore, #tpu.memory_space<semaphore_mem>>) src(%dma_wait3A_134 : memref<10240xf32, #tpu.memory_space<hbm>>) dst(%arg11 : memref<64xf32, #tpu.memory_space<vmem>>)
      %add3A_137 = arith.constant 2 : i32
      %add3A_138 = arith.addi %mul3A_89, %add3A_137 : i32
      %dma_start3A_139 = arith.constant 2 : i32
      %dma_start3A_140 = arith.constant 0 : i32
      %dma_start3A_141 = tpu.memref_slice %arg8[%add3A_138, %dma_start3A_140] : memref<160x64xi32, #tpu.memory_space<vmem>> -> memref<1x64xi32, #tpu.memory_space<vmem>>
      %dma_start3A_142 = tpu.memref_squeeze %dma_start3A_141 : memref<1x64xi32, #tpu.memory_space<vmem>> -> memref<64xi32, #tpu.memory_space<vmem>>
      %dma_start3A_143 = arith.constant 0 : i32
      %dma_start3A_144 = tpu.memref_slice %arg13[%dma_start3A_143] : memref<10240xf32, #tpu.memory_space<vmem_shared>> -> memref<10240xf32, #tpu.memory_space<vmem_shared>>
      %dma_start3A_145 = tpu.memref_slice %arg15[%dma_start3A_139] : memref<4x!tpu.dma_semaphore, #tpu.memory_space<semaphore_mem>> -> memref<1x!tpu.dma_semaphore, #tpu.memory_space<semaphore_mem>>
      %dma_start3A_146 = tpu.memref_squeeze %dma_start3A_145 : memref<1x!tpu.dma_semaphore, #tpu.memory_space<semaphore_mem>> -> memref<!tpu.dma_semaphore, #tpu.memory_space<semaphore_mem>>
      tpu.enqueue_indirect_dma source(%arg11 : memref<64xf32, #tpu.memory_space<vmem>>) target(%dma_start3A_144 : memref<10240xf32, #tpu.memory_space<vmem_shared>>) offsets(%dma_start3A_142 : memref<64xi32, #tpu.memory_space<vmem>>) semaphore(%dma_start3A_146 : memref<!tpu.dma_semaphore, #tpu.memory_space<semaphore_mem>>) {add = true}
      %dma_wait3A_147 = arith.constant 0 : i32
      %dma_wait3A_148 = arith.constant 3 : i32
      %dma_wait3A_149 = arith.constant 0 : i32
      %dma_wait3A_150 = tpu.memref_slice %arg7[%dma_wait3A_147, %dma_wait3A_149] : memref<160x64xi32, #tpu.memory_space<vmem>> -> memref<1x64xi32, #tpu.memory_space<vmem>>
      %dma_wait3A_151 = tpu.memref_squeeze %dma_wait3A_150 : memref<1x64xi32, #tpu.memory_space<vmem>> -> memref<64xi32, #tpu.memory_space<vmem>>
      %dma_wait3A_152 = arith.constant 0 : i32
      %dma_wait3A_153 = tpu.memref_slice %arg2[%dma_wait3A_152] : memref<10240xf32, #tpu.memory_space<hbm>> -> memref<10240xf32, #tpu.memory_space<hbm>>
      %dma_wait3A_154 = tpu.memref_slice %arg14[%dma_wait3A_148] : memref<4x!tpu.dma_semaphore, #tpu.memory_space<semaphore_mem>> -> memref<1x!tpu.dma_semaphore, #tpu.memory_space<semaphore_mem>>
      %dma_wait3A_155 = tpu.memref_squeeze %dma_wait3A_154 : memref<1x!tpu.dma_semaphore, #tpu.memory_space<semaphore_mem>> -> memref<!tpu.dma_semaphore, #tpu.memory_space<semaphore_mem>>
      tpu.wait_indirect_dma semaphore(%dma_wait3A_155 : memref<!tpu.dma_semaphore, #tpu.memory_space<semaphore_mem>>) src(%dma_wait3A_153 : memref<10240xf32, #tpu.memory_space<hbm>>) dst(%arg12 : memref<64xf32, #tpu.memory_space<vmem>>)
      %add3A_156 = arith.constant 3 : i32
      %add3A_157 = arith.addi %mul3A_89, %add3A_156 : i32
      %dma_start3A_158 = arith.constant 3 : i32
      %dma_start3A_159 = arith.constant 0 : i32
      %dma_start3A_160 = tpu.memref_slice %arg8[%add3A_157, %dma_start3A_159] : memref<160x64xi32, #tpu.memory_space<vmem>> -> memref<1x64xi32, #tpu.memory_space<vmem>>
      %dma_start3A_161 = tpu.memref_squeeze %dma_start3A_160 : memref<1x64xi32, #tpu.memory_space<vmem>> -> memref<64xi32, #tpu.memory_space<vmem>>
      %dma_start3A_162 = arith.constant 0 : i32
      %dma_start3A_163 = tpu.memref_slice %arg13[%dma_start3A_162] : memref<10240xf32, #tpu.memory_space<vmem_shared>> -> memref<10240xf32, #tpu.memory_space<vmem_shared>>
      %dma_start3A_164 = tpu.memref_slice %arg15[%dma_start3A_158] : memref<4x!tpu.dma_semaphore, #tpu.memory_space<semaphore_mem>> -> memref<1x!tpu.dma_semaphore, #tpu.memory_space<semaphore_mem>>
      %dma_start3A_165 = tpu.memref_squeeze %dma_start3A_164 : memref<1x!tpu.dma_semaphore, #tpu.memory_space<semaphore_mem>> -> memref<!tpu.dma_semaphore, #tpu.memory_space<semaphore_mem>>
      tpu.enqueue_indirect_dma source(%arg12 : memref<64xf32, #tpu.memory_space<vmem>>) target(%dma_start3A_163 : memref<10240xf32, #tpu.memory_space<vmem_shared>>) offsets(%dma_start3A_161 : memref<64xi32, #tpu.memory_space<vmem>>) semaphore(%dma_start3A_165 : memref<!tpu.dma_semaphore, #tpu.memory_space<semaphore_mem>>) {add = true}
      %dma_wait3A_166 = arith.constant 0 : i32
      %dma_wait3A_167 = arith.constant 0 : i32
      %dma_wait3A_168 = arith.constant 0 : i32
      %dma_wait3A_169 = tpu.memref_slice %arg8[%dma_wait3A_166, %dma_wait3A_168] : memref<160x64xi32, #tpu.memory_space<vmem>> -> memref<1x64xi32, #tpu.memory_space<vmem>>
      %dma_wait3A_170 = tpu.memref_squeeze %dma_wait3A_169 : memref<1x64xi32, #tpu.memory_space<vmem>> -> memref<64xi32, #tpu.memory_space<vmem>>
      %dma_wait3A_171 = arith.constant 0 : i32
      %dma_wait3A_172 = tpu.memref_slice %arg13[%dma_wait3A_171] : memref<10240xf32, #tpu.memory_space<vmem_shared>> -> memref<10240xf32, #tpu.memory_space<vmem_shared>>
      %dma_wait3A_173 = tpu.memref_slice %arg15[%dma_wait3A_167] : memref<4x!tpu.dma_semaphore, #tpu.memory_space<semaphore_mem>> -> memref<1x!tpu.dma_semaphore, #tpu.memory_space<semaphore_mem>>
      %dma_wait3A_174 = tpu.memref_squeeze %dma_wait3A_173 : memref<1x!tpu.dma_semaphore, #tpu.memory_space<semaphore_mem>> -> memref<!tpu.dma_semaphore, #tpu.memory_space<semaphore_mem>>
      tpu.wait_indirect_dma semaphore(%dma_wait3A_174 : memref<!tpu.dma_semaphore, #tpu.memory_space<semaphore_mem>>) src(%arg9 : memref<64xf32, #tpu.memory_space<vmem>>) dst(%dma_wait3A_172 : memref<10240xf32, #tpu.memory_space<vmem_shared>>)
      %add3A_175 = arith.constant 4 : i32
      %add3A_176 = arith.addi %mul3A_89, %add3A_175 : i32
      %add3A_177 = arith.constant 0 : i32
      %add3A_178 = arith.addi %add3A_176, %add3A_177 : i32
      %min3A = arith.constant 159 : i32
      %min3A_179 = arith.minsi %add3A_178, %min3A : i32
      %dma_start3A_180 = arith.constant 0 : i32
      %dma_start3A_181 = arith.constant 0 : i32
      %dma_start3A_182 = tpu.memref_slice %arg7[%min3A_179, %dma_start3A_181] : memref<160x64xi32, #tpu.memory_space<vmem>> -> memref<1x64xi32, #tpu.memory_space<vmem>>
      %dma_start3A_183 = tpu.memref_squeeze %dma_start3A_182 : memref<1x64xi32, #tpu.memory_space<vmem>> -> memref<64xi32, #tpu.memory_space<vmem>>
      %dma_start3A_184 = arith.constant 0 : i32
      %dma_start3A_185 = tpu.memref_slice %arg2[%dma_start3A_184] : memref<10240xf32, #tpu.memory_space<hbm>> -> memref<10240xf32, #tpu.memory_space<hbm>>
      %dma_start3A_186 = tpu.memref_slice %arg14[%dma_start3A_180] : memref<4x!tpu.dma_semaphore, #tpu.memory_space<semaphore_mem>> -> memref<1x!tpu.dma_semaphore, #tpu.memory_space<semaphore_mem>>
      %dma_start3A_187 = tpu.memref_squeeze %dma_start3A_186 : memref<1x!tpu.dma_semaphore, #tpu.memory_space<semaphore_mem>> -> memref<!tpu.dma_semaphore, #tpu.memory_space<semaphore_mem>>
      tpu.enqueue_indirect_dma source(%dma_start3A_185 : memref<10240xf32, #tpu.memory_space<hbm>>) target(%arg9 : memref<64xf32, #tpu.memory_space<vmem>>) offsets(%dma_start3A_183 : memref<64xi32, #tpu.memory_space<vmem>>) semaphore(%dma_start3A_187 : memref<!tpu.dma_semaphore, #tpu.memory_space<semaphore_mem>>)
      %dma_wait3A_188 = arith.constant 0 : i32
      %dma_wait3A_189 = arith.constant 1 : i32
      %dma_wait3A_190 = arith.constant 0 : i32
      %dma_wait3A_191 = tpu.memref_slice %arg8[%dma_wait3A_188, %dma_wait3A_190] : memref<160x64xi32, #tpu.memory_space<vmem>> -> memref<1x64xi32, #tpu.memory_space<vmem>>
      %dma_wait3A_192 = tpu.memref_squeeze %dma_wait3A_191 : memref<1x64xi32, #tpu.memory_space<vmem>> -> memref<64xi32, #tpu.memory_space<vmem>>
      %dma_wait3A_193 = arith.constant 0 : i32
      %dma_wait3A_194 = tpu.memref_slice %arg13[%dma_wait3A_193] : memref<10240xf32, #tpu.memory_space<vmem_shared>> -> memref<10240xf32, #tpu.memory_space<vmem_shared>>
      %dma_wait3A_195 = tpu.memref_slice %arg15[%dma_wait3A_189] : memref<4x!tpu.dma_semaphore, #tpu.memory_space<semaphore_mem>> -> memref<1x!tpu.dma_semaphore, #tpu.memory_space<semaphore_mem>>
      %dma_wait3A_196 = tpu.memref_squeeze %dma_wait3A_195 : memref<1x!tpu.dma_semaphore, #tpu.memory_space<semaphore_mem>> -> memref<!tpu.dma_semaphore, #tpu.memory_space<semaphore_mem>>
      tpu.wait_indirect_dma semaphore(%dma_wait3A_196 : memref<!tpu.dma_semaphore, #tpu.memory_space<semaphore_mem>>) src(%arg10 : memref<64xf32, #tpu.memory_space<vmem>>) dst(%dma_wait3A_194 : memref<10240xf32, #tpu.memory_space<vmem_shared>>)
      %add3A_197 = arith.constant 4 : i32
      %add3A_198 = arith.addi %mul3A_89, %add3A_197 : i32
      %add3A_199 = arith.constant 1 : i32
      %add3A_200 = arith.addi %add3A_198, %add3A_199 : i32
      %min3A_201 = arith.constant 159 : i32
      %min3A_202 = arith.minsi %add3A_200, %min3A_201 : i32
      %dma_start3A_203 = arith.constant 1 : i32
      %dma_start3A_204 = arith.constant 0 : i32
      %dma_start3A_205 = tpu.memref_slice %arg7[%min3A_202, %dma_start3A_204] : memref<160x64xi32, #tpu.memory_space<vmem>> -> memref<1x64xi32, #tpu.memory_space<vmem>>
      %dma_start3A_206 = tpu.memref_squeeze %dma_start3A_205 : memref<1x64xi32, #tpu.memory_space<vmem>> -> memref<64xi32, #tpu.memory_space<vmem>>
      %dma_start3A_207 = arith.constant 0 : i32
      %dma_start3A_208 = tpu.memref_slice %arg2[%dma_start3A_207] : memref<10240xf32, #tpu.memory_space<hbm>> -> memref<10240xf32, #tpu.memory_space<hbm>>
      %dma_start3A_209 = tpu.memref_slice %arg14[%dma_start3A_203] : memref<4x!tpu.dma_semaphore, #tpu.memory_space<semaphore_mem>> -> memref<1x!tpu.dma_semaphore, #tpu.memory_space<semaphore_mem>>
      %dma_start3A_210 = tpu.memref_squeeze %dma_start3A_209 : memref<1x!tpu.dma_semaphore, #tpu.memory_space<semaphore_mem>> -> memref<!tpu.dma_semaphore, #tpu.memory_space<semaphore_mem>>
      tpu.enqueue_indirect_dma source(%dma_start3A_208 : memref<10240xf32, #tpu.memory_space<hbm>>) target(%arg10 : memref<64xf32, #tpu.memory_space<vmem>>) offsets(%dma_start3A_206 : memref<64xi32, #tpu.memory_space<vmem>>) semaphore(%dma_start3A_210 : memref<!tpu.dma_semaphore, #tpu.memory_space<semaphore_mem>>)
      %dma_wait3A_211 = arith.constant 0 : i32
      %dma_wait3A_212 = arith.constant 2 : i32
      %dma_wait3A_213 = arith.constant 0 : i32
      %dma_wait3A_214 = tpu.memref_slice %arg8[%dma_wait3A_211, %dma_wait3A_213] : memref<160x64xi32, #tpu.memory_space<vmem>> -> memref<1x64xi32, #tpu.memory_space<vmem>>
      %dma_wait3A_215 = tpu.memref_squeeze %dma_wait3A_214 : memref<1x64xi32, #tpu.memory_space<vmem>> -> memref<64xi32, #tpu.memory_space<vmem>>
      %dma_wait3A_216 = arith.constant 0 : i32
      %dma_wait3A_217 = tpu.memref_slice %arg13[%dma_wait3A_216] : memref<10240xf32, #tpu.memory_space<vmem_shared>> -> memref<10240xf32, #tpu.memory_space<vmem_shared>>
      %dma_wait3A_218 = tpu.memref_slice %arg15[%dma_wait3A_212] : memref<4x!tpu.dma_semaphore, #tpu.memory_space<semaphore_mem>> -> memref<1x!tpu.dma_semaphore, #tpu.memory_space<semaphore_mem>>
      %dma_wait3A_219 = tpu.memref_squeeze %dma_wait3A_218 : memref<1x!tpu.dma_semaphore, #tpu.memory_space<semaphore_mem>> -> memref<!tpu.dma_semaphore, #tpu.memory_space<semaphore_mem>>
      tpu.wait_indirect_dma semaphore(%dma_wait3A_219 : memref<!tpu.dma_semaphore, #tpu.memory_space<semaphore_mem>>) src(%arg11 : memref<64xf32, #tpu.memory_space<vmem>>) dst(%dma_wait3A_217 : memref<10240xf32, #tpu.memory_space<vmem_shared>>)
      %add3A_220 = arith.constant 4 : i32
      %add3A_221 = arith.addi %mul3A_89, %add3A_220 : i32
      %add3A_222 = arith.constant 2 : i32
      %add3A_223 = arith.addi %add3A_221, %add3A_222 : i32
      %min3A_224 = arith.constant 159 : i32
      %min3A_225 = arith.minsi %add3A_223, %min3A_224 : i32
      %dma_start3A_226 = arith.constant 2 : i32
      %dma_start3A_227 = arith.constant 0 : i32
      %dma_start3A_228 = tpu.memref_slice %arg7[%min3A_225, %dma_start3A_227] : memref<160x64xi32, #tpu.memory_space<vmem>> -> memref<1x64xi32, #tpu.memory_space<vmem>>
      %dma_start3A_229 = tpu.memref_squeeze %dma_start3A_228 : memref<1x64xi32, #tpu.memory_space<vmem>> -> memref<64xi32, #tpu.memory_space<vmem>>
      %dma_start3A_230 = arith.constant 0 : i32
      %dma_start3A_231 = tpu.memref_slice %arg2[%dma_start3A_230] : memref<10240xf32, #tpu.memory_space<hbm>> -> memref<10240xf32, #tpu.memory_space<hbm>>
      %dma_start3A_232 = tpu.memref_slice %arg14[%dma_start3A_226] : memref<4x!tpu.dma_semaphore, #tpu.memory_space<semaphore_mem>> -> memref<1x!tpu.dma_semaphore, #tpu.memory_space<semaphore_mem>>
      %dma_start3A_233 = tpu.memref_squeeze %dma_start3A_232 : memref<1x!tpu.dma_semaphore, #tpu.memory_space<semaphore_mem>> -> memref<!tpu.dma_semaphore, #tpu.memory_space<semaphore_mem>>
      tpu.enqueue_indirect_dma source(%dma_start3A_231 : memref<10240xf32, #tpu.memory_space<hbm>>) target(%arg11 : memref<64xf32, #tpu.memory_space<vmem>>) offsets(%dma_start3A_229 : memref<64xi32, #tpu.memory_space<vmem>>) semaphore(%dma_start3A_233 : memref<!tpu.dma_semaphore, #tpu.memory_space<semaphore_mem>>)
      %dma_wait3A_234 = arith.constant 0 : i32
      %dma_wait3A_235 = arith.constant 3 : i32
      %dma_wait3A_236 = arith.constant 0 : i32
      %dma_wait3A_237 = tpu.memref_slice %arg8[%dma_wait3A_234, %dma_wait3A_236] : memref<160x64xi32, #tpu.memory_space<vmem>> -> memref<1x64xi32, #tpu.memory_space<vmem>>
      %dma_wait3A_238 = tpu.memref_squeeze %dma_wait3A_237 : memref<1x64xi32, #tpu.memory_space<vmem>> -> memref<64xi32, #tpu.memory_space<vmem>>
      %dma_wait3A_239 = arith.constant 0 : i32
      %dma_wait3A_240 = tpu.memref_slice %arg13[%dma_wait3A_239] : memref<10240xf32, #tpu.memory_space<vmem_shared>> -> memref<10240xf32, #tpu.memory_space<vmem_shared>>
      %dma_wait3A_241 = tpu.memref_slice %arg15[%dma_wait3A_235] : memref<4x!tpu.dma_semaphore, #tpu.memory_space<semaphore_mem>> -> memref<1x!tpu.dma_semaphore, #tpu.memory_space<semaphore_mem>>
      %dma_wait3A_242 = tpu.memref_squeeze %dma_wait3A_241 : memref<1x!tpu.dma_semaphore, #tpu.memory_space<semaphore_mem>> -> memref<!tpu.dma_semaphore, #tpu.memory_space<semaphore_mem>>
      tpu.wait_indirect_dma semaphore(%dma_wait3A_242 : memref<!tpu.dma_semaphore, #tpu.memory_space<semaphore_mem>>) src(%arg12 : memref<64xf32, #tpu.memory_space<vmem>>) dst(%dma_wait3A_240 : memref<10240xf32, #tpu.memory_space<vmem_shared>>)
      %add3A_243 = arith.constant 4 : i32
      %add3A_244 = arith.addi %mul3A_89, %add3A_243 : i32
      %add3A_245 = arith.constant 3 : i32
      %add3A_246 = arith.addi %add3A_244, %add3A_245 : i32
      %min3A_247 = arith.constant 159 : i32
      %min3A_248 = arith.minsi %add3A_246, %min3A_247 : i32
      %dma_start3A_249 = arith.constant 3 : i32
      %dma_start3A_250 = arith.constant 0 : i32
      %dma_start3A_251 = tpu.memref_slice %arg7[%min3A_248, %dma_start3A_250] : memref<160x64xi32, #tpu.memory_space<vmem>> -> memref<1x64xi32, #tpu.memory_space<vmem>>
      %dma_start3A_252 = tpu.memref_squeeze %dma_start3A_251 : memref<1x64xi32, #tpu.memory_space<vmem>> -> memref<64xi32, #tpu.memory_space<vmem>>
      %dma_start3A_253 = arith.constant 0 : i32
      %dma_start3A_254 = tpu.memref_slice %arg2[%dma_start3A_253] : memref<10240xf32, #tpu.memory_space<hbm>> -> memref<10240xf32, #tpu.memory_space<hbm>>
      %dma_start3A_255 = tpu.memref_slice %arg14[%dma_start3A_249] : memref<4x!tpu.dma_semaphore, #tpu.memory_space<semaphore_mem>> -> memref<1x!tpu.dma_semaphore, #tpu.memory_space<semaphore_mem>>
      %dma_start3A_256 = tpu.memref_squeeze %dma_start3A_255 : memref<1x!tpu.dma_semaphore, #tpu.memory_space<semaphore_mem>> -> memref<!tpu.dma_semaphore, #tpu.memory_space<semaphore_mem>>
      tpu.enqueue_indirect_dma source(%dma_start3A_254 : memref<10240xf32, #tpu.memory_space<hbm>>) target(%arg12 : memref<64xf32, #tpu.memory_space<vmem>>) offsets(%dma_start3A_252 : memref<64xi32, #tpu.memory_space<vmem>>) semaphore(%dma_start3A_256 : memref<!tpu.dma_semaphore, #tpu.memory_space<semaphore_mem>>)
    }
    %scan3A_46 = arith.constant 40 : i32
    %dma_wait3A = arith.constant 0 : i32
    %dma_wait3A_47 = arith.constant 0 : i32
    %dma_wait3A_48 = arith.constant 0 : i32
    %dma_wait3A_49 = tpu.memref_slice %arg7[%dma_wait3A, %dma_wait3A_48] : memref<160x64xi32, #tpu.memory_space<vmem>> -> memref<1x64xi32, #tpu.memory_space<vmem>>
    %dma_wait3A_50 = tpu.memref_squeeze %dma_wait3A_49 : memref<1x64xi32, #tpu.memory_space<vmem>> -> memref<64xi32, #tpu.memory_space<vmem>>
    %dma_wait3A_51 = arith.constant 0 : i32
    %dma_wait3A_52 = tpu.memref_slice %arg2[%dma_wait3A_51] : memref<10240xf32, #tpu.memory_space<hbm>> -> memref<10240xf32, #tpu.memory_space<hbm>>
    %dma_wait3A_53 = tpu.memref_slice %arg14[%dma_wait3A_47] : memref<4x!tpu.dma_semaphore, #tpu.memory_space<semaphore_mem>> -> memref<1x!tpu.dma_semaphore, #tpu.memory_space<semaphore_mem>>
    %dma_wait3A_54 = tpu.memref_squeeze %dma_wait3A_53 : memref<1x!tpu.dma_semaphore, #tpu.memory_space<semaphore_mem>> -> memref<!tpu.dma_semaphore, #tpu.memory_space<semaphore_mem>>
    tpu.wait_indirect_dma semaphore(%dma_wait3A_54 : memref<!tpu.dma_semaphore, #tpu.memory_space<semaphore_mem>>) src(%dma_wait3A_52 : memref<10240xf32, #tpu.memory_space<hbm>>) dst(%arg9 : memref<64xf32, #tpu.memory_space<vmem>>)
    %dma_wait3A_55 = arith.constant 0 : i32
    %dma_wait3A_56 = arith.constant 1 : i32
    %dma_wait3A_57 = arith.constant 0 : i32
    %dma_wait3A_58 = tpu.memref_slice %arg7[%dma_wait3A_55, %dma_wait3A_57] : memref<160x64xi32, #tpu.memory_space<vmem>> -> memref<1x64xi32, #tpu.memory_space<vmem>>
    %dma_wait3A_59 = tpu.memref_squeeze %dma_wait3A_58 : memref<1x64xi32, #tpu.memory_space<vmem>> -> memref<64xi32, #tpu.memory_space<vmem>>
    %dma_wait3A_60 = arith.constant 0 : i32
    %dma_wait3A_61 = tpu.memref_slice %arg2[%dma_wait3A_60] : memref<10240xf32, #tpu.memory_space<hbm>> -> memref<10240xf32, #tpu.memory_space<hbm>>
    %dma_wait3A_62 = tpu.memref_slice %arg14[%dma_wait3A_56] : memref<4x!tpu.dma_semaphore, #tpu.memory_space<semaphore_mem>> -> memref<1x!tpu.dma_semaphore, #tpu.memory_space<semaphore_mem>>
    %dma_wait3A_63 = tpu.memref_squeeze %dma_wait3A_62 : memref<1x!tpu.dma_semaphore, #tpu.memory_space<semaphore_mem>> -> memref<!tpu.dma_semaphore, #tpu.memory_space<semaphore_mem>>
    tpu.wait_indirect_dma semaphore(%dma_wait3A_63 : memref<!tpu.dma_semaphore, #tpu.memory_space<semaphore_mem>>) src(%dma_wait3A_61 : memref<10240xf32, #tpu.memory_space<hbm>>) dst(%arg10 : memref<64xf32, #tpu.memory_space<vmem>>)
    %dma_wait3A_64 = arith.constant 0 : i32
    %dma_wait3A_65 = arith.constant 2 : i32
    %dma_wait3A_66 = arith.constant 0 : i32
    %dma_wait3A_67 = tpu.memref_slice %arg7[%dma_wait3A_64, %dma_wait3A_66] : memref<160x64xi32, #tpu.memory_space<vmem>> -> memref<1x64xi32, #tpu.memory_space<vmem>>
    %dma_wait3A_68 = tpu.memref_squeeze %dma_wait3A_67 : memref<1x64xi32, #tpu.memory_space<vmem>> -> memref<64xi32, #tpu.memory_space<vmem>>
    %dma_wait3A_69 = arith.constant 0 : i32
    %dma_wait3A_70 = tpu.memref_slice %arg2[%dma_wait3A_69] : memref<10240xf32, #tpu.memory_space<hbm>> -> memref<10240xf32, #tpu.memory_space<hbm>>
    %dma_wait3A_71 = tpu.memref_slice %arg14[%dma_wait3A_65] : memref<4x!tpu.dma_semaphore, #tpu.memory_space<semaphore_mem>> -> memref<1x!tpu.dma_semaphore, #tpu.memory_space<semaphore_mem>>
    %dma_wait3A_72 = tpu.memref_squeeze %dma_wait3A_71 : memref<1x!tpu.dma_semaphore, #tpu.memory_space<semaphore_mem>> -> memref<!tpu.dma_semaphore, #tpu.memory_space<semaphore_mem>>
    tpu.wait_indirect_dma semaphore(%dma_wait3A_72 : memref<!tpu.dma_semaphore, #tpu.memory_space<semaphore_mem>>) src(%dma_wait3A_70 : memref<10240xf32, #tpu.memory_space<hbm>>) dst(%arg11 : memref<64xf32, #tpu.memory_space<vmem>>)
    %dma_wait3A_73 = arith.constant 0 : i32
    %dma_wait3A_74 = arith.constant 3 : i32
    %dma_wait3A_75 = arith.constant 0 : i32
    %dma_wait3A_76 = tpu.memref_slice %arg7[%dma_wait3A_73, %dma_wait3A_75] : memref<160x64xi32, #tpu.memory_space<vmem>> -> memref<1x64xi32, #tpu.memory_space<vmem>>
    %dma_wait3A_77 = tpu.memref_squeeze %dma_wait3A_76 : memref<1x64xi32, #tpu.memory_space<vmem>> -> memref<64xi32, #tpu.memory_space<vmem>>
    %dma_wait3A_78 = arith.constant 0 : i32
    %dma_wait3A_79 = tpu.memref_slice %arg2[%dma_wait3A_78] : memref<10240xf32, #tpu.memory_space<hbm>> -> memref<10240xf32, #tpu.memory_space<hbm>>
    %dma_wait3A_80 = tpu.memref_slice %arg14[%dma_wait3A_74] : memref<4x!tpu.dma_semaphore, #tpu.memory_space<semaphore_mem>> -> memref<1x!tpu.dma_semaphore, #tpu.memory_space<semaphore_mem>>
    %dma_wait3A_81 = tpu.memref_squeeze %dma_wait3A_80 : memref<1x!tpu.dma_semaphore, #tpu.memory_space<semaphore_mem>> -> memref<!tpu.dma_semaphore, #tpu.memory_space<semaphore_mem>>
    tpu.wait_indirect_dma semaphore(%dma_wait3A_81 : memref<!tpu.dma_semaphore, #tpu.memory_space<semaphore_mem>>) src(%dma_wait3A_79 : memref<10240xf32, #tpu.memory_space<hbm>>) dst(%arg12 : memref<64xf32, #tpu.memory_space<vmem>>)
    %barrier3A_82 = arith.constant 0 : index
    tpu.barrier barrier_id(%barrier3A_82)
    %mul3A_83 = arith.constant 640 : i32
    %mul3A_84 = arith.muli %arg1, %mul3A_83 : i32
    %mul3A_85 = arith.constant 640 : i32
    %mul3A_86 = arith.muli %arg1, %mul3A_85 : i32
    "tpu.region"() ({
      %run_scoped3A = tpu.sem_alloc : memref<!tpu.dma_semaphore, #tpu.memory_space<semaphore_mem>>
      %dma_start3A_87 = tpu.memref_slice %arg6[%arg0, %mul3A_86] : memref<2x10240xf32, #tpu.memory_space<hbm>> -> memref<1x640xf32, #tpu.memory_space<hbm>>
      %dma_start3A_88 = tpu.memref_squeeze %dma_start3A_87 : memref<1x640xf32, #tpu.memory_space<hbm>> -> memref<640xf32, #tpu.memory_space<hbm>>
      %dma_start3A_89 = tpu.memref_slice %arg13[%mul3A_84] : memref<10240xf32, #tpu.memory_space<vmem_shared>> -> memref<640xf32, #tpu.memory_space<vmem_shared>>
      tpu.enqueue_dma source(%dma_start3A_89 : memref<640xf32, #tpu.memory_space<vmem_shared>>) target(%dma_start3A_88 : memref<640xf32, #tpu.memory_space<hbm>>) target_semaphore(%run_scoped3A : memref<!tpu.dma_semaphore, #tpu.memory_space<semaphore_mem>>)
      %dma_wait3A_90 = tpu.memref_slice %arg6[%arg0, %mul3A_86] : memref<2x10240xf32, #tpu.memory_space<hbm>> -> memref<1x640xf32, #tpu.memory_space<hbm>>
      %dma_wait3A_91 = tpu.memref_squeeze %dma_wait3A_90 : memref<1x640xf32, #tpu.memory_space<hbm>> -> memref<640xf32, #tpu.memory_space<hbm>>
      %dma_wait3A_92 = tpu.memref_slice %arg13[%mul3A_84] : memref<10240xf32, #tpu.memory_space<vmem_shared>> -> memref<640xf32, #tpu.memory_space<vmem_shared>>
      tpu.wait_dma2 semaphore(%run_scoped3A : memref<!tpu.dma_semaphore, #tpu.memory_space<semaphore_mem>>) src(%dma_wait3A_92 : memref<640xf32, #tpu.memory_space<vmem_shared>>) dst(%dma_wait3A_91 : memref<640xf32, #tpu.memory_space<hbm>>)
      tpu.yield
    }) : () -> ()
    return
  }
}

module attributes {stable_mosaic.version = 14 : i64} {
  func.func @_pre_body(%arg0: i32, %arg1: memref<1024x128xf32, #tpu.memory_space<vmem>>, %arg2: memref<128x128xf32, #tpu.memory_space<vmem>>, %arg3: memref<1024x1xf32, #tpu.memory_space<vmem>>, %arg4: memref<1024x1xf32, #tpu.memory_space<vmem>>, %arg5: memref<1024x128xf32, #tpu.memory_space<vmem>>) attributes {dimension_semantics = [#tpu.dimension_semantics<arbitrary>], iteration_bounds = array<i64: 10>, scalar_prefetch = 0 : i64, scratch_operands = 0 : i64, tpu.core_type = #tpu.core_type<tc>, window_params = [{transform_indices = @transform_0, window_bounds = array<i64: 1024, 128>}, {pipeline_mode = #tpu.pipeline_mode<synchronous>, transform_indices = @transform_1, window_bounds = array<i64: 128, 128>}, {transform_indices = @transform_2, window_bounds = array<i64: 1024, 1>}, {transform_indices = @transform_3, window_bounds = array<i64: 1024, 1>}, {transform_indices = @transform_4, window_bounds = array<i64: 1024, 128>}]} {
    %get3A = arith.constant 0 : index
    %get3A_0 = arith.constant 0 : index
    %get3A_1 = vector.load %arg3[%get3A, %get3A_0] : memref<1024x1xf32, #tpu.memory_space<vmem>>, vector<1024x1xf32>
    %get3A_2 = arith.constant 0 : index
    %get3A_3 = arith.constant 0 : index
    %get3A_4 = vector.load %arg4[%get3A_2, %get3A_3] : memref<1024x1xf32, #tpu.memory_space<vmem>>, vector<1024x1xf32>
    %add3A = arith.addf %get3A_1, %get3A_4 : vector<1024x1xf32>
    %add3A_5 = arith.constant 1.000000e+00 : f32
    %add3A_6 = vector.broadcast %add3A_5 : f32 to vector<1024x1xf32>
    %add3A_7 = arith.addf %add3A, %add3A_6 : vector<1024x1xf32>
    %rsqrt3A = math.rsqrt %add3A_7 : vector<1024x1xf32>
    %get3A_8 = arith.constant 0 : index
    %get3A_9 = arith.constant 0 : index
    %get3A_10 = vector.load %arg1[%get3A_8, %get3A_9] : memref<1024x128xf32, #tpu.memory_space<vmem>>, vector<1024x128xf32>
    %get3A_11 = arith.constant 0 : index
    %get3A_12 = arith.constant 0 : index
    %get3A_13 = vector.load %arg2[%get3A_11, %get3A_12] : memref<128x128xf32, #tpu.memory_space<vmem>>, vector<128x128xf32>
    %dot_general3A = arith.constant dense<0.000000e+00> : vector<1024x128xf32>
    %dot_general3A_14 = tpu.matmul %get3A_10, %get3A_13, %dot_general3A {dimension_numbers = #tpu.dot_dimension_numbers<[1], [0], [0], [1], [0, 0, 1, 1], [], []>, precision = #tpu.contract_precision<fp32>, transpose_lhs_hint = false} : vector<1024x128xf32>, vector<128x128xf32>, vector<1024x128xf32> -> vector<1024x128xf32>
    %mul3A = vector.broadcast %rsqrt3A : vector<1024x1xf32> to vector<1024x128xf32>
    %mul3A_15 = arith.mulf %dot_general3A_14, %mul3A : vector<1024x128xf32>
    %swap3A = arith.constant 0 : index
    %swap3A_16 = arith.constant 0 : index
    %swap3A_17 = vector.load %arg5[%swap3A, %swap3A_16] : memref<1024x128xf32, #tpu.memory_space<vmem>>, vector<1024x128xf32>
    tpu.vector_store %arg5[%swap3A, %swap3A_16], %mul3A_15 {strides = array<i32>} : memref<1024x128xf32, #tpu.memory_space<vmem>>, vector<1024x128xf32>,
    return
  }
  func.func @transform_0(%arg0: i32) -> (i32, i32) {
    %c0_i32 = arith.constant 0 : i32
    %c0_i32_0 = arith.constant 0 : i32
    return %arg0, %c0_i32 : i32, i32
  }
  func.func @transform_1(%arg0: i32) -> (i32, i32) {
    %c0_i32 = arith.constant 0 : i32
    %c0_i32_0 = arith.constant 0 : i32
    %c0_i32_1 = arith.constant 0 : i32
    return %c0_i32, %c0_i32_0 : i32, i32
  }
  func.func @transform_2(%arg0: i32) -> (i32, i32) {
    %c0_i32 = arith.constant 0 : i32
    %c0_i32_0 = arith.constant 0 : i32
    return %arg0, %c0_i32 : i32, i32
  }
  func.func @transform_3(%arg0: i32) -> (i32, i32) {
    %c0_i32 = arith.constant 0 : i32
    %c0_i32_0 = arith.constant 0 : i32
    return %arg0, %c0_i32 : i32, i32
  }
  func.func @transform_4(%arg0: i32) -> (i32, i32) {
    %c0_i32 = arith.constant 0 : i32
    %c0_i32_0 = arith.constant 0 : i32
    return %arg0, %c0_i32 : i32, i32
  }
}

module attributes {stable_mosaic.version = 14 : i64} {
  func.func @_post_body(%arg0: i32, %arg1: memref<1x1024x128xf32, #tpu.memory_space<vmem>>, %arg2: memref<1x1024x128xf32, #tpu.memory_space<vmem>>, %arg3: memref<1024x128xf32, #tpu.memory_space<vmem>>, %arg4: memref<1024x128xf32, #tpu.memory_space<vmem>>, %arg5: memref<1024x1xf32, #tpu.memory_space<vmem>>, %arg6: memref<1024x1xf32, #tpu.memory_space<vmem>>, %arg7: memref<1x128xf32, #tpu.memory_space<vmem>>, %arg8: memref<128x1xf32, #tpu.memory_space<vmem>>, %arg9: memref<128x1xf32, #tpu.memory_space<vmem>>, %arg10: memref<128x128xf32, #tpu.memory_space<vmem>>, %arg11: memref<1024x128xf32, #tpu.memory_space<vmem>>, %arg12: memref<1024x1xf32, #tpu.memory_space<vmem>>, %arg13: memref<1024x1xf32, #tpu.memory_space<vmem>>, %arg14: memref<1024x128xf32, #tpu.memory_space<vmem>>) attributes {dimension_semantics = [#tpu.dimension_semantics<arbitrary>], iteration_bounds = array<i64: 10>, scalar_prefetch = 0 : i64, scratch_operands = 0 : i64, tpu.core_type = #tpu.core_type<tc>, window_params = [{transform_indices = @transform_0, window_bounds = array<i64: 1, 1024, 128>}, {transform_indices = @transform_1, window_bounds = array<i64: 1, 1024, 128>}, {transform_indices = @transform_2, window_bounds = array<i64: 1024, 128>}, {transform_indices = @transform_3, window_bounds = array<i64: 1024, 128>}, {transform_indices = @transform_4, window_bounds = array<i64: 1024, 1>}, {transform_indices = @transform_5, window_bounds = array<i64: 1024, 1>}, {pipeline_mode = #tpu.pipeline_mode<synchronous>, transform_indices = @transform_6, window_bounds = array<i64: 1, 128>}, {pipeline_mode = #tpu.pipeline_mode<synchronous>, transform_indices = @transform_7, window_bounds = array<i64: 128, 1>}, {pipeline_mode = #tpu.pipeline_mode<synchronous>, transform_indices = @transform_8, window_bounds = array<i64: 128, 1>}, {pipeline_mode = #tpu.pipeline_mode<synchronous>, transform_indices = @transform_9, window_bounds = array<i64: 128, 128>}, {transform_indices = @transform_10, window_bounds = array<i64: 1024, 128>}, {transform_indices = @transform_11, window_bounds = array<i64: 1024, 1>}, {transform_indices = @transform_12, window_bounds = array<i64: 1024, 1>}, {transform_indices = @transform_13, window_bounds = array<i64: 1024, 128>}]} {
    %get3A = arith.constant 0 : index
    %get3A_0 = arith.constant 0 : index
    %get3A_1 = vector.load %arg5[%get3A, %get3A_0] : memref<1024x1xf32, #tpu.memory_space<vmem>>, vector<1024x1xf32>
    %get3A_2 = arith.constant 0 : index
    %get3A_3 = arith.constant 0 : index
    %get3A_4 = vector.load %arg6[%get3A_2, %get3A_3] : memref<1024x1xf32, #tpu.memory_space<vmem>>, vector<1024x1xf32>
    %add3A = arith.addf %get3A_1, %get3A_4 : vector<1024x1xf32>
    %add3A_5 = arith.constant 1.000000e+00 : f32
    %add3A_6 = vector.broadcast %add3A_5 : f32 to vector<1024x1xf32>
    %add3A_7 = arith.addf %add3A, %add3A_6 : vector<1024x1xf32>
    %rsqrt3A = math.rsqrt %add3A_7 : vector<1024x1xf32>
    %get3A_8 = arith.constant 0 : index
    %get3A_9 = arith.constant 0 : index
    %get3A_10 = arith.constant 0 : index
    %get3A_11 = vector.load %arg1[%get3A_8, %get3A_9, %get3A_10] : memref<1x1024x128xf32, #tpu.memory_space<vmem>>, vector<1x1024x128xf32>
    %get3A_12 = vector.shape_cast %get3A_11 : vector<1x1024x128xf32> to vector<1024x128xf32>
    %get3A_13 = arith.constant 0 : index
    %get3A_14 = arith.constant 0 : index
    %get3A_15 = arith.constant 0 : index
    %get3A_16 = vector.load %arg2[%get3A_13, %get3A_14, %get3A_15] : memref<1x1024x128xf32, #tpu.memory_space<vmem>>, vector<1x1024x128xf32>
    %get3A_17 = vector.shape_cast %get3A_16 : vector<1x1024x128xf32> to vector<1024x128xf32>
    %add3A_18 = arith.addf %get3A_12, %get3A_17 : vector<1024x128xf32>
    %get3A_19 = arith.constant 0 : index
    %get3A_20 = arith.constant 0 : index
    %get3A_21 = vector.load %arg4[%get3A_19, %get3A_20] : memref<1024x128xf32, #tpu.memory_space<vmem>>, vector<1024x128xf32>
    %get3A_22 = arith.constant 0 : index
    %get3A_23 = arith.constant 0 : index
    %get3A_24 = vector.load %arg3[%get3A_22, %get3A_23] : memref<1024x128xf32, #tpu.memory_space<vmem>>, vector<1024x128xf32>
    %add3A_25 = arith.addf %add3A_18, %get3A_24 : vector<1024x128xf32>
    %mul3A = vector.broadcast %rsqrt3A : vector<1024x1xf32> to vector<1024x128xf32>
    %mul3A_26 = arith.mulf %mul3A, %add3A_25 : vector<1024x128xf32>
    %add3A_27 = arith.addf %get3A_21, %mul3A_26 : vector<1024x128xf32>
    %get3A_28 = arith.constant 0 : index
    %get3A_29 = arith.constant 0 : index
    %get3A_30 = vector.load %arg7[%get3A_28, %get3A_29] : memref<1x128xf32, #tpu.memory_space<vmem>>, vector<1x128xf32>
    %add3A_31 = vector.broadcast %get3A_30 : vector<1x128xf32> to vector<1024x128xf32>
    %add3A_32 = arith.addf %add3A_27, %add3A_31 : vector<1024x128xf32>
    %max3A = arith.constant 0.000000e+00 : f32
    %max3A_33 = vector.broadcast %max3A : f32 to vector<1024x128xf32>
    %max3A_34 = arith.maximumf %add3A_32, %max3A_33 : vector<1024x128xf32>
    %mul3A_35 = arith.constant 1024 : i32
    %mul3A_36 = arith.muli %arg0, %mul3A_35 : i32
    %iota3A = tpu.iota {dimensions = array<i32: 0>} : vector<1024x1xi32>
    %add3A_37 = vector.broadcast %mul3A_36 : i32 to vector<1024x1xi32>
    %add3A_38 = arith.addi %add3A_37, %iota3A : vector<1024x1xi32>
    %lt3A = arith.constant 10000 : i32
    %lt3A_39 = vector.broadcast %lt3A : i32 to vector<1024x1xi32>
    %lt3A_40 = arith.cmpi slt, %add3A_38, %lt3A_39 : vector<1024x1xi32>
    %jit3A = arith.constant 0.000000e+00 : f32
    %broadcast_in_dim3A = vector.shape_cast %lt3A_40 : vector<1024x1xi1> to vector<1024x1xi1>
    %broadcast_in_dim3A_41 = vector.broadcast %broadcast_in_dim3A : vector<1024x1xi1> to vector<1024x128xi1>
    %broadcast_in_dim3A_42 = vector.broadcast %jit3A : f32 to vector<1024x128xf32>
    %select_n3A = arith.select %broadcast_in_dim3A_41, %max3A_34, %broadcast_in_dim3A_42 : vector<1024x128xi1>, vector<1024x128xf32>
    %swap3A = arith.constant 0 : index
    %swap3A_43 = arith.constant 0 : index
    %swap3A_44 = vector.load %arg11[%swap3A, %swap3A_43] : memref<1024x128xf32, #tpu.memory_space<vmem>>, vector<1024x128xf32>
    tpu.vector_store %arg11[%swap3A, %swap3A_43], %select_n3A {strides = array<i32>} : memref<1024x128xf32, #tpu.memory_space<vmem>>, vector<1024x128xf32>,
    %get3A_45 = arith.constant 0 : index
    %get3A_46 = arith.constant 0 : index
    %get3A_47 = vector.load %arg8[%get3A_45, %get3A_46] : memref<128x1xf32, #tpu.memory_space<vmem>>, vector<128x1xf32>
    %dot_general3A = arith.constant dense<0.000000e+00> : vector<1024x1xf32>
    %dot_general3A_48 = tpu.matmul %select_n3A, %get3A_47, %dot_general3A {dimension_numbers = #tpu.dot_dimension_numbers<[1], [0], [0], [1], [0, 0, 1, 1], [], []>, precision = #tpu.contract_precision<fp32>, transpose_lhs_hint = false} : vector<1024x128xf32>, vector<128x1xf32>, vector<1024x1xf32> -> vector<1024x1xf32>
    %swap3A_49 = arith.constant 0 : index
    %swap3A_50 = arith.constant 0 : index
    %swap3A_51 = vector.load %arg12[%swap3A_49, %swap3A_50] : memref<1024x1xf32, #tpu.memory_space<vmem>>, vector<1024x1xf32>
    tpu.vector_store %arg12[%swap3A_49, %swap3A_50], %dot_general3A_48 {strides = array<i32>} : memref<1024x1xf32, #tpu.memory_space<vmem>>, vector<1024x1xf32>,
    %get3A_52 = arith.constant 0 : index
    %get3A_53 = arith.constant 0 : index
    %get3A_54 = vector.load %arg9[%get3A_52, %get3A_53] : memref<128x1xf32, #tpu.memory_space<vmem>>, vector<128x1xf32>
    %dot_general3A_55 = arith.constant dense<0.000000e+00> : vector<1024x1xf32>
    %dot_general3A_56 = tpu.matmul %select_n3A, %get3A_54, %dot_general3A_55 {dimension_numbers = #tpu.dot_dimension_numbers<[1], [0], [0], [1], [0, 0, 1, 1], [], []>, precision = #tpu.contract_precision<fp32>, transpose_lhs_hint = false} : vector<1024x128xf32>, vector<128x1xf32>, vector<1024x1xf32> -> vector<1024x1xf32>
    %swap3A_57 = arith.constant 0 : index
    %swap3A_58 = arith.constant 0 : index
    %swap3A_59 = vector.load %arg13[%swap3A_57, %swap3A_58] : memref<1024x1xf32, #tpu.memory_space<vmem>>, vector<1024x1xf32>
    tpu.vector_store %arg13[%swap3A_57, %swap3A_58], %dot_general3A_56 {strides = array<i32>} : memref<1024x1xf32, #tpu.memory_space<vmem>>, vector<1024x1xf32>,
    %get3A_60 = arith.constant 0 : index
    %get3A_61 = arith.constant 0 : index
    %get3A_62 = vector.load %arg10[%get3A_60, %get3A_61] : memref<128x128xf32, #tpu.memory_space<vmem>>, vector<128x128xf32>
    %dot_general3A_63 = arith.constant dense<0.000000e+00> : vector<1024x128xf32>
    %dot_general3A_64 = tpu.matmul %select_n3A, %get3A_62, %dot_general3A_63 {dimension_numbers = #tpu.dot_dimension_numbers<[1], [0], [0], [1], [0, 0, 1, 1], [], []>, precision = #tpu.contract_precision<fp32>, transpose_lhs_hint = false} : vector<1024x128xf32>, vector<128x128xf32>, vector<1024x128xf32> -> vector<1024x128xf32>
    %mul3A_65 = vector.broadcast %rsqrt3A : vector<1024x1xf32> to vector<1024x128xf32>
    %mul3A_66 = arith.mulf %dot_general3A_64, %mul3A_65 : vector<1024x128xf32>
    %swap3A_67 = arith.constant 0 : index
    %swap3A_68 = arith.constant 0 : index
    %swap3A_69 = vector.load %arg14[%swap3A_67, %swap3A_68] : memref<1024x128xf32, #tpu.memory_space<vmem>>, vector<1024x128xf32>
    tpu.vector_store %arg14[%swap3A_67, %swap3A_68], %mul3A_66 {strides = array<i32>} : memref<1024x128xf32, #tpu.memory_space<vmem>>, vector<1024x128xf32>,
    return
  }
  func.func @transform_0(%arg0: i32) -> (i32, i32, i32) {
    %c0_i32 = arith.constant 0 : i32
    %c0_i32_0 = arith.constant 0 : i32
    %c0_i32_1 = arith.constant 0 : i32
    return %c0_i32, %arg0, %c0_i32_0 : i32, i32, i32
  }
  func.func @transform_1(%arg0: i32) -> (i32, i32, i32) {
    %c1_i32 = arith.constant 1 : i32
    %c0_i32 = arith.constant 0 : i32
    %c0_i32_0 = arith.constant 0 : i32
    return %c1_i32, %arg0, %c0_i32 : i32, i32, i32
  }
  func.func @transform_2(%arg0: i32) -> (i32, i32) {
    %c0_i32 = arith.constant 0 : i32
    %c0_i32_0 = arith.constant 0 : i32
    return %arg0, %c0_i32 : i32, i32
  }
  func.func @transform_3(%arg0: i32) -> (i32, i32) {
    %c0_i32 = arith.constant 0 : i32
    %c0_i32_0 = arith.constant 0 : i32
    return %arg0, %c0_i32 : i32, i32
  }
  func.func @transform_4(%arg0: i32) -> (i32, i32) {
    %c0_i32 = arith.constant 0 : i32
    %c0_i32_0 = arith.constant 0 : i32
    return %arg0, %c0_i32 : i32, i32
  }
  func.func @transform_5(%arg0: i32) -> (i32, i32) {
    %c0_i32 = arith.constant 0 : i32
    %c0_i32_0 = arith.constant 0 : i32
    return %arg0, %c0_i32 : i32, i32
  }
  func.func @transform_6(%arg0: i32) -> (i32, i32) {
    %c0_i32 = arith.constant 0 : i32
    %c0_i32_0 = arith.constant 0 : i32
    %c0_i32_1 = arith.constant 0 : i32
    return %c0_i32, %c0_i32_0 : i32, i32
  }
  func.func @transform_7(%arg0: i32) -> (i32, i32) {
    %c0_i32 = arith.constant 0 : i32
    %c0_i32_0 = arith.constant 0 : i32
    %c0_i32_1 = arith.constant 0 : i32
    return %c0_i32, %c0_i32_0 : i32, i32
  }
  func.func @transform_8(%arg0: i32) -> (i32, i32) {
    %c0_i32 = arith.constant 0 : i32
    %c0_i32_0 = arith.constant 0 : i32
    %c0_i32_1 = arith.constant 0 : i32
    return %c0_i32, %c0_i32_0 : i32, i32
  }
  func.func @transform_9(%arg0: i32) -> (i32, i32) {
    %c0_i32 = arith.constant 0 : i32
    %c0_i32_0 = arith.constant 0 : i32
    %c0_i32_1 = arith.constant 0 : i32
    return %c0_i32, %c0_i32_0 : i32, i32
  }
  func.func @transform_10(%arg0: i32) -> (i32, i32) {
    %c0_i32 = arith.constant 0 : i32
    %c0_i32_0 = arith.constant 0 : i32
    return %arg0, %c0_i32 : i32, i32
  }
  func.func @transform_11(%arg0: i32) -> (i32, i32) {
    %c0_i32 = arith.constant 0 : i32
    %c0_i32_0 = arith.constant 0 : i32
    return %arg0, %c0_i32 : i32, i32
  }
  func.func @transform_12(%arg0: i32) -> (i32, i32) {
    %c0_i32 = arith.constant 0 : i32
    %c0_i32_0 = arith.constant 0 : i32
    return %arg0, %c0_i32 : i32, i32
  }
  func.func @transform_13(%arg0: i32) -> (i32, i32) {
    %c0_i32 = arith.constant 0 : i32
    %c0_i32_0 = arith.constant 0 : i32
    return %arg0, %c0_i32 : i32, i32
  }
}

module attributes {stable_mosaic.version = 14 : i64} {
  func.func @_post_body(%arg0: i32, %arg1: memref<1x1024x128xf32, #tpu.memory_space<vmem>>, %arg2: memref<1x1024x128xf32, #tpu.memory_space<vmem>>, %arg3: memref<1024x128xf32, #tpu.memory_space<vmem>>, %arg4: memref<1024x128xf32, #tpu.memory_space<vmem>>, %arg5: memref<1024x1xf32, #tpu.memory_space<vmem>>, %arg6: memref<1024x1xf32, #tpu.memory_space<vmem>>, %arg7: memref<1x128xf32, #tpu.memory_space<vmem>>, %arg8: memref<128x1xf32, #tpu.memory_space<vmem>>, %arg9: memref<128x1xf32, #tpu.memory_space<vmem>>, %arg10: memref<128x128xf32, #tpu.memory_space<vmem>>, %arg11: memref<1024x128xf32, #tpu.memory_space<vmem>>, %arg12: memref<1024x1xf32, #tpu.memory_space<vmem>>, %arg13: memref<1024x1xf32, #tpu.memory_space<vmem>>, %arg14: memref<1024x128xf32, #tpu.memory_space<vmem>>) attributes {dimension_semantics = [#tpu.dimension_semantics<arbitrary>], iteration_bounds = array<i64: 10>, scalar_prefetch = 0 : i64, scratch_operands = 0 : i64, tpu.core_type = #tpu.core_type<tc>, window_params = [{transform_indices = @transform_0, window_bounds = array<i64: 1, 1024, 128>}, {transform_indices = @transform_1, window_bounds = array<i64: 1, 1024, 128>}, {transform_indices = @transform_2, window_bounds = array<i64: 1024, 128>}, {transform_indices = @transform_3, window_bounds = array<i64: 1024, 128>}, {transform_indices = @transform_4, window_bounds = array<i64: 1024, 1>}, {transform_indices = @transform_5, window_bounds = array<i64: 1024, 1>}, {pipeline_mode = #tpu.pipeline_mode<synchronous>, transform_indices = @transform_6, window_bounds = array<i64: 1, 128>}, {pipeline_mode = #tpu.pipeline_mode<synchronous>, transform_indices = @transform_7, window_bounds = array<i64: 128, 1>}, {pipeline_mode = #tpu.pipeline_mode<synchronous>, transform_indices = @transform_8, window_bounds = array<i64: 128, 1>}, {pipeline_mode = #tpu.pipeline_mode<synchronous>, transform_indices = @transform_9, window_bounds = array<i64: 128, 128>}, {transform_indices = @transform_10, window_bounds = array<i64: 1024, 128>}, {transform_indices = @transform_11, window_bounds = array<i64: 1024, 1>}, {transform_indices = @transform_12, window_bounds = array<i64: 1024, 1>}, {transform_indices = @transform_13, window_bounds = array<i64: 1024, 128>}]} {
    %get3A = arith.constant 0 : index
    %get3A_0 = arith.constant 0 : index
    %get3A_1 = vector.load %arg5[%get3A, %get3A_0] : memref<1024x1xf32, #tpu.memory_space<vmem>>, vector<1024x1xf32>
    %get3A_2 = arith.constant 0 : index
    %get3A_3 = arith.constant 0 : index
    %get3A_4 = vector.load %arg6[%get3A_2, %get3A_3] : memref<1024x1xf32, #tpu.memory_space<vmem>>, vector<1024x1xf32>
    %add3A = arith.addf %get3A_1, %get3A_4 : vector<1024x1xf32>
    %add3A_5 = arith.constant 1.000000e+00 : f32
    %add3A_6 = vector.broadcast %add3A_5 : f32 to vector<1024x1xf32>
    %add3A_7 = arith.addf %add3A, %add3A_6 : vector<1024x1xf32>
    %rsqrt3A = math.rsqrt %add3A_7 : vector<1024x1xf32>
    %get3A_8 = arith.constant 0 : index
    %get3A_9 = arith.constant 0 : index
    %get3A_10 = arith.constant 0 : index
    %get3A_11 = vector.load %arg1[%get3A_8, %get3A_9, %get3A_10] : memref<1x1024x128xf32, #tpu.memory_space<vmem>>, vector<1x1024x128xf32>
    %get3A_12 = vector.shape_cast %get3A_11 : vector<1x1024x128xf32> to vector<1024x128xf32>
    %get3A_13 = arith.constant 0 : index
    %get3A_14 = arith.constant 0 : index
    %get3A_15 = arith.constant 0 : index
    %get3A_16 = vector.load %arg2[%get3A_13, %get3A_14, %get3A_15] : memref<1x1024x128xf32, #tpu.memory_space<vmem>>, vector<1x1024x128xf32>
    %get3A_17 = vector.shape_cast %get3A_16 : vector<1x1024x128xf32> to vector<1024x128xf32>
    %add3A_18 = arith.addf %get3A_12, %get3A_17 : vector<1024x128xf32>
    %get3A_19 = arith.constant 0 : index
    %get3A_20 = arith.constant 0 : index
    %get3A_21 = vector.load %arg4[%get3A_19, %get3A_20] : memref<1024x128xf32, #tpu.memory_space<vmem>>, vector<1024x128xf32>
    %get3A_22 = arith.constant 0 : index
    %get3A_23 = arith.constant 0 : index
    %get3A_24 = vector.load %arg3[%get3A_22, %get3A_23] : memref<1024x128xf32, #tpu.memory_space<vmem>>, vector<1024x128xf32>
    %add3A_25 = arith.addf %add3A_18, %get3A_24 : vector<1024x128xf32>
    %mul3A = vector.broadcast %rsqrt3A : vector<1024x1xf32> to vector<1024x128xf32>
    %mul3A_26 = arith.mulf %mul3A, %add3A_25 : vector<1024x128xf32>
    %add3A_27 = arith.addf %get3A_21, %mul3A_26 : vector<1024x128xf32>
    %get3A_28 = arith.constant 0 : index
    %get3A_29 = arith.constant 0 : index
    %get3A_30 = vector.load %arg7[%get3A_28, %get3A_29] : memref<1x128xf32, #tpu.memory_space<vmem>>, vector<1x128xf32>
    %add3A_31 = vector.broadcast %get3A_30 : vector<1x128xf32> to vector<1024x128xf32>
    %add3A_32 = arith.addf %add3A_27, %add3A_31 : vector<1024x128xf32>
    %max3A = arith.constant 0.000000e+00 : f32
    %max3A_33 = vector.broadcast %max3A : f32 to vector<1024x128xf32>
    %max3A_34 = arith.maximumf %add3A_32, %max3A_33 : vector<1024x128xf32>
    %mul3A_35 = arith.constant 1024 : i32
    %mul3A_36 = arith.muli %arg0, %mul3A_35 : i32
    %iota3A = tpu.iota {dimensions = array<i32: 0>} : vector<1024x1xi32>
    %add3A_37 = vector.broadcast %mul3A_36 : i32 to vector<1024x1xi32>
    %add3A_38 = arith.addi %add3A_37, %iota3A : vector<1024x1xi32>
    %lt3A = arith.constant 10000 : i32
    %lt3A_39 = vector.broadcast %lt3A : i32 to vector<1024x1xi32>
    %lt3A_40 = arith.cmpi slt, %add3A_38, %lt3A_39 : vector<1024x1xi32>
    %jit3A = arith.constant 0.000000e+00 : f32
    %broadcast_in_dim3A = vector.shape_cast %lt3A_40 : vector<1024x1xi1> to vector<1024x1xi1>
    %broadcast_in_dim3A_41 = vector.broadcast %broadcast_in_dim3A : vector<1024x1xi1> to vector<1024x128xi1>
    %broadcast_in_dim3A_42 = vector.broadcast %jit3A : f32 to vector<1024x128xf32>
    %select_n3A = arith.select %broadcast_in_dim3A_41, %max3A_34, %broadcast_in_dim3A_42 : vector<1024x128xi1>, vector<1024x128xf32>
    %swap3A = arith.constant 0 : index
    %swap3A_43 = arith.constant 0 : index
    %swap3A_44 = vector.load %arg11[%swap3A, %swap3A_43] : memref<1024x128xf32, #tpu.memory_space<vmem>>, vector<1024x128xf32>
    tpu.vector_store %arg11[%swap3A, %swap3A_43], %select_n3A {strides = array<i32>} : memref<1024x128xf32, #tpu.memory_space<vmem>>, vector<1024x128xf32>,
    %get3A_45 = arith.constant 0 : index
    %get3A_46 = arith.constant 0 : index
    %get3A_47 = vector.load %arg8[%get3A_45, %get3A_46] : memref<128x1xf32, #tpu.memory_space<vmem>>, vector<128x1xf32>
    %dot_general3A = arith.constant dense<0.000000e+00> : vector<1024x1xf32>
    %dot_general3A_48 = tpu.matmul %select_n3A, %get3A_47, %dot_general3A {dimension_numbers = #tpu.dot_dimension_numbers<[1], [0], [0], [1], [0, 0, 1, 1], [], []>, precision = #tpu.contract_precision<fp32>, transpose_lhs_hint = false} : vector<1024x128xf32>, vector<128x1xf32>, vector<1024x1xf32> -> vector<1024x1xf32>
    %swap3A_49 = arith.constant 0 : index
    %swap3A_50 = arith.constant 0 : index
    %swap3A_51 = vector.load %arg12[%swap3A_49, %swap3A_50] : memref<1024x1xf32, #tpu.memory_space<vmem>>, vector<1024x1xf32>
    tpu.vector_store %arg12[%swap3A_49, %swap3A_50], %dot_general3A_48 {strides = array<i32>} : memref<1024x1xf32, #tpu.memory_space<vmem>>, vector<1024x1xf32>,
    %get3A_52 = arith.constant 0 : index
    %get3A_53 = arith.constant 0 : index
    %get3A_54 = vector.load %arg9[%get3A_52, %get3A_53] : memref<128x1xf32, #tpu.memory_space<vmem>>, vector<128x1xf32>
    %dot_general3A_55 = arith.constant dense<0.000000e+00> : vector<1024x1xf32>
    %dot_general3A_56 = tpu.matmul %select_n3A, %get3A_54, %dot_general3A_55 {dimension_numbers = #tpu.dot_dimension_numbers<[1], [0], [0], [1], [0, 0, 1, 1], [], []>, precision = #tpu.contract_precision<fp32>, transpose_lhs_hint = false} : vector<1024x128xf32>, vector<128x1xf32>, vector<1024x1xf32> -> vector<1024x1xf32>
    %swap3A_57 = arith.constant 0 : index
    %swap3A_58 = arith.constant 0 : index
    %swap3A_59 = vector.load %arg13[%swap3A_57, %swap3A_58] : memref<1024x1xf32, #tpu.memory_space<vmem>>, vector<1024x1xf32>
    tpu.vector_store %arg13[%swap3A_57, %swap3A_58], %dot_general3A_56 {strides = array<i32>} : memref<1024x1xf32, #tpu.memory_space<vmem>>, vector<1024x1xf32>,
    %get3A_60 = arith.constant 0 : index
    %get3A_61 = arith.constant 0 : index
    %get3A_62 = vector.load %arg10[%get3A_60, %get3A_61] : memref<128x128xf32, #tpu.memory_space<vmem>>, vector<128x128xf32>
    %dot_general3A_63 = arith.constant dense<0.000000e+00> : vector<1024x128xf32>
    %dot_general3A_64 = tpu.matmul %select_n3A, %get3A_62, %dot_general3A_63 {dimension_numbers = #tpu.dot_dimension_numbers<[1], [0], [0], [1], [0, 0, 1, 1], [], []>, precision = #tpu.contract_precision<fp32>, transpose_lhs_hint = false} : vector<1024x128xf32>, vector<128x128xf32>, vector<1024x128xf32> -> vector<1024x128xf32>
    %mul3A_65 = vector.broadcast %rsqrt3A : vector<1024x1xf32> to vector<1024x128xf32>
    %mul3A_66 = arith.mulf %dot_general3A_64, %mul3A_65 : vector<1024x128xf32>
    %swap3A_67 = arith.constant 0 : index
    %swap3A_68 = arith.constant 0 : index
    %swap3A_69 = vector.load %arg14[%swap3A_67, %swap3A_68] : memref<1024x128xf32, #tpu.memory_space<vmem>>, vector<1024x128xf32>
    tpu.vector_store %arg14[%swap3A_67, %swap3A_68], %mul3A_66 {strides = array<i32>} : memref<1024x128xf32, #tpu.memory_space<vmem>>, vector<1024x128xf32>,
    return
  }
  func.func @transform_0(%arg0: i32) -> (i32, i32, i32) {
    %c0_i32 = arith.constant 0 : i32
    %c0_i32_0 = arith.constant 0 : i32
    %c0_i32_1 = arith.constant 0 : i32
    return %c0_i32, %arg0, %c0_i32_0 : i32, i32, i32
  }
  func.func @transform_1(%arg0: i32) -> (i32, i32, i32) {
    %c1_i32 = arith.constant 1 : i32
    %c0_i32 = arith.constant 0 : i32
    %c0_i32_0 = arith.constant 0 : i32
    return %c1_i32, %arg0, %c0_i32 : i32, i32, i32
  }
  func.func @transform_2(%arg0: i32) -> (i32, i32) {
    %c0_i32 = arith.constant 0 : i32
    %c0_i32_0 = arith.constant 0 : i32
    return %arg0, %c0_i32 : i32, i32
  }
  func.func @transform_3(%arg0: i32) -> (i32, i32) {
    %c0_i32 = arith.constant 0 : i32
    %c0_i32_0 = arith.constant 0 : i32
    return %arg0, %c0_i32 : i32, i32
  }
  func.func @transform_4(%arg0: i32) -> (i32, i32) {
    %c0_i32 = arith.constant 0 : i32
    %c0_i32_0 = arith.constant 0 : i32
    return %arg0, %c0_i32 : i32, i32
  }
  func.func @transform_5(%arg0: i32) -> (i32, i32) {
    %c0_i32 = arith.constant 0 : i32
    %c0_i32_0 = arith.constant 0 : i32
    return %arg0, %c0_i32 : i32, i32
  }
  func.func @transform_6(%arg0: i32) -> (i32, i32) {
    %c0_i32 = arith.constant 0 : i32
    %c0_i32_0 = arith.constant 0 : i32
    %c0_i32_1 = arith.constant 0 : i32
    return %c0_i32, %c0_i32_0 : i32, i32
  }
  func.func @transform_7(%arg0: i32) -> (i32, i32) {
    %c0_i32 = arith.constant 0 : i32
    %c0_i32_0 = arith.constant 0 : i32
    %c0_i32_1 = arith.constant 0 : i32
    return %c0_i32, %c0_i32_0 : i32, i32
  }
  func.func @transform_8(%arg0: i32) -> (i32, i32) {
    %c0_i32 = arith.constant 0 : i32
    %c0_i32_0 = arith.constant 0 : i32
    %c0_i32_1 = arith.constant 0 : i32
    return %c0_i32, %c0_i32_0 : i32, i32
  }
  func.func @transform_9(%arg0: i32) -> (i32, i32) {
    %c0_i32 = arith.constant 0 : i32
    %c0_i32_0 = arith.constant 0 : i32
    %c0_i32_1 = arith.constant 0 : i32
    return %c0_i32, %c0_i32_0 : i32, i32
  }
  func.func @transform_10(%arg0: i32) -> (i32, i32) {
    %c0_i32 = arith.constant 0 : i32
    %c0_i32_0 = arith.constant 0 : i32
    return %arg0, %c0_i32 : i32, i32
  }
  func.func @transform_11(%arg0: i32) -> (i32, i32) {
    %c0_i32 = arith.constant 0 : i32
    %c0_i32_0 = arith.constant 0 : i32
    return %arg0, %c0_i32 : i32, i32
  }
  func.func @transform_12(%arg0: i32) -> (i32, i32) {
    %c0_i32 = arith.constant 0 : i32
    %c0_i32_0 = arith.constant 0 : i32
    return %arg0, %c0_i32 : i32, i32
  }
  func.func @transform_13(%arg0: i32) -> (i32, i32) {
    %c0_i32 = arith.constant 0 : i32
    %c0_i32_0 = arith.constant 0 : i32
    return %arg0, %c0_i32 : i32, i32
  }
}

module attributes {stable_mosaic.version = 14 : i64} {
  func.func @_att_final_body(%arg0: i32, %arg1: i32, %arg2: memref<1024x1xi32, #tpu.memory_space<vmem>>, %arg3: memref<1024x1xf32, #tpu.memory_space<vmem>>, %arg4: memref<1024x1xf32, #tpu.memory_space<vmem>>, %arg5: memref<1024x1xf32, #tpu.memory_space<vmem>>, %arg6: memref<1024x1xf32, #tpu.memory_space<vmem>>, %arg7: memref<1024x1xf32, #tpu.memory_space<vmem>>, %arg8: memref<1024x1xf32, #tpu.memory_space<vmem>>, %arg9: memref<1024x1xf32, #tpu.memory_space<vmem>>, %arg10: memref<1024x1xf32, #tpu.memory_space<vmem>>, %arg11: memref<1024x1xf32, #tpu.memory_space<vmem>>, %arg12: memref<1x1xf32, #tpu.memory_space<vmem>>, %arg13: memref<1024x128xf32, #tpu.memory_space<vmem>>, %arg14: memref<1024x128xf32, #tpu.memory_space<vmem>>, %arg15: memref<1024x128xf32, #tpu.memory_space<vmem>>, %arg16: memref<128x128xf32, #tpu.memory_space<vmem>>, %arg17: memref<1x128xf32, #tpu.memory_space<vmem>>, %arg18: memref<3x128xf32, #tpu.memory_space<vmem>>, %arg19: memref<3x1xf32, #tpu.memory_space<vmem>>, %arg20: memref<1024x128xf32, #tpu.memory_space<vmem>>, %arg21: memref<3x128xf32, #tpu.memory_space<vmem>>, %arg22: memref<3x128xf32, #tpu.memory_space<vmem>>, %arg23: memref<128x128xf32, #tpu.memory_space<vmem>>, %arg24: memref<128x128xf32, #tpu.memory_space<vmem>>, %arg25: memref<128x128xf32, #tpu.memory_space<vmem>>, %arg26: memref<128x1xf32, #tpu.memory_space<vmem>>, %arg27: memref<128x1xf32, #tpu.memory_space<vmem>>, %arg28: memref<128x1xf32, #tpu.memory_space<vmem>>) attributes {dimension_semantics = [#tpu.dimension_semantics<arbitrary>, #tpu.dimension_semantics<arbitrary>], iteration_bounds = array<i64: 3, 10>, scalar_prefetch = 0 : i64, scratch_operands = 8 : i64, tpu.core_type = #tpu.core_type<tc>, window_params = [{transform_indices = @transform_0, window_bounds = array<i64: 1024, 1>}, {transform_indices = @transform_1, window_bounds = array<i64: 1024, 1>}, {transform_indices = @transform_2, window_bounds = array<i64: 1024, 1>}, {transform_indices = @transform_3, window_bounds = array<i64: 1024, 1>}, {transform_indices = @transform_4, window_bounds = array<i64: 1024, 1>}, {transform_indices = @transform_5, window_bounds = array<i64: 1024, 1>}, {transform_indices = @transform_6, window_bounds = array<i64: 1024, 1>}, {transform_indices = @transform_7, window_bounds = array<i64: 1024, 1>}, {transform_indices = @transform_8, window_bounds = array<i64: 1024, 1>}, {transform_indices = @transform_9, window_bounds = array<i64: 1024, 1>}, {pipeline_mode = #tpu.pipeline_mode<synchronous>, transform_indices = @transform_10, window_bounds = array<i64: 1, 1>}, {transform_indices = @transform_11, window_bounds = array<i64: 1024, 128>}, {transform_indices = @transform_12, window_bounds = array<i64: 1024, 128>}, {transform_indices = @transform_13, window_bounds = array<i64: 1024, 128>}, {pipeline_mode = #tpu.pipeline_mode<synchronous>, transform_indices = @transform_14, window_bounds = array<i64: 128, 128>}, {pipeline_mode = #tpu.pipeline_mode<synchronous>, transform_indices = @transform_15, window_bounds = array<i64: 1, 128>}, {pipeline_mode = #tpu.pipeline_mode<synchronous>, transform_indices = @transform_16, window_bounds = array<i64: 3, 128>}, {pipeline_mode = #tpu.pipeline_mode<synchronous>, transform_indices = @transform_17, window_bounds = array<i64: 3, 1>}, {transform_indices = @transform_18, window_bounds = array<i64: 1024, 128>}]} {
    %get3A = arith.constant 0 : index
    %get3A_0 = arith.constant 0 : index
    %get3A_1 = vector.load %arg2[%get3A, %get3A_0] : memref<1024x1xi32, #tpu.memory_space<vmem>>, vector<1024x1xi32>
    %iota3A = tpu.iota {dimensions = array<i32: 1>} : vector<1024x128xi32>
    %eq3A = vector.broadcast %get3A_1 : vector<1024x1xi32> to vector<1024x128xi32>
    %eq3A_2 = arith.cmpi eq, %eq3A, %iota3A : vector<1024x128xi32>
    %eq3A_3 = arith.constant 0 : i32
    %eq3A_4 = arith.cmpi eq, %arg0, %eq3A_3 : i32
    %eq3A_5 = arith.constant 0 : i32
    %eq3A_6 = arith.cmpi eq, %arg1, %eq3A_5 : i32
    %and3A = arith.andi %eq3A_4, %eq3A_6 : i1
    %convert_element_type3A = arith.extui %and3A : i1 to i32
    %cond3A = arith.constant 0 : i32
    %cond3A_7 = arith.cmpi ne, %convert_element_type3A, %cond3A : i32
    scf.if %cond3A_7 {
      %broadcast_in_dim3A = arith.constant -1.000000e+30 : f32
      %broadcast_in_dim3A_39 = vector.broadcast %broadcast_in_dim3A : f32 to vector<3x128xf32>
      %swap3A = arith.constant 0 : index
      %swap3A_40 = arith.constant 0 : index
      %swap3A_41 = vector.load %arg21[%swap3A, %swap3A_40] : memref<3x128xf32, #tpu.memory_space<vmem>>, vector<3x128xf32>
      tpu.vector_store %arg21[%swap3A, %swap3A_40], %broadcast_in_dim3A_39 {strides = array<i32>} : memref<3x128xf32, #tpu.memory_space<vmem>>, vector<3x128xf32>,
    } else {
    }
    %eq3A_8 = arith.constant 0 : i32
    %eq3A_9 = arith.cmpi eq, %arg0, %eq3A_8 : i32
    %convert_element_type3A_10 = arith.extui %eq3A_9 : i1 to i32
    %cond3A_11 = arith.constant 0 : i32
    %cond3A_12 = arith.cmpi ne, %convert_element_type3A_10, %cond3A_11 : i32
    scf.if %cond3A_12 {
      %get3A_39 = arith.constant 0 : index
      %get3A_40 = arith.constant 0 : index
      %get3A_41 = vector.load %arg3[%get3A_39, %get3A_40] : memref<1024x1xf32, #tpu.memory_space<vmem>>, vector<1024x1xf32>
      %get3A_42 = arith.constant 0 : index
      %get3A_43 = arith.constant 0 : index
      %get3A_44 = vector.load %arg6[%get3A_42, %get3A_43] : memref<1024x1xf32, #tpu.memory_space<vmem>>, vector<1024x1xf32>
      %add3A = arith.addf %get3A_41, %get3A_44 : vector<1024x1xf32>
      %get3A_45 = arith.constant 0 : index
      %get3A_46 = arith.constant 0 : index
      %get3A_47 = vector.load %arg7[%get3A_45, %get3A_46] : memref<1024x1xf32, #tpu.memory_space<vmem>>, vector<1024x1xf32>
      %add3A_48 = arith.addf %add3A, %get3A_47 : vector<1024x1xf32>
      %get3A_49 = arith.constant 0 : index
      %get3A_50 = arith.constant 0 : index
      %get3A_51 = vector.load %arg12[%get3A_49, %get3A_50] : memref<1x1xf32, #tpu.memory_space<vmem>>, vector<1x1xf32>
      %add3A_52 = vector.broadcast %get3A_51 : vector<1x1xf32> to vector<1024x1xf32>
      %add3A_53 = arith.addf %add3A_48, %add3A_52 : vector<1024x1xf32>
      %jit3A = arith.constant -1.000000e+30 : f32
      %broadcast_in_dim3A = vector.shape_cast %add3A_53 : vector<1024x1xf32> to vector<1024x1xf32>
      %broadcast_in_dim3A_54 = vector.broadcast %broadcast_in_dim3A : vector<1024x1xf32> to vector<1024x128xf32>
      %broadcast_in_dim3A_55 = vector.broadcast %jit3A : f32 to vector<1024x128xf32>
      %select_n3A = arith.select %eq3A_2, %broadcast_in_dim3A_54, %broadcast_in_dim3A_55 : vector<1024x128xi1>, vector<1024x128xf32>
      %get3A_56 = arith.constant 0 : index
      %get3A_57 = arith.constant 0 : index
      %get3A_58 = vector.load %arg21[%get3A_56, %get3A_57] : memref<3x128xf32, #tpu.memory_space<vmem>>, vector<1x128xf32>
      %reduce_max3A = arith.constant dense<0xFF800000> : vector<128xf32>
      %reduce_max3A_59 = vector.multi_reduction <maximumf>, %select_n3A, %reduce_max3A [0] : vector<1024x128xf32> to vector<128xf32>
      %broadcast_in_dim3A_60 = vector.shape_cast %reduce_max3A_59 : vector<128xf32> to vector<1x128xf32>
      %max3A = arith.maximumf %get3A_58, %broadcast_in_dim3A_60 : vector<1x128xf32>
      %swap3A = arith.constant 0 : index
      %swap3A_61 = arith.constant 0 : index
      %swap3A_62 = vector.load %arg21[%swap3A, %swap3A_61] : memref<3x128xf32, #tpu.memory_space<vmem>>, vector<1x128xf32>
      tpu.vector_store %arg21[%swap3A, %swap3A_61], %max3A {strides = array<i32>} : memref<3x128xf32, #tpu.memory_space<vmem>>, vector<1x128xf32>,
      %get3A_63 = arith.constant 0 : index
      %get3A_64 = arith.constant 0 : index
      %get3A_65 = vector.load %arg4[%get3A_63, %get3A_64] : memref<1024x1xf32, #tpu.memory_space<vmem>>, vector<1024x1xf32>
      %get3A_66 = arith.constant 0 : index
      %get3A_67 = arith.constant 0 : index
      %get3A_68 = vector.load %arg8[%get3A_66, %get3A_67] : memref<1024x1xf32, #tpu.memory_space<vmem>>, vector<1024x1xf32>
      %add3A_69 = arith.addf %get3A_65, %get3A_68 : vector<1024x1xf32>
      %get3A_70 = arith.constant 0 : index
      %get3A_71 = arith.constant 0 : index
      %get3A_72 = vector.load %arg9[%get3A_70, %get3A_71] : memref<1024x1xf32, #tpu.memory_space<vmem>>, vector<1024x1xf32>
      %add3A_73 = arith.addf %add3A_69, %get3A_72 : vector<1024x1xf32>
      %get3A_74 = arith.constant 0 : index
      %get3A_75 = arith.constant 0 : index
      %get3A_76 = vector.load %arg12[%get3A_74, %get3A_75] : memref<1x1xf32, #tpu.memory_space<vmem>>, vector<1x1xf32>
      %add3A_77 = vector.broadcast %get3A_76 : vector<1x1xf32> to vector<1024x1xf32>
      %add3A_78 = arith.addf %add3A_73, %add3A_77 : vector<1024x1xf32>
      %jit3A_79 = arith.constant -1.000000e+30 : f32
      %broadcast_in_dim3A_80 = vector.shape_cast %add3A_78 : vector<1024x1xf32> to vector<1024x1xf32>
      %broadcast_in_dim3A_81 = vector.broadcast %broadcast_in_dim3A_80 : vector<1024x1xf32> to vector<1024x128xf32>
      %broadcast_in_dim3A_82 = vector.broadcast %jit3A_79 : f32 to vector<1024x128xf32>
      %select_n3A_83 = arith.select %eq3A_2, %broadcast_in_dim3A_81, %broadcast_in_dim3A_82 : vector<1024x128xi1>, vector<1024x128xf32>
      %get3A_84 = arith.constant 1 : index
      %get3A_85 = arith.constant 0 : index
      %get3A_86 = vector.load %arg21[%get3A_84, %get3A_85] : memref<3x128xf32, #tpu.memory_space<vmem>>, vector<1x128xf32>
      %reduce_max3A_87 = arith.constant dense<0xFF800000> : vector<128xf32>
      %reduce_max3A_88 = vector.multi_reduction <maximumf>, %select_n3A_83, %reduce_max3A_87 [0] : vector<1024x128xf32> to vector<128xf32>
      %broadcast_in_dim3A_89 = vector.shape_cast %reduce_max3A_88 : vector<128xf32> to vector<1x128xf32>
      %max3A_90 = arith.maximumf %get3A_86, %broadcast_in_dim3A_89 : vector<1x128xf32>
      %swap3A_91 = arith.constant 1 : index
      %swap3A_92 = arith.constant 0 : index
      %swap3A_93 = vector.load %arg21[%swap3A_91, %swap3A_92] : memref<3x128xf32, #tpu.memory_space<vmem>>, vector<1x128xf32>
      tpu.vector_store %arg21[%swap3A_91, %swap3A_92], %max3A_90 {strides = array<i32>} : memref<3x128xf32, #tpu.memory_space<vmem>>, vector<1x128xf32>,
      %get3A_94 = arith.constant 0 : index
      %get3A_95 = arith.constant 0 : index
      %get3A_96 = vector.load %arg5[%get3A_94, %get3A_95] : memref<1024x1xf32, #tpu.memory_space<vmem>>, vector<1024x1xf32>
      %get3A_97 = arith.constant 0 : index
      %get3A_98 = arith.constant 0 : index
      %get3A_99 = vector.load %arg10[%get3A_97, %get3A_98] : memref<1024x1xf32, #tpu.memory_space<vmem>>, vector<1024x1xf32>
      %add3A_100 = arith.addf %get3A_96, %get3A_99 : vector<1024x1xf32>
      %get3A_101 = arith.constant 0 : index
      %get3A_102 = arith.constant 0 : index
      %get3A_103 = vector.load %arg11[%get3A_101, %get3A_102] : memref<1024x1xf32, #tpu.memory_space<vmem>>, vector<1024x1xf32>
      %add3A_104 = arith.addf %add3A_100, %get3A_103 : vector<1024x1xf32>
      %get3A_105 = arith.constant 0 : index
      %get3A_106 = arith.constant 0 : index
      %get3A_107 = vector.load %arg12[%get3A_105, %get3A_106] : memref<1x1xf32, #tpu.memory_space<vmem>>, vector<1x1xf32>
      %add3A_108 = vector.broadcast %get3A_107 : vector<1x1xf32> to vector<1024x1xf32>
      %add3A_109 = arith.addf %add3A_104, %add3A_108 : vector<1024x1xf32>
      %jit3A_110 = arith.constant -1.000000e+30 : f32
      %broadcast_in_dim3A_111 = vector.shape_cast %add3A_109 : vector<1024x1xf32> to vector<1024x1xf32>
      %broadcast_in_dim3A_112 = vector.broadcast %broadcast_in_dim3A_111 : vector<1024x1xf32> to vector<1024x128xf32>
      %broadcast_in_dim3A_113 = vector.broadcast %jit3A_110 : f32 to vector<1024x128xf32>
      %select_n3A_114 = arith.select %eq3A_2, %broadcast_in_dim3A_112, %broadcast_in_dim3A_113 : vector<1024x128xi1>, vector<1024x128xf32>
      %get3A_115 = arith.constant 2 : index
      %get3A_116 = arith.constant 0 : index
      %get3A_117 = vector.load %arg21[%get3A_115, %get3A_116] : memref<3x128xf32, #tpu.memory_space<vmem>>, vector<1x128xf32>
      %reduce_max3A_118 = arith.constant dense<0xFF800000> : vector<128xf32>
      %reduce_max3A_119 = vector.multi_reduction <maximumf>, %select_n3A_114, %reduce_max3A_118 [0] : vector<1024x128xf32> to vector<128xf32>
      %broadcast_in_dim3A_120 = vector.shape_cast %reduce_max3A_119 : vector<128xf32> to vector<1x128xf32>
      %max3A_121 = arith.maximumf %get3A_117, %broadcast_in_dim3A_120 : vector<1x128xf32>
      %swap3A_122 = arith.constant 2 : index
      %swap3A_123 = arith.constant 0 : index
      %swap3A_124 = vector.load %arg21[%swap3A_122, %swap3A_123] : memref<3x128xf32, #tpu.memory_space<vmem>>, vector<1x128xf32>
      tpu.vector_store %arg21[%swap3A_122, %swap3A_123], %max3A_121 {strides = array<i32>} : memref<3x128xf32, #tpu.memory_space<vmem>>, vector<1x128xf32>,
    } else {
    }
    %eq3A_13 = arith.constant 1 : i32
    %eq3A_14 = arith.cmpi eq, %arg0, %eq3A_13 : i32
    %eq3A_15 = arith.constant 0 : i32
    %eq3A_16 = arith.cmpi eq, %arg1, %eq3A_15 : i32
    %and3A_17 = arith.andi %eq3A_14, %eq3A_16 : i1
    %convert_element_type3A_18 = arith.extui %and3A_17 : i1 to i32
    %cond3A_19 = arith.constant 0 : i32
    %cond3A_20 = arith.cmpi ne, %convert_element_type3A_18, %cond3A_19 : i32
    scf.if %cond3A_20 {
      %broadcast_in_dim3A = arith.constant 0.000000e+00 : f32
      %broadcast_in_dim3A_39 = vector.broadcast %broadcast_in_dim3A : f32 to vector<3x128xf32>
      %swap3A = arith.constant 0 : index
      %swap3A_40 = arith.constant 0 : index
      %swap3A_41 = vector.load %arg22[%swap3A, %swap3A_40] : memref<3x128xf32, #tpu.memory_space<vmem>>, vector<3x128xf32>
      tpu.vector_store %arg22[%swap3A, %swap3A_40], %broadcast_in_dim3A_39 {strides = array<i32>} : memref<3x128xf32, #tpu.memory_space<vmem>>, vector<3x128xf32>,
      %broadcast_in_dim3A_42 = arith.constant 0.000000e+00 : f32
      %broadcast_in_dim3A_43 = vector.broadcast %broadcast_in_dim3A_42 : f32 to vector<128x128xf32>
      %swap3A_44 = arith.constant 0 : index
      %swap3A_45 = arith.constant 0 : index
      %swap3A_46 = vector.load %arg23[%swap3A_44, %swap3A_45] : memref<128x128xf32, #tpu.memory_space<vmem>>, vector<128x128xf32>
      tpu.vector_store %arg23[%swap3A_44, %swap3A_45], %broadcast_in_dim3A_43 {strides = array<i32>} : memref<128x128xf32, #tpu.memory_space<vmem>>, vector<128x128xf32>,
      %broadcast_in_dim3A_47 = arith.constant 0.000000e+00 : f32
      %broadcast_in_dim3A_48 = vector.broadcast %broadcast_in_dim3A_47 : f32 to vector<128x128xf32>
      %swap3A_49 = arith.constant 0 : index
      %swap3A_50 = arith.constant 0 : index
      %swap3A_51 = vector.load %arg24[%swap3A_49, %swap3A_50] : memref<128x128xf32, #tpu.memory_space<vmem>>, vector<128x128xf32>
      tpu.vector_store %arg24[%swap3A_49, %swap3A_50], %broadcast_in_dim3A_48 {strides = array<i32>} : memref<128x128xf32, #tpu.memory_space<vmem>>, vector<128x128xf32>,
      %broadcast_in_dim3A_52 = arith.constant 0.000000e+00 : f32
      %broadcast_in_dim3A_53 = vector.broadcast %broadcast_in_dim3A_52 : f32 to vector<128x128xf32>
      %swap3A_54 = arith.constant 0 : index
      %swap3A_55 = arith.constant 0 : index
      %swap3A_56 = vector.load %arg25[%swap3A_54, %swap3A_55] : memref<128x128xf32, #tpu.memory_space<vmem>>, vector<128x128xf32>
      tpu.vector_store %arg25[%swap3A_54, %swap3A_55], %broadcast_in_dim3A_53 {strides = array<i32>} : memref<128x128xf32, #tpu.memory_space<vmem>>, vector<128x128xf32>,
    } else {
    }
    %eq3A_21 = arith.constant 1 : i32
    %eq3A_22 = arith.cmpi eq, %arg0, %eq3A_21 : i32
    %convert_element_type3A_23 = arith.extui %eq3A_22 : i1 to i32
    %cond3A_24 = arith.constant 0 : i32
    %cond3A_25 = arith.cmpi ne, %convert_element_type3A_23, %cond3A_24 : i32
    scf.if %cond3A_25 {
      %convert_element_type3A_39 = arith.extui %eq3A_2 : vector<1024x128xi1> to vector<1024x128xi32>
      %convert_element_type3A_40 = arith.sitofp %convert_element_type3A_39 : vector<1024x128xi32> to vector<1024x128xf32>
      %get3A_41 = arith.constant 0 : index
      %get3A_42 = arith.constant 0 : index
      %get3A_43 = vector.load %arg21[%get3A_41, %get3A_42] : memref<3x128xf32, #tpu.memory_space<vmem>>, vector<1x128xf32>
      %mul3A = vector.broadcast %get3A_43 : vector<1x128xf32> to vector<1024x128xf32>
      %mul3A_44 = arith.mulf %convert_element_type3A_40, %mul3A : vector<1024x128xf32>
      %reduce_sum3A = arith.constant dense<0.000000e+00> : vector<1024xf32>
      %reduce_sum3A_45 = vector.multi_reduction <add>, %mul3A_44, %reduce_sum3A [1] : vector<1024x128xf32> to vector<1024xf32>
      %broadcast_in_dim3A = vector.shape_cast %reduce_sum3A_45 : vector<1024xf32> to vector<1024x1xf32>
      %get3A_46 = arith.constant 0 : index
      %get3A_47 = arith.constant 0 : index
      %get3A_48 = vector.load %arg3[%get3A_46, %get3A_47] : memref<1024x1xf32, #tpu.memory_space<vmem>>, vector<1024x1xf32>
      %get3A_49 = arith.constant 0 : index
      %get3A_50 = arith.constant 0 : index
      %get3A_51 = vector.load %arg6[%get3A_49, %get3A_50] : memref<1024x1xf32, #tpu.memory_space<vmem>>, vector<1024x1xf32>
      %add3A = arith.addf %get3A_48, %get3A_51 : vector<1024x1xf32>
      %get3A_52 = arith.constant 0 : index
      %get3A_53 = arith.constant 0 : index
      %get3A_54 = vector.load %arg7[%get3A_52, %get3A_53] : memref<1024x1xf32, #tpu.memory_space<vmem>>, vector<1024x1xf32>
      %add3A_55 = arith.addf %add3A, %get3A_54 : vector<1024x1xf32>
      %get3A_56 = arith.constant 0 : index
      %get3A_57 = arith.constant 0 : index
      %get3A_58 = vector.load %arg12[%get3A_56, %get3A_57] : memref<1x1xf32, #tpu.memory_space<vmem>>, vector<1x1xf32>
      %add3A_59 = vector.broadcast %get3A_58 : vector<1x1xf32> to vector<1024x1xf32>
      %add3A_60 = arith.addf %add3A_55, %add3A_59 : vector<1024x1xf32>
      %sub3A = arith.subf %add3A_60, %broadcast_in_dim3A : vector<1024x1xf32>
      %exp3A = math.exp %sub3A : vector<1024x1xf32>
      %get3A_61 = arith.constant 0 : index
      %get3A_62 = arith.constant 0 : index
      %get3A_63 = vector.load %arg22[%get3A_61, %get3A_62] : memref<3x128xf32, #tpu.memory_space<vmem>>, vector<1x128xf32>
      %mul3A_64 = vector.broadcast %exp3A : vector<1024x1xf32> to vector<1024x128xf32>
      %mul3A_65 = arith.mulf %convert_element_type3A_40, %mul3A_64 : vector<1024x128xf32>
      %reduce_sum3A_66 = arith.constant dense<0.000000e+00> : vector<128xf32>
      %reduce_sum3A_67 = vector.multi_reduction <add>, %mul3A_65, %reduce_sum3A_66 [0] : vector<1024x128xf32> to vector<128xf32>
      %broadcast_in_dim3A_68 = vector.shape_cast %reduce_sum3A_67 : vector<128xf32> to vector<1x128xf32>
      %add3A_69 = arith.addf %get3A_63, %broadcast_in_dim3A_68 : vector<1x128xf32>
      %swap3A = arith.constant 0 : index
      %swap3A_70 = arith.constant 0 : index
      %swap3A_71 = vector.load %arg22[%swap3A, %swap3A_70] : memref<3x128xf32, #tpu.memory_space<vmem>>, vector<1x128xf32>
      tpu.vector_store %arg22[%swap3A, %swap3A_70], %add3A_69 {strides = array<i32>} : memref<3x128xf32, #tpu.memory_space<vmem>>, vector<1x128xf32>,
      %get3A_72 = arith.constant 0 : index
      %get3A_73 = arith.constant 0 : index
      %get3A_74 = vector.load %arg13[%get3A_72, %get3A_73] : memref<1024x128xf32, #tpu.memory_space<vmem>>, vector<1024x128xf32>
      %mul3A_75 = vector.broadcast %exp3A : vector<1024x1xf32> to vector<1024x128xf32>
      %mul3A_76 = arith.mulf %get3A_74, %mul3A_75 : vector<1024x128xf32>
      %get3A_77 = arith.constant 0 : index
      %get3A_78 = arith.constant 0 : index
      %get3A_79 = vector.load %arg23[%get3A_77, %get3A_78] : memref<128x128xf32, #tpu.memory_space<vmem>>, vector<128x128xf32>
      %dot_general3A = arith.constant dense<0.000000e+00> : vector<128x128xf32>
      %dot_general3A_80 = tpu.matmul %convert_element_type3A_40, %mul3A_76, %dot_general3A {dimension_numbers = #tpu.dot_dimension_numbers<[0], [0], [1], [1], [0, 1, 1, 1], [], []>, precision = #tpu.contract_precision<fp32>, transpose_lhs_hint = false} : vector<1024x128xf32>, vector<1024x128xf32>, vector<128x128xf32> -> vector<128x128xf32>
      %add3A_81 = arith.addf %get3A_79, %dot_general3A_80 : vector<128x128xf32>
      %swap3A_82 = arith.constant 0 : index
      %swap3A_83 = arith.constant 0 : index
      %swap3A_84 = vector.load %arg23[%swap3A_82, %swap3A_83] : memref<128x128xf32, #tpu.memory_space<vmem>>, vector<128x128xf32>
      tpu.vector_store %arg23[%swap3A_82, %swap3A_83], %add3A_81 {strides = array<i32>} : memref<128x128xf32, #tpu.memory_space<vmem>>, vector<128x128xf32>,
      %get3A_85 = arith.constant 1 : index
      %get3A_86 = arith.constant 0 : index
      %get3A_87 = vector.load %arg21[%get3A_85, %get3A_86] : memref<3x128xf32, #tpu.memory_space<vmem>>, vector<1x128xf32>
      %mul3A_88 = vector.broadcast %get3A_87 : vector<1x128xf32> to vector<1024x128xf32>
      %mul3A_89 = arith.mulf %convert_element_type3A_40, %mul3A_88 : vector<1024x128xf32>
      %reduce_sum3A_90 = arith.constant dense<0.000000e+00> : vector<1024xf32>
      %reduce_sum3A_91 = vector.multi_reduction <add>, %mul3A_89, %reduce_sum3A_90 [1] : vector<1024x128xf32> to vector<1024xf32>
      %broadcast_in_dim3A_92 = vector.shape_cast %reduce_sum3A_91 : vector<1024xf32> to vector<1024x1xf32>
      %get3A_93 = arith.constant 0 : index
      %get3A_94 = arith.constant 0 : index
      %get3A_95 = vector.load %arg4[%get3A_93, %get3A_94] : memref<1024x1xf32, #tpu.memory_space<vmem>>, vector<1024x1xf32>
      %get3A_96 = arith.constant 0 : index
      %get3A_97 = arith.constant 0 : index
      %get3A_98 = vector.load %arg8[%get3A_96, %get3A_97] : memref<1024x1xf32, #tpu.memory_space<vmem>>, vector<1024x1xf32>
      %add3A_99 = arith.addf %get3A_95, %get3A_98 : vector<1024x1xf32>
      %get3A_100 = arith.constant 0 : index
      %get3A_101 = arith.constant 0 : index
      %get3A_102 = vector.load %arg9[%get3A_100, %get3A_101] : memref<1024x1xf32, #tpu.memory_space<vmem>>, vector<1024x1xf32>
      %add3A_103 = arith.addf %add3A_99, %get3A_102 : vector<1024x1xf32>
      %get3A_104 = arith.constant 0 : index
      %get3A_105 = arith.constant 0 : index
      %get3A_106 = vector.load %arg12[%get3A_104, %get3A_105] : memref<1x1xf32, #tpu.memory_space<vmem>>, vector<1x1xf32>
      %add3A_107 = vector.broadcast %get3A_106 : vector<1x1xf32> to vector<1024x1xf32>
      %add3A_108 = arith.addf %add3A_103, %add3A_107 : vector<1024x1xf32>
      %sub3A_109 = arith.subf %add3A_108, %broadcast_in_dim3A_92 : vector<1024x1xf32>
      %exp3A_110 = math.exp %sub3A_109 : vector<1024x1xf32>
      %get3A_111 = arith.constant 1 : index
      %get3A_112 = arith.constant 0 : index
      %get3A_113 = vector.load %arg22[%get3A_111, %get3A_112] : memref<3x128xf32, #tpu.memory_space<vmem>>, vector<1x128xf32>
      %mul3A_114 = vector.broadcast %exp3A_110 : vector<1024x1xf32> to vector<1024x128xf32>
      %mul3A_115 = arith.mulf %convert_element_type3A_40, %mul3A_114 : vector<1024x128xf32>
      %reduce_sum3A_116 = arith.constant dense<0.000000e+00> : vector<128xf32>
      %reduce_sum3A_117 = vector.multi_reduction <add>, %mul3A_115, %reduce_sum3A_116 [0] : vector<1024x128xf32> to vector<128xf32>
      %broadcast_in_dim3A_118 = vector.shape_cast %reduce_sum3A_117 : vector<128xf32> to vector<1x128xf32>
      %add3A_119 = arith.addf %get3A_113, %broadcast_in_dim3A_118 : vector<1x128xf32>
      %swap3A_120 = arith.constant 1 : index
      %swap3A_121 = arith.constant 0 : index
      %swap3A_122 = vector.load %arg22[%swap3A_120, %swap3A_121] : memref<3x128xf32, #tpu.memory_space<vmem>>, vector<1x128xf32>
      tpu.vector_store %arg22[%swap3A_120, %swap3A_121], %add3A_119 {strides = array<i32>} : memref<3x128xf32, #tpu.memory_space<vmem>>, vector<1x128xf32>,
      %get3A_123 = arith.constant 0 : index
      %get3A_124 = arith.constant 0 : index
      %get3A_125 = vector.load %arg14[%get3A_123, %get3A_124] : memref<1024x128xf32, #tpu.memory_space<vmem>>, vector<1024x128xf32>
      %mul3A_126 = vector.broadcast %exp3A_110 : vector<1024x1xf32> to vector<1024x128xf32>
      %mul3A_127 = arith.mulf %get3A_125, %mul3A_126 : vector<1024x128xf32>
      %get3A_128 = arith.constant 0 : index
      %get3A_129 = arith.constant 0 : index
      %get3A_130 = vector.load %arg24[%get3A_128, %get3A_129] : memref<128x128xf32, #tpu.memory_space<vmem>>, vector<128x128xf32>
      %dot_general3A_131 = arith.constant dense<0.000000e+00> : vector<128x128xf32>
      %dot_general3A_132 = tpu.matmul %convert_element_type3A_40, %mul3A_127, %dot_general3A_131 {dimension_numbers = #tpu.dot_dimension_numbers<[0], [0], [1], [1], [0, 1, 1, 1], [], []>, precision = #tpu.contract_precision<fp32>, transpose_lhs_hint = false} : vector<1024x128xf32>, vector<1024x128xf32>, vector<128x128xf32> -> vector<128x128xf32>
      %add3A_133 = arith.addf %get3A_130, %dot_general3A_132 : vector<128x128xf32>
      %swap3A_134 = arith.constant 0 : index
      %swap3A_135 = arith.constant 0 : index
      %swap3A_136 = vector.load %arg24[%swap3A_134, %swap3A_135] : memref<128x128xf32, #tpu.memory_space<vmem>>, vector<128x128xf32>
      tpu.vector_store %arg24[%swap3A_134, %swap3A_135], %add3A_133 {strides = array<i32>} : memref<128x128xf32, #tpu.memory_space<vmem>>, vector<128x128xf32>,
      %get3A_137 = arith.constant 2 : index
      %get3A_138 = arith.constant 0 : index
      %get3A_139 = vector.load %arg21[%get3A_137, %get3A_138] : memref<3x128xf32, #tpu.memory_space<vmem>>, vector<1x128xf32>
      %mul3A_140 = vector.broadcast %get3A_139 : vector<1x128xf32> to vector<1024x128xf32>
      %mul3A_141 = arith.mulf %convert_element_type3A_40, %mul3A_140 : vector<1024x128xf32>
      %reduce_sum3A_142 = arith.constant dense<0.000000e+00> : vector<1024xf32>
      %reduce_sum3A_143 = vector.multi_reduction <add>, %mul3A_141, %reduce_sum3A_142 [1] : vector<1024x128xf32> to vector<1024xf32>
      %broadcast_in_dim3A_144 = vector.shape_cast %reduce_sum3A_143 : vector<1024xf32> to vector<1024x1xf32>
      %get3A_145 = arith.constant 0 : index
      %get3A_146 = arith.constant 0 : index
      %get3A_147 = vector.load %arg5[%get3A_145, %get3A_146] : memref<1024x1xf32, #tpu.memory_space<vmem>>, vector<1024x1xf32>
      %get3A_148 = arith.constant 0 : index
      %get3A_149 = arith.constant 0 : index
      %get3A_150 = vector.load %arg10[%get3A_148, %get3A_149] : memref<1024x1xf32, #tpu.memory_space<vmem>>, vector<1024x1xf32>
      %add3A_151 = arith.addf %get3A_147, %get3A_150 : vector<1024x1xf32>
      %get3A_152 = arith.constant 0 : index
      %get3A_153 = arith.constant 0 : index
      %get3A_154 = vector.load %arg11[%get3A_152, %get3A_153] : memref<1024x1xf32, #tpu.memory_space<vmem>>, vector<1024x1xf32>
      %add3A_155 = arith.addf %add3A_151, %get3A_154 : vector<1024x1xf32>
      %get3A_156 = arith.constant 0 : index
      %get3A_157 = arith.constant 0 : index
      %get3A_158 = vector.load %arg12[%get3A_156, %get3A_157] : memref<1x1xf32, #tpu.memory_space<vmem>>, vector<1x1xf32>
      %add3A_159 = vector.broadcast %get3A_158 : vector<1x1xf32> to vector<1024x1xf32>
      %add3A_160 = arith.addf %add3A_155, %add3A_159 : vector<1024x1xf32>
      %sub3A_161 = arith.subf %add3A_160, %broadcast_in_dim3A_144 : vector<1024x1xf32>
      %exp3A_162 = math.exp %sub3A_161 : vector<1024x1xf32>
      %get3A_163 = arith.constant 2 : index
      %get3A_164 = arith.constant 0 : index
      %get3A_165 = vector.load %arg22[%get3A_163, %get3A_164] : memref<3x128xf32, #tpu.memory_space<vmem>>, vector<1x128xf32>
      %mul3A_166 = vector.broadcast %exp3A_162 : vector<1024x1xf32> to vector<1024x128xf32>
      %mul3A_167 = arith.mulf %convert_element_type3A_40, %mul3A_166 : vector<1024x128xf32>
      %reduce_sum3A_168 = arith.constant dense<0.000000e+00> : vector<128xf32>
      %reduce_sum3A_169 = vector.multi_reduction <add>, %mul3A_167, %reduce_sum3A_168 [0] : vector<1024x128xf32> to vector<128xf32>
      %broadcast_in_dim3A_170 = vector.shape_cast %reduce_sum3A_169 : vector<128xf32> to vector<1x128xf32>
      %add3A_171 = arith.addf %get3A_165, %broadcast_in_dim3A_170 : vector<1x128xf32>
      %swap3A_172 = arith.constant 2 : index
      %swap3A_173 = arith.constant 0 : index
      %swap3A_174 = vector.load %arg22[%swap3A_172, %swap3A_173] : memref<3x128xf32, #tpu.memory_space<vmem>>, vector<1x128xf32>
      tpu.vector_store %arg22[%swap3A_172, %swap3A_173], %add3A_171 {strides = array<i32>} : memref<3x128xf32, #tpu.memory_space<vmem>>, vector<1x128xf32>,
      %get3A_175 = arith.constant 0 : index
      %get3A_176 = arith.constant 0 : index
      %get3A_177 = vector.load %arg15[%get3A_175, %get3A_176] : memref<1024x128xf32, #tpu.memory_space<vmem>>, vector<1024x128xf32>
      %mul3A_178 = vector.broadcast %exp3A_162 : vector<1024x1xf32> to vector<1024x128xf32>
      %mul3A_179 = arith.mulf %get3A_177, %mul3A_178 : vector<1024x128xf32>
      %get3A_180 = arith.constant 0 : index
      %get3A_181 = arith.constant 0 : index
      %get3A_182 = vector.load %arg25[%get3A_180, %get3A_181] : memref<128x128xf32, #tpu.memory_space<vmem>>, vector<128x128xf32>
      %dot_general3A_183 = arith.constant dense<0.000000e+00> : vector<128x128xf32>
      %dot_general3A_184 = tpu.matmul %convert_element_type3A_40, %mul3A_179, %dot_general3A_183 {dimension_numbers = #tpu.dot_dimension_numbers<[0], [0], [1], [1], [0, 1, 1, 1], [], []>, precision = #tpu.contract_precision<fp32>, transpose_lhs_hint = false} : vector<1024x128xf32>, vector<1024x128xf32>, vector<128x128xf32> -> vector<128x128xf32>
      %add3A_185 = arith.addf %get3A_182, %dot_general3A_184 : vector<128x128xf32>
      %swap3A_186 = arith.constant 0 : index
      %swap3A_187 = arith.constant 0 : index
      %swap3A_188 = vector.load %arg25[%swap3A_186, %swap3A_187] : memref<128x128xf32, #tpu.memory_space<vmem>>, vector<128x128xf32>
      tpu.vector_store %arg25[%swap3A_186, %swap3A_187], %add3A_185 {strides = array<i32>} : memref<128x128xf32, #tpu.memory_space<vmem>>, vector<128x128xf32>,
    } else {
    }
    %eq3A_26 = arith.constant 1 : i32
    %eq3A_27 = arith.cmpi eq, %arg0, %eq3A_26 : i32
    %eq3A_28 = arith.constant 9 : i32
    %eq3A_29 = arith.cmpi eq, %arg1, %eq3A_28 : i32
    %and3A_30 = arith.andi %eq3A_27, %eq3A_29 : i1
    %convert_element_type3A_31 = arith.extui %and3A_30 : i1 to i32
    %cond3A_32 = arith.constant 0 : i32
    %cond3A_33 = arith.cmpi ne, %convert_element_type3A_31, %cond3A_32 : i32
    scf.if %cond3A_33 {
      %get3A_39 = arith.constant 0 : index
      %get3A_40 = arith.constant 0 : index
      %get3A_41 = vector.load %arg23[%get3A_39, %get3A_40] : memref<128x128xf32, #tpu.memory_space<vmem>>, vector<128x128xf32>
      %get3A_42 = arith.constant 0 : index
      %get3A_43 = arith.constant 0 : index
      %get3A_44 = vector.load %arg22[%get3A_42, %get3A_43] : memref<3x128xf32, #tpu.memory_space<vmem>>, vector<1x128xf32>
      %transpose3A = tpu.transpose %get3A_44, [1, 0] : vector<1x128xf32> -> vector<128x1xf32>
      %add3A = arith.constant 1.000000e-16 : f32
      %add3A_45 = vector.broadcast %add3A : f32 to vector<128x1xf32>
      %add3A_46 = arith.addf %transpose3A, %add3A_45 : vector<128x1xf32>
      %div3A = vector.broadcast %add3A_46 : vector<128x1xf32> to vector<128x128xf32>
      %div3A_47 = arith.divf %get3A_41, %div3A : vector<128x128xf32>
      %get3A_48 = arith.constant 0 : index
      %get3A_49 = arith.constant 0 : index
      %get3A_50 = vector.load %arg16[%get3A_48, %get3A_49] : memref<128x128xf32, #tpu.memory_space<vmem>>, vector<128x128xf32>
      %dot_general3A = arith.constant dense<0.000000e+00> : vector<128x128xf32>
      %dot_general3A_51 = tpu.matmul %div3A_47, %get3A_50, %dot_general3A {dimension_numbers = #tpu.dot_dimension_numbers<[1], [0], [0], [1], [0, 0, 1, 1], [], []>, precision = #tpu.contract_precision<fp32>, transpose_lhs_hint = false} : vector<128x128xf32>, vector<128x128xf32>, vector<128x128xf32> -> vector<128x128xf32>
      %get3A_52 = arith.constant 0 : index
      %get3A_53 = arith.constant 0 : index
      %get3A_54 = vector.load %arg17[%get3A_52, %get3A_53] : memref<1x128xf32, #tpu.memory_space<vmem>>, vector<1x128xf32>
      %add3A_55 = vector.broadcast %get3A_54 : vector<1x128xf32> to vector<128x128xf32>
      %add3A_56 = arith.addf %dot_general3A_51, %add3A_55 : vector<128x128xf32>
      %tanh3A = math.tanh %add3A_56 : vector<128x128xf32>
      %get3A_57 = arith.constant 0 : index
      %get3A_58 = arith.constant 0 : index
      %get3A_59 = vector.load %arg18[%get3A_57, %get3A_58] : memref<3x128xf32, #tpu.memory_space<vmem>>, vector<1x128xf32>
      %mul3A = vector.broadcast %get3A_59 : vector<1x128xf32> to vector<128x128xf32>
      %mul3A_60 = arith.mulf %tanh3A, %mul3A : vector<128x128xf32>
      %reduce_sum3A = arith.constant dense<0.000000e+00> : vector<128xf32>
      %reduce_sum3A_61 = vector.multi_reduction <add>, %mul3A_60, %reduce_sum3A [1] : vector<128x128xf32> to vector<128xf32>
      %broadcast_in_dim3A = vector.shape_cast %reduce_sum3A_61 : vector<128xf32> to vector<128x1xf32>
      %get3A_62 = arith.constant 0 : index
      %get3A_63 = arith.constant 0 : index
      %get3A_64 = vector.load %arg19[%get3A_62, %get3A_63] : memref<3x1xf32, #tpu.memory_space<vmem>>, vector<1x1xf32>
      %add3A_65 = vector.broadcast %get3A_64 : vector<1x1xf32> to vector<128x1xf32>
      %add3A_66 = arith.addf %broadcast_in_dim3A, %add3A_65 : vector<128x1xf32>
      %get3A_67 = arith.constant 0 : index
      %get3A_68 = arith.constant 0 : index
      %get3A_69 = vector.load %arg24[%get3A_67, %get3A_68] : memref<128x128xf32, #tpu.memory_space<vmem>>, vector<128x128xf32>
      %get3A_70 = arith.constant 1 : index
      %get3A_71 = arith.constant 0 : index
      %get3A_72 = vector.load %arg22[%get3A_70, %get3A_71] : memref<3x128xf32, #tpu.memory_space<vmem>>, vector<1x128xf32>
      %transpose3A_73 = tpu.transpose %get3A_72, [1, 0] : vector<1x128xf32> -> vector<128x1xf32>
      %add3A_74 = arith.constant 1.000000e-16 : f32
      %add3A_75 = vector.broadcast %add3A_74 : f32 to vector<128x1xf32>
      %add3A_76 = arith.addf %transpose3A_73, %add3A_75 : vector<128x1xf32>
      %div3A_77 = vector.broadcast %add3A_76 : vector<128x1xf32> to vector<128x128xf32>
      %div3A_78 = arith.divf %get3A_69, %div3A_77 : vector<128x128xf32>
      %get3A_79 = arith.constant 0 : index
      %get3A_80 = arith.constant 0 : index
      %get3A_81 = vector.load %arg16[%get3A_79, %get3A_80] : memref<128x128xf32, #tpu.memory_space<vmem>>, vector<128x128xf32>
      %dot_general3A_82 = arith.constant dense<0.000000e+00> : vector<128x128xf32>
      %dot_general3A_83 = tpu.matmul %div3A_78, %get3A_81, %dot_general3A_82 {dimension_numbers = #tpu.dot_dimension_numbers<[1], [0], [0], [1], [0, 0, 1, 1], [], []>, precision = #tpu.contract_precision<fp32>, transpose_lhs_hint = false} : vector<128x128xf32>, vector<128x128xf32>, vector<128x128xf32> -> vector<128x128xf32>
      %get3A_84 = arith.constant 0 : index
      %get3A_85 = arith.constant 0 : index
      %get3A_86 = vector.load %arg17[%get3A_84, %get3A_85] : memref<1x128xf32, #tpu.memory_space<vmem>>, vector<1x128xf32>
      %add3A_87 = vector.broadcast %get3A_86 : vector<1x128xf32> to vector<128x128xf32>
      %add3A_88 = arith.addf %dot_general3A_83, %add3A_87 : vector<128x128xf32>
      %tanh3A_89 = math.tanh %add3A_88 : vector<128x128xf32>
      %get3A_90 = arith.constant 1 : index
      %get3A_91 = arith.constant 0 : index
      %get3A_92 = vector.load %arg18[%get3A_90, %get3A_91] : memref<3x128xf32, #tpu.memory_space<vmem>>, vector<1x128xf32>
      %mul3A_93 = vector.broadcast %get3A_92 : vector<1x128xf32> to vector<128x128xf32>
      %mul3A_94 = arith.mulf %tanh3A_89, %mul3A_93 : vector<128x128xf32>
      %reduce_sum3A_95 = arith.constant dense<0.000000e+00> : vector<128xf32>
      %reduce_sum3A_96 = vector.multi_reduction <add>, %mul3A_94, %reduce_sum3A_95 [1] : vector<128x128xf32> to vector<128xf32>
      %broadcast_in_dim3A_97 = vector.shape_cast %reduce_sum3A_96 : vector<128xf32> to vector<128x1xf32>
      %get3A_98 = arith.constant 1 : index
      %get3A_99 = arith.constant 0 : index
      %get3A_100 = vector.load %arg19[%get3A_98, %get3A_99] : memref<3x1xf32, #tpu.memory_space<vmem>>, vector<1x1xf32>
      %add3A_101 = vector.broadcast %get3A_100 : vector<1x1xf32> to vector<128x1xf32>
      %add3A_102 = arith.addf %broadcast_in_dim3A_97, %add3A_101 : vector<128x1xf32>
      %get3A_103 = arith.constant 0 : index
      %get3A_104 = arith.constant 0 : index
      %get3A_105 = vector.load %arg25[%get3A_103, %get3A_104] : memref<128x128xf32, #tpu.memory_space<vmem>>, vector<128x128xf32>
      %get3A_106 = arith.constant 2 : index
      %get3A_107 = arith.constant 0 : index
      %get3A_108 = vector.load %arg22[%get3A_106, %get3A_107] : memref<3x128xf32, #tpu.memory_space<vmem>>, vector<1x128xf32>
      %transpose3A_109 = tpu.transpose %get3A_108, [1, 0] : vector<1x128xf32> -> vector<128x1xf32>
      %add3A_110 = arith.constant 1.000000e-16 : f32
      %add3A_111 = vector.broadcast %add3A_110 : f32 to vector<128x1xf32>
      %add3A_112 = arith.addf %transpose3A_109, %add3A_111 : vector<128x1xf32>
      %div3A_113 = vector.broadcast %add3A_112 : vector<128x1xf32> to vector<128x128xf32>
      %div3A_114 = arith.divf %get3A_105, %div3A_113 : vector<128x128xf32>
      %get3A_115 = arith.constant 0 : index
      %get3A_116 = arith.constant 0 : index
      %get3A_117 = vector.load %arg16[%get3A_115, %get3A_116] : memref<128x128xf32, #tpu.memory_space<vmem>>, vector<128x128xf32>
      %dot_general3A_118 = arith.constant dense<0.000000e+00> : vector<128x128xf32>
      %dot_general3A_119 = tpu.matmul %div3A_114, %get3A_117, %dot_general3A_118 {dimension_numbers = #tpu.dot_dimension_numbers<[1], [0], [0], [1], [0, 0, 1, 1], [], []>, precision = #tpu.contract_precision<fp32>, transpose_lhs_hint = false} : vector<128x128xf32>, vector<128x128xf32>, vector<128x128xf32> -> vector<128x128xf32>
      %get3A_120 = arith.constant 0 : index
      %get3A_121 = arith.constant 0 : index
      %get3A_122 = vector.load %arg17[%get3A_120, %get3A_121] : memref<1x128xf32, #tpu.memory_space<vmem>>, vector<1x128xf32>
      %add3A_123 = vector.broadcast %get3A_122 : vector<1x128xf32> to vector<128x128xf32>
      %add3A_124 = arith.addf %dot_general3A_119, %add3A_123 : vector<128x128xf32>
      %tanh3A_125 = math.tanh %add3A_124 : vector<128x128xf32>
      %get3A_126 = arith.constant 2 : index
      %get3A_127 = arith.constant 0 : index
      %get3A_128 = vector.load %arg18[%get3A_126, %get3A_127] : memref<3x128xf32, #tpu.memory_space<vmem>>, vector<1x128xf32>
      %mul3A_129 = vector.broadcast %get3A_128 : vector<1x128xf32> to vector<128x128xf32>
      %mul3A_130 = arith.mulf %tanh3A_125, %mul3A_129 : vector<128x128xf32>
      %reduce_sum3A_131 = arith.constant dense<0.000000e+00> : vector<128xf32>
      %reduce_sum3A_132 = vector.multi_reduction <add>, %mul3A_130, %reduce_sum3A_131 [1] : vector<128x128xf32> to vector<128xf32>
      %broadcast_in_dim3A_133 = vector.shape_cast %reduce_sum3A_132 : vector<128xf32> to vector<128x1xf32>
      %get3A_134 = arith.constant 2 : index
      %get3A_135 = arith.constant 0 : index
      %get3A_136 = vector.load %arg19[%get3A_134, %get3A_135] : memref<3x1xf32, #tpu.memory_space<vmem>>, vector<1x1xf32>
      %add3A_137 = vector.broadcast %get3A_136 : vector<1x1xf32> to vector<128x1xf32>
      %add3A_138 = arith.addf %broadcast_in_dim3A_133, %add3A_137 : vector<128x1xf32>
      %max3A = arith.maximumf %add3A_66, %add3A_102 : vector<128x1xf32>
      %max3A_139 = arith.maximumf %max3A, %add3A_138 : vector<128x1xf32>
      %sub3A = arith.subf %add3A_66, %max3A_139 : vector<128x1xf32>
      %exp3A = math.exp %sub3A : vector<128x1xf32>
      %sub3A_140 = arith.subf %add3A_102, %max3A_139 : vector<128x1xf32>
      %exp3A_141 = math.exp %sub3A_140 : vector<128x1xf32>
      %sub3A_142 = arith.subf %add3A_138, %max3A_139 : vector<128x1xf32>
      %exp3A_143 = math.exp %sub3A_142 : vector<128x1xf32>
      %add3A_144 = arith.addf %exp3A, %exp3A_141 : vector<128x1xf32>
      %add3A_145 = arith.addf %add3A_144, %exp3A_143 : vector<128x1xf32>
      %div3A_146 = arith.divf %exp3A, %add3A_145 : vector<128x1xf32>
      %swap3A = arith.constant 0 : index
      %swap3A_147 = arith.constant 0 : index
      %swap3A_148 = vector.load %arg26[%swap3A, %swap3A_147] : memref<128x1xf32, #tpu.memory_space<vmem>>, vector<128x1xf32>
      tpu.vector_store %arg26[%swap3A, %swap3A_147], %div3A_146 {strides = array<i32>} : memref<128x1xf32, #tpu.memory_space<vmem>>, vector<128x1xf32>,
      %div3A_149 = arith.divf %exp3A_141, %add3A_145 : vector<128x1xf32>
      %swap3A_150 = arith.constant 0 : index
      %swap3A_151 = arith.constant 0 : index
      %swap3A_152 = vector.load %arg27[%swap3A_150, %swap3A_151] : memref<128x1xf32, #tpu.memory_space<vmem>>, vector<128x1xf32>
      tpu.vector_store %arg27[%swap3A_150, %swap3A_151], %div3A_149 {strides = array<i32>} : memref<128x1xf32, #tpu.memory_space<vmem>>, vector<128x1xf32>,
      %div3A_153 = arith.divf %exp3A_143, %add3A_145 : vector<128x1xf32>
      %swap3A_154 = arith.constant 0 : index
      %swap3A_155 = arith.constant 0 : index
      %swap3A_156 = vector.load %arg28[%swap3A_154, %swap3A_155] : memref<128x1xf32, #tpu.memory_space<vmem>>, vector<128x1xf32>
      tpu.vector_store %arg28[%swap3A_154, %swap3A_155], %div3A_153 {strides = array<i32>} : memref<128x1xf32, #tpu.memory_space<vmem>>, vector<128x1xf32>,
    } else {
    }
    %eq3A_34 = arith.constant 2 : i32
    %eq3A_35 = arith.cmpi eq, %arg0, %eq3A_34 : i32
    %convert_element_type3A_36 = arith.extui %eq3A_35 : i1 to i32
    %cond3A_37 = arith.constant 0 : i32
    %cond3A_38 = arith.cmpi ne, %convert_element_type3A_36, %cond3A_37 : i32
    scf.if %cond3A_38 {
      %convert_element_type3A_39 = arith.extui %eq3A_2 : vector<1024x128xi1> to vector<1024x128xi32>
      %convert_element_type3A_40 = arith.sitofp %convert_element_type3A_39 : vector<1024x128xi32> to vector<1024x128xf32>
      %broadcast_in_dim3A = arith.constant 0.000000e+00 : f32
      %broadcast_in_dim3A_41 = vector.broadcast %broadcast_in_dim3A : f32 to vector<1024x128xf32>
      %get3A_42 = arith.constant 0 : index
      %get3A_43 = arith.constant 0 : index
      %get3A_44 = vector.load %arg26[%get3A_42, %get3A_43] : memref<128x1xf32, #tpu.memory_space<vmem>>, vector<128x1xf32>
      %dot_general3A = arith.constant dense<0.000000e+00> : vector<1024x1xf32>
      %dot_general3A_45 = tpu.matmul %convert_element_type3A_40, %get3A_44, %dot_general3A {dimension_numbers = #tpu.dot_dimension_numbers<[1], [0], [0], [1], [0, 0, 1, 1], [], []>, precision = #tpu.contract_precision<fp32>, transpose_lhs_hint = false} : vector<1024x128xf32>, vector<128x1xf32>, vector<1024x1xf32> -> vector<1024x1xf32>
      %get3A_46 = arith.constant 0 : index
      %get3A_47 = arith.constant 0 : index
      %get3A_48 = vector.load %arg13[%get3A_46, %get3A_47] : memref<1024x128xf32, #tpu.memory_space<vmem>>, vector<1024x128xf32>
      %mul3A = vector.broadcast %dot_general3A_45 : vector<1024x1xf32> to vector<1024x128xf32>
      %mul3A_49 = arith.mulf %get3A_48, %mul3A : vector<1024x128xf32>
      %add3A = arith.addf %broadcast_in_dim3A_41, %mul3A_49 : vector<1024x128xf32>
      %get3A_50 = arith.constant 0 : index
      %get3A_51 = arith.constant 0 : index
      %get3A_52 = vector.load %arg27[%get3A_50, %get3A_51] : memref<128x1xf32, #tpu.memory_space<vmem>>, vector<128x1xf32>
      %dot_general3A_53 = arith.constant dense<0.000000e+00> : vector<1024x1xf32>
      %dot_general3A_54 = tpu.matmul %convert_element_type3A_40, %get3A_52, %dot_general3A_53 {dimension_numbers = #tpu.dot_dimension_numbers<[1], [0], [0], [1], [0, 0, 1, 1], [], []>, precision = #tpu.contract_precision<fp32>, transpose_lhs_hint = false} : vector<1024x128xf32>, vector<128x1xf32>, vector<1024x1xf32> -> vector<1024x1xf32>
      %get3A_55 = arith.constant 0 : index
      %get3A_56 = arith.constant 0 : index
      %get3A_57 = vector.load %arg14[%get3A_55, %get3A_56] : memref<1024x128xf32, #tpu.memory_space<vmem>>, vector<1024x128xf32>
      %mul3A_58 = vector.broadcast %dot_general3A_54 : vector<1024x1xf32> to vector<1024x128xf32>
      %mul3A_59 = arith.mulf %get3A_57, %mul3A_58 : vector<1024x128xf32>
      %add3A_60 = arith.addf %add3A, %mul3A_59 : vector<1024x128xf32>
      %get3A_61 = arith.constant 0 : index
      %get3A_62 = arith.constant 0 : index
      %get3A_63 = vector.load %arg28[%get3A_61, %get3A_62] : memref<128x1xf32, #tpu.memory_space<vmem>>, vector<128x1xf32>
      %dot_general3A_64 = arith.constant dense<0.000000e+00> : vector<1024x1xf32>
      %dot_general3A_65 = tpu.matmul %convert_element_type3A_40, %get3A_63, %dot_general3A_64 {dimension_numbers = #tpu.dot_dimension_numbers<[1], [0], [0], [1], [0, 0, 1, 1], [], []>, precision = #tpu.contract_precision<fp32>, transpose_lhs_hint = false} : vector<1024x128xf32>, vector<128x1xf32>, vector<1024x1xf32> -> vector<1024x1xf32>
      %get3A_66 = arith.constant 0 : index
      %get3A_67 = arith.constant 0 : index
      %get3A_68 = vector.load %arg15[%get3A_66, %get3A_67] : memref<1024x128xf32, #tpu.memory_space<vmem>>, vector<1024x128xf32>
      %mul3A_69 = vector.broadcast %dot_general3A_65 : vector<1024x1xf32> to vector<1024x128xf32>
      %mul3A_70 = arith.mulf %get3A_68, %mul3A_69 : vector<1024x128xf32>
      %add3A_71 = arith.addf %add3A_60, %mul3A_70 : vector<1024x128xf32>
      %swap3A = arith.constant 0 : index
      %swap3A_72 = arith.constant 0 : index
      %swap3A_73 = vector.load %arg20[%swap3A, %swap3A_72] : memref<1024x128xf32, #tpu.memory_space<vmem>>, vector<1024x128xf32>
      tpu.vector_store %arg20[%swap3A, %swap3A_72], %add3A_71 {strides = array<i32>} : memref<1024x128xf32, #tpu.memory_space<vmem>>, vector<1024x128xf32>,
    } else {
    }
    return
  }
  func.func @transform_0(%arg0: i32, %arg1: i32) -> (i32, i32) {
    %c0_i32 = arith.constant 0 : i32
    %c0_i32_0 = arith.constant 0 : i32
    return %arg1, %c0_i32 : i32, i32
  }
  func.func @transform_1(%arg0: i32, %arg1: i32) -> (i32, i32) {
    %c0_i32 = arith.constant 0 : i32
    %c0_i32_0 = arith.constant 0 : i32
    return %arg1, %c0_i32 : i32, i32
  }
  func.func @transform_2(%arg0: i32, %arg1: i32) -> (i32, i32) {
    %c0_i32 = arith.constant 0 : i32
    %c0_i32_0 = arith.constant 0 : i32
    return %arg1, %c0_i32 : i32, i32
  }
  func.func @transform_3(%arg0: i32, %arg1: i32) -> (i32, i32) {
    %c0_i32 = arith.constant 0 : i32
    %c0_i32_0 = arith.constant 0 : i32
    return %arg1, %c0_i32 : i32, i32
  }
  func.func @transform_4(%arg0: i32, %arg1: i32) -> (i32, i32) {
    %c0_i32 = arith.constant 0 : i32
    %c0_i32_0 = arith.constant 0 : i32
    return %arg1, %c0_i32 : i32, i32
  }
  func.func @transform_5(%arg0: i32, %arg1: i32) -> (i32, i32) {
    %c0_i32 = arith.constant 0 : i32
    %c0_i32_0 = arith.constant 0 : i32
    return %arg1, %c0_i32 : i32, i32
  }
  func.func @transform_6(%arg0: i32, %arg1: i32) -> (i32, i32) {
    %c0_i32 = arith.constant 0 : i32
    %c0_i32_0 = arith.constant 0 : i32
    return %arg1, %c0_i32 : i32, i32
  }
  func.func @transform_7(%arg0: i32, %arg1: i32) -> (i32, i32) {
    %c0_i32 = arith.constant 0 : i32
    %c0_i32_0 = arith.constant 0 : i32
    return %arg1, %c0_i32 : i32, i32
  }
  func.func @transform_8(%arg0: i32, %arg1: i32) -> (i32, i32) {
    %c0_i32 = arith.constant 0 : i32
    %c0_i32_0 = arith.constant 0 : i32
    return %arg1, %c0_i32 : i32, i32
  }
  func.func @transform_9(%arg0: i32, %arg1: i32) -> (i32, i32) {
    %c0_i32 = arith.constant 0 : i32
    %c0_i32_0 = arith.constant 0 : i32
    return %arg1, %c0_i32 : i32, i32
  }
  func.func @transform_10(%arg0: i32, %arg1: i32) -> (i32, i32) {
    %c0_i32 = arith.constant 0 : i32
    %c0_i32_0 = arith.constant 0 : i32
    %c0_i32_1 = arith.constant 0 : i32
    return %c0_i32, %c0_i32_0 : i32, i32
  }
  func.func @transform_11(%arg0: i32, %arg1: i32) -> (i32, i32) {
    %eq3A = arith.constant 0 : i32
    %eq3A_0 = arith.cmpi eq, %arg0, %eq3A : i32
    %jit3A = arith.constant 0 : i32
    %select_n3A = arith.select %eq3A_0, %jit3A, %arg1 : i32
    %c0_i32 = arith.constant 0 : i32
    %c0_i32_1 = arith.constant 0 : i32
    return %select_n3A, %c0_i32 : i32, i32
  }
  func.func @transform_12(%arg0: i32, %arg1: i32) -> (i32, i32) {
    %eq3A = arith.constant 0 : i32
    %eq3A_0 = arith.cmpi eq, %arg0, %eq3A : i32
    %jit3A = arith.constant 0 : i32
    %select_n3A = arith.select %eq3A_0, %jit3A, %arg1 : i32
    %c0_i32 = arith.constant 0 : i32
    %c0_i32_1 = arith.constant 0 : i32
    return %select_n3A, %c0_i32 : i32, i32
  }
  func.func @transform_13(%arg0: i32, %arg1: i32) -> (i32, i32) {
    %eq3A = arith.constant 0 : i32
    %eq3A_0 = arith.cmpi eq, %arg0, %eq3A : i32
    %jit3A = arith.constant 0 : i32
    %select_n3A = arith.select %eq3A_0, %jit3A, %arg1 : i32
    %c0_i32 = arith.constant 0 : i32
    %c0_i32_1 = arith.constant 0 : i32
    return %select_n3A, %c0_i32 : i32, i32
  }
  func.func @transform_14(%arg0: i32, %arg1: i32) -> (i32, i32) {
    %c0_i32 = arith.constant 0 : i32
    %c0_i32_0 = arith.constant 0 : i32
    %c0_i32_1 = arith.constant 0 : i32
    return %c0_i32, %c0_i32_0 : i32, i32
  }
  func.func @transform_15(%arg0: i32, %arg1: i32) -> (i32, i32) {
    %c0_i32 = arith.constant 0 : i32
    %c0_i32_0 = arith.constant 0 : i32
    %c0_i32_1 = arith.constant 0 : i32
    return %c0_i32, %c0_i32_0 : i32, i32
  }
  func.func @transform_16(%arg0: i32, %arg1: i32) -> (i32, i32) {
    %c0_i32 = arith.constant 0 : i32
    %c0_i32_0 = arith.constant 0 : i32
    %c0_i32_1 = arith.constant 0 : i32
    return %c0_i32, %c0_i32_0 : i32, i32
  }
  func.func @transform_17(%arg0: i32, %arg1: i32) -> (i32, i32) {
    %c0_i32 = arith.constant 0 : i32
    %c0_i32_0 = arith.constant 0 : i32
    %c0_i32_1 = arith.constant 0 : i32
    return %c0_i32, %c0_i32_0 : i32, i32
  }
  func.func @transform_18(%arg0: i32, %arg1: i32) -> (i32, i32) {
    %c0_i32 = arith.constant 0 : i32
    %c0_i32_0 = arith.constant 0 : i32
    return %arg1, %c0_i32 : i32, i32
  }
}

</mosaic_0001>

<sc_bundles>
// kernel: kernel.12.cloned.1.call-start
scs
__scs_entry_jumppad:
0x0: {  	(pc) =	sbr.rel $0x88, $3  }
0x1: {  	(tag) =	ssettag $0x0;
	lr =	simm.s32 $0x1  }
0x2: {  	[smem:$0x3F95] =	sst lr;
	_ =	strace $0xD0000000  }
0x3: {  	_ = 	snop  }
0x4: {  	_ = 	snop  }
0x5: {  	_ = 	snop  }
0x6: {  	_ = 	snop  }
0x7: {  	_ = 	snop  }
__scs_overlays_trampoline_lowered:
0x8: {  	[smem:$0x3FA4] =	sst s0  }
0x9: {  	[smem:$0x3FA5] =	sst s1  }
0xa: {  	[smem:$0x3FA6] =	sst s2  }
0xb: {  	[smem:$0x3FA7] =	sst s3  }
0xc: {  	[smem:$0x3FA8] =	sst s4  }
0xd: {  	[smem:$0x3FA9] =	sst s5  }
0xe: {  	[smem:$0x3FAA] =	sst s6  }
0xf: {  	[smem:$0x3FAB] =	sst s7  }
0x10: {  	[smem:$0x3FAC] =	sst s8  }
0x11: {  	[smem:$0x3FAD] =	sst s9;
	s0 =	simm.s32 @!p0 $0x0  }
0x12: {  	s1 =	sld [smem:$0x3F93];
	s0 =	simm.s32 @p0 $0x1  }
0x13: {  	[smem:$0x3FAE] =	sst s0;
	s0 =	simm.s32 @!p1 $0x0  }
0x14: {  	s2 =	sld [smem:$0x3F92];
	s0 =	simm.s32 @p1 $0x1  }
0x15: {  	[smem:$0x3FAF] =	sst s0;
	s0 =	simm.s32 @!p2 $0x0  }
0x16: {  	s3 =	sld [smem:$0x3FDB];
	s0 =	simm.s32 @p2 $0x1  }
0x17: {  	s4 =	simm.s32 $0x1BF5;
	[smem:$0x3FB1] =	sst s0  }
0x18: {  	s0 =	sld [smem:$0x3F94];
	_ =	swait.ge [sflag:s4], $0x0  }
0x19: {  	s7 =	sld [smem:$0x3F95]  }
0x1a: {  	s8 =	sadd.s32 $0xFFFFE003, lr  }
0x1b: {  	s9 =	sadd.s32 $0xFFFFFEF7, lr;
	s5 =	simm.s32 $0xFFFFFFFF;
	p2 =	slt.u32 s8, $0xFFFFF086  }
0x1c: {  	p1 =	slt.u32 s9, $0xF7A;
	s5 =	simm.s32 @!p2 $0x0  }
0x1d: {  	s5 =	simm.s32 @p1 $0x1;
	p0 =	seq.s32 s7, s2  }
0x1e: {  	s7 =	smul.u32 @!p0 $0xF7A, s2;
	p2 =	seq.s32 @!p0 s5, $0x0  }
0x1f: {  	s9 =	smul.u32 $0xF7A, s1;
	s8 =	simm.s32 @!p0 $0x1BF5;
	p2 =	por !p2, p0  }
0x20: {  	[sflag:s8] =	ssyncset.s32 @!p0 $0xFFFFF086;
	s6 =	sadd.s32 @!p0 s3, s7;
	s7 =	simm.s32 @!p0 $0x108  }
0x21: {  	s3 =	sadd.s32 s3, s9;
	s6 =	sadd.s32 @!p0 $0x88, s6;
	s7 =	simm.s32 @p2 $0x1082  }
0x22: {  	[simem:s7], [sflag:s8] =	dma.local @!p0 [hbm:s6], $0xF7A  }
0x23: {  	s9 =	sor.u32 $0xD0000000, s2;
	s6 =	simm.s32 $0x108;
	_ =	swait.ge @!p0 [sflag:s8], $0x0  }
0x24: {  	s3 =	sadd.s32 $0x88, s3;
	s6 =	simm.s32 @!p1 $0x1082;
	[sflag:s4] =	ssyncset.s32 $0xFFFFF086  }
0x25: {  	[simem:s6], [sflag:s4] =	dma.local [hbm:s3], $0xF7A  }
0x26: {  	[smem:$0x3F95] =	sst s1;
	(tag) =	ssettag s2;
	_ =	strace s9  }
0x27: {  	s1 =	sld [smem:$0x3FA5]  }
0x28: {  	s2 =	sld [smem:$0x3FA6]  }
0x29: {  	s4 =	sld [smem:$0x3FA8]  }
0x2a: {  	p0 =	seq.s32 s5, $0x0;
	s5 =	sld [smem:$0x3FA9]  }
0x2b: {  	s6 =	sld [smem:$0x3FAA]  }
0x2c: {  	s7 =	sld [smem:$0x3FAB]  }
0x2d: {  	s3 =	simm.s32 $0x108;
	s8 =	sld [smem:$0x3FAC]  }
0x2e: {  	s3 =	simm.s32 @!p0 $0x1082;
	s9 =	sld [smem:$0x3FAD]  }
0x2f: {  	lr =	sadd.s32 s0, s3;
	s0 =	sld [smem:$0x3FA4]  }
0x30: {  	s3 =	sld [smem:$0x3FA7]  }
0x31: {  	[smem:$0x3FB0] =	sst s10  }
0x32: {  	s10 =	sld [smem:$0x3FAE];
	_ =	sdelay $0x3  }
0x33: {  	p0 =	seq.s32 s10, $0x1;
	s10 =	sld [smem:$0x3FB0];
	_ =	sdelay $0x3  }
0x34: {  	[smem:$0x3FB0] =	sst s10  }
0x35: {  	s10 =	sld [smem:$0x3FAF];
	_ =	sdelay $0x3  }
0x36: {  	p1 =	seq.s32 s10, $0x1;
	s10 =	sld [smem:$0x3FB0];
	_ =	sdelay $0x3  }
0x37: {  	[smem:$0x3FB0] =	sst s10  }
0x38: {  	s10 =	sld [smem:$0x3FB1]  }
0x39: {  	_ = 	snop;
	(pc) =	sbr.ind lr, $3  }
0x3a: {  	_ = 	snop  }
0x3b: {  	_ = 	snop  }
0x3c: {  	p2 =	seq.s32 s10, $0x1;
	s10 =	sld [smem:$0x3FB0]  }
0x3d: {  	_ =	shalt  }
0x3e: {  	_ =	shalt  }
0x3f: {  	_ =	shalt  }
0x40: {  	_ =	shalt  }
0x41: {  	_ =	shalt  }
0x42: {  	_ =	shalt  }
0x43: {  	_ =	shalt  }
0x44: {  	_ =	shalt  }
0x45: {  	_ =	shalt  }
0x46: {  	_ =	shalt  }
0x47: {  	_ =	shalt  }
0x48: {  	_ =	shalt  }
0x49: {  	_ =	shalt  }
0x4a: {  	_ =	shalt  }
0x4b: {  	_ =	shalt  }
0x4c: {  	_ =	shalt  }
0x4d: {  	_ =	shalt  }
0x4e: {  	_ =	shalt  }
0x4f: {  	_ =	shalt  }
0x50: {  	_ =	shalt  }
0x51: {  	_ =	shalt  }
0x52: {  	_ =	shalt  }
0x53: {  	_ =	shalt  }
0x54: {  	_ =	shalt  }
0x55: {  	_ =	shalt  }
0x56: {  	_ =	shalt  }
0x57: {  	_ =	shalt  }
0x58: {  	_ =	shalt  }
0x59: {  	_ =	shalt  }
0x5a: {  	_ =	shalt  }
0x5b: {  	_ =	shalt  }
0x5c: {  	_ =	shalt  }
0x5d: {  	_ =	shalt  }
0x5e: {  	_ =	shalt  }
0x5f: {  	_ =	shalt  }
0x60: {  	_ =	shalt  }
0x61: {  	_ =	shalt  }
0x62: {  	_ =	shalt  }
0x63: {  	_ =	shalt  }
0x64: {  	_ =	shalt  }
0x65: {  	_ =	shalt  }
0x66: {  	_ =	shalt  }
0x67: {  	_ =	shalt  }
0x68: {  	_ =	shalt  }
0x69: {  	_ =	shalt  }
0x6a: {  	_ =	shalt  }
0x6b: {  	_ =	shalt  }
0x6c: {  	_ =	shalt  }
0x6d: {  	_ =	shalt  }
0x6e: {  	_ =	shalt  }
0x6f: {  	_ =	shalt  }
0x70: {  	_ =	shalt  }
0x71: {  	_ =	shalt  }
0x72: {  	_ =	shalt  }
0x73: {  	_ =	shalt  }
0x74: {  	_ =	shalt  }
0x75: {  	_ =	shalt  }
0x76: {  	_ =	shalt  }
0x77: {  	_ =	shalt  }
0x78: {  	_ =	shalt  }
0x79: {  	_ =	shalt  }
0x7a: {  	_ =	shalt  }
0x7b: {  	_ =	shalt  }
0x7c: {  	_ =	shalt  }
0x7d: {  	_ =	shalt  }
0x7e: {  	_ =	shalt  }
0x7f: {  	_ =	shalt  }
0x80: {  	_ =	shalt  }
0x81: {  	_ =	shalt  }
0x82: {  	_ =	shalt  }
0x83: {  	_ =	shalt  }
0x84: {  	_ =	shalt  }
0x85: {  	_ =	shalt  }
0x86: {  	_ =	shalt  }
0x87: {  	_ =	shalt  }
.Lfunc_end0:
.L_simem_size_0:
called_computation_lowered:
.L_overlay_start_0:
0x88: {  	s2 =	sld [smem:$0x3FD9]  }
0x89: {  	s3 =	sld [smem:$0x3FFE];
	_ =	sdelay $0x1  }
0x8a: {  	s1 =	srdreg.scid  }
0x8b: {  	s0 =	sand.u32 $0x1, s1  }
0x8c: {  	s17 =	sshll.u32 s0, $0xA;
	s2 =	sadd.s32 s3, s2  }
0x8d: {  	s2 =	sadd.s32 s2, s17  }
0x8e: {  	[smem:$0x3FBC] =	sst s2  }
0x8f: {  	_ = 	snop  }
0x90: {  	s2 =	sld [smem:$0x3FD0];
	(tm) =	ssettm $0x1  }
0x91: {  	s18 =	sld [smem:$0x3FFB];
	_ =	sdelay $0x3  }
0x92: {  	_ =	strace s18  }
0x93: {  	s3 =	sld [smem:$0x3FFC];
	_ =	sdelay $0x3  }
0x94: {  	_ =	strace s3  }
0x95: {  	s3 =	sld [smem:$0x3FFD];
	_ =	sdelay $0x3  }
0x96: {  	_ =	strace s3  }
0x97: {  	_ =	strace $0x8FFFFFFF  }
0x98: {  	s19 =	sld [smem:$0x3FDB];
	_ =	sdelay $0x1  }
0x99: {  	s4 =	simm.s32 $_scs_section_size  }
0x9a: {  	s5 =	simm.s32 $_size__tile_overlayer_lowered;
	s6 =	simm.s32 $_tile_overlayer_lowered  }
0x9b: {  	s22 =	simm.s32 $0x1BFF;
	s21 =	sshll.u32 s6, $0x1;
	s3 =	sadd.s32 s4, s19  }
0x9c: {  	s7 =	simm.s32 $0x0;
	s20 =	sshll.u32 s5, $0x1;
	s5 =	sadd.s32 s21, s3  }
0x9d: {  	[timem:s7], [sflag:s22] =	dma.local [hbm:s5], s20  }
0x9e: {  	_ =	swait.ge [sflag:s22], s20  }
0x9f: {  	s4 =	ssub.s32 $0x0, s20;
	[sflag:s22] =	ssyncset.done $0x0  }
0xa0: {  	[sflag:s22] =	ssyncadd.s32 s4;
	_ =	sdelay $0x1  }
0xa1: {  	s23 =	simm.s32 $0x1B8B  }
0xa2: {  	_ =	swait.ge [sflag:s23], $0x1  }
0xa3: {  	[sflag:s23] =	ssyncset.done $0x0  }
0xa4: {  	s25 =	simm.s32 $0x1B8E;
	s24 =	sld [smem:$0x3FFE];
	[sflag:s23] =	ssyncadd.s32 $0xFFFFFFFF  }
0xa5: {  	s26 =	simm.s32 $execute0_lowered;
	[smem:$0x3FD2] =	sst s25  }
0xa6: {  	s5 =	sshll.u32 s26, $0x1;
	_ =	strace $0x80000046;
	[dreg:$0x1] =	wrdreg $0xFFFFFFFF  }
0xa7: {  	s28 =	simm.s32 $_size_execute0_lowered;
	s3 =	sadd.s32 s3, s5;
	[dreg:$0x0] =	wrdreg $0x0  }
0xa8: {  	s5 =	sshll.u32 s28, $0x1;
	[dreg:$0x2] =	wrdreg s3  }
0xa9: {  	[dreg:$0x3] =	wrdreg s5  }
0xaa: {  	[dreg:$0x4] =	wrdreg $0xC0  }
0xab: {  	_ =	task [dreg:s7], $0x5FFFF  }
0xac: {  	[dreg:$0x1] =	wrdreg $0xFFFFFFFF  }
0xad: {  	[dreg:$0x0] =	wrdreg $0x60  }
0xae: {  	[dreg:$0x2] =	wrdreg s24  }
0xaf: {  	[dreg:$0x3] =	wrdreg s2  }
0xb0: {  	[dreg:$0x4] =	wrdreg $0x52000  }
0xb1: {  	[dreg:$0x5] =	wrdreg $0x9  }
0xb2: {  	_ =	task.clear_ibuf [dreg:s7], $0x6FFFF;
	_ =	strace $0x90000046  }
0xb3: {  	s29 =	simm.s32 $0x9;
	_ =	strace $0x80000048  }
0xb4: {  	_ =	swait.ge [sflag:s29], $0x1  }
0xb5: {  	[sflag:s29] =	ssyncadd.s32 $0xFFFFFFFF  }
0xb6: {  	_ =	strace $0x90000048  }
0xb7: {  	_ =	sfence  }
0xb8: {  	s30 =	sld [smem:$0x0];
	_ =	sdelay $0x2  }
0xb9: {  	s31 =	sshll.u32 s1, $0xD;
	s1 =	sshrl.u32 s1, $0x2  }
0xba: {  	s3 =	sand.u32 $0x4000, s31;
	s1 =	sadd.s32 s1, s30  }
0xbb: {  	s0 =	sor.u32 s3, s0;
	s1 =	sshll.u32 s1, $0x11  }
0xbc: {  	s0 =	sor.u32 s1, s0  }
0xbd: {  	s0 =	sadd.s32 $0x8F2B, s0  }
0xbe: {  	[sflag:s0] =	ssyncadd.remote.s32 $0x1  }
0xbf: {  	_ =	sfence.sel $0xFFFF  }
0xc0: {  	[dreg:$0x0] =	wrdreg $0xFFFFFFFF;
	(pc) =	sbr.abs _section_cstart, $3  }
0xc1: {  	[dreg:$0x1] =	wrdreg $0xFFFFFFFF  }
0xc2: {  	_ =	task.clear_ibuf [dreg:s7], $0x2FFFF;
	_ =	strace $0x9FFFFFFF  }
0xc3: {  	(tm) =	ssettm $0x7FFFFFFF  }
tec
execute0_lowered:
.L_overlay_start_1:
0x0: {  	(tag) =	ssettag $0x1  }
0x1: {  	s6 =	rddreg [dreg:$0x0]  }
0x2: {  	s7 =	rddreg [dreg:$0x1]  }
0x3: {  	s1 =	rddreg [dreg:$0x2]  }
0x4: {  	s0 =	rddreg [dreg:$0x3];
	s3 =	simm.s32 $0x0;
	s5 =	srdreg.scid  }
0x5: {  	s2 =	stileid.u32;
	s12 =	simm.s32 $0x5100;
	s13 =	simm.s32 $0x5180  }
0x6: {  	s16 =	simm.s32 $0x40;
	s17 =	simm.s32 $0x1;
	s18 =	simm.s32 $0x2  }
0x7: {  	s19 =	simm.s32 $0x3;
	s20 =	simm.s32 $0x4;
	s21 =	simm.s32 $0x20  }
0x8: {  	s22 =	simm.s32 $0x10;
	s23 =	simm.s32 $0x0;
	[smem:$0x7FF] =	sst s3  }
0x9: {  	s4 =	sadd.s32 $0x4A00, s6;
	s8 =	sand.u32 $0x1, s5;
	s9 =	smul.u32 $0x500, s2  }
0xa: {  	s5 =	sadd.s32 $0x4800, s6;
	s30 =	smul.u32 $0xA00, s2;
	s14 =	sshll.u32 s2, $0x6  }
0xb: {  	_ =	strace $0x80000047;
	s10 =	sshll.u32 s8, $0x7;
	s11 =	sshll.u32 s8, $0x4  }
0xc: {  	s8 =	ssub.s32 $0x2, s8;
	s14 =	sor.u32 $0x1C05, s14;
	s9 =	sor.u32 s10, s9  }
0xd: {  	s11 =	sor.u32 s2, s11;
	s31 =	sshrl.u32 s8, $0x1;
	s10 =	sshrl.u32 s30, $0x2  }
0xe: {  	s9 =	sshrl.u32 s9, $0x3;
	s11 =	smul.u32 $0xA00, s11;
	s8 =	ssub.s32 s8, s31  }
0xf: {  	s15 =	sadd.s32 s10, s1;
	s10 =	simm.s32 $0x5;
	s9 =	sadd.s32 s9, s6  }
0x10: {  	s8 =	smax.u32 s8, $0x1;
	s15 =	sshrl.u32 s15, $0x3;
	s6 =	sadd.s32 s7, s11  }
0x11: {  	s7 =	sadd.s32 $0x4C00, s9;
	s9 =	simm.s32 $0x5000;
	s11 =	simm.s32 $0x5080  }
.LBB2_1:
0x12: {  	[tilespmem:s9], [sflag:$0x5] =	stream.linear.gather [hbm4b:s4+s3], $0x80, $0x38;
	[tilespmem:$0x5480] =	vst v63  }
0x13: {  	_ =	swait.ge [sflag:s10], $0x80  }
0x14: {  	[sflag:s10] =	ssyncset.done $0x0  }
0x15: {  	[sflag:s10] =	ssyncadd.s32 $0xFFFFFF80  }
0x16: {  	[tilespmem:s11], [sflag:$0x5] =	stream.linear.gather [hbm4b:s4+s3], $0x80, $0x38;
	[tilespmem:$0x5480] =	vst v63  }
0x17: {  	_ =	swait.ge [sflag:s10], $0x80  }
0x18: {  	[sflag:s10] =	ssyncset.done $0x0  }
0x19: {  	[sflag:s10] =	ssyncadd.s32 $0xFFFFFF80  }
0x1a: {  	[tilespmem:s12], [sflag:$0x5] =	stream.linear.gather [hbm4b:s4+s3], $0x80, $0x38;
	[tilespmem:$0x5480] =	vst v63  }
0x1b: {  	_ =	swait.ge [sflag:s10], $0x80  }
0x1c: {  	[sflag:s10] =	ssyncset.done $0x0  }
0x1d: {  	[sflag:s10] =	ssyncadd.s32 $0xFFFFFF80  }
0x1e: {  	[tilespmem:s13], [sflag:$0x5] =	stream.linear.gather [hbm4b:s4+s3], $0x80, $0x38;
	[tilespmem:$0x5480] =	vst v63  }
0x1f: {  	_ =	swait.ge [sflag:s10], $0x80  }
0x20: {  	[sflag:s10] =	ssyncset.done $0x0  }
0x21: {  	[sflag:s10] =	ssyncadd.s32 $0xFFFFFF80  }
0x22: {  	[spmem:s15], [sflag:s14] =	dma.local [hbm:s5], $0x50  }
0x23: {  	_ =	swait.ge [sflag:s10], $0x50  }
0x24: {  	[sflag:s10] =	ssyncset.done $0x0  }
0x25: {  	[sflag:s10] =	ssyncadd.s32 $0xFFFFFFB0  }
0x26: {  	[bflag:$0x0] =	sbarrier.arrive $0xFFFF  }
0x27: {  	[tilespmem:s3], [sflag:$0x5] =	stream.linear.gather [hbm4b:s6+s3], $0x5000, $0x38;
	[tilespmem:$0x5480] =	vst v63  }
0x28: {  	_ =	swait.ge [sflag:s10], $0x5000  }
0x29: {  	[sflag:s10] =	ssyncset.done $0x0  }
0x2a: {  	s24 =	simm.s32 $0x0;
	[sflag:s10] =	ssyncadd.s32 $0xFFFFB000  }
0x2b: {  	[spmem:s1] =	stream.indirect.scatter.add.f32 [tilespmem:s9], [sflag:$0x1], $0x1, s24, s16, $0xb8;
	[tilespmem:$0x5480] =	vst v63  }
0x2c: {  	s29 =	simm.s32 $0x80  }
0x2d: {  	[spmem:s1] =	stream.indirect.scatter.add.f32 [tilespmem:s11], [sflag:$0x2], $0x1, s29, s16, $0xb8;
	[tilespmem:$0x5480] =	vst v63  }
0x2e: {  	s30 =	simm.s32 $0x100  }
0x2f: {  	[spmem:s1] =	stream.indirect.scatter.add.f32 [tilespmem:s12], [sflag:$0x3], $0x1, s30, s16, $0xb8;
	[tilespmem:$0x5480] =	vst v63  }
0x30: {  	s31 =	simm.s32 $0x180  }
0x31: {  	[spmem:s1] =	stream.indirect.scatter.add.f32 [tilespmem:s13], [sflag:$0x4], $0x1, s31, s16, $0xb8;
	[tilespmem:$0x5480] =	vst v63  }
0x32: {  	_ =	swait.ge [sflag:s17], $0x40  }
0x33: {  	[sflag:s17] =	ssyncset.done $0x0  }
0x34: {  	[sflag:s17] =	ssyncadd.s32 $0xFFFFFFC0  }
0x35: {  	_ =	swait.ge [sflag:s18], $0x40  }
0x36: {  	[sflag:s18] =	ssyncset.done $0x0  }
0x37: {  	[sflag:s18] =	ssyncadd.s32 $0xFFFFFFC0  }
0x38: {  	_ =	swait.ge [sflag:s19], $0x40  }
0x39: {  	[sflag:s19] =	ssyncset.done $0x0  }
0x3a: {  	[sflag:s19] =	ssyncadd.s32 $0xFFFFFFC0  }
0x3b: {  	_ =	swait.ge [sflag:s20], $0x40  }
0x3c: {  	s25 =	simm.s32 $0x1000;
	s24 =	simm.s32 $0x800;
	[sflag:s20] =	ssyncset.done $0x0  }
.LBB2_2:
0x3d: {  	s26 =	sshra.s32 s24, $0x2  }
0x3e: {  	[sflag:s20] =	ssyncadd.s32 $0xFFFFFFC0;
	s24 =	smov.u32 s25;
	s28 =	sadd.s32 $0x800, s25  }
0x3f: {  	[spmem:s1] =	stream.indirect.scatter.add.f32 [tilespmem:s9], [sflag:$0x1], $0x1, s26, s16, $0xb8;
	[tilespmem:$0x5480] =	vst v63  }
0x40: {  	p0 =	sne.s32 s25, $0x13800;
	s25 =	sadd.s32 $0x80, s26  }
0x41: {  	[spmem:s1] =	stream.indirect.scatter.add.f32 [tilespmem:s11], [sflag:$0x2], $0x1, s25, s16, $0xb8;
	[tilespmem:$0x5480] =	vst v63  }
0x42: {  	s25 =	sadd.s32 $0x100, s26  }
0x43: {  	[spmem:s1] =	stream.indirect.scatter.add.f32 [tilespmem:s12], [sflag:$0x3], $0x1, s25, s16, $0xb8;
	[tilespmem:$0x5480] =	vst v63  }
0x44: {  	s25 =	sadd.s32 $0x180, s26  }
0x45: {  	[spmem:s1] =	stream.indirect.scatter.add.f32 [tilespmem:s13], [sflag:$0x4], $0x1, s25, s16, $0xb8;
	[tilespmem:$0x5480] =	vst v63  }
0x46: {  	_ =	swait.ge [sflag:s17], $0x40  }
0x47: {  	[sflag:s17] =	ssyncset.done $0x0  }
0x48: {  	[sflag:s17] =	ssyncadd.s32 $0xFFFFFFC0  }
0x49: {  	_ =	swait.ge [sflag:s18], $0x40  }
0x4a: {  	[sflag:s18] =	ssyncset.done $0x0  }
0x4b: {  	[sflag:s18] =	ssyncadd.s32 $0xFFFFFFC0  }
.Ltmp0:
0x4c: {  	_ =	swait.ge [sflag:s19], $0x40;
	(pc) =	sbr.rel @p0 .LBB2_2-.Ltmp0, $4  }
0x4d: {  	[sflag:s19] =	ssyncset.done $0x0  }
0x4e: {  	[sflag:s19] =	ssyncadd.s32 $0xFFFFFFC0  }
0x4f: {  	_ =	swait.ge [sflag:s20], $0x40  }
0x50: {  	s25 =	smov.u32 s28;
	[sflag:s20] =	ssyncset.done $0x0  }
0x51: {  	s24 =	sshra.s32 s24, $0x2;
	[sflag:s20] =	ssyncadd.s32 $0xFFFFFFC0  }
0x52: {  	[spmem:s1] =	stream.indirect.scatter.add.f32 [tilespmem:s9], [sflag:$0x1], $0x1, s24, s16, $0xb8;
	[tilespmem:$0x5480] =	vst v63  }
0x53: {  	s25 =	sadd.s32 $0x80, s24  }
0x54: {  	[spmem:s1] =	stream.indirect.scatter.add.f32 [tilespmem:s11], [sflag:$0x2], $0x1, s25, s16, $0xb8;
	[tilespmem:$0x5480] =	vst v63  }
0x55: {  	s31 =	sadd.s32 $0x100, s24  }
0x56: {  	[spmem:s1] =	stream.indirect.scatter.add.f32 [tilespmem:s12], [sflag:$0x3], $0x1, s31, s16, $0xb8;
	[tilespmem:$0x5480] =	vst v63  }
0x57: {  	s24 =	sadd.s32 $0x180, s24  }
0x58: {  	[spmem:s1] =	stream.indirect.scatter.add.f32 [tilespmem:s13], [sflag:$0x4], $0x1, s24, s16, $0xb8;
	[tilespmem:$0x5480] =	vst v63  }
0x59: {  	_ =	swait.ge [sflag:s17], $0x40  }
0x5a: {  	[sflag:s17] =	ssyncset.done $0x0  }
0x5b: {  	[sflag:s17] =	ssyncadd.s32 $0xFFFFFFC0  }
0x5c: {  	_ =	swait.ge [sflag:s18], $0x40  }
0x5d: {  	[sflag:s18] =	ssyncset.done $0x0  }
0x5e: {  	[sflag:s18] =	ssyncadd.s32 $0xFFFFFFC0  }
0x5f: {  	_ =	swait.ge [sflag:s19], $0x40  }
0x60: {  	[sflag:s19] =	ssyncset.done $0x0  }
0x61: {  	[sflag:s19] =	ssyncadd.s32 $0xFFFFFFC0  }
0x62: {  	_ =	swait.ge [sflag:s20], $0x40  }
0x63: {  	s23 =	sadd.s32 $0x1, s23;
	[sflag:s20] =	ssyncset.done $0x0  }
0x64: {  	p0 =	sne.s32 s23, s8;
	[sflag:s20] =	ssyncadd.s32 $0xFFFFFFC0  }
.Ltmp1:
0x65: {  	[bflag:$0x0] =	sbarrier.arrive $0xFFFF;
	(pc) =	sbr.rel @p0 .LBB2_1-.Ltmp1, $4  }
0x66: {  	[hbm:s7@s21], [sflag:s14] =	dma.strided [spmem:s15@s22], $0x50, s17, $0x10   }
0x67: {  	_ =	swait.ge [sflag:s10], $0x50  }
0x68: {  	[sflag:s10] =	ssyncset.done $0x0  }
0x69: {  	[sflag:s10] =	ssyncadd.s32 $0xFFFFFFB0  }
0x6a: {  	_ =	sfence.sel $0x180000  }
0x6b: {  	[bflag:$0x0] =	sbarrier.arrive $0xFFFF  }
0x6c: {  	p0 =	sne.s32 s2, $0x0;
	_ =	strace $0x90000047  }
0x6d: {  	s0 =	sadd.s32 @!p0 $0x100000, s0;
	[bflag:$0x2] =	sbarrier.arrive $0xFFFF  }
0x6e: {  	[sflag:s0] =	ssyncadd.tile.s32 @!p0 $0x1;
	_ =	shalt  }
.Lfunc_end2:
_tile_overlayer_lowered:
.L_overlay_start_2:
0x6f: {  	(tag) =	ssettag $0x2  }
0x70: {  	s0 =	rddreg [dreg:$0x0];
	s2 =	stileid.u32  }
0x71: {  	s1 =	rddreg [dreg:$0x1];
	p0 =	sne.s32 s2, $0x0  }
0x72: {  	s3 =	rddreg [dreg:$0x2];
	[bflag:$0x3] =	sbarrier.arrive $0xFFFF;
	s2 =	simm.s32 @!p0 $0x1C05  }
0x73: {  	[timem:s3], [sflag:s2] =	dma.local @!p0 [hbm:s0], s1  }
0x74: {  	s0 =	simm.s32 @!p0 $0x5  }
0x75: {  	_ =	swait.ge @!p0 [sflag:s0], s1  }
0x76: {  	s1 =	ssub.s32 @!p0 $0x0, s1;
	[sflag:s0] =	ssyncset.done @!p0 $0x0  }
0x77: {  	[sflag:s0] =	ssyncadd.s32 @!p0 s1  }
0x78: {  	[bflag:$0x3] =	sbarrier.arrive $0xFFFF  }
0x79: {  	_ =	shalt  }

// kernel: kernel.15.cloned.1.call-start
scs
__scs_entry_jumppad:
0x0: {  	(pc) =	sbr.rel $0x88, $3  }
0x1: {  	(tag) =	ssettag $0x0;
	lr =	simm.s32 $0x1  }
0x2: {  	[smem:$0x3F95] =	sst lr;
	_ =	strace $0xD0000000  }
0x3: {  	_ = 	snop  }
0x4: {  	_ = 	snop  }
0x5: {  	_ = 	snop  }
0x6: {  	_ = 	snop  }
0x7: {  	_ = 	snop  }
__scs_overlays_trampoline_lowered:
0x8: {  	[smem:$0x3FA4] =	sst s0  }
0x9: {  	[smem:$0x3FA5] =	sst s1  }
0xa: {  	[smem:$0x3FA6] =	sst s2  }
0xb: {  	[smem:$0x3FA7] =	sst s3  }
0xc: {  	[smem:$0x3FA8] =	sst s4  }
0xd: {  	[smem:$0x3FA9] =	sst s5  }
0xe: {  	[smem:$0x3FAA] =	sst s6  }
0xf: {  	[smem:$0x3FAB] =	sst s7  }
0x10: {  	[smem:$0x3FAC] =	sst s8  }
0x11: {  	[smem:$0x3FAD] =	sst s9;
	s0 =	simm.s32 @!p0 $0x0  }
0x12: {  	s1 =	sld [smem:$0x3F93];
	s0 =	simm.s32 @p0 $0x1  }
0x13: {  	[smem:$0x3FAE] =	sst s0;
	s0 =	simm.s32 @!p1 $0x0  }
0x14: {  	s2 =	sld [smem:$0x3F92];
	s0 =	simm.s32 @p1 $0x1  }
0x15: {  	[smem:$0x3FAF] =	sst s0;
	s0 =	simm.s32 @!p2 $0x0  }
0x16: {  	s3 =	sld [smem:$0x3FDB];
	s0 =	simm.s32 @p2 $0x1  }
0x17: {  	s4 =	simm.s32 $0x1BF5;
	[smem:$0x3FB1] =	sst s0  }
0x18: {  	s0 =	sld [smem:$0x3F94];
	_ =	swait.ge [sflag:s4], $0x0  }
0x19: {  	s7 =	sld [smem:$0x3F95]  }
0x1a: {  	s8 =	sadd.s32 $0xFFFFE003, lr  }
0x1b: {  	s9 =	sadd.s32 $0xFFFFFEF7, lr;
	s5 =	simm.s32 $0xFFFFFFFF;
	p2 =	slt.u32 s8, $0xFFFFF086  }
0x1c: {  	p1 =	slt.u32 s9, $0xF7A;
	s5 =	simm.s32 @!p2 $0x0  }
0x1d: {  	s5 =	simm.s32 @p1 $0x1;
	p0 =	seq.s32 s7, s2  }
0x1e: {  	s7 =	smul.u32 @!p0 $0xF7A, s2;
	p2 =	seq.s32 @!p0 s5, $0x0  }
0x1f: {  	s9 =	smul.u32 $0xF7A, s1;
	s8 =	simm.s32 @!p0 $0x1BF5;
	p2 =	por !p2, p0  }
0x20: {  	[sflag:s8] =	ssyncset.s32 @!p0 $0xFFFFF086;
	s6 =	sadd.s32 @!p0 s3, s7;
	s7 =	simm.s32 @!p0 $0x108  }
0x21: {  	s3 =	sadd.s32 s3, s9;
	s6 =	sadd.s32 @!p0 $0x88, s6;
	s7 =	simm.s32 @p2 $0x1082  }
0x22: {  	[simem:s7], [sflag:s8] =	dma.local @!p0 [hbm:s6], $0xF7A  }
0x23: {  	s9 =	sor.u32 $0xD0000000, s2;
	s6 =	simm.s32 $0x108;
	_ =	swait.ge @!p0 [sflag:s8], $0x0  }
0x24: {  	s3 =	sadd.s32 $0x88, s3;
	s6 =	simm.s32 @!p1 $0x1082;
	[sflag:s4] =	ssyncset.s32 $0xFFFFF086  }
0x25: {  	[simem:s6], [sflag:s4] =	dma.local [hbm:s3], $0xF7A  }
0x26: {  	[smem:$0x3F95] =	sst s1;
	(tag) =	ssettag s2;
	_ =	strace s9  }
0x27: {  	s1 =	sld [smem:$0x3FA5]  }
0x28: {  	s2 =	sld [smem:$0x3FA6]  }
0x29: {  	s4 =	sld [smem:$0x3FA8]  }
0x2a: {  	p0 =	seq.s32 s5, $0x0;
	s5 =	sld [smem:$0x3FA9]  }
0x2b: {  	s6 =	sld [smem:$0x3FAA]  }
0x2c: {  	s7 =	sld [smem:$0x3FAB]  }
0x2d: {  	s3 =	simm.s32 $0x108;
	s8 =	sld [smem:$0x3FAC]  }
0x2e: {  	s3 =	simm.s32 @!p0 $0x1082;
	s9 =	sld [smem:$0x3FAD]  }
0x2f: {  	lr =	sadd.s32 s0, s3;
	s0 =	sld [smem:$0x3FA4]  }
0x30: {  	s3 =	sld [smem:$0x3FA7]  }
0x31: {  	[smem:$0x3FB0] =	sst s10  }
0x32: {  	s10 =	sld [smem:$0x3FAE];
	_ =	sdelay $0x3  }
0x33: {  	p0 =	seq.s32 s10, $0x1;
	s10 =	sld [smem:$0x3FB0];
	_ =	sdelay $0x3  }
0x34: {  	[smem:$0x3FB0] =	sst s10  }
0x35: {  	s10 =	sld [smem:$0x3FAF];
	_ =	sdelay $0x3  }
0x36: {  	p1 =	seq.s32 s10, $0x1;
	s10 =	sld [smem:$0x3FB0];
	_ =	sdelay $0x3  }
0x37: {  	[smem:$0x3FB0] =	sst s10  }
0x38: {  	s10 =	sld [smem:$0x3FB1]  }
0x39: {  	_ = 	snop;
	(pc) =	sbr.ind lr, $3  }
0x3a: {  	_ = 	snop  }
0x3b: {  	_ = 	snop  }
0x3c: {  	p2 =	seq.s32 s10, $0x1;
	s10 =	sld [smem:$0x3FB0]  }
0x3d: {  	_ =	shalt  }
0x3e: {  	_ =	shalt  }
0x3f: {  	_ =	shalt  }
0x40: {  	_ =	shalt  }
0x41: {  	_ =	shalt  }
0x42: {  	_ =	shalt  }
0x43: {  	_ =	shalt  }
0x44: {  	_ =	shalt  }
0x45: {  	_ =	shalt  }
0x46: {  	_ =	shalt  }
0x47: {  	_ =	shalt  }
0x48: {  	_ =	shalt  }
0x49: {  	_ =	shalt  }
0x4a: {  	_ =	shalt  }
0x4b: {  	_ =	shalt  }
0x4c: {  	_ =	shalt  }
0x4d: {  	_ =	shalt  }
0x4e: {  	_ =	shalt  }
0x4f: {  	_ =	shalt  }
0x50: {  	_ =	shalt  }
0x51: {  	_ =	shalt  }
0x52: {  	_ =	shalt  }
0x53: {  	_ =	shalt  }
0x54: {  	_ =	shalt  }
0x55: {  	_ =	shalt  }
0x56: {  	_ =	shalt  }
0x57: {  	_ =	shalt  }
0x58: {  	_ =	shalt  }
0x59: {  	_ =	shalt  }
0x5a: {  	_ =	shalt  }
0x5b: {  	_ =	shalt  }
0x5c: {  	_ =	shalt  }
0x5d: {  	_ =	shalt  }
0x5e: {  	_ =	shalt  }
0x5f: {  	_ =	shalt  }
0x60: {  	_ =	shalt  }
0x61: {  	_ =	shalt  }
0x62: {  	_ =	shalt  }
0x63: {  	_ =	shalt  }
0x64: {  	_ =	shalt  }
0x65: {  	_ =	shalt  }
0x66: {  	_ =	shalt  }
0x67: {  	_ =	shalt  }
0x68: {  	_ =	shalt  }
0x69: {  	_ =	shalt  }
0x6a: {  	_ =	shalt  }
0x6b: {  	_ =	shalt  }
0x6c: {  	_ =	shalt  }
0x6d: {  	_ =	shalt  }
0x6e: {  	_ =	shalt  }
0x6f: {  	_ =	shalt  }
0x70: {  	_ =	shalt  }
0x71: {  	_ =	shalt  }
0x72: {  	_ =	shalt  }
0x73: {  	_ =	shalt  }
0x74: {  	_ =	shalt  }
0x75: {  	_ =	shalt  }
0x76: {  	_ =	shalt  }
0x77: {  	_ =	shalt  }
0x78: {  	_ =	shalt  }
0x79: {  	_ =	shalt  }
0x7a: {  	_ =	shalt  }
0x7b: {  	_ =	shalt  }
0x7c: {  	_ =	shalt  }
0x7d: {  	_ =	shalt  }
0x7e: {  	_ =	shalt  }
0x7f: {  	_ =	shalt  }
0x80: {  	_ =	shalt  }
0x81: {  	_ =	shalt  }
0x82: {  	_ =	shalt  }
0x83: {  	_ =	shalt  }
0x84: {  	_ =	shalt  }
0x85: {  	_ =	shalt  }
0x86: {  	_ =	shalt  }
0x87: {  	_ =	shalt  }
.Lfunc_end0:
.L_simem_size_0:
called_computation.1_lowered:
.L_overlay_start_0:
0x88: {  	s2 =	sld [smem:$0x3FD9]  }
0x89: {  	s3 =	sld [smem:$0x3FFE];
	_ =	sdelay $0x1  }
0x8a: {  	s1 =	srdreg.scid  }
0x8b: {  	s0 =	sand.u32 $0x1, s1  }
0x8c: {  	s17 =	sshll.u32 s0, $0xA;
	s2 =	sadd.s32 s3, s2  }
0x8d: {  	s2 =	sadd.s32 s2, s17  }
0x8e: {  	[smem:$0x3FBC] =	sst s2  }
0x8f: {  	_ = 	snop  }
0x90: {  	s2 =	sld [smem:$0x3FD0];
	(tm) =	ssettm $0x1  }
0x91: {  	s18 =	sld [smem:$0x3FFB];
	_ =	sdelay $0x3  }
0x92: {  	_ =	strace s18  }
0x93: {  	s3 =	sld [smem:$0x3FFC];
	_ =	sdelay $0x3  }
0x94: {  	_ =	strace s3  }
0x95: {  	s3 =	sld [smem:$0x3FFD];
	_ =	sdelay $0x3  }
0x96: {  	_ =	strace s3  }
0x97: {  	_ =	strace $0x8FFFFFFF  }
0x98: {  	s19 =	sld [smem:$0x3FDB];
	_ =	sdelay $0x1  }
0x99: {  	s4 =	simm.s32 $_scs_section_size  }
0x9a: {  	s5 =	simm.s32 $_size__tile_overlayer_lowered;
	s6 =	simm.s32 $_tile_overlayer_lowered  }
0x9b: {  	s22 =	simm.s32 $0x1BFF;
	s21 =	sshll.u32 s6, $0x1;
	s3 =	sadd.s32 s4, s19  }
0x9c: {  	s7 =	simm.s32 $0x0;
	s20 =	sshll.u32 s5, $0x1;
	s5 =	sadd.s32 s21, s3  }
0x9d: {  	[timem:s7], [sflag:s22] =	dma.local [hbm:s5], s20  }
0x9e: {  	_ =	swait.ge [sflag:s22], s20  }
0x9f: {  	s4 =	ssub.s32 $0x0, s20;
	[sflag:s22] =	ssyncset.done $0x0  }
0xa0: {  	[sflag:s22] =	ssyncadd.s32 s4;
	_ =	sdelay $0x1  }
0xa1: {  	s23 =	simm.s32 $0x1B8B  }
0xa2: {  	_ =	swait.ge [sflag:s23], $0x1  }
0xa3: {  	[sflag:s23] =	ssyncset.done $0x0  }
0xa4: {  	s25 =	simm.s32 $0x1B8E;
	s24 =	sld [smem:$0x3FFE];
	[sflag:s23] =	ssyncadd.s32 $0xFFFFFFFF  }
0xa5: {  	s26 =	simm.s32 $execute0_lowered;
	[smem:$0x3FD2] =	sst s25  }
0xa6: {  	s5 =	sshll.u32 s26, $0x1;
	_ =	strace $0x80000049;
	[dreg:$0x1] =	wrdreg $0xFFFFFFFF  }
0xa7: {  	s28 =	simm.s32 $_size_execute0_lowered;
	s3 =	sadd.s32 s3, s5;
	[dreg:$0x0] =	wrdreg $0x0  }
0xa8: {  	s5 =	sshll.u32 s28, $0x1;
	[dreg:$0x2] =	wrdreg s3  }
0xa9: {  	[dreg:$0x3] =	wrdreg s5  }
0xaa: {  	[dreg:$0x4] =	wrdreg $0xC0  }
0xab: {  	_ =	task [dreg:s7], $0x5FFFF  }
0xac: {  	[dreg:$0x1] =	wrdreg $0xFFFFFFFF  }
0xad: {  	[dreg:$0x0] =	wrdreg $0x60  }
0xae: {  	[dreg:$0x2] =	wrdreg s24  }
0xaf: {  	[dreg:$0x3] =	wrdreg s2  }
0xb0: {  	[dreg:$0x4] =	wrdreg $0xA8000  }
0xb1: {  	[dreg:$0x5] =	wrdreg $0x9  }
0xb2: {  	_ =	task.clear_ibuf [dreg:s7], $0x6FFFF;
	_ =	strace $0x90000049  }
0xb3: {  	s29 =	simm.s32 $0x9;
	_ =	strace $0x8000004B  }
0xb4: {  	_ =	swait.ge [sflag:s29], $0x1  }
0xb5: {  	[sflag:s29] =	ssyncadd.s32 $0xFFFFFFFF  }
0xb6: {  	_ =	strace $0x9000004B  }
0xb7: {  	_ =	sfence  }
0xb8: {  	s30 =	sld [smem:$0x0];
	_ =	sdelay $0x2  }
0xb9: {  	s31 =	sshll.u32 s1, $0xD;
	s1 =	sshrl.u32 s1, $0x2  }
0xba: {  	s3 =	sand.u32 $0x4000, s31;
	s1 =	sadd.s32 s1, s30  }
0xbb: {  	s0 =	sor.u32 s3, s0;
	s1 =	sshll.u32 s1, $0x11  }
0xbc: {  	s0 =	sor.u32 s1, s0  }
0xbd: {  	s0 =	sadd.s32 $0x8F2B, s0  }
0xbe: {  	[sflag:s0] =	ssyncadd.remote.s32 $0x1  }
0xbf: {  	_ =	sfence.sel $0xFFFF  }
0xc0: {  	[dreg:$0x0] =	wrdreg $0xFFFFFFFF;
	(pc) =	sbr.abs _section_cstart, $3  }
0xc1: {  	[dreg:$0x1] =	wrdreg $0xFFFFFFFF  }
0xc2: {  	_ =	task.clear_ibuf [dreg:s7], $0x2FFFF;
	_ =	strace $0x9FFFFFFF  }
0xc3: {  	(tm) =	ssettm $0x7FFFFFFF  }
tec
execute0_lowered:
.L_overlay_start_1:
0x0: {  	(tag) =	ssettag $0x1  }
0x1: {  	s0 =	rddreg [dreg:$0x0]  }
0x2: {  	s2 =	rddreg [dreg:$0x2];
	s1 =	srdreg.scid;
	s21 =	simm.s32 $0x0  }
0x3: {  	s9 =	stileid.u32;
	s13 =	simm.s32 $0x9;
	s15 =	simm.s32 $0x40  }
0x4: {  	s16 =	simm.s32 $0x2800;
	s18 =	simm.s32 $0x4800;
	s28 =	simm.s32 $0x5  }
0x5: {  	s29 =	simm.s32 $0x6;
	s30 =	simm.s32 $0x7;
	s31 =	simm.s32 $0x8  }
0x6: {  	s11 =	simm.s32 $0x1200;
	s12 =	simm.s32 $0x1300;
	s14 =	simm.s32 $0x2680  }
0x7: {  	s17 =	simm.s32 $0x2700;
	s19 =	simm.s32 $0x2780;
	s10 =	simm.s32 $0x1400  }
0x8: {  	s1 =	sand.u32 $0x1, s1;
	[smem:$0x7FF] =	sst s21;
	s4 =	smul.u32 $0x14000, s9  }
0x9: {  	s5 =	sadd.s32 $0x91600, s0;
	s6 =	sadd.s32 $0x2D600, s0;
	s8 =	smul.u32 $0x50000, s9  }
0xa: {  	s7 =	sadd.s32 $0xB9600, s0;
	s25 =	sshll.u32 s9, $0x6;
	s3 =	smul.u32 $0x140000, s1  }
0xb: {  	_ =	strace $0x8000004A;
	[dreg:$0x5] =	wrdreg s7;
	s20 =	ssub.s32 $0x2, s1  }
0xc: {  	s1 =	sshll.u32 s1, $0x4;
	s7 =	sor.u32 $0x1C09, s25;
	s25 =	simm.s32 $0x3  }
0xd: {  	s22 =	sshrl.u32 s20, $0x1;
	s1 =	sor.u32 s9, s1;
	s24 =	sshrl.u32 s8, $0x2  }
0xe: {  	s8 =	simm.s32 $0x1280;
	[dreg:$0x6] =	wrdreg s7;
	s3 =	sadd.s32 s4, s3  }
0xf: {  	s23 =	ssub.s32 s20, s22;
	s4 =	sadd.s32 s24, s2;
	s9 =	smul.u32 $0xA0, s1  }
0x10: {  	s20 =	simm.s32 $0x6800;
	s22 =	simm.s32 $0x8800;
	s24 =	simm.s32 $0x2  }
0x11: {  	s1 =	simm.s32 $0x2600;
	s3 =	sshrl.u32 s3, $0x3;
	s26 =	smax.u32 s23, $0x1  }
0x12: {  	s0 =	sadd.s32 s3, s0;
	[dreg:$0x8] =	wrdreg s26;
	s3 =	sshrl.u32 s4, $0x3  }
0x13: {  	s23 =	simm.s32 $0x1;
	s0 =	sadd.s32 $0xBBE00, s0;
	[dreg:$0x9] =	wrdreg s3  }
0x14: {  	s26 =	simm.s32 $0x4;
	s4 =	simm.s32 $0x1380;
	[dreg:$0x7] =	wrdreg s0  }
.LBB2_1:
0x15: {  	[dreg:$0x4] =	wrdreg s21  }
0x16: {  	s0 =	rddreg [dreg:$0x5]  }
0x17: {  	[spmem:s3], [sflag:s7] =	dma.local [hbm:s0], $0x2800  }
0x18: {  	_ =	swait.ge [sflag:s13], $0x2800  }
0x19: {  	[sflag:s13] =	ssyncset.done $0x0  }
0x1a: {  	[sflag:s13] =	ssyncadd.s32 $0xFFFFD800  }
0x1b: {  	s21 =	simm.s32 $0x0;
	[bflag:$0x0] =	sbarrier.arrive $0xFFFF  }
.LBB2_2:
0x1c: {  	s0 =	smul.u32 $0x28, s21;
	_ =	sdelay $0x1  }
0x1d: {  	s0 =	sadd.s32 s9, s0  }
0x1e: {  	s3 =	rddreg [dreg:$0x1];
	s0 =	sshll.u32 s0, $0x4  }
0x1f: {  	s7 =	simm.s32 $0x0;
	s3 =	sadd.s32 s3, s0  }
0x20: {  	[tilespmem:s10], [sflag:$0x9] =	stream.linear.gather [hbm4b:s3+s7], $0x1400, $0x38;
	[tilespmem:$0x1E800] =	vst v63  }
0x21: {  	_ =	swait.ge [sflag:s13], $0x1400  }
0x22: {  	[sflag:s13] =	ssyncset.done $0x0  }
0x23: {  	s0 =	sadd.s32 s6, s0;
	[sflag:s13] =	ssyncadd.s32 $0xFFFFEC00  }
0x24: {  	[tilespmem:s7], [sflag:$0x9] =	stream.linear.gather [hbm4b:s0+s7], $0x1400, $0x38;
	[tilespmem:$0x1E800] =	vst v63  }
0x25: {  	_ =	swait.ge [sflag:s13], $0x1400  }
0x26: {  	[sflag:s13] =	ssyncset.done $0x0  }
0x27: {  	[sflag:s13] =	ssyncadd.s32 $0xFFFFEC00  }
0x28: {  	[tilespmem:s16], [sflag:$0x1] =	stream.indirect.gather [hbm4b:s5+s15], $0x80, s7, s15, $0xb8;
	[tilespmem:$0x1E800] =	vst v63  }
0x29: {  	s3 =	simm.s32 $0x80  }
0x2a: {  	[tilespmem:s18], [sflag:$0x2] =	stream.indirect.gather [hbm4b:s5+s15], $0x80, s3, s15, $0xb8;
	[tilespmem:$0x1E800] =	vst v63  }
0x2b: {  	s7 =	simm.s32 $0x100  }
0x2c: {  	[tilespmem:s20], [sflag:$0x3] =	stream.indirect.gather [hbm4b:s5+s15], $0x80, s7, s15, $0xb8;
	[tilespmem:$0x1E800] =	vst v63  }
0x2d: {  	s3 =	simm.s32 $0x180  }
0x2e: {  	[tilespmem:s22], [sflag:$0x4] =	stream.indirect.gather [hbm4b:s5+s15], $0x80, s3, s15, $0xb8;
	[tilespmem:$0x1E800] =	vst v63  }
0x2f: {  	_ =	swait.ge [sflag:s23], $0x2000  }
0x30: {  	[sflag:s23] =	ssyncset.done $0x0  }
0x31: {  	s7 =	simm.s32 $0x1400;
	[sflag:s23] =	ssyncadd.s32 $0xFFFFE000  }
0x32: {  	[spmem:s2] =	stream.indirect.scatter.add.f32 [tilespmem:s16], [sflag:$0x5], $0x80, s7, s15, $0xb8;
	[tilespmem:$0x1E800] =	vst v63  }
0x33: {  	_ =	swait.ge [sflag:s24], $0x2000  }
0x34: {  	[sflag:s24] =	ssyncset.done $0x0  }
0x35: {  	s3 =	simm.s32 $0x1480;
	[sflag:s24] =	ssyncadd.s32 $0xFFFFE000  }
0x36: {  	[spmem:s2] =	stream.indirect.scatter.add.f32 [tilespmem:s18], [sflag:$0x6], $0x80, s3, s15, $0xb8;
	[tilespmem:$0x1E800] =	vst v63  }
0x37: {  	_ =	swait.ge [sflag:s25], $0x2000  }
0x38: {  	[sflag:s25] =	ssyncset.done $0x0  }
0x39: {  	s7 =	simm.s32 $0x1500;
	[sflag:s25] =	ssyncadd.s32 $0xFFFFE000  }
0x3a: {  	[spmem:s2] =	stream.indirect.scatter.add.f32 [tilespmem:s20], [sflag:$0x7], $0x80, s7, s15, $0xb8;
	[tilespmem:$0x1E800] =	vst v63  }
0x3b: {  	_ =	swait.ge [sflag:s26], $0x2000  }
0x3c: {  	[sflag:s26] =	ssyncset.done $0x0  }
0x3d: {  	s3 =	simm.s32 $0x1580;
	[sflag:s26] =	ssyncadd.s32 $0xFFFFE000  }
0x3e: {  	[spmem:s2] =	stream.indirect.scatter.add.f32 [tilespmem:s22], [sflag:$0x8], $0x80, s3, s15, $0xb8;
	[tilespmem:$0x1E800] =	vst v63  }
0x3f: {  	_ =	swait.ge [sflag:s28], $0x2000  }
0x40: {  	[sflag:s28] =	ssyncset.done $0x0  }
0x41: {  	s7 =	simm.s32 $0x200;
	[sflag:s28] =	ssyncadd.s32 $0xFFFFE000  }
0x42: {  	[tilespmem:s16], [sflag:$0x1] =	stream.indirect.gather [hbm4b:s5+s15], $0x80, s7, s15, $0xb8;
	[tilespmem:$0x1E800] =	vst v63  }
0x43: {  	_ =	swait.ge [sflag:s29], $0x2000  }
0x44: {  	[sflag:s29] =	ssyncset.done $0x0  }
0x45: {  	s3 =	simm.s32 $0x280;
	[sflag:s29] =	ssyncadd.s32 $0xFFFFE000  }
0x46: {  	[tilespmem:s18], [sflag:$0x2] =	stream.indirect.gather [hbm4b:s5+s15], $0x80, s3, s15, $0xb8;
	[tilespmem:$0x1E800] =	vst v63  }
0x47: {  	_ =	swait.ge [sflag:s30], $0x2000  }
0x48: {  	[sflag:s30] =	ssyncset.done $0x0  }
0x49: {  	s7 =	simm.s32 $0x300;
	[sflag:s30] =	ssyncadd.s32 $0xFFFFE000  }
0x4a: {  	[tilespmem:s20], [sflag:$0x3] =	stream.indirect.gather [hbm4b:s5+s15], $0x80, s7, s15, $0xb8;
	[tilespmem:$0x1E800] =	vst v63  }
0x4b: {  	_ =	swait.ge [sflag:s31], $0x2000  }
0x4c: {  	[sflag:s31] =	ssyncset.done $0x0  }
0x4d: {  	s0 =	simm.s32 $0x800;
	s3 =	simm.s32 $0x380;
	[sflag:s31] =	ssyncadd.s32 $0xFFFFE000  }
.LBB2_3:
0x4e: {  	[tilespmem:s22], [sflag:$0x4] =	stream.indirect.gather [hbm4b:s5+s15], $0x80, s3, s15, $0xb8;
	[tilespmem:$0x1E800] =	vst v63  }
0x4f: {  	s3 =	smov.u32 s0  }
0x50: {  	p0 =	sne.s32 s0, $0x3800;
	s0 =	sadd.s32 $0x800, s0;
	_ =	swait.ge [sflag:s23], $0x2000  }
0x51: {  	s3 =	sshra.s32 s3, $0x2;
	[sflag:s23] =	ssyncset.done $0x0  }
0x52: {  	s7 =	sadd.s32 $0x1400, s3;
	[sflag:s23] =	ssyncadd.s32 $0xFFFFE000  }
0x53: {  	[spmem:s2] =	stream.indirect.scatter.add.f32 [tilespmem:s16], [sflag:$0x5], $0x80, s7, s15, $0xb8;
	[tilespmem:$0x1E800] =	vst v63  }
0x54: {  	_ =	swait.ge [sflag:s24], $0x2000  }
0x55: {  	[sflag:s24] =	ssyncset.done $0x0  }
0x56: {  	s7 =	sadd.s32 $0x1480, s3;
	[sflag:s24] =	ssyncadd.s32 $0xFFFFE000  }
0x57: {  	[spmem:s2] =	stream.indirect.scatter.add.f32 [tilespmem:s18], [sflag:$0x6], $0x80, s7, s15, $0xb8;
	[tilespmem:$0x1E800] =	vst v63  }
0x58: {  	_ =	swait.ge [sflag:s25], $0x2000  }
0x59: {  	[sflag:s25] =	ssyncset.done $0x0  }
0x5a: {  	s7 =	sadd.s32 $0x1500, s3;
	[sflag:s25] =	ssyncadd.s32 $0xFFFFE000  }
0x5b: {  	[spmem:s2] =	stream.indirect.scatter.add.f32 [tilespmem:s20], [sflag:$0x7], $0x80, s7, s15, $0xb8;
	[tilespmem:$0x1E800] =	vst v63  }
0x5c: {  	_ =	swait.ge [sflag:s26], $0x2000  }
0x5d: {  	[sflag:s26] =	ssyncset.done $0x0  }
0x5e: {  	s7 =	sadd.s32 $0x1580, s3;
	[sflag:s26] =	ssyncadd.s32 $0xFFFFE000  }
0x5f: {  	[spmem:s2] =	stream.indirect.scatter.add.f32 [tilespmem:s22], [sflag:$0x8], $0x80, s7, s15, $0xb8;
	[tilespmem:$0x1E800] =	vst v63  }
0x60: {  	_ =	swait.ge [sflag:s28], $0x2000  }
0x61: {  	[sflag:s28] =	ssyncset.done $0x0  }
0x62: {  	s7 =	sadd.s32 $0x200, s3;
	[sflag:s28] =	ssyncadd.s32 $0xFFFFE000  }
0x63: {  	[tilespmem:s16], [sflag:$0x1] =	stream.indirect.gather [hbm4b:s5+s15], $0x80, s7, s15, $0xb8;
	[tilespmem:$0x1E800] =	vst v63  }
0x64: {  	_ =	swait.ge [sflag:s29], $0x2000  }
0x65: {  	[sflag:s29] =	ssyncset.done $0x0  }
0x66: {  	s7 =	sadd.s32 $0x280, s3;
	[sflag:s29] =	ssyncadd.s32 $0xFFFFE000  }
0x67: {  	[tilespmem:s18], [sflag:$0x2] =	stream.indirect.gather [hbm4b:s5+s15], $0x80, s7, s15, $0xb8;
	[tilespmem:$0x1E800] =	vst v63  }
0x68: {  	_ =	swait.ge [sflag:s30], $0x2000  }
0x69: {  	[sflag:s30] =	ssyncset.done $0x0  }
.Ltmp0:
0x6a: {  	s7 =	sadd.s32 $0x300, s3;
	[sflag:s30] =	ssyncadd.s32 $0xFFFFE000;
	(pc) =	sbr.rel @p0 .LBB2_3-.Ltmp0, $4  }
0x6b: {  	[tilespmem:s20], [sflag:$0x3] =	stream.indirect.gather [hbm4b:s5+s15], $0x80, s7, s15, $0xb8;
	[tilespmem:$0x1E800] =	vst v63  }
0x6c: {  	_ =	swait.ge [sflag:s31], $0x2000  }
0x6d: {  	[sflag:s31] =	ssyncset.done $0x0  }
0x6e: {  	s3 =	sadd.s32 $0x380, s3;
	[sflag:s31] =	ssyncadd.s32 $0xFFFFE000  }
0x6f: {  	[tilespmem:s22], [sflag:$0x4] =	stream.indirect.gather [hbm4b:s5+s15], $0x80, s3, s15, $0xb8;
	[tilespmem:$0x1E800] =	vst v63  }
0x70: {  	_ =	swait.ge [sflag:s23], $0x2000  }
0x71: {  	[sflag:s23] =	ssyncset.done $0x0  }
0x72: {  	s0 =	simm.s32 $0x2400;
	[sflag:s23] =	ssyncadd.s32 $0xFFFFE000  }
0x73: {  	[spmem:s2] =	stream.indirect.scatter.add.f32 [tilespmem:s16], [sflag:$0x5], $0x80, s0, s15, $0xb8;
	[tilespmem:$0x1E800] =	vst v63  }
0x74: {  	_ =	swait.ge [sflag:s24], $0x2000  }
0x75: {  	[sflag:s24] =	ssyncset.done $0x0  }
0x76: {  	s7 =	simm.s32 $0x2480;
	[sflag:s24] =	ssyncadd.s32 $0xFFFFE000  }
0x77: {  	[spmem:s2] =	stream.indirect.scatter.add.f32 [tilespmem:s18], [sflag:$0x6], $0x80, s7, s15, $0xb8;
	[tilespmem:$0x1E800] =	vst v63  }
0x78: {  	_ =	swait.ge [sflag:s25], $0x2000  }
0x79: {  	[sflag:s25] =	ssyncset.done $0x0  }
0x7a: {  	s3 =	simm.s32 $0x2500;
	[sflag:s25] =	ssyncadd.s32 $0xFFFFE000  }
0x7b: {  	[spmem:s2] =	stream.indirect.scatter.add.f32 [tilespmem:s20], [sflag:$0x7], $0x80, s3, s15, $0xb8;
	[tilespmem:$0x1E800] =	vst v63  }
0x7c: {  	_ =	swait.ge [sflag:s26], $0x2000  }
0x7d: {  	[sflag:s26] =	ssyncset.done $0x0  }
0x7e: {  	s7 =	simm.s32 $0x2580;
	[sflag:s26] =	ssyncadd.s32 $0xFFFFE000  }
0x7f: {  	[spmem:s2] =	stream.indirect.scatter.add.f32 [tilespmem:s22], [sflag:$0x8], $0x80, s7, s15, $0xb8;
	[tilespmem:$0x1E800] =	vst v63  }
0x80: {  	_ =	swait.ge [sflag:s28], $0x2000  }
0x81: {  	[sflag:s28] =	ssyncset.done $0x0  }
0x82: {  	[sflag:s28] =	ssyncadd.s32 $0xFFFFE000  }
0x83: {  	[tilespmem:s16], [sflag:$0x1] =	stream.indirect.gather [hbm4b:s5+s15], $0x80, s11, s15, $0xb8;
	[tilespmem:$0x1E800] =	vst v63  }
0x84: {  	_ =	swait.ge [sflag:s29], $0x2000  }
0x85: {  	[sflag:s29] =	ssyncset.done $0x0  }
0x86: {  	[sflag:s29] =	ssyncadd.s32 $0xFFFFE000  }
0x87: {  	[tilespmem:s18], [sflag:$0x2] =	stream.indirect.gather [hbm4b:s5+s15], $0x80, s8, s15, $0xb8;
	[tilespmem:$0x1E800] =	vst v63  }
0x88: {  	_ =	swait.ge [sflag:s30], $0x2000  }
0x89: {  	[sflag:s30] =	ssyncset.done $0x0  }
0x8a: {  	[sflag:s30] =	ssyncadd.s32 $0xFFFFE000  }
0x8b: {  	[tilespmem:s20], [sflag:$0x3] =	stream.indirect.gather [hbm4b:s5+s15], $0x80, s12, s15, $0xb8;
	[tilespmem:$0x1E800] =	vst v63  }
0x8c: {  	_ =	swait.ge [sflag:s31], $0x2000  }
0x8d: {  	[sflag:s31] =	ssyncset.done $0x0  }
0x8e: {  	[sflag:s31] =	ssyncadd.s32 $0xFFFFE000  }
0x8f: {  	[tilespmem:s22], [sflag:$0x4] =	stream.indirect.gather [hbm4b:s5+s15], $0x80, s4, s15, $0xb8;
	[tilespmem:$0x1E800] =	vst v63  }
0x90: {  	_ =	swait.ge [sflag:s23], $0x2000  }
0x91: {  	[sflag:s23] =	ssyncset.done $0x0  }
0x92: {  	[sflag:s23] =	ssyncadd.s32 $0xFFFFE000  }
0x93: {  	[spmem:s2] =	stream.indirect.scatter.add.f32 [tilespmem:s16], [sflag:$0x5], $0x80, s1, s15, $0xb8;
	[tilespmem:$0x1E800] =	vst v63  }
0x94: {  	_ =	swait.ge [sflag:s24], $0x2000  }
0x95: {  	[sflag:s24] =	ssyncset.done $0x0  }
0x96: {  	[sflag:s24] =	ssyncadd.s32 $0xFFFFE000  }
0x97: {  	[spmem:s2] =	stream.indirect.scatter.add.f32 [tilespmem:s18], [sflag:$0x6], $0x80, s14, s15, $0xb8;
	[tilespmem:$0x1E800] =	vst v63  }
0x98: {  	_ =	swait.ge [sflag:s25], $0x2000  }
0x99: {  	[sflag:s25] =	ssyncset.done $0x0  }
0x9a: {  	[sflag:s25] =	ssyncadd.s32 $0xFFFFE000  }
0x9b: {  	[spmem:s2] =	stream.indirect.scatter.add.f32 [tilespmem:s20], [sflag:$0x7], $0x80, s17, s15, $0xb8;
	[tilespmem:$0x1E800] =	vst v63  }
0x9c: {  	_ =	swait.ge [sflag:s26], $0x2000  }
0x9d: {  	[sflag:s26] =	ssyncset.done $0x0  }
0x9e: {  	[sflag:s26] =	ssyncadd.s32 $0xFFFFE000  }
0x9f: {  	[spmem:s2] =	stream.indirect.scatter.add.f32 [tilespmem:s22], [sflag:$0x8], $0x80, s19, s15, $0xb8;
	[tilespmem:$0x1E800] =	vst v63  }
0xa0: {  	_ =	swait.ge [sflag:s28], $0x2000  }
0xa1: {  	[sflag:s28] =	ssyncset.done $0x0  }
0xa2: {  	[sflag:s28] =	ssyncadd.s32 $0xFFFFE000  }
0xa3: {  	[tilespmem:s16], [sflag:$0x1] =	stream.indirect.gather [hbm4b:s5+s15], $0x80, s4, s15, $0xb8;
	[tilespmem:$0x1E800] =	vst v63  }
0xa4: {  	_ =	swait.ge [sflag:s29], $0x2000  }
0xa5: {  	[sflag:s29] =	ssyncset.done $0x0  }
0xa6: {  	[sflag:s29] =	ssyncadd.s32 $0xFFFFE000  }
0xa7: {  	[tilespmem:s18], [sflag:$0x2] =	stream.indirect.gather [hbm4b:s5+s15], $0x80, s4, s15, $0xb8;
	[tilespmem:$0x1E800] =	vst v63  }
0xa8: {  	_ =	swait.ge [sflag:s30], $0x2000  }
0xa9: {  	[sflag:s30] =	ssyncset.done $0x0  }
0xaa: {  	[sflag:s30] =	ssyncadd.s32 $0xFFFFE000  }
0xab: {  	[tilespmem:s20], [sflag:$0x3] =	stream.indirect.gather [hbm4b:s5+s15], $0x80, s4, s15, $0xb8;
	[tilespmem:$0x1E800] =	vst v63  }
0xac: {  	_ =	swait.ge [sflag:s31], $0x2000  }
0xad: {  	[sflag:s31] =	ssyncset.done $0x0  }
0xae: {  	[sflag:s31] =	ssyncadd.s32 $0xFFFFE000  }
0xaf: {  	[tilespmem:s22], [sflag:$0x4] =	stream.indirect.gather [hbm4b:s5+s15], $0x80, s4, s15, $0xb8;
	[tilespmem:$0x1E800] =	vst v63  }
0xb0: {  	_ =	swait.ge [sflag:s23], $0x2000  }
0xb1: {  	[sflag:s23] =	ssyncset.done $0x0  }
0xb2: {  	[sflag:s23] =	ssyncadd.s32 $0xFFFFE000  }
0xb3: {  	_ =	swait.ge [sflag:s24], $0x2000  }
0xb4: {  	[sflag:s24] =	ssyncset.done $0x0  }
0xb5: {  	s21 =	sadd.s32 $0x1, s21;
	[sflag:s24] =	ssyncadd.s32 $0xFFFFE000  }
0xb6: {  	p0 =	sne.s32 s21, $0x4;
	_ =	swait.ge [sflag:s25], $0x2000  }
.Ltmp1:
0xb7: {  	[sflag:s25] =	ssyncset.done $0x0;
	(pc) =	sbr.rel @p0 .LBB2_2-.Ltmp1, $4  }
0xb8: {  	[sflag:s25] =	ssyncadd.s32 $0xFFFFE000  }
0xb9: {  	_ =	swait.ge [sflag:s26], $0x2000  }
0xba: {  	[sflag:s26] =	ssyncset.done $0x0  }
0xbb: {  	[sflag:s26] =	ssyncadd.s32 $0xFFFFE000  }
0xbc: {  	[bflag:$0x0] =	sbarrier.arrive $0xFFFF  }
0xbd: {  	s7 =	rddreg [dreg:$0x6]  }
0xbe: {  	s0 =	rddreg [dreg:$0x7]  }
0xbf: {  	s3 =	rddreg [dreg:$0x9]  }
0xc0: {  	[hbm:s0], [sflag:s7] =	dma.local [spmem:s3], $0x2800  }
0xc1: {  	_ =	swait.ge [sflag:s13], $0x2800  }
0xc2: {  	s21 =	rddreg [dreg:$0x4]  }
0xc3: {  	s0 =	rddreg [dreg:$0x8];
	s21 =	sadd.s32 $0x1, s21  }
0xc4: {  	p0 =	sne.s32 s21, s0  }
.Ltmp2:
0xc5: {  	_ = 	snop;
	(pc) =	sbr.rel @p0 .LBB2_1-.Ltmp2, $3  }
0xc6: {  	_ =	sdelay $0x1  }
0xc7: {  	[sflag:s13] =	ssyncset.done $0x0  }
0xc8: {  	[sflag:s13] =	ssyncadd.s32 $0xFFFFD800  }
0xc9: {  	_ =	sfence.sel $0x180000  }
0xca: {  	[bflag:$0x0] =	sbarrier.arrive $0xFFFF  }
0xcb: {  	_ =	strace $0x9000004A  }
0xcc: {  	s0 =	stileid.u32;
	[bflag:$0x2] =	sbarrier.arrive $0xFFFF  }
0xcd: {  	p0 =	sne.s32 s0, $0x0;
	s0 =	rddreg [dreg:$0x3]  }
0xce: {  	s0 =	sadd.s32 @!p0 $0x100000, s0  }
0xcf: {  	[sflag:s0] =	ssyncadd.tile.s32 @!p0 $0x1;
	_ =	shalt  }
.Lfunc_end2:
_tile_overlayer_lowered:
.L_overlay_start_2:
0xd0: {  	(tag) =	ssettag $0x2  }
0xd1: {  	s0 =	rddreg [dreg:$0x0];
	s2 =	stileid.u32  }
0xd2: {  	s1 =	rddreg [dreg:$0x1];
	p0 =	sne.s32 s2, $0x0  }
0xd3: {  	s3 =	rddreg [dreg:$0x2];
	[bflag:$0x3] =	sbarrier.arrive $0xFFFF;
	s2 =	simm.s32 @!p0 $0x1C09  }
0xd4: {  	[timem:s3], [sflag:s2] =	dma.local @!p0 [hbm:s0], s1  }
0xd5: {  	s0 =	simm.s32 @!p0 $0x9  }
0xd6: {  	_ =	swait.ge @!p0 [sflag:s0], s1  }
0xd7: {  	s1 =	ssub.s32 @!p0 $0x0, s1;
	[sflag:s0] =	ssyncset.done @!p0 $0x0  }
0xd8: {  	[sflag:s0] =	ssyncadd.s32 @!p0 s1  }
0xd9: {  	[bflag:$0x3] =	sbarrier.arrive $0xFFFF  }
0xda: {  	_ =	shalt  }

// kernel: kernel.18.cloned.1.call-start
scs
__scs_entry_jumppad:
0x0: {  	(pc) =	sbr.rel $0x88, $3  }
0x1: {  	(tag) =	ssettag $0x0;
	lr =	simm.s32 $0x1  }
0x2: {  	[smem:$0x3F95] =	sst lr;
	_ =	strace $0xD0000000  }
0x3: {  	_ = 	snop  }
0x4: {  	_ = 	snop  }
0x5: {  	_ = 	snop  }
0x6: {  	_ = 	snop  }
0x7: {  	_ = 	snop  }
__scs_overlays_trampoline_lowered:
0x8: {  	[smem:$0x3FA4] =	sst s0  }
0x9: {  	[smem:$0x3FA5] =	sst s1  }
0xa: {  	[smem:$0x3FA6] =	sst s2  }
0xb: {  	[smem:$0x3FA7] =	sst s3  }
0xc: {  	[smem:$0x3FA8] =	sst s4  }
0xd: {  	[smem:$0x3FA9] =	sst s5  }
0xe: {  	[smem:$0x3FAA] =	sst s6  }
0xf: {  	[smem:$0x3FAB] =	sst s7  }
0x10: {  	[smem:$0x3FAC] =	sst s8  }
0x11: {  	[smem:$0x3FAD] =	sst s9;
	s0 =	simm.s32 @!p0 $0x0  }
0x12: {  	s1 =	sld [smem:$0x3F93];
	s0 =	simm.s32 @p0 $0x1  }
0x13: {  	[smem:$0x3FAE] =	sst s0;
	s0 =	simm.s32 @!p1 $0x0  }
0x14: {  	s2 =	sld [smem:$0x3F92];
	s0 =	simm.s32 @p1 $0x1  }
0x15: {  	[smem:$0x3FAF] =	sst s0;
	s0 =	simm.s32 @!p2 $0x0  }
0x16: {  	s3 =	sld [smem:$0x3FDB];
	s0 =	simm.s32 @p2 $0x1  }
0x17: {  	s4 =	simm.s32 $0x1BF5;
	[smem:$0x3FB1] =	sst s0  }
0x18: {  	s0 =	sld [smem:$0x3F94];
	_ =	swait.ge [sflag:s4], $0x0  }
0x19: {  	s7 =	sld [smem:$0x3F95]  }
0x1a: {  	s8 =	sadd.s32 $0xFFFFE003, lr  }
0x1b: {  	s9 =	sadd.s32 $0xFFFFFEF7, lr;
	s5 =	simm.s32 $0xFFFFFFFF;
	p2 =	slt.u32 s8, $0xFFFFF086  }
0x1c: {  	p1 =	slt.u32 s9, $0xF7A;
	s5 =	simm.s32 @!p2 $0x0  }
0x1d: {  	s5 =	simm.s32 @p1 $0x1;
	p0 =	seq.s32 s7, s2  }
0x1e: {  	s7 =	smul.u32 @!p0 $0xF7A, s2;
	p2 =	seq.s32 @!p0 s5, $0x0  }
0x1f: {  	s9 =	smul.u32 $0xF7A, s1;
	s8 =	simm.s32 @!p0 $0x1BF5;
	p2 =	por !p2, p0  }
0x20: {  	[sflag:s8] =	ssyncset.s32 @!p0 $0xFFFFF086;
	s6 =	sadd.s32 @!p0 s3, s7;
	s7 =	simm.s32 @!p0 $0x108  }
0x21: {  	s3 =	sadd.s32 s3, s9;
	s6 =	sadd.s32 @!p0 $0x88, s6;
	s7 =	simm.s32 @p2 $0x1082  }
0x22: {  	[simem:s7], [sflag:s8] =	dma.local @!p0 [hbm:s6], $0xF7A  }
0x23: {  	s9 =	sor.u32 $0xD0000000, s2;
	s6 =	simm.s32 $0x108;
	_ =	swait.ge @!p0 [sflag:s8], $0x0  }
0x24: {  	s3 =	sadd.s32 $0x88, s3;
	s6 =	simm.s32 @!p1 $0x1082;
	[sflag:s4] =	ssyncset.s32 $0xFFFFF086  }
0x25: {  	[simem:s6], [sflag:s4] =	dma.local [hbm:s3], $0xF7A  }
0x26: {  	[smem:$0x3F95] =	sst s1;
	(tag) =	ssettag s2;
	_ =	strace s9  }
0x27: {  	s1 =	sld [smem:$0x3FA5]  }
0x28: {  	s2 =	sld [smem:$0x3FA6]  }
0x29: {  	s4 =	sld [smem:$0x3FA8]  }
0x2a: {  	p0 =	seq.s32 s5, $0x0;
	s5 =	sld [smem:$0x3FA9]  }
0x2b: {  	s6 =	sld [smem:$0x3FAA]  }
0x2c: {  	s7 =	sld [smem:$0x3FAB]  }
0x2d: {  	s3 =	simm.s32 $0x108;
	s8 =	sld [smem:$0x3FAC]  }
0x2e: {  	s3 =	simm.s32 @!p0 $0x1082;
	s9 =	sld [smem:$0x3FAD]  }
0x2f: {  	lr =	sadd.s32 s0, s3;
	s0 =	sld [smem:$0x3FA4]  }
0x30: {  	s3 =	sld [smem:$0x3FA7]  }
0x31: {  	[smem:$0x3FB0] =	sst s10  }
0x32: {  	s10 =	sld [smem:$0x3FAE];
	_ =	sdelay $0x3  }
0x33: {  	p0 =	seq.s32 s10, $0x1;
	s10 =	sld [smem:$0x3FB0];
	_ =	sdelay $0x3  }
0x34: {  	[smem:$0x3FB0] =	sst s10  }
0x35: {  	s10 =	sld [smem:$0x3FAF];
	_ =	sdelay $0x3  }
0x36: {  	p1 =	seq.s32 s10, $0x1;
	s10 =	sld [smem:$0x3FB0];
	_ =	sdelay $0x3  }
0x37: {  	[smem:$0x3FB0] =	sst s10  }
0x38: {  	s10 =	sld [smem:$0x3FB1]  }
0x39: {  	_ = 	snop;
	(pc) =	sbr.ind lr, $3  }
0x3a: {  	_ = 	snop  }
0x3b: {  	_ = 	snop  }
0x3c: {  	p2 =	seq.s32 s10, $0x1;
	s10 =	sld [smem:$0x3FB0]  }
0x3d: {  	_ =	shalt  }
0x3e: {  	_ =	shalt  }
0x3f: {  	_ =	shalt  }
0x40: {  	_ =	shalt  }
0x41: {  	_ =	shalt  }
0x42: {  	_ =	shalt  }
0x43: {  	_ =	shalt  }
0x44: {  	_ =	shalt  }
0x45: {  	_ =	shalt  }
0x46: {  	_ =	shalt  }
0x47: {  	_ =	shalt  }
0x48: {  	_ =	shalt  }
0x49: {  	_ =	shalt  }
0x4a: {  	_ =	shalt  }
0x4b: {  	_ =	shalt  }
0x4c: {  	_ =	shalt  }
0x4d: {  	_ =	shalt  }
0x4e: {  	_ =	shalt  }
0x4f: {  	_ =	shalt  }
0x50: {  	_ =	shalt  }
0x51: {  	_ =	shalt  }
0x52: {  	_ =	shalt  }
0x53: {  	_ =	shalt  }
0x54: {  	_ =	shalt  }
0x55: {  	_ =	shalt  }
0x56: {  	_ =	shalt  }
0x57: {  	_ =	shalt  }
0x58: {  	_ =	shalt  }
0x59: {  	_ =	shalt  }
0x5a: {  	_ =	shalt  }
0x5b: {  	_ =	shalt  }
0x5c: {  	_ =	shalt  }
0x5d: {  	_ =	shalt  }
0x5e: {  	_ =	shalt  }
0x5f: {  	_ =	shalt  }
0x60: {  	_ =	shalt  }
0x61: {  	_ =	shalt  }
0x62: {  	_ =	shalt  }
0x63: {  	_ =	shalt  }
0x64: {  	_ =	shalt  }
0x65: {  	_ =	shalt  }
0x66: {  	_ =	shalt  }
0x67: {  	_ =	shalt  }
0x68: {  	_ =	shalt  }
0x69: {  	_ =	shalt  }
0x6a: {  	_ =	shalt  }
0x6b: {  	_ =	shalt  }
0x6c: {  	_ =	shalt  }
0x6d: {  	_ =	shalt  }
0x6e: {  	_ =	shalt  }
0x6f: {  	_ =	shalt  }
0x70: {  	_ =	shalt  }
0x71: {  	_ =	shalt  }
0x72: {  	_ =	shalt  }
0x73: {  	_ =	shalt  }
0x74: {  	_ =	shalt  }
0x75: {  	_ =	shalt  }
0x76: {  	_ =	shalt  }
0x77: {  	_ =	shalt  }
0x78: {  	_ =	shalt  }
0x79: {  	_ =	shalt  }
0x7a: {  	_ =	shalt  }
0x7b: {  	_ =	shalt  }
0x7c: {  	_ =	shalt  }
0x7d: {  	_ =	shalt  }
0x7e: {  	_ =	shalt  }
0x7f: {  	_ =	shalt  }
0x80: {  	_ =	shalt  }
0x81: {  	_ =	shalt  }
0x82: {  	_ =	shalt  }
0x83: {  	_ =	shalt  }
0x84: {  	_ =	shalt  }
0x85: {  	_ =	shalt  }
0x86: {  	_ =	shalt  }
0x87: {  	_ =	shalt  }
.Lfunc_end0:
.L_simem_size_0:
called_computation.2_lowered:
.L_overlay_start_0:
0x88: {  	s2 =	sld [smem:$0x3FD9]  }
0x89: {  	s3 =	sld [smem:$0x3FFE];
	_ =	sdelay $0x1  }
0x8a: {  	s1 =	srdreg.scid  }
0x8b: {  	s0 =	sand.u32 $0x1, s1  }
0x8c: {  	s17 =	sshll.u32 s0, $0xA;
	s2 =	sadd.s32 s3, s2  }
0x8d: {  	s2 =	sadd.s32 s2, s17  }
0x8e: {  	[smem:$0x3FBC] =	sst s2  }
0x8f: {  	_ = 	snop  }
0x90: {  	s2 =	sld [smem:$0x3FD0];
	(tm) =	ssettm $0x1  }
0x91: {  	s18 =	sld [smem:$0x3FFB];
	_ =	sdelay $0x3  }
0x92: {  	_ =	strace s18  }
0x93: {  	s3 =	sld [smem:$0x3FFC];
	_ =	sdelay $0x3  }
0x94: {  	_ =	strace s3  }
0x95: {  	s3 =	sld [smem:$0x3FFD];
	_ =	sdelay $0x3  }
0x96: {  	_ =	strace s3  }
0x97: {  	_ =	strace $0x8FFFFFFF  }
0x98: {  	s19 =	sld [smem:$0x3FDB];
	_ =	sdelay $0x1  }
0x99: {  	s4 =	simm.s32 $_scs_section_size  }
0x9a: {  	s5 =	simm.s32 $_size__tile_overlayer_lowered;
	s6 =	simm.s32 $_tile_overlayer_lowered  }
0x9b: {  	s22 =	simm.s32 $0x1BFF;
	s21 =	sshll.u32 s6, $0x1;
	s3 =	sadd.s32 s4, s19  }
0x9c: {  	s7 =	simm.s32 $0x0;
	s20 =	sshll.u32 s5, $0x1;
	s5 =	sadd.s32 s21, s3  }
0x9d: {  	[timem:s7], [sflag:s22] =	dma.local [hbm:s5], s20  }
0x9e: {  	_ =	swait.ge [sflag:s22], s20  }
0x9f: {  	s4 =	ssub.s32 $0x0, s20;
	[sflag:s22] =	ssyncset.done $0x0  }
0xa0: {  	[sflag:s22] =	ssyncadd.s32 s4;
	_ =	sdelay $0x1  }
0xa1: {  	s23 =	simm.s32 $0x1B8B  }
0xa2: {  	_ =	swait.ge [sflag:s23], $0x1  }
0xa3: {  	[sflag:s23] =	ssyncset.done $0x0  }
0xa4: {  	s25 =	simm.s32 $0x1B8E;
	s24 =	sld [smem:$0x3FFE];
	[sflag:s23] =	ssyncadd.s32 $0xFFFFFFFF  }
0xa5: {  	s26 =	simm.s32 $execute0_lowered;
	[smem:$0x3FD2] =	sst s25  }
0xa6: {  	s5 =	sshll.u32 s26, $0x1;
	_ =	strace $0x8000004C;
	[dreg:$0x1] =	wrdreg $0xFFFFFFFF  }
0xa7: {  	s28 =	simm.s32 $_size_execute0_lowered;
	s3 =	sadd.s32 s3, s5;
	[dreg:$0x0] =	wrdreg $0x0  }
0xa8: {  	s5 =	sshll.u32 s28, $0x1;
	[dreg:$0x2] =	wrdreg s3  }
0xa9: {  	[dreg:$0x3] =	wrdreg s5  }
0xaa: {  	[dreg:$0x4] =	wrdreg $0xC0  }
0xab: {  	_ =	task [dreg:s7], $0x5FFFF  }
0xac: {  	[dreg:$0x1] =	wrdreg $0xFFFFFFFF  }
0xad: {  	[dreg:$0x0] =	wrdreg $0x60  }
0xae: {  	[dreg:$0x2] =	wrdreg s24  }
0xaf: {  	[dreg:$0x3] =	wrdreg s2  }
0xb0: {  	[dreg:$0x4] =	wrdreg $0xAA000  }
0xb1: {  	[dreg:$0x5] =	wrdreg $0x1EA000  }
0xb2: {  	[dreg:$0x6] =	wrdreg $0x9  }
0xb3: {  	_ =	task.clear_ibuf [dreg:s7], $0x7FFFF;
	_ =	strace $0x9000004C  }
0xb4: {  	s29 =	simm.s32 $0x9;
	_ =	strace $0x8000004E  }
0xb5: {  	_ =	swait.ge [sflag:s29], $0x1  }
0xb6: {  	[sflag:s29] =	ssyncadd.s32 $0xFFFFFFFF  }
0xb7: {  	_ =	strace $0x9000004E  }
0xb8: {  	_ =	sfence  }
0xb9: {  	s30 =	sld [smem:$0x0];
	_ =	sdelay $0x2  }
0xba: {  	s31 =	sshll.u32 s1, $0xD;
	s1 =	sshrl.u32 s1, $0x2  }
0xbb: {  	s3 =	sand.u32 $0x4000, s31;
	s1 =	sadd.s32 s1, s30  }
0xbc: {  	s0 =	sor.u32 s3, s0;
	s1 =	sshll.u32 s1, $0x11  }
0xbd: {  	s0 =	sor.u32 s1, s0  }
0xbe: {  	s0 =	sadd.s32 $0x8F2B, s0  }
0xbf: {  	[sflag:s0] =	ssyncadd.remote.s32 $0x1  }
0xc0: {  	_ =	sfence.sel $0xFFFF  }
0xc1: {  	[dreg:$0x0] =	wrdreg $0xFFFFFFFF;
	(pc) =	sbr.abs _section_cstart, $3  }
0xc2: {  	[dreg:$0x1] =	wrdreg $0xFFFFFFFF  }
0xc3: {  	_ =	task.clear_ibuf [dreg:s7], $0x2FFFF;
	_ =	strace $0x9FFFFFFF  }
0xc4: {  	(tm) =	ssettm $0x7FFFFFFF  }
0xc5: {  	_ =	shalt  }
tec
execute0_lowered:
.L_overlay_start_1:
0x0: {  	(tag) =	ssettag $0x1  }
0x1: {  	s0 =	rddreg [dreg:$0x0]  }
0x2: {  	s29 =	rddreg [dreg:$0x2]  }
0x3: {  	s3 =	rddreg [dreg:$0x3];
	s17 =	simm.s32 $0x0;
	s1 =	srdreg.scid  }
0x4: {  	s11 =	stileid.u32;
	s13 =	simm.s32 $0x2;
	s14 =	simm.s32 $0xA  }
0x5: {  	s15 =	simm.s32 $0x3;
	s16 =	simm.s32 $0xB;
	s31 =	simm.s32 $0x5  }
0x6: {  	s12 =	simm.s32 $0x7;
	s2 =	simm.s32 $0x10;
	[smem:$0x7FF] =	sst s17  }
0x7: {  	s1 =	sand.u32 $0x1, s1;
	s5 =	smul.u32 $0x14000, s11;
	s6 =	sadd.s32 $0x91600, s0  }
0x8: {  	s7 =	sadd.s32 $0x4A00, s0;
	s8 =	smul.u32 $0x500, s11;
	s9 =	sadd.s32 $0x2D600, s0  }
0x9: {  	s19 =	sadd.s32 $0xB9600, s0;
	s20 =	sadd.s32 $0x4800, s0;
	s22 =	smul.u32 $0x50000, s11  }
0xa: {  	s10 =	smul.u32 $0xA00, s11;
	_ =	strace $0x8000004D;
	[dreg:$0x6] =	wrdreg s9  }
0xb: {  	s24 =	sshll.u32 s11, $0x6;
	s4 =	smul.u32 $0x140000, s1;
	[dreg:$0x7] =	wrdreg s19  }
0xc: {  	s18 =	sshll.u32 s1, $0x7;
	[dreg:$0x8] =	wrdreg s20;
	s21 =	ssub.s32 $0x2, s1  }
0xd: {  	s1 =	sshll.u32 s1, $0x4;
	s20 =	simm.s32 $0x40;
	s9 =	simm.s32 $0x1  }
0xe: {  	s19 =	simm.s32 $0x6;
	s23 =	sshrl.u32 s21, $0x1;
	s1 =	sor.u32 s11, s1  }
0xf: {  	s10 =	sshrl.u32 s10, $0x2;
	s11 =	simm.s32 $0xC;
	s4 =	sadd.s32 s5, s4  }
0x10: {  	s5 =	sor.u32 s18, s8;
	s8 =	sshrl.u32 s22, $0x2;
	s25 =	sadd.s32 s10, s3  }
0x11: {  	s1 =	smul.u32 $0xA0, s1;
	s22 =	simm.s32 $0x11;
	s10 =	simm.s32 $0x9  }
0x12: {  	s4 =	sshrl.u32 s4, $0x3;
	s5 =	sshrl.u32 s5, $0x3;
	s30 =	sshrl.u32 s25, $0x3  }
0x13: {  	s4 =	sadd.s32 s4, s0;
	s0 =	sadd.s32 s5, s0;
	[dreg:$0xa] =	wrdreg s1  }
0x14: {  	s5 =	ssub.s32 s21, s23;
	s21 =	sor.u32 $0x1C11, s24;
	[dreg:$0xf] =	wrdreg s30  }
0x15: {  	s18 =	simm.s32 $0x4;
	s26 =	sadd.s32 $0xE3E00, s4;
	[dreg:$0x9] =	wrdreg s21  }
0x16: {  	s8 =	sadd.s32 s8, s29;
	s0 =	sadd.s32 $0x133E00, s0;
	[dreg:$0xb] =	wrdreg s26  }
0x17: {  	s1 =	simm.s32 $0xD;
	s28 =	smax.u32 s5, $0x1;
	[dreg:$0xc] =	wrdreg s0  }
0x18: {  	s23 =	simm.s32 $0xF;
	s4 =	sshrl.u32 s8, $0x3;
	[dreg:$0xd] =	wrdreg s28  }
0x19: {  	s8 =	simm.s32 $0xE;
	s26 =	simm.s32 $0x8;
	[dreg:$0xe] =	wrdreg s4  }
.LBB2_1:
0x1a: {  	[dreg:$0x5] =	wrdreg s17  }
0x1b: {  	s25 =	rddreg [dreg:$0x7]  }
0x1c: {  	[spmem:s4], [sflag:s21] =	dma.local [hbm:s25], $0x2800  }
0x1d: {  	_ =	swait.ge [sflag:s22], $0x2800  }
0x1e: {  	[sflag:s22] =	ssyncset.done $0x0  }
0x1f: {  	s28 =	rddreg [dreg:$0x8];
	[sflag:s22] =	ssyncadd.s32 $0xFFFFD800  }
0x20: {  	[spmem:s30], [sflag:s21] =	dma.local [hbm:s28], $0x50  }
0x21: {  	_ =	swait.ge [sflag:s22], $0x50  }
0x22: {  	[sflag:s22] =	ssyncset.done $0x0  }
0x23: {  	[sflag:s22] =	ssyncadd.s32 $0xFFFFFFB0  }
0x24: {  	s0 =	simm.s32 $0x0;
	[bflag:$0x0] =	sbarrier.arrive $0xFFFF  }
.LBB2_2:
0x25: {  	s17 =	smul.u32 $0x28, s0  }
0x26: {  	s21 =	rddreg [dreg:$0xa]  }
0x27: {  	[dreg:$0x10] =	wrdreg s0;
	s17 =	sadd.s32 s21, s17  }
0x28: {  	s5 =	rddreg [dreg:$0x1];
	s21 =	sshll.u32 s17, $0x4  }
0x29: {  	s24 =	simm.s32 $0x0;
	s28 =	simm.s32 $0x1400;
	s30 =	sadd.s32 s5, s21  }
0x2a: {  	[tilespmem:s28], [sflag:$0x11] =	stream.linear.gather [hbm4b:s30+s24], $0x1400, $0x38;
	[tilespmem:$0x1EC80] =	vst v63  }
0x2b: {  	_ =	swait.ge [sflag:s22], $0x1400  }
0x2c: {  	[sflag:s22] =	ssyncset.done $0x0;
	s4 =	rddreg [dreg:$0x6]  }
0x2d: {  	s30 =	simm.s32 $0x11;
	[sflag:s22] =	ssyncadd.s32 $0xFFFFEC00;
	s21 =	sadd.s32 s4, s21  }
0x2e: {  	[tilespmem:s24], [sflag:$0x11] =	stream.linear.gather [hbm4b:s21+s24], $0x1400, $0x38;
	[tilespmem:$0x1EC80] =	vst v63  }
0x2f: {  	_ =	swait.ge [sflag:s30], $0x1400  }
0x30: {  	[sflag:s30] =	ssyncset.done $0x0  }
0x31: {  	s22 =	simm.s32 $0x2800;
	[sflag:s30] =	ssyncadd.s32 $0xFFFFEC00  }
0x32: {  	[tilespmem:s22], [sflag:$0x1] =	stream.indirect.gather [hbm4b:s6+s20], $0x80, s24, s20, $0xb8;
	[tilespmem:$0x1EC80] =	vst v63  }
0x33: {  	s25 =	simm.s32 $0xA800  }
0x34: {  	[tilespmem:s25], [sflag:$0x9] =	stream.indirect.gather [hbm4b:s7+s20], $0x1, s24, s20, $0xb8;
	[tilespmem:$0x1EC80] =	vst v63  }
0x35: {  	s5 =	simm.s32 $0x80;
	s4 =	simm.s32 $0x4800  }
0x36: {  	[tilespmem:s4], [sflag:$0x2] =	stream.indirect.gather [hbm4b:s6+s20], $0x80, s5, s20, $0xb8;
	[tilespmem:$0x1EC80] =	vst v63  }
0x37: {  	s24 =	simm.s32 $0xA880  }
0x38: {  	[tilespmem:s24], [sflag:$0xA] =	stream.indirect.gather [hbm4b:s7+s20], $0x1, s5, s20, $0xb8;
	[tilespmem:$0x1EC80] =	vst v63  }
0x39: {  	s21 =	simm.s32 $0x100;
	s5 =	simm.s32 $0x6800  }
0x3a: {  	[tilespmem:s5], [sflag:$0x3] =	stream.indirect.gather [hbm4b:s6+s20], $0x80, s21, s20, $0xb8;
	[tilespmem:$0x1EC80] =	vst v63  }
0x3b: {  	s30 =	simm.s32 $0xA900  }
0x3c: {  	[tilespmem:s30], [sflag:$0xB] =	stream.indirect.gather [hbm4b:s7+s20], $0x1, s21, s20, $0xb8;
	[tilespmem:$0x1EC80] =	vst v63  }
0x3d: {  	s17 =	simm.s32 $0x180;
	s21 =	simm.s32 $0x8800  }
0x3e: {  	[tilespmem:s21], [sflag:$0x4] =	stream.indirect.gather [hbm4b:s6+s20], $0x80, s17, s20, $0xb8;
	[tilespmem:$0x1EC80] =	vst v63  }
0x3f: {  	s28 =	simm.s32 $0xA980  }
0x40: {  	[tilespmem:s28], [sflag:$0xC] =	stream.indirect.gather [hbm4b:s7+s20], $0x1, s17, s20, $0xb8;
	[tilespmem:$0x1EC80] =	vst v63  }
0x41: {  	_ =	swait.ge [sflag:s9], $0x2000  }
0x42: {  	[sflag:s9] =	ssyncset.done $0x0  }
0x43: {  	[sflag:s9] =	ssyncadd.s32 $0xFFFFE000;
	s9 =	simm.s32 $0x1400  }
0x44: {  	[spmem:s29] =	stream.indirect.scatter.add.f32 [tilespmem:s22], [sflag:$0x5], $0x80, s9, s20, $0xb8;
	[tilespmem:$0x1EC80] =	vst v63  }
0x45: {  	_ =	swait.ge [sflag:s10], $0x40  }
0x46: {  	[sflag:s10] =	ssyncset.done $0x0  }
0x47: {  	[sflag:s10] =	ssyncadd.s32 $0xFFFFFFC0  }
0x48: {  	[spmem:s3] =	stream.indirect.scatter.add.f32 [tilespmem:s25], [sflag:$0xD], $0x1, s9, s20, $0xb8;
	[tilespmem:$0x1EC80] =	vst v63  }
0x49: {  	_ =	swait.ge [sflag:s13], $0x2000  }
0x4a: {  	[sflag:s13] =	ssyncset.done $0x0  }
0x4b: {  	[sflag:s13] =	ssyncadd.s32 $0xFFFFE000;
	s13 =	simm.s32 $0x1480  }
0x4c: {  	[spmem:s29] =	stream.indirect.scatter.add.f32 [tilespmem:s4], [sflag:$0x6], $0x80, s13, s20, $0xb8;
	[tilespmem:$0x1EC80] =	vst v63  }
0x4d: {  	_ =	swait.ge [sflag:s14], $0x40  }
0x4e: {  	[sflag:s14] =	ssyncset.done $0x0  }
0x4f: {  	[sflag:s14] =	ssyncadd.s32 $0xFFFFFFC0  }
0x50: {  	[spmem:s3] =	stream.indirect.scatter.add.f32 [tilespmem:s24], [sflag:$0xE], $0x1, s13, s20, $0xb8;
	[tilespmem:$0x1EC80] =	vst v63  }
0x51: {  	_ =	swait.ge [sflag:s15], $0x2000  }
0x52: {  	[sflag:s15] =	ssyncset.done $0x0  }
0x53: {  	s14 =	simm.s32 $0x1500;
	[sflag:s15] =	ssyncadd.s32 $0xFFFFE000  }
0x54: {  	[spmem:s29] =	stream.indirect.scatter.add.f32 [tilespmem:s5], [sflag:$0x7], $0x80, s14, s20, $0xb8;
	[tilespmem:$0x1EC80] =	vst v63  }
0x55: {  	_ =	swait.ge [sflag:s16], $0x40  }
0x56: {  	[sflag:s16] =	ssyncset.done $0x0  }
0x57: {  	[sflag:s16] =	ssyncadd.s32 $0xFFFFFFC0  }
0x58: {  	[spmem:s3] =	stream.indirect.scatter.add.f32 [tilespmem:s30], [sflag:$0xF], $0x1, s14, s20, $0xb8;
	[tilespmem:$0x1EC80] =	vst v63  }
0x59: {  	_ =	swait.ge [sflag:s18], $0x2000  }
0x5a: {  	[sflag:s18] =	ssyncset.done $0x0  }
0x5b: {  	s15 =	simm.s32 $0x1580;
	s16 =	simm.s32 $0x8800;
	[sflag:s18] =	ssyncadd.s32 $0xFFFFE000  }
0x5c: {  	[spmem:s29] =	stream.indirect.scatter.add.f32 [tilespmem:s16], [sflag:$0x8], $0x80, s15, s20, $0xb8;
	[tilespmem:$0x1EC80] =	vst v63  }
0x5d: {  	_ =	swait.ge [sflag:s11], $0x40  }
0x5e: {  	[sflag:s11] =	ssyncset.done $0x0  }
0x5f: {  	s0 =	simm.s32 $0x0;
	[sflag:s11] =	ssyncadd.s32 $0xFFFFFFC0  }
0x60: {  	[spmem:s3] =	stream.indirect.scatter.add.f32 [tilespmem:s28], [sflag:$0x10], $0x1, s15, s20, $0xb8;
	[tilespmem:$0x1EC80] =	vst v63  }
0x61: {  	s18 =	smin.u32 s0, $0x23;
	_ =	swait.ge [sflag:s31], $0x2000  }
0x62: {  	s21 =	sshll.u32 s18, $0x7;
	[sflag:s31] =	ssyncset.done $0x0  }
0x63: {  	s21 =	sadd.s32 $0x200, s21;
	[sflag:s31] =	ssyncadd.s32 $0xFFFFE000  }
0x64: {  	[tilespmem:s22], [sflag:$0x1] =	stream.indirect.gather [hbm4b:s6+s20], $0x80, s21, s20, $0xb8;
	[tilespmem:$0x1EC80] =	vst v63  }
0x65: {  	_ =	swait.ge [sflag:s1], $0x40  }
0x66: {  	[sflag:s1] =	ssyncset.done $0x0  }
0x67: {  	[sflag:s1] =	ssyncadd.s32 $0xFFFFFFC0  }
0x68: {  	[tilespmem:s25], [sflag:$0x9] =	stream.indirect.gather [hbm4b:s7+s20], $0x1, s21, s20, $0xb8;
	[tilespmem:$0x1EC80] =	vst v63  }
0x69: {  	s25 =	smin.u32 s0, $0x22;
	_ =	swait.ge [sflag:s19], $0x2000  }
0x6a: {  	s21 =	sshll.u32 s25, $0x7;
	[sflag:s19] =	ssyncset.done $0x0  }
0x6b: {  	s21 =	sadd.s32 $0x280, s21;
	[sflag:s19] =	ssyncadd.s32 $0xFFFFE000  }
0x6c: {  	[tilespmem:s4], [sflag:$0x2] =	stream.indirect.gather [hbm4b:s6+s20], $0x80, s21, s20, $0xb8;
	[tilespmem:$0x1EC80] =	vst v63  }
0x6d: {  	_ =	swait.ge [sflag:s8], $0x40  }
0x6e: {  	[sflag:s8] =	ssyncset.done $0x0  }
0x6f: {  	[sflag:s8] =	ssyncadd.s32 $0xFFFFFFC0  }
0x70: {  	[tilespmem:s24], [sflag:$0xA] =	stream.indirect.gather [hbm4b:s7+s20], $0x1, s21, s20, $0xb8;
	[tilespmem:$0x1EC80] =	vst v63  }
0x71: {  	s28 =	smin.u32 s0, $0x21;
	_ =	swait.ge [sflag:s12], $0x2000  }
0x72: {  	s21 =	sshll.u32 s28, $0x7;
	[sflag:s12] =	ssyncset.done $0x0  }
0x73: {  	s21 =	sadd.s32 $0x300, s21;
	[sflag:s12] =	ssyncadd.s32 $0xFFFFE000  }
0x74: {  	[tilespmem:s5], [sflag:$0x3] =	stream.indirect.gather [hbm4b:s6+s20], $0x80, s21, s20, $0xb8;
	[tilespmem:$0x1EC80] =	vst v63  }
0x75: {  	s10 =	simm.s32 $0x9;
	s9 =	simm.s32 $0x1;
	_ =	swait.ge [sflag:s23], $0x40  }
0x76: {  	s13 =	simm.s32 $0x2;
	s14 =	simm.s32 $0xA;
	[sflag:s23] =	ssyncset.done $0x0  }
0x77: {  	s15 =	simm.s32 $0x3;
	s31 =	smin.u32 s0, $0x20;
	[sflag:s23] =	ssyncadd.s32 $0xFFFFFFC0  }
0x78: {  	[tilespmem:s30], [sflag:$0xB] =	stream.indirect.gather [hbm4b:s7+s20], $0x1, s21, s20, $0xb8;
	[tilespmem:$0x1EC80] =	vst v63  }
0x79: {  	s17 =	sshll.u32 s31, $0x7;
	s1 =	simm.s32 $0xD;
	_ =	swait.ge [sflag:s26], $0x2000  }
0x7a: {  	s19 =	simm.s32 $0x6;
	s8 =	simm.s32 $0xE;
	[sflag:s26] =	ssyncset.done $0x0  }
0x7b: {  	s12 =	simm.s32 $0x7;
	s21 =	sadd.s32 $0x380, s17;
	[sflag:s26] =	ssyncadd.s32 $0xFFFFE000  }
0x7c: {  	[tilespmem:s16], [sflag:$0x4] =	stream.indirect.gather [hbm4b:s6+s20], $0x80, s21, s20, $0xb8;
	[tilespmem:$0x1EC80] =	vst v63  }
0x7d: {  	s23 =	simm.s32 $0xF;
	s17 =	simm.s32 $0x4;
	_ =	swait.ge [sflag:s2], $0x40  }
0x7e: {  	s30 =	simm.s32 $0x1780;
	s26 =	simm.s32 $0x8;
	[sflag:s2] =	ssyncset.done $0x0  }
0x7f: {  	s16 =	simm.s32 $0xB;
	[sflag:s2] =	ssyncadd.s32 $0xFFFFFFC0;
	s2 =	simm.s32 $0x10  }
.LBB2_3:
0x80: {  	s31 =	simm.s32 $0xA980  }
0x81: {  	[tilespmem:s31], [sflag:$0xC] =	stream.indirect.gather [hbm4b:s7+s20], $0x1, s21, s20, $0xb8;
	[tilespmem:$0x1EC80] =	vst v63  }
0x82: {  	s21 =	smov.u32 s17  }
0x83: {  	p0 =	sne.s32 s17, $0x24;
	s17 =	sadd.s32 $0x4, s17;
	_ =	swait.ge [sflag:s9], $0x2000  }
0x84: {  	[sflag:s9] =	ssyncset.done $0x0  }
0x85: {  	s22 =	sadd.s32 $0xFFFFFE80, s30;
	s25 =	simm.s32 $0x2800;
	[sflag:s9] =	ssyncadd.s32 $0xFFFFE000  }
0x86: {  	[spmem:s29] =	stream.indirect.scatter.add.f32 [tilespmem:s25], [sflag:$0x5], $0x80, s22, s20, $0xb8;
	[tilespmem:$0x1EC80] =	vst v63  }
0x87: {  	_ =	swait.ge [sflag:s10], $0x40  }
0x88: {  	[sflag:s10] =	ssyncset.done $0x0  }
0x89: {  	s28 =	simm.s32 $0xA800;
	[sflag:s10] =	ssyncadd.s32 $0xFFFFFFC0  }
0x8a: {  	[spmem:s3] =	stream.indirect.scatter.add.f32 [tilespmem:s28], [sflag:$0xD], $0x1, s22, s20, $0xb8;
	[tilespmem:$0x1EC80] =	vst v63  }
0x8b: {  	_ =	swait.ge [sflag:s13], $0x2000  }
0x8c: {  	[sflag:s13] =	ssyncset.done $0x0  }
0x8d: {  	s0 =	simm.s32 $0x4800;
	s22 =	sadd.s32 $0xFFFFFF00, s30;
	[sflag:s13] =	ssyncadd.s32 $0xFFFFE000  }
0x8e: {  	[spmem:s29] =	stream.indirect.scatter.add.f32 [tilespmem:s0], [sflag:$0x6], $0x80, s22, s20, $0xb8;
	[tilespmem:$0x1EC80] =	vst v63  }
0x8f: {  	_ =	swait.ge [sflag:s14], $0x40  }
0x90: {  	[sflag:s14] =	ssyncset.done $0x0  }
0x91: {  	s24 =	simm.s32 $0xA880;
	[sflag:s14] =	ssyncadd.s32 $0xFFFFFFC0  }
0x92: {  	[spmem:s3] =	stream.indirect.scatter.add.f32 [tilespmem:s24], [sflag:$0xE], $0x1, s22, s20, $0xb8;
	[tilespmem:$0x1EC80] =	vst v63  }
0x93: {  	_ =	swait.ge [sflag:s15], $0x2000  }
0x94: {  	[sflag:s15] =	ssyncset.done $0x0  }
0x95: {  	s4 =	simm.s32 $0x6800;
	s22 =	sadd.s32 $0xFFFFFF80, s30;
	[sflag:s15] =	ssyncadd.s32 $0xFFFFE000  }
0x96: {  	[spmem:s29] =	stream.indirect.scatter.add.f32 [tilespmem:s4], [sflag:$0x7], $0x80, s22, s20, $0xb8;
	[tilespmem:$0x1EC80] =	vst v63  }
0x97: {  	_ =	swait.ge [sflag:s16], $0x40  }
0x98: {  	[sflag:s16] =	ssyncset.done $0x0  }
0x99: {  	s5 =	simm.s32 $0xA900;
	s11 =	simm.s32 $0x4;
	[sflag:s16] =	ssyncadd.s32 $0xFFFFFFC0  }
0x9a: {  	[spmem:s3] =	stream.indirect.scatter.add.f32 [tilespmem:s5], [sflag:$0xF], $0x1, s22, s20, $0xb8;
	[tilespmem:$0x1EC80] =	vst v63  }
0x9b: {  	_ =	swait.ge [sflag:s11], $0x2000  }
0x9c: {  	[sflag:s11] =	ssyncset.done $0x0  }
0x9d: {  	s18 =	simm.s32 $0x8800;
	[sflag:s11] =	ssyncadd.s32 $0xFFFFE000;
	s11 =	simm.s32 $0xC  }
0x9e: {  	[spmem:s29] =	stream.indirect.scatter.add.f32 [tilespmem:s18], [sflag:$0x8], $0x80, s30, s20, $0xb8;
	[tilespmem:$0x1EC80] =	vst v63  }
0x9f: {  	_ =	swait.ge [sflag:s11], $0x40  }
0xa0: {  	[sflag:s11] =	ssyncset.done $0x0  }
0xa1: {  	[sflag:s11] =	ssyncadd.s32 $0xFFFFFFC0  }
0xa2: {  	[spmem:s3] =	stream.indirect.scatter.add.f32 [tilespmem:s31], [sflag:$0x10], $0x1, s30, s20, $0xb8;
	[tilespmem:$0x1EC80] =	vst v63  }
0xa3: {  	s11 =	simm.s32 $0xA980;
	s31 =	simm.s32 $0x5  }
0xa4: {  	s22 =	smin.u32 s21, $0x23;
	_ =	swait.ge [sflag:s31], $0x2000  }
0xa5: {  	s22 =	sshll.u32 s22, $0x7;
	[sflag:s31] =	ssyncset.done $0x0  }
0xa6: {  	s22 =	sadd.s32 $0x200, s22;
	[sflag:s31] =	ssyncadd.s32 $0xFFFFE000  }
0xa7: {  	[tilespmem:s25], [sflag:$0x1] =	stream.indirect.gather [hbm4b:s6+s20], $0x80, s22, s20, $0xb8;
	[tilespmem:$0x1EC80] =	vst v63  }
0xa8: {  	_ =	swait.ge [sflag:s1], $0x40  }
0xa9: {  	[sflag:s1] =	ssyncset.done $0x0  }
0xaa: {  	[sflag:s1] =	ssyncadd.s32 $0xFFFFFFC0  }
0xab: {  	[tilespmem:s28], [sflag:$0x9] =	stream.indirect.gather [hbm4b:s7+s20], $0x1, s22, s20, $0xb8;
	[tilespmem:$0x1EC80] =	vst v63  }
0xac: {  	s22 =	smin.u32 s21, $0x22;
	_ =	swait.ge [sflag:s19], $0x2000  }
0xad: {  	s22 =	sshll.u32 s22, $0x7;
	[sflag:s19] =	ssyncset.done $0x0  }
0xae: {  	s22 =	sadd.s32 $0x280, s22;
	[sflag:s19] =	ssyncadd.s32 $0xFFFFE000  }
0xaf: {  	[tilespmem:s0], [sflag:$0x2] =	stream.indirect.gather [hbm4b:s6+s20], $0x80, s22, s20, $0xb8;
	[tilespmem:$0x1EC80] =	vst v63  }
0xb0: {  	_ =	swait.ge [sflag:s8], $0x40  }
0xb1: {  	[sflag:s8] =	ssyncset.done $0x0  }
0xb2: {  	[sflag:s8] =	ssyncadd.s32 $0xFFFFFFC0  }
0xb3: {  	[tilespmem:s24], [sflag:$0xA] =	stream.indirect.gather [hbm4b:s7+s20], $0x1, s22, s20, $0xb8;
	[tilespmem:$0x1EC80] =	vst v63  }
0xb4: {  	s22 =	smin.u32 s21, $0x21;
	_ =	swait.ge [sflag:s12], $0x2000  }
0xb5: {  	s22 =	sshll.u32 s22, $0x7;
	[sflag:s12] =	ssyncset.done $0x0  }
0xb6: {  	s22 =	sadd.s32 $0x300, s22;
	[sflag:s12] =	ssyncadd.s32 $0xFFFFE000  }
0xb7: {  	[tilespmem:s4], [sflag:$0x3] =	stream.indirect.gather [hbm4b:s6+s20], $0x80, s22, s20, $0xb8;
	[tilespmem:$0x1EC80] =	vst v63  }
0xb8: {  	_ =	swait.ge [sflag:s23], $0x40  }
0xb9: {  	[sflag:s23] =	ssyncset.done $0x0  }
0xba: {  	[sflag:s23] =	ssyncadd.s32 $0xFFFFFFC0  }
0xbb: {  	[tilespmem:s5], [sflag:$0xB] =	stream.indirect.gather [hbm4b:s7+s20], $0x1, s22, s20, $0xb8;
	[tilespmem:$0x1EC80] =	vst v63  }
0xbc: {  	s21 =	smin.u32 s21, $0x20;
	_ =	swait.ge [sflag:s26], $0x2000  }
0xbd: {  	s21 =	sshll.u32 s21, $0x7;
	[sflag:s26] =	ssyncset.done $0x0  }
.Ltmp0:
0xbe: {  	s21 =	sadd.s32 $0x380, s21;
	[sflag:s26] =	ssyncadd.s32 $0xFFFFE000;
	(pc) =	sbr.rel @p0 .LBB2_3-.Ltmp0, $4  }
0xbf: {  	[tilespmem:s18], [sflag:$0x4] =	stream.indirect.gather [hbm4b:s6+s20], $0x80, s21, s20, $0xb8;
	[tilespmem:$0x1EC80] =	vst v63  }
0xc0: {  	_ =	swait.ge [sflag:s2], $0x40  }
0xc1: {  	[sflag:s2] =	ssyncset.done $0x0  }
0xc2: {  	s30 =	sadd.s32 $0x200, s30;
	[sflag:s2] =	ssyncadd.s32 $0xFFFFFFC0  }
0xc3: {  	[tilespmem:s11], [sflag:$0xC] =	stream.indirect.gather [hbm4b:s7+s20], $0x1, s21, s20, $0xb8;
	[tilespmem:$0x1EC80] =	vst v63  }
0xc4: {  	_ =	swait.ge [sflag:s9], $0x2000  }
0xc5: {  	[sflag:s9] =	ssyncset.done $0x0  }
0xc6: {  	[sflag:s9] =	ssyncadd.s32 $0xFFFFE000  }
0xc7: {  	_ =	swait.ge [sflag:s10], $0x40  }
0xc8: {  	[sflag:s10] =	ssyncset.done $0x0  }
0xc9: {  	[sflag:s10] =	ssyncadd.s32 $0xFFFFFFC0  }
0xca: {  	_ =	swait.ge [sflag:s13], $0x2000  }
0xcb: {  	[sflag:s13] =	ssyncset.done $0x0  }
0xcc: {  	[sflag:s13] =	ssyncadd.s32 $0xFFFFE000  }
0xcd: {  	_ =	swait.ge [sflag:s14], $0x40  }
0xce: {  	[sflag:s14] =	ssyncset.done $0x0  }
0xcf: {  	[sflag:s14] =	ssyncadd.s32 $0xFFFFFFC0  }
0xd0: {  	_ =	swait.ge [sflag:s15], $0x2000  }
0xd1: {  	[sflag:s15] =	ssyncset.done $0x0  }
0xd2: {  	[sflag:s15] =	ssyncadd.s32 $0xFFFFE000  }
0xd3: {  	_ =	swait.ge [sflag:s16], $0x40  }
0xd4: {  	[sflag:s16] =	ssyncset.done $0x0  }
0xd5: {  	s0 =	simm.s32 $0x4;
	[sflag:s16] =	ssyncadd.s32 $0xFFFFFFC0  }
0xd6: {  	_ =	swait.ge [sflag:s0], $0x2000  }
0xd7: {  	[sflag:s0] =	ssyncset.done $0x0  }
0xd8: {  	s1 =	simm.s32 $0xC;
	[sflag:s0] =	ssyncadd.s32 $0xFFFFE000  }
0xd9: {  	_ =	swait.ge [sflag:s1], $0x40  }
0xda: {  	s30 =	rddreg [dreg:$0x10]  }
0xdb: {  	s22 =	simm.s32 $0x11;
	s18 =	simm.s32 $0x4;
	s0 =	sadd.s32 $0x1, s30  }
0xdc: {  	s11 =	simm.s32 $0xC;
	s19 =	simm.s32 $0x6;
	p0 =	sne.s32 s0, $0x4  }
.Ltmp1:
0xdd: {  	s8 =	simm.s32 $0xE;
	s12 =	simm.s32 $0x7;
	(pc) =	sbr.rel @p0 .LBB2_2-.Ltmp1, $4  }
0xde: {  	s23 =	simm.s32 $0xF;
	s26 =	simm.s32 $0x8;
	s2 =	simm.s32 $0x10  }
0xdf: {  	s9 =	simm.s32 $0x1;
	s10 =	simm.s32 $0x9;
	s13 =	simm.s32 $0x2  }
0xe0: {  	s14 =	simm.s32 $0xA;
	s15 =	simm.s32 $0x3;
	[sflag:s1] =	ssyncset.done $0x0  }
0xe1: {  	s16 =	simm.s32 $0xB;
	[sflag:s1] =	ssyncadd.s32 $0xFFFFFFC0;
	s1 =	simm.s32 $0xD  }
0xe2: {  	[bflag:$0x0] =	sbarrier.arrive $0xFFFF  }
0xe3: {  	s21 =	rddreg [dreg:$0x9]  }
0xe4: {  	s17 =	rddreg [dreg:$0xb]  }
0xe5: {  	s4 =	rddreg [dreg:$0xe]  }
0xe6: {  	[hbm:s17], [sflag:s21] =	dma.local [spmem:s4], $0x2800  }
0xe7: {  	_ =	swait.ge [sflag:s22], $0x2800  }
0xe8: {  	[sflag:s22] =	ssyncset.done $0x0;
	s24 =	rddreg [dreg:$0xc]  }
0xe9: {  	s0 =	simm.s32 $0x20;
	s30 =	rddreg [dreg:$0xf];
	[sflag:s22] =	ssyncadd.s32 $0xFFFFD800  }
0xea: {  	[hbm:s24@s0], [sflag:s21] =	dma.strided [spmem:s30@s2], $0x50, s9, $0x10   }
0xeb: {  	_ =	swait.ge [sflag:s22], $0x50  }
0xec: {  	s25 =	rddreg [dreg:$0x5]  }
0xed: {  	s28 =	rddreg [dreg:$0xd];
	s17 =	sadd.s32 $0x1, s25  }
0xee: {  	p0 =	sne.s32 s17, s28  }
.Ltmp2:
0xef: {  	_ = 	snop;
	(pc) =	sbr.rel @p0 .LBB2_1-.Ltmp2, $3  }
0xf0: {  	_ =	sdelay $0x1  }
0xf1: {  	[sflag:s22] =	ssyncset.done $0x0;
	s22 =	simm.s32 $0x11  }
0xf2: {  	[sflag:s22] =	ssyncadd.s32 $0xFFFFFFB0  }
0xf3: {  	_ =	sfence.sel $0x180000  }
0xf4: {  	[bflag:$0x0] =	sbarrier.arrive $0xFFFF  }
0xf5: {  	_ =	strace $0x9000004D  }
0xf6: {  	s0 =	stileid.u32;
	[bflag:$0x2] =	sbarrier.arrive $0xFFFF  }
0xf7: {  	p0 =	sne.s32 s0, $0x0;
	s0 =	rddreg [dreg:$0x4]  }
0xf8: {  	s0 =	sadd.s32 @!p0 $0x100000, s0  }
0xf9: {  	[sflag:s0] =	ssyncadd.tile.s32 @!p0 $0x1;
	_ =	shalt  }
.Lfunc_end2:
_tile_overlayer_lowered:
.L_overlay_start_2:
0xfa: {  	(tag) =	ssettag $0x2  }
0xfb: {  	s0 =	rddreg [dreg:$0x0];
	s2 =	stileid.u32  }
0xfc: {  	s1 =	rddreg [dreg:$0x1];
	p0 =	sne.s32 s2, $0x0  }
0xfd: {  	s3 =	rddreg [dreg:$0x2];
	[bflag:$0x3] =	sbarrier.arrive $0xFFFF;
	s2 =	simm.s32 @!p0 $0x1C11  }
0xfe: {  	[timem:s3], [sflag:s2] =	dma.local @!p0 [hbm:s0], s1  }
0xff: {  	s0 =	simm.s32 @!p0 $0x11  }
0x100: {  	_ =	swait.ge @!p0 [sflag:s0], s1  }
0x101: {  	s1 =	ssub.s32 @!p0 $0x0, s1;
	[sflag:s0] =	ssyncset.done @!p0 $0x0  }
0x102: {  	[sflag:s0] =	ssyncadd.s32 @!p0 s1  }
0x103: {  	[bflag:$0x3] =	sbarrier.arrive $0xFFFF  }
0x104: {  	_ =	shalt  }

// kernel: kernel.21.cloned.1.call-start
scs
__scs_entry_jumppad:
0x0: {  	(pc) =	sbr.rel $0x88, $3  }
0x1: {  	(tag) =	ssettag $0x0;
	lr =	simm.s32 $0x1  }
0x2: {  	[smem:$0x3F95] =	sst lr;
	_ =	strace $0xD0000000  }
0x3: {  	_ = 	snop  }
0x4: {  	_ = 	snop  }
0x5: {  	_ = 	snop  }
0x6: {  	_ = 	snop  }
0x7: {  	_ = 	snop  }
__scs_overlays_trampoline_lowered:
0x8: {  	[smem:$0x3FA4] =	sst s0  }
0x9: {  	[smem:$0x3FA5] =	sst s1  }
0xa: {  	[smem:$0x3FA6] =	sst s2  }
0xb: {  	[smem:$0x3FA7] =	sst s3  }
0xc: {  	[smem:$0x3FA8] =	sst s4  }
0xd: {  	[smem:$0x3FA9] =	sst s5  }
0xe: {  	[smem:$0x3FAA] =	sst s6  }
0xf: {  	[smem:$0x3FAB] =	sst s7  }
0x10: {  	[smem:$0x3FAC] =	sst s8  }
0x11: {  	[smem:$0x3FAD] =	sst s9;
	s0 =	simm.s32 @!p0 $0x0  }
0x12: {  	s1 =	sld [smem:$0x3F93];
	s0 =	simm.s32 @p0 $0x1  }
0x13: {  	[smem:$0x3FAE] =	sst s0;
	s0 =	simm.s32 @!p1 $0x0  }
0x14: {  	s2 =	sld [smem:$0x3F92];
	s0 =	simm.s32 @p1 $0x1  }
0x15: {  	[smem:$0x3FAF] =	sst s0;
	s0 =	simm.s32 @!p2 $0x0  }
0x16: {  	s3 =	sld [smem:$0x3FDB];
	s0 =	simm.s32 @p2 $0x1  }
0x17: {  	s4 =	simm.s32 $0x1BF5;
	[smem:$0x3FB1] =	sst s0  }
0x18: {  	s0 =	sld [smem:$0x3F94];
	_ =	swait.ge [sflag:s4], $0x0  }
0x19: {  	s7 =	sld [smem:$0x3F95]  }
0x1a: {  	s8 =	sadd.s32 $0xFFFFE003, lr  }
0x1b: {  	s9 =	sadd.s32 $0xFFFFFEF7, lr;
	s5 =	simm.s32 $0xFFFFFFFF;
	p2 =	slt.u32 s8, $0xFFFFF086  }
0x1c: {  	p1 =	slt.u32 s9, $0xF7A;
	s5 =	simm.s32 @!p2 $0x0  }
0x1d: {  	s5 =	simm.s32 @p1 $0x1;
	p0 =	seq.s32 s7, s2  }
0x1e: {  	s7 =	smul.u32 @!p0 $0xF7A, s2;
	p2 =	seq.s32 @!p0 s5, $0x0  }
0x1f: {  	s9 =	smul.u32 $0xF7A, s1;
	s8 =	simm.s32 @!p0 $0x1BF5;
	p2 =	por !p2, p0  }
0x20: {  	[sflag:s8] =	ssyncset.s32 @!p0 $0xFFFFF086;
	s6 =	sadd.s32 @!p0 s3, s7;
	s7 =	simm.s32 @!p0 $0x108  }
0x21: {  	s3 =	sadd.s32 s3, s9;
	s6 =	sadd.s32 @!p0 $0x88, s6;
	s7 =	simm.s32 @p2 $0x1082  }
0x22: {  	[simem:s7], [sflag:s8] =	dma.local @!p0 [hbm:s6], $0xF7A  }
0x23: {  	s9 =	sor.u32 $0xD0000000, s2;
	s6 =	simm.s32 $0x108;
	_ =	swait.ge @!p0 [sflag:s8], $0x0  }
0x24: {  	s3 =	sadd.s32 $0x88, s3;
	s6 =	simm.s32 @!p1 $0x1082;
	[sflag:s4] =	ssyncset.s32 $0xFFFFF086  }
0x25: {  	[simem:s6], [sflag:s4] =	dma.local [hbm:s3], $0xF7A  }
0x26: {  	[smem:$0x3F95] =	sst s1;
	(tag) =	ssettag s2;
	_ =	strace s9  }
0x27: {  	s1 =	sld [smem:$0x3FA5]  }
0x28: {  	s2 =	sld [smem:$0x3FA6]  }
0x29: {  	s4 =	sld [smem:$0x3FA8]  }
0x2a: {  	p0 =	seq.s32 s5, $0x0;
	s5 =	sld [smem:$0x3FA9]  }
0x2b: {  	s6 =	sld [smem:$0x3FAA]  }
0x2c: {  	s7 =	sld [smem:$0x3FAB]  }
0x2d: {  	s3 =	simm.s32 $0x108;
	s8 =	sld [smem:$0x3FAC]  }
0x2e: {  	s3 =	simm.s32 @!p0 $0x1082;
	s9 =	sld [smem:$0x3FAD]  }
0x2f: {  	lr =	sadd.s32 s0, s3;
	s0 =	sld [smem:$0x3FA4]  }
0x30: {  	s3 =	sld [smem:$0x3FA7]  }
0x31: {  	[smem:$0x3FB0] =	sst s10  }
0x32: {  	s10 =	sld [smem:$0x3FAE];
	_ =	sdelay $0x3  }
0x33: {  	p0 =	seq.s32 s10, $0x1;
	s10 =	sld [smem:$0x3FB0];
	_ =	sdelay $0x3  }
0x34: {  	[smem:$0x3FB0] =	sst s10  }
0x35: {  	s10 =	sld [smem:$0x3FAF];
	_ =	sdelay $0x3  }
0x36: {  	p1 =	seq.s32 s10, $0x1;
	s10 =	sld [smem:$0x3FB0];
	_ =	sdelay $0x3  }
0x37: {  	[smem:$0x3FB0] =	sst s10  }
0x38: {  	s10 =	sld [smem:$0x3FB1]  }
0x39: {  	_ = 	snop;
	(pc) =	sbr.ind lr, $3  }
0x3a: {  	_ = 	snop  }
0x3b: {  	_ = 	snop  }
0x3c: {  	p2 =	seq.s32 s10, $0x1;
	s10 =	sld [smem:$0x3FB0]  }
0x3d: {  	_ =	shalt  }
0x3e: {  	_ =	shalt  }
0x3f: {  	_ =	shalt  }
0x40: {  	_ =	shalt  }
0x41: {  	_ =	shalt  }
0x42: {  	_ =	shalt  }
0x43: {  	_ =	shalt  }
0x44: {  	_ =	shalt  }
0x45: {  	_ =	shalt  }
0x46: {  	_ =	shalt  }
0x47: {  	_ =	shalt  }
0x48: {  	_ =	shalt  }
0x49: {  	_ =	shalt  }
0x4a: {  	_ =	shalt  }
0x4b: {  	_ =	shalt  }
0x4c: {  	_ =	shalt  }
0x4d: {  	_ =	shalt  }
0x4e: {  	_ =	shalt  }
0x4f: {  	_ =	shalt  }
0x50: {  	_ =	shalt  }
0x51: {  	_ =	shalt  }
0x52: {  	_ =	shalt  }
0x53: {  	_ =	shalt  }
0x54: {  	_ =	shalt  }
0x55: {  	_ =	shalt  }
0x56: {  	_ =	shalt  }
0x57: {  	_ =	shalt  }
0x58: {  	_ =	shalt  }
0x59: {  	_ =	shalt  }
0x5a: {  	_ =	shalt  }
0x5b: {  	_ =	shalt  }
0x5c: {  	_ =	shalt  }
0x5d: {  	_ =	shalt  }
0x5e: {  	_ =	shalt  }
0x5f: {  	_ =	shalt  }
0x60: {  	_ =	shalt  }
0x61: {  	_ =	shalt  }
0x62: {  	_ =	shalt  }
0x63: {  	_ =	shalt  }
0x64: {  	_ =	shalt  }
0x65: {  	_ =	shalt  }
0x66: {  	_ =	shalt  }
0x67: {  	_ =	shalt  }
0x68: {  	_ =	shalt  }
0x69: {  	_ =	shalt  }
0x6a: {  	_ =	shalt  }
0x6b: {  	_ =	shalt  }
0x6c: {  	_ =	shalt  }
0x6d: {  	_ =	shalt  }
0x6e: {  	_ =	shalt  }
0x6f: {  	_ =	shalt  }
0x70: {  	_ =	shalt  }
0x71: {  	_ =	shalt  }
0x72: {  	_ =	shalt  }
0x73: {  	_ =	shalt  }
0x74: {  	_ =	shalt  }
0x75: {  	_ =	shalt  }
0x76: {  	_ =	shalt  }
0x77: {  	_ =	shalt  }
0x78: {  	_ =	shalt  }
0x79: {  	_ =	shalt  }
0x7a: {  	_ =	shalt  }
0x7b: {  	_ =	shalt  }
0x7c: {  	_ =	shalt  }
0x7d: {  	_ =	shalt  }
0x7e: {  	_ =	shalt  }
0x7f: {  	_ =	shalt  }
0x80: {  	_ =	shalt  }
0x81: {  	_ =	shalt  }
0x82: {  	_ =	shalt  }
0x83: {  	_ =	shalt  }
0x84: {  	_ =	shalt  }
0x85: {  	_ =	shalt  }
0x86: {  	_ =	shalt  }
0x87: {  	_ =	shalt  }
.Lfunc_end0:
.L_simem_size_0:
called_computation.3_lowered:
.L_overlay_start_0:
0x88: {  	s2 =	sld [smem:$0x3FD9]  }
0x89: {  	s3 =	sld [smem:$0x3FFE];
	_ =	sdelay $0x1  }
0x8a: {  	s1 =	srdreg.scid  }
0x8b: {  	s0 =	sand.u32 $0x1, s1  }
0x8c: {  	s17 =	sshll.u32 s0, $0xA;
	s2 =	sadd.s32 s3, s2  }
0x8d: {  	s2 =	sadd.s32 s2, s17  }
0x8e: {  	[smem:$0x3FBC] =	sst s2  }
0x8f: {  	_ = 	snop  }
0x90: {  	s2 =	sld [smem:$0x3FD0];
	(tm) =	ssettm $0x1  }
0x91: {  	s18 =	sld [smem:$0x3FFB];
	_ =	sdelay $0x3  }
0x92: {  	_ =	strace s18  }
0x93: {  	s3 =	sld [smem:$0x3FFC];
	_ =	sdelay $0x3  }
0x94: {  	_ =	strace s3  }
0x95: {  	s3 =	sld [smem:$0x3FFD];
	_ =	sdelay $0x3  }
0x96: {  	_ =	strace s3  }
0x97: {  	_ =	strace $0x8FFFFFFF  }
0x98: {  	s19 =	sld [smem:$0x3FDB];
	_ =	sdelay $0x1  }
0x99: {  	s4 =	simm.s32 $_scs_section_size  }
0x9a: {  	s5 =	simm.s32 $_size__tile_overlayer_lowered;
	s6 =	simm.s32 $_tile_overlayer_lowered  }
0x9b: {  	s22 =	simm.s32 $0x1BFF;
	s21 =	sshll.u32 s6, $0x1;
	s3 =	sadd.s32 s4, s19  }
0x9c: {  	s7 =	simm.s32 $0x0;
	s20 =	sshll.u32 s5, $0x1;
	s5 =	sadd.s32 s21, s3  }
0x9d: {  	[timem:s7], [sflag:s22] =	dma.local [hbm:s5], s20  }
0x9e: {  	_ =	swait.ge [sflag:s22], s20  }
0x9f: {  	s4 =	ssub.s32 $0x0, s20;
	[sflag:s22] =	ssyncset.done $0x0  }
0xa0: {  	[sflag:s22] =	ssyncadd.s32 s4;
	_ =	sdelay $0x1  }
0xa1: {  	s23 =	simm.s32 $0x1B8B  }
0xa2: {  	_ =	swait.ge [sflag:s23], $0x1  }
0xa3: {  	[sflag:s23] =	ssyncset.done $0x0  }
0xa4: {  	s25 =	simm.s32 $0x1B8E;
	s24 =	sld [smem:$0x3FFE];
	[sflag:s23] =	ssyncadd.s32 $0xFFFFFFFF  }
0xa5: {  	s26 =	simm.s32 $execute0_lowered;
	[smem:$0x3FD2] =	sst s25  }
0xa6: {  	s5 =	sshll.u32 s26, $0x1;
	_ =	strace $0x8000004F;
	[dreg:$0x1] =	wrdreg $0xFFFFFFFF  }
0xa7: {  	s28 =	simm.s32 $_size_execute0_lowered;
	s3 =	sadd.s32 s3, s5;
	[dreg:$0x0] =	wrdreg $0x0  }
0xa8: {  	s5 =	sshll.u32 s28, $0x1;
	[dreg:$0x2] =	wrdreg s3  }
0xa9: {  	[dreg:$0x3] =	wrdreg s5  }
0xaa: {  	[dreg:$0x4] =	wrdreg $0xC0  }
0xab: {  	_ =	task [dreg:s7], $0x5FFFF  }
0xac: {  	[dreg:$0x1] =	wrdreg $0xFFFFFFFF  }
0xad: {  	[dreg:$0x0] =	wrdreg $0x60  }
0xae: {  	[dreg:$0x2] =	wrdreg s24  }
0xaf: {  	[dreg:$0x3] =	wrdreg s2  }
0xb0: {  	[dreg:$0x4] =	wrdreg $0xAA000  }
0xb1: {  	[dreg:$0x5] =	wrdreg $0x1EA000  }
0xb2: {  	[dreg:$0x6] =	wrdreg $0x9  }
0xb3: {  	_ =	task.clear_ibuf [dreg:s7], $0x7FFFF;
	_ =	strace $0x9000004F  }
0xb4: {  	s29 =	simm.s32 $0x9;
	_ =	strace $0x80000051  }
0xb5: {  	_ =	swait.ge [sflag:s29], $0x1  }
0xb6: {  	[sflag:s29] =	ssyncadd.s32 $0xFFFFFFFF  }
0xb7: {  	_ =	strace $0x90000051  }
0xb8: {  	_ =	sfence  }
0xb9: {  	s30 =	sld [smem:$0x0];
	_ =	sdelay $0x2  }
0xba: {  	s31 =	sshll.u32 s1, $0xD;
	s1 =	sshrl.u32 s1, $0x2  }
0xbb: {  	s3 =	sand.u32 $0x4000, s31;
	s1 =	sadd.s32 s1, s30  }
0xbc: {  	s0 =	sor.u32 s3, s0;
	s1 =	sshll.u32 s1, $0x11  }
0xbd: {  	s0 =	sor.u32 s1, s0  }
0xbe: {  	s0 =	sadd.s32 $0x8F2B, s0  }
0xbf: {  	[sflag:s0] =	ssyncadd.remote.s32 $0x1  }
0xc0: {  	_ =	sfence.sel $0xFFFF  }
0xc1: {  	[dreg:$0x0] =	wrdreg $0xFFFFFFFF;
	(pc) =	sbr.abs _section_cstart, $3  }
0xc2: {  	[dreg:$0x1] =	wrdreg $0xFFFFFFFF  }
0xc3: {  	_ =	task.clear_ibuf [dreg:s7], $0x2FFFF;
	_ =	strace $0x9FFFFFFF  }
0xc4: {  	(tm) =	ssettm $0x7FFFFFFF  }
0xc5: {  	_ =	shalt  }
tec
execute0_lowered:
.L_overlay_start_1:
0x0: {  	(tag) =	ssettag $0x1  }
0x1: {  	s0 =	rddreg [dreg:$0x0]  }
0x2: {  	s29 =	rddreg [dreg:$0x2]  }
0x3: {  	s3 =	rddreg [dreg:$0x3];
	s17 =	simm.s32 $0x0;
	s1 =	srdreg.scid  }
0x4: {  	s11 =	stileid.u32;
	s13 =	simm.s32 $0x2;
	s14 =	simm.s32 $0xA  }
0x5: {  	s15 =	simm.s32 $0x3;
	s16 =	simm.s32 $0xB;
	s31 =	simm.s32 $0x5  }
0x6: {  	s12 =	simm.s32 $0x7;
	s2 =	simm.s32 $0x10;
	[smem:$0x7FF] =	sst s17  }
0x7: {  	s1 =	sand.u32 $0x1, s1;
	s5 =	smul.u32 $0x14000, s11;
	s6 =	sadd.s32 $0x91600, s0  }
0x8: {  	s7 =	sadd.s32 $0x4A00, s0;
	s8 =	smul.u32 $0x500, s11;
	s9 =	sadd.s32 $0x2D600, s0  }
0x9: {  	s19 =	sadd.s32 $0xB9600, s0;
	s20 =	sadd.s32 $0x4800, s0;
	s22 =	smul.u32 $0x50000, s11  }
0xa: {  	s10 =	smul.u32 $0xA00, s11;
	_ =	strace $0x80000050;
	[dreg:$0x6] =	wrdreg s9  }
0xb: {  	s24 =	sshll.u32 s11, $0x6;
	s4 =	smul.u32 $0x140000, s1;
	[dreg:$0x7] =	wrdreg s19  }
0xc: {  	s18 =	sshll.u32 s1, $0x7;
	[dreg:$0x8] =	wrdreg s20;
	s21 =	ssub.s32 $0x2, s1  }
0xd: {  	s1 =	sshll.u32 s1, $0x4;
	s20 =	simm.s32 $0x40;
	s9 =	simm.s32 $0x1  }
0xe: {  	s19 =	simm.s32 $0x6;
	s23 =	sshrl.u32 s21, $0x1;
	s1 =	sor.u32 s11, s1  }
0xf: {  	s10 =	sshrl.u32 s10, $0x2;
	s11 =	simm.s32 $0xC;
	s4 =	sadd.s32 s5, s4  }
0x10: {  	s5 =	sor.u32 s18, s8;
	s8 =	sshrl.u32 s22, $0x2;
	s25 =	sadd.s32 s10, s3  }
0x11: {  	s1 =	smul.u32 $0xA0, s1;
	s22 =	simm.s32 $0x11;
	s10 =	simm.s32 $0x9  }
0x12: {  	s4 =	sshrl.u32 s4, $0x3;
	s5 =	sshrl.u32 s5, $0x3;
	s30 =	sshrl.u32 s25, $0x3  }
0x13: {  	s4 =	sadd.s32 s4, s0;
	s0 =	sadd.s32 s5, s0;
	[dreg:$0xa] =	wrdreg s1  }
0x14: {  	s5 =	ssub.s32 s21, s23;
	s21 =	sor.u32 $0x1C11, s24;
	[dreg:$0xf] =	wrdreg s30  }
0x15: {  	s18 =	simm.s32 $0x4;
	s26 =	sadd.s32 $0x134800, s4;
	[dreg:$0x9] =	wrdreg s21  }
0x16: {  	s8 =	sadd.s32 s8, s29;
	s0 =	sadd.s32 $0x10BE00, s0;
	[dreg:$0xb] =	wrdreg s26  }
0x17: {  	s1 =	simm.s32 $0xD;
	s28 =	smax.u32 s5, $0x1;
	[dreg:$0xc] =	wrdreg s0  }
0x18: {  	s23 =	simm.s32 $0xF;
	s4 =	sshrl.u32 s8, $0x3;
	[dreg:$0xd] =	wrdreg s28  }
0x19: {  	s8 =	simm.s32 $0xE;
	s26 =	simm.s32 $0x8;
	[dreg:$0xe] =	wrdreg s4  }
.LBB2_1:
0x1a: {  	[dreg:$0x5] =	wrdreg s17  }
0x1b: {  	s25 =	rddreg [dreg:$0x7]  }
0x1c: {  	[spmem:s4], [sflag:s21] =	dma.local [hbm:s25], $0x2800  }
0x1d: {  	_ =	swait.ge [sflag:s22], $0x2800  }
0x1e: {  	[sflag:s22] =	ssyncset.done $0x0  }
0x1f: {  	s28 =	rddreg [dreg:$0x8];
	[sflag:s22] =	ssyncadd.s32 $0xFFFFD800  }
0x20: {  	[spmem:s30], [sflag:s21] =	dma.local [hbm:s28], $0x50  }
0x21: {  	_ =	swait.ge [sflag:s22], $0x50  }
0x22: {  	[sflag:s22] =	ssyncset.done $0x0  }
0x23: {  	[sflag:s22] =	ssyncadd.s32 $0xFFFFFFB0  }
0x24: {  	s0 =	simm.s32 $0x0;
	[bflag:$0x0] =	sbarrier.arrive $0xFFFF  }
.LBB2_2:
0x25: {  	s17 =	smul.u32 $0x28, s0  }
0x26: {  	s21 =	rddreg [dreg:$0xa]  }
0x27: {  	[dreg:$0x10] =	wrdreg s0;
	s17 =	sadd.s32 s21, s17  }
0x28: {  	s5 =	rddreg [dreg:$0x1];
	s21 =	sshll.u32 s17, $0x4  }
0x29: {  	s24 =	simm.s32 $0x0;
	s28 =	simm.s32 $0x1400;
	s30 =	sadd.s32 s5, s21  }
0x2a: {  	[tilespmem:s28], [sflag:$0x11] =	stream.linear.gather [hbm4b:s30+s24], $0x1400, $0x38;
	[tilespmem:$0x1EC80] =	vst v63  }
0x2b: {  	_ =	swait.ge [sflag:s22], $0x1400  }
0x2c: {  	[sflag:s22] =	ssyncset.done $0x0;
	s4 =	rddreg [dreg:$0x6]  }
0x2d: {  	s30 =	simm.s32 $0x11;
	[sflag:s22] =	ssyncadd.s32 $0xFFFFEC00;
	s21 =	sadd.s32 s4, s21  }
0x2e: {  	[tilespmem:s24], [sflag:$0x11] =	stream.linear.gather [hbm4b:s21+s24], $0x1400, $0x38;
	[tilespmem:$0x1EC80] =	vst v63  }
0x2f: {  	_ =	swait.ge [sflag:s30], $0x1400  }
0x30: {  	[sflag:s30] =	ssyncset.done $0x0  }
0x31: {  	s22 =	simm.s32 $0x2800;
	[sflag:s30] =	ssyncadd.s32 $0xFFFFEC00  }
0x32: {  	[tilespmem:s22], [sflag:$0x1] =	stream.indirect.gather [hbm4b:s6+s20], $0x80, s24, s20, $0xb8;
	[tilespmem:$0x1EC80] =	vst v63  }
0x33: {  	s25 =	simm.s32 $0xA800  }
0x34: {  	[tilespmem:s25], [sflag:$0x9] =	stream.indirect.gather [hbm4b:s7+s20], $0x1, s24, s20, $0xb8;
	[tilespmem:$0x1EC80] =	vst v63  }
0x35: {  	s5 =	simm.s32 $0x80;
	s4 =	simm.s32 $0x4800  }
0x36: {  	[tilespmem:s4], [sflag:$0x2] =	stream.indirect.gather [hbm4b:s6+s20], $0x80, s5, s20, $0xb8;
	[tilespmem:$0x1EC80] =	vst v63  }
0x37: {  	s24 =	simm.s32 $0xA880  }
0x38: {  	[tilespmem:s24], [sflag:$0xA] =	stream.indirect.gather [hbm4b:s7+s20], $0x1, s5, s20, $0xb8;
	[tilespmem:$0x1EC80] =	vst v63  }
0x39: {  	s21 =	simm.s32 $0x100;
	s5 =	simm.s32 $0x6800  }
0x3a: {  	[tilespmem:s5], [sflag:$0x3] =	stream.indirect.gather [hbm4b:s6+s20], $0x80, s21, s20, $0xb8;
	[tilespmem:$0x1EC80] =	vst v63  }
0x3b: {  	s30 =	simm.s32 $0xA900  }
0x3c: {  	[tilespmem:s30], [sflag:$0xB] =	stream.indirect.gather [hbm4b:s7+s20], $0x1, s21, s20, $0xb8;
	[tilespmem:$0x1EC80] =	vst v63  }
0x3d: {  	s17 =	simm.s32 $0x180;
	s21 =	simm.s32 $0x8800  }
0x3e: {  	[tilespmem:s21], [sflag:$0x4] =	stream.indirect.gather [hbm4b:s6+s20], $0x80, s17, s20, $0xb8;
	[tilespmem:$0x1EC80] =	vst v63  }
0x3f: {  	s28 =	simm.s32 $0xA980  }
0x40: {  	[tilespmem:s28], [sflag:$0xC] =	stream.indirect.gather [hbm4b:s7+s20], $0x1, s17, s20, $0xb8;
	[tilespmem:$0x1EC80] =	vst v63  }
0x41: {  	_ =	swait.ge [sflag:s9], $0x2000  }
0x42: {  	[sflag:s9] =	ssyncset.done $0x0  }
0x43: {  	[sflag:s9] =	ssyncadd.s32 $0xFFFFE000;
	s9 =	simm.s32 $0x1400  }
0x44: {  	[spmem:s29] =	stream.indirect.scatter.add.f32 [tilespmem:s22], [sflag:$0x5], $0x80, s9, s20, $0xb8;
	[tilespmem:$0x1EC80] =	vst v63  }
0x45: {  	_ =	swait.ge [sflag:s10], $0x40  }
0x46: {  	[sflag:s10] =	ssyncset.done $0x0  }
0x47: {  	[sflag:s10] =	ssyncadd.s32 $0xFFFFFFC0  }
0x48: {  	[spmem:s3] =	stream.indirect.scatter.add.f32 [tilespmem:s25], [sflag:$0xD], $0x1, s9, s20, $0xb8;
	[tilespmem:$0x1EC80] =	vst v63  }
0x49: {  	_ =	swait.ge [sflag:s13], $0x2000  }
0x4a: {  	[sflag:s13] =	ssyncset.done $0x0  }
0x4b: {  	[sflag:s13] =	ssyncadd.s32 $0xFFFFE000;
	s13 =	simm.s32 $0x1480  }
0x4c: {  	[spmem:s29] =	stream.indirect.scatter.add.f32 [tilespmem:s4], [sflag:$0x6], $0x80, s13, s20, $0xb8;
	[tilespmem:$0x1EC80] =	vst v63  }
0x4d: {  	_ =	swait.ge [sflag:s14], $0x40  }
0x4e: {  	[sflag:s14] =	ssyncset.done $0x0  }
0x4f: {  	[sflag:s14] =	ssyncadd.s32 $0xFFFFFFC0  }
0x50: {  	[spmem:s3] =	stream.indirect.scatter.add.f32 [tilespmem:s24], [sflag:$0xE], $0x1, s13, s20, $0xb8;
	[tilespmem:$0x1EC80] =	vst v63  }
0x51: {  	_ =	swait.ge [sflag:s15], $0x2000  }
0x52: {  	[sflag:s15] =	ssyncset.done $0x0  }
0x53: {  	s14 =	simm.s32 $0x1500;
	[sflag:s15] =	ssyncadd.s32 $0xFFFFE000  }
0x54: {  	[spmem:s29] =	stream.indirect.scatter.add.f32 [tilespmem:s5], [sflag:$0x7], $0x80, s14, s20, $0xb8;
	[tilespmem:$0x1EC80] =	vst v63  }
0x55: {  	_ =	swait.ge [sflag:s16], $0x40  }
0x56: {  	[sflag:s16] =	ssyncset.done $0x0  }
0x57: {  	[sflag:s16] =	ssyncadd.s32 $0xFFFFFFC0  }
0x58: {  	[spmem:s3] =	stream.indirect.scatter.add.f32 [tilespmem:s30], [sflag:$0xF], $0x1, s14, s20, $0xb8;
	[tilespmem:$0x1EC80] =	vst v63  }
0x59: {  	_ =	swait.ge [sflag:s18], $0x2000  }
0x5a: {  	[sflag:s18] =	ssyncset.done $0x0  }
0x5b: {  	s15 =	simm.s32 $0x1580;
	s16 =	simm.s32 $0x8800;
	[sflag:s18] =	ssyncadd.s32 $0xFFFFE000  }
0x5c: {  	[spmem:s29] =	stream.indirect.scatter.add.f32 [tilespmem:s16], [sflag:$0x8], $0x80, s15, s20, $0xb8;
	[tilespmem:$0x1EC80] =	vst v63  }
0x5d: {  	_ =	swait.ge [sflag:s11], $0x40  }
0x5e: {  	[sflag:s11] =	ssyncset.done $0x0  }
0x5f: {  	s0 =	simm.s32 $0x0;
	[sflag:s11] =	ssyncadd.s32 $0xFFFFFFC0  }
0x60: {  	[spmem:s3] =	stream.indirect.scatter.add.f32 [tilespmem:s28], [sflag:$0x10], $0x1, s15, s20, $0xb8;
	[tilespmem:$0x1EC80] =	vst v63  }
0x61: {  	s18 =	smin.u32 s0, $0x23;
	_ =	swait.ge [sflag:s31], $0x2000  }
0x62: {  	s21 =	sshll.u32 s18, $0x7;
	[sflag:s31] =	ssyncset.done $0x0  }
0x63: {  	s21 =	sadd.s32 $0x200, s21;
	[sflag:s31] =	ssyncadd.s32 $0xFFFFE000  }
0x64: {  	[tilespmem:s22], [sflag:$0x1] =	stream.indirect.gather [hbm4b:s6+s20], $0x80, s21, s20, $0xb8;
	[tilespmem:$0x1EC80] =	vst v63  }
0x65: {  	_ =	swait.ge [sflag:s1], $0x40  }
0x66: {  	[sflag:s1] =	ssyncset.done $0x0  }
0x67: {  	[sflag:s1] =	ssyncadd.s32 $0xFFFFFFC0  }
0x68: {  	[tilespmem:s25], [sflag:$0x9] =	stream.indirect.gather [hbm4b:s7+s20], $0x1, s21, s20, $0xb8;
	[tilespmem:$0x1EC80] =	vst v63  }
0x69: {  	s25 =	smin.u32 s0, $0x22;
	_ =	swait.ge [sflag:s19], $0x2000  }
0x6a: {  	s21 =	sshll.u32 s25, $0x7;
	[sflag:s19] =	ssyncset.done $0x0  }
0x6b: {  	s21 =	sadd.s32 $0x280, s21;
	[sflag:s19] =	ssyncadd.s32 $0xFFFFE000  }
0x6c: {  	[tilespmem:s4], [sflag:$0x2] =	stream.indirect.gather [hbm4b:s6+s20], $0x80, s21, s20, $0xb8;
	[tilespmem:$0x1EC80] =	vst v63  }
0x6d: {  	_ =	swait.ge [sflag:s8], $0x40  }
0x6e: {  	[sflag:s8] =	ssyncset.done $0x0  }
0x6f: {  	[sflag:s8] =	ssyncadd.s32 $0xFFFFFFC0  }
0x70: {  	[tilespmem:s24], [sflag:$0xA] =	stream.indirect.gather [hbm4b:s7+s20], $0x1, s21, s20, $0xb8;
	[tilespmem:$0x1EC80] =	vst v63  }
0x71: {  	s28 =	smin.u32 s0, $0x21;
	_ =	swait.ge [sflag:s12], $0x2000  }
0x72: {  	s21 =	sshll.u32 s28, $0x7;
	[sflag:s12] =	ssyncset.done $0x0  }
0x73: {  	s21 =	sadd.s32 $0x300, s21;
	[sflag:s12] =	ssyncadd.s32 $0xFFFFE000  }
0x74: {  	[tilespmem:s5], [sflag:$0x3] =	stream.indirect.gather [hbm4b:s6+s20], $0x80, s21, s20, $0xb8;
	[tilespmem:$0x1EC80] =	vst v63  }
0x75: {  	s10 =	simm.s32 $0x9;
	s9 =	simm.s32 $0x1;
	_ =	swait.ge [sflag:s23], $0x40  }
0x76: {  	s13 =	simm.s32 $0x2;
	s14 =	simm.s32 $0xA;
	[sflag:s23] =	ssyncset.done $0x0  }
0x77: {  	s15 =	simm.s32 $0x3;
	s31 =	smin.u32 s0, $0x20;
	[sflag:s23] =	ssyncadd.s32 $0xFFFFFFC0  }
0x78: {  	[tilespmem:s30], [sflag:$0xB] =	stream.indirect.gather [hbm4b:s7+s20], $0x1, s21, s20, $0xb8;
	[tilespmem:$0x1EC80] =	vst v63  }
0x79: {  	s17 =	sshll.u32 s31, $0x7;
	s1 =	simm.s32 $0xD;
	_ =	swait.ge [sflag:s26], $0x2000  }
0x7a: {  	s19 =	simm.s32 $0x6;
	s8 =	simm.s32 $0xE;
	[sflag:s26] =	ssyncset.done $0x0  }
0x7b: {  	s12 =	simm.s32 $0x7;
	s21 =	sadd.s32 $0x380, s17;
	[sflag:s26] =	ssyncadd.s32 $0xFFFFE000  }
0x7c: {  	[tilespmem:s16], [sflag:$0x4] =	stream.indirect.gather [hbm4b:s6+s20], $0x80, s21, s20, $0xb8;
	[tilespmem:$0x1EC80] =	vst v63  }
0x7d: {  	s23 =	simm.s32 $0xF;
	s17 =	simm.s32 $0x4;
	_ =	swait.ge [sflag:s2], $0x40  }
0x7e: {  	s30 =	simm.s32 $0x1780;
	s26 =	simm.s32 $0x8;
	[sflag:s2] =	ssyncset.done $0x0  }
0x7f: {  	s16 =	simm.s32 $0xB;
	[sflag:s2] =	ssyncadd.s32 $0xFFFFFFC0;
	s2 =	simm.s32 $0x10  }
.LBB2_3:
0x80: {  	s31 =	simm.s32 $0xA980  }
0x81: {  	[tilespmem:s31], [sflag:$0xC] =	stream.indirect.gather [hbm4b:s7+s20], $0x1, s21, s20, $0xb8;
	[tilespmem:$0x1EC80] =	vst v63  }
0x82: {  	s21 =	smov.u32 s17  }
0x83: {  	p0 =	sne.s32 s17, $0x24;
	s17 =	sadd.s32 $0x4, s17;
	_ =	swait.ge [sflag:s9], $0x2000  }
0x84: {  	[sflag:s9] =	ssyncset.done $0x0  }
0x85: {  	s22 =	sadd.s32 $0xFFFFFE80, s30;
	s25 =	simm.s32 $0x2800;
	[sflag:s9] =	ssyncadd.s32 $0xFFFFE000  }
0x86: {  	[spmem:s29] =	stream.indirect.scatter.add.f32 [tilespmem:s25], [sflag:$0x5], $0x80, s22, s20, $0xb8;
	[tilespmem:$0x1EC80] =	vst v63  }
0x87: {  	_ =	swait.ge [sflag:s10], $0x40  }
0x88: {  	[sflag:s10] =	ssyncset.done $0x0  }
0x89: {  	s28 =	simm.s32 $0xA800;
	[sflag:s10] =	ssyncadd.s32 $0xFFFFFFC0  }
0x8a: {  	[spmem:s3] =	stream.indirect.scatter.add.f32 [tilespmem:s28], [sflag:$0xD], $0x1, s22, s20, $0xb8;
	[tilespmem:$0x1EC80] =	vst v63  }
0x8b: {  	_ =	swait.ge [sflag:s13], $0x2000  }
0x8c: {  	[sflag:s13] =	ssyncset.done $0x0  }
0x8d: {  	s0 =	simm.s32 $0x4800;
	s22 =	sadd.s32 $0xFFFFFF00, s30;
	[sflag:s13] =	ssyncadd.s32 $0xFFFFE000  }
0x8e: {  	[spmem:s29] =	stream.indirect.scatter.add.f32 [tilespmem:s0], [sflag:$0x6], $0x80, s22, s20, $0xb8;
	[tilespmem:$0x1EC80] =	vst v63  }
0x8f: {  	_ =	swait.ge [sflag:s14], $0x40  }
0x90: {  	[sflag:s14] =	ssyncset.done $0x0  }
0x91: {  	s24 =	simm.s32 $0xA880;
	[sflag:s14] =	ssyncadd.s32 $0xFFFFFFC0  }
0x92: {  	[spmem:s3] =	stream.indirect.scatter.add.f32 [tilespmem:s24], [sflag:$0xE], $0x1, s22, s20, $0xb8;
	[tilespmem:$0x1EC80] =	vst v63  }
0x93: {  	_ =	swait.ge [sflag:s15], $0x2000  }
0x94: {  	[sflag:s15] =	ssyncset.done $0x0  }
0x95: {  	s4 =	simm.s32 $0x6800;
	s22 =	sadd.s32 $0xFFFFFF80, s30;
	[sflag:s15] =	ssyncadd.s32 $0xFFFFE000  }
0x96: {  	[spmem:s29] =	stream.indirect.scatter.add.f32 [tilespmem:s4], [sflag:$0x7], $0x80, s22, s20, $0xb8;
	[tilespmem:$0x1EC80] =	vst v63  }
0x97: {  	_ =	swait.ge [sflag:s16], $0x40  }
0x98: {  	[sflag:s16] =	ssyncset.done $0x0  }
0x99: {  	s5 =	simm.s32 $0xA900;
	s11 =	simm.s32 $0x4;
	[sflag:s16] =	ssyncadd.s32 $0xFFFFFFC0  }
0x9a: {  	[spmem:s3] =	stream.indirect.scatter.add.f32 [tilespmem:s5], [sflag:$0xF], $0x1, s22, s20, $0xb8;
	[tilespmem:$0x1EC80] =	vst v63  }
0x9b: {  	_ =	swait.ge [sflag:s11], $0x2000  }
0x9c: {  	[sflag:s11] =	ssyncset.done $0x0  }
0x9d: {  	s18 =	simm.s32 $0x8800;
	[sflag:s11] =	ssyncadd.s32 $0xFFFFE000;
	s11 =	simm.s32 $0xC  }
0x9e: {  	[spmem:s29] =	stream.indirect.scatter.add.f32 [tilespmem:s18], [sflag:$0x8], $0x80, s30, s20, $0xb8;
	[tilespmem:$0x1EC80] =	vst v63  }
0x9f: {  	_ =	swait.ge [sflag:s11], $0x40  }
0xa0: {  	[sflag:s11] =	ssyncset.done $0x0  }
0xa1: {  	[sflag:s11] =	ssyncadd.s32 $0xFFFFFFC0  }
0xa2: {  	[spmem:s3] =	stream.indirect.scatter.add.f32 [tilespmem:s31], [sflag:$0x10], $0x1, s30, s20, $0xb8;
	[tilespmem:$0x1EC80] =	vst v63  }
0xa3: {  	s11 =	simm.s32 $0xA980;
	s31 =	simm.s32 $0x5  }
0xa4: {  	s22 =	smin.u32 s21, $0x23;
	_ =	swait.ge [sflag:s31], $0x2000  }
0xa5: {  	s22 =	sshll.u32 s22, $0x7;
	[sflag:s31] =	ssyncset.done $0x0  }
0xa6: {  	s22 =	sadd.s32 $0x200, s22;
	[sflag:s31] =	ssyncadd.s32 $0xFFFFE000  }
0xa7: {  	[tilespmem:s25], [sflag:$0x1] =	stream.indirect.gather [hbm4b:s6+s20], $0x80, s22, s20, $0xb8;
	[tilespmem:$0x1EC80] =	vst v63  }
0xa8: {  	_ =	swait.ge [sflag:s1], $0x40  }
0xa9: {  	[sflag:s1] =	ssyncset.done $0x0  }
0xaa: {  	[sflag:s1] =	ssyncadd.s32 $0xFFFFFFC0  }
0xab: {  	[tilespmem:s28], [sflag:$0x9] =	stream.indirect.gather [hbm4b:s7+s20], $0x1, s22, s20, $0xb8;
	[tilespmem:$0x1EC80] =	vst v63  }
0xac: {  	s22 =	smin.u32 s21, $0x22;
	_ =	swait.ge [sflag:s19], $0x2000  }
0xad: {  	s22 =	sshll.u32 s22, $0x7;
	[sflag:s19] =	ssyncset.done $0x0  }
0xae: {  	s22 =	sadd.s32 $0x280, s22;
	[sflag:s19] =	ssyncadd.s32 $0xFFFFE000  }
0xaf: {  	[tilespmem:s0], [sflag:$0x2] =	stream.indirect.gather [hbm4b:s6+s20], $0x80, s22, s20, $0xb8;
	[tilespmem:$0x1EC80] =	vst v63  }
0xb0: {  	_ =	swait.ge [sflag:s8], $0x40  }
0xb1: {  	[sflag:s8] =	ssyncset.done $0x0  }
0xb2: {  	[sflag:s8] =	ssyncadd.s32 $0xFFFFFFC0  }
0xb3: {  	[tilespmem:s24], [sflag:$0xA] =	stream.indirect.gather [hbm4b:s7+s20], $0x1, s22, s20, $0xb8;
	[tilespmem:$0x1EC80] =	vst v63  }
0xb4: {  	s22 =	smin.u32 s21, $0x21;
	_ =	swait.ge [sflag:s12], $0x2000  }
0xb5: {  	s22 =	sshll.u32 s22, $0x7;
	[sflag:s12] =	ssyncset.done $0x0  }
0xb6: {  	s22 =	sadd.s32 $0x300, s22;
	[sflag:s12] =	ssyncadd.s32 $0xFFFFE000  }
0xb7: {  	[tilespmem:s4], [sflag:$0x3] =	stream.indirect.gather [hbm4b:s6+s20], $0x80, s22, s20, $0xb8;
	[tilespmem:$0x1EC80] =	vst v63  }
0xb8: {  	_ =	swait.ge [sflag:s23], $0x40  }
0xb9: {  	[sflag:s23] =	ssyncset.done $0x0  }
0xba: {  	[sflag:s23] =	ssyncadd.s32 $0xFFFFFFC0  }
0xbb: {  	[tilespmem:s5], [sflag:$0xB] =	stream.indirect.gather [hbm4b:s7+s20], $0x1, s22, s20, $0xb8;
	[tilespmem:$0x1EC80] =	vst v63  }
0xbc: {  	s21 =	smin.u32 s21, $0x20;
	_ =	swait.ge [sflag:s26], $0x2000  }
0xbd: {  	s21 =	sshll.u32 s21, $0x7;
	[sflag:s26] =	ssyncset.done $0x0  }
.Ltmp0:
0xbe: {  	s21 =	sadd.s32 $0x380, s21;
	[sflag:s26] =	ssyncadd.s32 $0xFFFFE000;
	(pc) =	sbr.rel @p0 .LBB2_3-.Ltmp0, $4  }
0xbf: {  	[tilespmem:s18], [sflag:$0x4] =	stream.indirect.gather [hbm4b:s6+s20], $0x80, s21, s20, $0xb8;
	[tilespmem:$0x1EC80] =	vst v63  }
0xc0: {  	_ =	swait.ge [sflag:s2], $0x40  }
0xc1: {  	[sflag:s2] =	ssyncset.done $0x0  }
0xc2: {  	s30 =	sadd.s32 $0x200, s30;
	[sflag:s2] =	ssyncadd.s32 $0xFFFFFFC0  }
0xc3: {  	[tilespmem:s11], [sflag:$0xC] =	stream.indirect.gather [hbm4b:s7+s20], $0x1, s21, s20, $0xb8;
	[tilespmem:$0x1EC80] =	vst v63  }
0xc4: {  	_ =	swait.ge [sflag:s9], $0x2000  }
0xc5: {  	[sflag:s9] =	ssyncset.done $0x0  }
0xc6: {  	[sflag:s9] =	ssyncadd.s32 $0xFFFFE000  }
0xc7: {  	_ =	swait.ge [sflag:s10], $0x40  }
0xc8: {  	[sflag:s10] =	ssyncset.done $0x0  }
0xc9: {  	[sflag:s10] =	ssyncadd.s32 $0xFFFFFFC0  }
0xca: {  	_ =	swait.ge [sflag:s13], $0x2000  }
0xcb: {  	[sflag:s13] =	ssyncset.done $0x0  }
0xcc: {  	[sflag:s13] =	ssyncadd.s32 $0xFFFFE000  }
0xcd: {  	_ =	swait.ge [sflag:s14], $0x40  }
0xce: {  	[sflag:s14] =	ssyncset.done $0x0  }
0xcf: {  	[sflag:s14] =	ssyncadd.s32 $0xFFFFFFC0  }
0xd0: {  	_ =	swait.ge [sflag:s15], $0x2000  }
0xd1: {  	[sflag:s15] =	ssyncset.done $0x0  }
0xd2: {  	[sflag:s15] =	ssyncadd.s32 $0xFFFFE000  }
0xd3: {  	_ =	swait.ge [sflag:s16], $0x40  }
0xd4: {  	[sflag:s16] =	ssyncset.done $0x0  }
0xd5: {  	s0 =	simm.s32 $0x4;
	[sflag:s16] =	ssyncadd.s32 $0xFFFFFFC0  }
0xd6: {  	_ =	swait.ge [sflag:s0], $0x2000  }
0xd7: {  	[sflag:s0] =	ssyncset.done $0x0  }
0xd8: {  	s1 =	simm.s32 $0xC;
	[sflag:s0] =	ssyncadd.s32 $0xFFFFE000  }
0xd9: {  	_ =	swait.ge [sflag:s1], $0x40  }
0xda: {  	s30 =	rddreg [dreg:$0x10]  }
0xdb: {  	s22 =	simm.s32 $0x11;
	s18 =	simm.s32 $0x4;
	s0 =	sadd.s32 $0x1, s30  }
0xdc: {  	s11 =	simm.s32 $0xC;
	s19 =	simm.s32 $0x6;
	p0 =	sne.s32 s0, $0x4  }
.Ltmp1:
0xdd: {  	s8 =	simm.s32 $0xE;
	s12 =	simm.s32 $0x7;
	(pc) =	sbr.rel @p0 .LBB2_2-.Ltmp1, $4  }
0xde: {  	s23 =	simm.s32 $0xF;
	s26 =	simm.s32 $0x8;
	s2 =	simm.s32 $0x10  }
0xdf: {  	s9 =	simm.s32 $0x1;
	s10 =	simm.s32 $0x9;
	s13 =	simm.s32 $0x2  }
0xe0: {  	s14 =	simm.s32 $0xA;
	s15 =	simm.s32 $0x3;
	[sflag:s1] =	ssyncset.done $0x0  }
0xe1: {  	s16 =	simm.s32 $0xB;
	[sflag:s1] =	ssyncadd.s32 $0xFFFFFFC0;
	s1 =	simm.s32 $0xD  }
0xe2: {  	[bflag:$0x0] =	sbarrier.arrive $0xFFFF  }
0xe3: {  	s21 =	rddreg [dreg:$0x9]  }
0xe4: {  	s17 =	rddreg [dreg:$0xb]  }
0xe5: {  	s4 =	rddreg [dreg:$0xe]  }
0xe6: {  	[hbm:s17], [sflag:s21] =	dma.local [spmem:s4], $0x2800  }
0xe7: {  	_ =	swait.ge [sflag:s22], $0x2800  }
0xe8: {  	[sflag:s22] =	ssyncset.done $0x0;
	s24 =	rddreg [dreg:$0xc]  }
0xe9: {  	s0 =	simm.s32 $0x20;
	s30 =	rddreg [dreg:$0xf];
	[sflag:s22] =	ssyncadd.s32 $0xFFFFD800  }
0xea: {  	[hbm:s24@s0], [sflag:s21] =	dma.strided [spmem:s30@s2], $0x50, s9, $0x10   }
0xeb: {  	_ =	swait.ge [sflag:s22], $0x50  }
0xec: {  	s25 =	rddreg [dreg:$0x5]  }
0xed: {  	s28 =	rddreg [dreg:$0xd];
	s17 =	sadd.s32 $0x1, s25  }
0xee: {  	p0 =	sne.s32 s17, s28  }
.Ltmp2:
0xef: {  	_ = 	snop;
	(pc) =	sbr.rel @p0 .LBB2_1-.Ltmp2, $3  }
0xf0: {  	_ =	sdelay $0x1  }
0xf1: {  	[sflag:s22] =	ssyncset.done $0x0;
	s22 =	simm.s32 $0x11  }
0xf2: {  	[sflag:s22] =	ssyncadd.s32 $0xFFFFFFB0  }
0xf3: {  	_ =	sfence.sel $0x180000  }
0xf4: {  	[bflag:$0x0] =	sbarrier.arrive $0xFFFF  }
0xf5: {  	_ =	strace $0x90000050  }
0xf6: {  	s0 =	stileid.u32;
	[bflag:$0x2] =	sbarrier.arrive $0xFFFF  }
0xf7: {  	p0 =	sne.s32 s0, $0x0;
	s0 =	rddreg [dreg:$0x4]  }
0xf8: {  	s0 =	sadd.s32 @!p0 $0x100000, s0  }
0xf9: {  	[sflag:s0] =	ssyncadd.tile.s32 @!p0 $0x1;
	_ =	shalt  }
.Lfunc_end2:
_tile_overlayer_lowered:
.L_overlay_start_2:
0xfa: {  	(tag) =	ssettag $0x2  }
0xfb: {  	s0 =	rddreg [dreg:$0x0];
	s2 =	stileid.u32  }
0xfc: {  	s1 =	rddreg [dreg:$0x1];
	p0 =	sne.s32 s2, $0x0  }
0xfd: {  	s3 =	rddreg [dreg:$0x2];
	[bflag:$0x3] =	sbarrier.arrive $0xFFFF;
	s2 =	simm.s32 @!p0 $0x1C11  }
0xfe: {  	[timem:s3], [sflag:s2] =	dma.local @!p0 [hbm:s0], s1  }
0xff: {  	s0 =	simm.s32 @!p0 $0x11  }
0x100: {  	_ =	swait.ge @!p0 [sflag:s0], s1  }
0x101: {  	s1 =	ssub.s32 @!p0 $0x0, s1;
	[sflag:s0] =	ssyncset.done @!p0 $0x0  }
0x102: {  	[sflag:s0] =	ssyncadd.s32 @!p0 s1  }
0x103: {  	[bflag:$0x3] =	sbarrier.arrive $0xFFFF  }
0x104: {  	_ =	shalt  }

// kernel: kernel.24.cloned.1.call-start
scs
__scs_entry_jumppad:
0x0: {  	(pc) =	sbr.rel $0x88, $3  }
0x1: {  	(tag) =	ssettag $0x0;
	lr =	simm.s32 $0x1  }
0x2: {  	[smem:$0x3F95] =	sst lr;
	_ =	strace $0xD0000000  }
0x3: {  	_ = 	snop  }
0x4: {  	_ = 	snop  }
0x5: {  	_ = 	snop  }
0x6: {  	_ = 	snop  }
0x7: {  	_ = 	snop  }
__scs_overlays_trampoline_lowered:
0x8: {  	[smem:$0x3FA4] =	sst s0  }
0x9: {  	[smem:$0x3FA5] =	sst s1  }
0xa: {  	[smem:$0x3FA6] =	sst s2  }
0xb: {  	[smem:$0x3FA7] =	sst s3  }
0xc: {  	[smem:$0x3FA8] =	sst s4  }
0xd: {  	[smem:$0x3FA9] =	sst s5  }
0xe: {  	[smem:$0x3FAA] =	sst s6  }
0xf: {  	[smem:$0x3FAB] =	sst s7  }
0x10: {  	[smem:$0x3FAC] =	sst s8  }
0x11: {  	[smem:$0x3FAD] =	sst s9;
	s0 =	simm.s32 @!p0 $0x0  }
0x12: {  	s1 =	sld [smem:$0x3F93];
	s0 =	simm.s32 @p0 $0x1  }
0x13: {  	[smem:$0x3FAE] =	sst s0;
	s0 =	simm.s32 @!p1 $0x0  }
0x14: {  	s2 =	sld [smem:$0x3F92];
	s0 =	simm.s32 @p1 $0x1  }
0x15: {  	[smem:$0x3FAF] =	sst s0;
	s0 =	simm.s32 @!p2 $0x0  }
0x16: {  	s3 =	sld [smem:$0x3FDB];
	s0 =	simm.s32 @p2 $0x1  }
0x17: {  	s4 =	simm.s32 $0x1BF5;
	[smem:$0x3FB1] =	sst s0  }
0x18: {  	s0 =	sld [smem:$0x3F94];
	_ =	swait.ge [sflag:s4], $0x0  }
0x19: {  	s7 =	sld [smem:$0x3F95]  }
0x1a: {  	s8 =	sadd.s32 $0xFFFFE003, lr  }
0x1b: {  	s9 =	sadd.s32 $0xFFFFFEF7, lr;
	s5 =	simm.s32 $0xFFFFFFFF;
	p2 =	slt.u32 s8, $0xFFFFF086  }
0x1c: {  	p1 =	slt.u32 s9, $0xF7A;
	s5 =	simm.s32 @!p2 $0x0  }
0x1d: {  	s5 =	simm.s32 @p1 $0x1;
	p0 =	seq.s32 s7, s2  }
0x1e: {  	s7 =	smul.u32 @!p0 $0xF7A, s2;
	p2 =	seq.s32 @!p0 s5, $0x0  }
0x1f: {  	s9 =	smul.u32 $0xF7A, s1;
	s8 =	simm.s32 @!p0 $0x1BF5;
	p2 =	por !p2, p0  }
0x20: {  	[sflag:s8] =	ssyncset.s32 @!p0 $0xFFFFF086;
	s6 =	sadd.s32 @!p0 s3, s7;
	s7 =	simm.s32 @!p0 $0x108  }
0x21: {  	s3 =	sadd.s32 s3, s9;
	s6 =	sadd.s32 @!p0 $0x88, s6;
	s7 =	simm.s32 @p2 $0x1082  }
0x22: {  	[simem:s7], [sflag:s8] =	dma.local @!p0 [hbm:s6], $0xF7A  }
0x23: {  	s9 =	sor.u32 $0xD0000000, s2;
	s6 =	simm.s32 $0x108;
	_ =	swait.ge @!p0 [sflag:s8], $0x0  }
0x24: {  	s3 =	sadd.s32 $0x88, s3;
	s6 =	simm.s32 @!p1 $0x1082;
	[sflag:s4] =	ssyncset.s32 $0xFFFFF086  }
0x25: {  	[simem:s6], [sflag:s4] =	dma.local [hbm:s3], $0xF7A  }
0x26: {  	[smem:$0x3F95] =	sst s1;
	(tag) =	ssettag s2;
	_ =	strace s9  }
0x27: {  	s1 =	sld [smem:$0x3FA5]  }
0x28: {  	s2 =	sld [smem:$0x3FA6]  }
0x29: {  	s4 =	sld [smem:$0x3FA8]  }
0x2a: {  	p0 =	seq.s32 s5, $0x0;
	s5 =	sld [smem:$0x3FA9]  }
0x2b: {  	s6 =	sld [smem:$0x3FAA]  }
0x2c: {  	s7 =	sld [smem:$0x3FAB]  }
0x2d: {  	s3 =	simm.s32 $0x108;
	s8 =	sld [smem:$0x3FAC]  }
0x2e: {  	s3 =	simm.s32 @!p0 $0x1082;
	s9 =	sld [smem:$0x3FAD]  }
0x2f: {  	lr =	sadd.s32 s0, s3;
	s0 =	sld [smem:$0x3FA4]  }
0x30: {  	s3 =	sld [smem:$0x3FA7]  }
0x31: {  	[smem:$0x3FB0] =	sst s10  }
0x32: {  	s10 =	sld [smem:$0x3FAE];
	_ =	sdelay $0x3  }
0x33: {  	p0 =	seq.s32 s10, $0x1;
	s10 =	sld [smem:$0x3FB0];
	_ =	sdelay $0x3  }
0x34: {  	[smem:$0x3FB0] =	sst s10  }
0x35: {  	s10 =	sld [smem:$0x3FAF];
	_ =	sdelay $0x3  }
0x36: {  	p1 =	seq.s32 s10, $0x1;
	s10 =	sld [smem:$0x3FB0];
	_ =	sdelay $0x3  }
0x37: {  	[smem:$0x3FB0] =	sst s10  }
0x38: {  	s10 =	sld [smem:$0x3FB1]  }
0x39: {  	_ = 	snop;
	(pc) =	sbr.ind lr, $3  }
0x3a: {  	_ = 	snop  }
0x3b: {  	_ = 	snop  }
0x3c: {  	p2 =	seq.s32 s10, $0x1;
	s10 =	sld [smem:$0x3FB0]  }
0x3d: {  	_ =	shalt  }
0x3e: {  	_ =	shalt  }
0x3f: {  	_ =	shalt  }
0x40: {  	_ =	shalt  }
0x41: {  	_ =	shalt  }
0x42: {  	_ =	shalt  }
0x43: {  	_ =	shalt  }
0x44: {  	_ =	shalt  }
0x45: {  	_ =	shalt  }
0x46: {  	_ =	shalt  }
0x47: {  	_ =	shalt  }
0x48: {  	_ =	shalt  }
0x49: {  	_ =	shalt  }
0x4a: {  	_ =	shalt  }
0x4b: {  	_ =	shalt  }
0x4c: {  	_ =	shalt  }
0x4d: {  	_ =	shalt  }
0x4e: {  	_ =	shalt  }
0x4f: {  	_ =	shalt  }
0x50: {  	_ =	shalt  }
0x51: {  	_ =	shalt  }
0x52: {  	_ =	shalt  }
0x53: {  	_ =	shalt  }
0x54: {  	_ =	shalt  }
0x55: {  	_ =	shalt  }
0x56: {  	_ =	shalt  }
0x57: {  	_ =	shalt  }
0x58: {  	_ =	shalt  }
0x59: {  	_ =	shalt  }
0x5a: {  	_ =	shalt  }
0x5b: {  	_ =	shalt  }
0x5c: {  	_ =	shalt  }
0x5d: {  	_ =	shalt  }
0x5e: {  	_ =	shalt  }
0x5f: {  	_ =	shalt  }
0x60: {  	_ =	shalt  }
0x61: {  	_ =	shalt  }
0x62: {  	_ =	shalt  }
0x63: {  	_ =	shalt  }
0x64: {  	_ =	shalt  }
0x65: {  	_ =	shalt  }
0x66: {  	_ =	shalt  }
0x67: {  	_ =	shalt  }
0x68: {  	_ =	shalt  }
0x69: {  	_ =	shalt  }
0x6a: {  	_ =	shalt  }
0x6b: {  	_ =	shalt  }
0x6c: {  	_ =	shalt  }
0x6d: {  	_ =	shalt  }
0x6e: {  	_ =	shalt  }
0x6f: {  	_ =	shalt  }
0x70: {  	_ =	shalt  }
0x71: {  	_ =	shalt  }
0x72: {  	_ =	shalt  }
0x73: {  	_ =	shalt  }
0x74: {  	_ =	shalt  }
0x75: {  	_ =	shalt  }
0x76: {  	_ =	shalt  }
0x77: {  	_ =	shalt  }
0x78: {  	_ =	shalt  }
0x79: {  	_ =	shalt  }
0x7a: {  	_ =	shalt  }
0x7b: {  	_ =	shalt  }
0x7c: {  	_ =	shalt  }
0x7d: {  	_ =	shalt  }
0x7e: {  	_ =	shalt  }
0x7f: {  	_ =	shalt  }
0x80: {  	_ =	shalt  }
0x81: {  	_ =	shalt  }
0x82: {  	_ =	shalt  }
0x83: {  	_ =	shalt  }
0x84: {  	_ =	shalt  }
0x85: {  	_ =	shalt  }
0x86: {  	_ =	shalt  }
0x87: {  	_ =	shalt  }
.Lfunc_end0:
.L_simem_size_0:
called_computation.4_lowered:
.L_overlay_start_0:
0x88: {  	s2 =	sld [smem:$0x3FD9]  }
0x89: {  	s3 =	sld [smem:$0x3FFE];
	_ =	sdelay $0x1  }
0x8a: {  	s1 =	srdreg.scid  }
0x8b: {  	s0 =	sand.u32 $0x1, s1  }
0x8c: {  	s17 =	sshll.u32 s0, $0xA;
	s2 =	sadd.s32 s3, s2  }
0x8d: {  	s2 =	sadd.s32 s2, s17  }
0x8e: {  	[smem:$0x3FBC] =	sst s2  }
0x8f: {  	_ = 	snop  }
0x90: {  	s2 =	sld [smem:$0x3FD0];
	(tm) =	ssettm $0x1  }
0x91: {  	s18 =	sld [smem:$0x3FFB];
	_ =	sdelay $0x3  }
0x92: {  	_ =	strace s18  }
0x93: {  	s3 =	sld [smem:$0x3FFC];
	_ =	sdelay $0x3  }
0x94: {  	_ =	strace s3  }
0x95: {  	s3 =	sld [smem:$0x3FFD];
	_ =	sdelay $0x3  }
0x96: {  	_ =	strace s3  }
0x97: {  	_ =	strace $0x8FFFFFFF  }
0x98: {  	s19 =	sld [smem:$0x3FDB];
	_ =	sdelay $0x1  }
0x99: {  	s4 =	simm.s32 $_scs_section_size  }
0x9a: {  	s5 =	simm.s32 $_size__tile_overlayer_lowered;
	s6 =	simm.s32 $_tile_overlayer_lowered  }
0x9b: {  	s22 =	simm.s32 $0x1BFF;
	s21 =	sshll.u32 s6, $0x1;
	s3 =	sadd.s32 s4, s19  }
0x9c: {  	s7 =	simm.s32 $0x0;
	s20 =	sshll.u32 s5, $0x1;
	s5 =	sadd.s32 s21, s3  }
0x9d: {  	[timem:s7], [sflag:s22] =	dma.local [hbm:s5], s20  }
0x9e: {  	_ =	swait.ge [sflag:s22], s20  }
0x9f: {  	s4 =	ssub.s32 $0x0, s20;
	[sflag:s22] =	ssyncset.done $0x0  }
0xa0: {  	[sflag:s22] =	ssyncadd.s32 s4;
	_ =	sdelay $0x1  }
0xa1: {  	s23 =	simm.s32 $0x1B8B  }
0xa2: {  	_ =	swait.ge [sflag:s23], $0x1  }
0xa3: {  	[sflag:s23] =	ssyncset.done $0x0  }
0xa4: {  	s25 =	simm.s32 $0x1B8E;
	s24 =	sld [smem:$0x3FFE];
	[sflag:s23] =	ssyncadd.s32 $0xFFFFFFFF  }
0xa5: {  	s26 =	simm.s32 $execute0_lowered;
	[smem:$0x3FD2] =	sst s25  }
0xa6: {  	s5 =	sshll.u32 s26, $0x1;
	_ =	strace $0x80000052;
	[dreg:$0x1] =	wrdreg $0xFFFFFFFF  }
0xa7: {  	s28 =	simm.s32 $_size_execute0_lowered;
	s3 =	sadd.s32 s3, s5;
	[dreg:$0x0] =	wrdreg $0x0  }
0xa8: {  	s5 =	sshll.u32 s28, $0x1;
	[dreg:$0x2] =	wrdreg s3  }
0xa9: {  	[dreg:$0x3] =	wrdreg s5  }
0xaa: {  	[dreg:$0x4] =	wrdreg $0xC0  }
0xab: {  	_ =	task [dreg:s7], $0x5FFFF  }
0xac: {  	[dreg:$0x1] =	wrdreg $0xFFFFFFFF  }
0xad: {  	[dreg:$0x0] =	wrdreg $0x60  }
0xae: {  	[dreg:$0x2] =	wrdreg s24  }
0xaf: {  	[dreg:$0x3] =	wrdreg s2  }
0xb0: {  	[dreg:$0x4] =	wrdreg $0xA2000  }
0xb1: {  	[dreg:$0x5] =	wrdreg $0x9  }
0xb2: {  	_ =	task.clear_ibuf [dreg:s7], $0x6FFFF;
	_ =	strace $0x90000052  }
0xb3: {  	s29 =	simm.s32 $0x9;
	_ =	strace $0x80000054  }
0xb4: {  	_ =	swait.ge [sflag:s29], $0x1  }
0xb5: {  	[sflag:s29] =	ssyncadd.s32 $0xFFFFFFFF  }
0xb6: {  	_ =	strace $0x90000054  }
0xb7: {  	_ =	sfence  }
0xb8: {  	s30 =	sld [smem:$0x0];
	_ =	sdelay $0x2  }
0xb9: {  	s31 =	sshll.u32 s1, $0xD;
	s1 =	sshrl.u32 s1, $0x2  }
0xba: {  	s3 =	sand.u32 $0x4000, s31;
	s1 =	sadd.s32 s1, s30  }
0xbb: {  	s0 =	sor.u32 s3, s0;
	s1 =	sshll.u32 s1, $0x11  }
0xbc: {  	s0 =	sor.u32 s1, s0  }
0xbd: {  	s0 =	sadd.s32 $0x8F2B, s0  }
0xbe: {  	[sflag:s0] =	ssyncadd.remote.s32 $0x1  }
0xbf: {  	_ =	sfence.sel $0xFFFF  }
0xc0: {  	[dreg:$0x0] =	wrdreg $0xFFFFFFFF;
	(pc) =	sbr.abs _section_cstart, $3  }
0xc1: {  	[dreg:$0x1] =	wrdreg $0xFFFFFFFF  }
0xc2: {  	_ =	task.clear_ibuf [dreg:s7], $0x2FFFF;
	_ =	strace $0x9FFFFFFF  }
0xc3: {  	(tm) =	ssettm $0x7FFFFFFF  }
tec
execute0_lowered:
.L_overlay_start_1:
0x0: {  	(tag) =	ssettag $0x1  }
0x1: {  	s1 =	rddreg [dreg:$0x0]  }
0x2: {  	s0 =	srdreg.scid;
	s7 =	rddreg [dreg:$0x1]  }
0x3: {  	s12 =	stileid.u32;
	s2 =	rddreg [dreg:$0x2];
	s14 =	simm.s32 $0x40  }
0x4: {  	s15 =	simm.s32 $0xA000;
	s17 =	simm.s32 $0xA080;
	s19 =	simm.s32 $0xA100  }
0x5: {  	s21 =	simm.s32 $0xA180;
	s22 =	simm.s32 $0x1;
	s23 =	simm.s32 $0x2  }
0x6: {  	s24 =	simm.s32 $0x3;
	s28 =	simm.s32 $0x6;
	s29 =	simm.s32 $0x7  }
0x7: {  	s30 =	simm.s32 $0x8;
	s31 =	simm.s32 $0x4F80;
	s18 =	simm.s32 $0x20  }
0x8: {  	s20 =	simm.s32 $0x10;
	s0 =	sand.u32 $0x1, s0;
	s5 =	smul.u32 $0x500, s12  }
0x9: {  	s10 =	smul.u32 $0xA00, s12;
	s26 =	sshll.u32 s12, $0x6;
	s3 =	sshll.u32 s0, $0x4  }
0xa: {  	s6 =	sshll.u32 s0, $0x7;
	s0 =	ssub.s32 $0x2, s0;
	s4 =	sor.u32 s12, s3  }
0xb: {  	s3 =	simm.s32 $0x0;
	s6 =	sor.u32 s6, s5;
	s5 =	sadd.s32 $0x4800, s1  }
0xc: {  	s25 =	sshrl.u32 s0, $0x1;
	s10 =	sshrl.u32 s10, $0x2;
	s12 =	simm.s32 $0x9  }
0xd: {  	s8 =	smul.u32 $0xA00, s4;
	[smem:$0x7FF] =	sst s3;
	s4 =	sadd.s32 $0x2CA00, s1  }
0xe: {  	s6 =	sshrl.u32 s6, $0x3;
	s0 =	ssub.s32 s0, s25;
	s11 =	sadd.s32 s10, s2  }
0xf: {  	s25 =	simm.s32 $0x4;
	_ =	strace $0x80000053;
	s10 =	smax.u32 s0, $0x1  }
0x10: {  	s11 =	sshrl.u32 s11, $0x3;
	s9 =	sadd.s32 s8, s1;
	s1 =	sadd.s32 s6, s1  }
0x11: {  	s6 =	sor.u32 $0x1C09, s26;
	s7 =	sadd.s32 s7, s8;
	s26 =	simm.s32 $0x5  }
0x12: {  	s8 =	sadd.s32 $0x2D600, s9;
	s9 =	sadd.s32 $0x10C800, s1;
	s1 =	simm.s32 $0x0  }
.LBB2_1:
0x13: {  	[spmem:s11], [sflag:s6] =	dma.local [hbm:s5], $0x50  }
0x14: {  	_ =	swait.ge [sflag:s12], $0x50  }
0x15: {  	[sflag:s12] =	ssyncset.done $0x0  }
0x16: {  	[sflag:s12] =	ssyncadd.s32 $0xFFFFFFB0  }
0x17: {  	s0 =	simm.s32 $0x5000;
	[bflag:$0x0] =	sbarrier.arrive $0xFFFF  }
0x18: {  	[tilespmem:s0], [sflag:$0x9] =	stream.linear.gather [hbm4b:s7+s3], $0x5000, $0x38;
	[tilespmem:$0xA480] =	vst v63  }
0x19: {  	_ =	swait.ge [sflag:s12], $0x5000  }
0x1a: {  	[sflag:s12] =	ssyncset.done $0x0  }
0x1b: {  	[sflag:s12] =	ssyncadd.s32 $0xFFFFB000  }
0x1c: {  	[tilespmem:s3], [sflag:$0x9] =	stream.linear.gather [hbm4b:s8+s3], $0x5000, $0x38;
	[tilespmem:$0xA480] =	vst v63  }
0x1d: {  	_ =	swait.ge [sflag:s12], $0x5000  }
0x1e: {  	[sflag:s12] =	ssyncset.done $0x0  }
0x1f: {  	[sflag:s12] =	ssyncadd.s32 $0xFFFFB000  }
0x20: {  	[tilespmem:s15], [sflag:$0x1] =	stream.indirect.gather [hbm4b:s4+s14], $0x1, s3, s14, $0xb8;
	[tilespmem:$0xA480] =	vst v63  }
0x21: {  	s13 =	simm.s32 $0x80  }
0x22: {  	[tilespmem:s17], [sflag:$0x2] =	stream.indirect.gather [hbm4b:s4+s14], $0x1, s13, s14, $0xb8;
	[tilespmem:$0xA480] =	vst v63  }
0x23: {  	s16 =	simm.s32 $0x100  }
0x24: {  	[tilespmem:s19], [sflag:$0x3] =	stream.indirect.gather [hbm4b:s4+s14], $0x1, s16, s14, $0xb8;
	[tilespmem:$0xA480] =	vst v63  }
0x25: {  	s13 =	simm.s32 $0x180  }
0x26: {  	[tilespmem:s21], [sflag:$0x4] =	stream.indirect.gather [hbm4b:s4+s14], $0x1, s13, s14, $0xb8;
	[tilespmem:$0xA480] =	vst v63  }
0x27: {  	_ =	swait.ge [sflag:s22], $0x40  }
0x28: {  	[sflag:s22] =	ssyncset.done $0x0  }
0x29: {  	s16 =	simm.s32 $0x5000;
	[sflag:s22] =	ssyncadd.s32 $0xFFFFFFC0  }
0x2a: {  	[spmem:s2] =	stream.indirect.scatter.add.f32 [tilespmem:s15], [sflag:$0x5], $0x1, s16, s14, $0xb8;
	[tilespmem:$0xA480] =	vst v63  }
0x2b: {  	_ =	swait.ge [sflag:s23], $0x40  }
0x2c: {  	[sflag:s23] =	ssyncset.done $0x0  }
0x2d: {  	s13 =	simm.s32 $0x5080;
	[sflag:s23] =	ssyncadd.s32 $0xFFFFFFC0  }
0x2e: {  	[spmem:s2] =	stream.indirect.scatter.add.f32 [tilespmem:s17], [sflag:$0x6], $0x1, s13, s14, $0xb8;
	[tilespmem:$0xA480] =	vst v63  }
0x2f: {  	_ =	swait.ge [sflag:s24], $0x40  }
0x30: {  	[sflag:s24] =	ssyncset.done $0x0  }
0x31: {  	s16 =	simm.s32 $0x5100;
	[sflag:s24] =	ssyncadd.s32 $0xFFFFFFC0  }
0x32: {  	[spmem:s2] =	stream.indirect.scatter.add.f32 [tilespmem:s19], [sflag:$0x7], $0x1, s16, s14, $0xb8;
	[tilespmem:$0xA480] =	vst v63  }
0x33: {  	_ =	swait.ge [sflag:s25], $0x40  }
0x34: {  	[sflag:s25] =	ssyncset.done $0x0  }
0x35: {  	s13 =	simm.s32 $0x5180;
	[sflag:s25] =	ssyncadd.s32 $0xFFFFFFC0  }
0x36: {  	[spmem:s2] =	stream.indirect.scatter.add.f32 [tilespmem:s21], [sflag:$0x8], $0x1, s13, s14, $0xb8;
	[tilespmem:$0xA480] =	vst v63  }
0x37: {  	_ =	swait.ge [sflag:s26], $0x40  }
0x38: {  	[sflag:s26] =	ssyncset.done $0x0  }
0x39: {  	s16 =	simm.s32 $0x200;
	[sflag:s26] =	ssyncadd.s32 $0xFFFFFFC0  }
0x3a: {  	[tilespmem:s15], [sflag:$0x1] =	stream.indirect.gather [hbm4b:s4+s14], $0x1, s16, s14, $0xb8;
	[tilespmem:$0xA480] =	vst v63  }
0x3b: {  	_ =	swait.ge [sflag:s28], $0x40  }
0x3c: {  	[sflag:s28] =	ssyncset.done $0x0  }
0x3d: {  	s13 =	simm.s32 $0x280;
	[sflag:s28] =	ssyncadd.s32 $0xFFFFFFC0  }
0x3e: {  	[tilespmem:s17], [sflag:$0x2] =	stream.indirect.gather [hbm4b:s4+s14], $0x1, s13, s14, $0xb8;
	[tilespmem:$0xA480] =	vst v63  }
0x3f: {  	_ =	swait.ge [sflag:s29], $0x40  }
0x40: {  	[sflag:s29] =	ssyncset.done $0x0  }
0x41: {  	s16 =	simm.s32 $0x300;
	[sflag:s29] =	ssyncadd.s32 $0xFFFFFFC0  }
0x42: {  	[tilespmem:s19], [sflag:$0x3] =	stream.indirect.gather [hbm4b:s4+s14], $0x1, s16, s14, $0xb8;
	[tilespmem:$0xA480] =	vst v63  }
0x43: {  	_ =	swait.ge [sflag:s30], $0x40  }
0x44: {  	[sflag:s30] =	ssyncset.done $0x0  }
0x45: {  	s0 =	simm.s32 $0x800;
	s13 =	simm.s32 $0x380;
	[sflag:s30] =	ssyncadd.s32 $0xFFFFFFC0  }
.LBB2_2:
0x46: {  	[tilespmem:s21], [sflag:$0x4] =	stream.indirect.gather [hbm4b:s4+s14], $0x1, s13, s14, $0xb8;
	[tilespmem:$0xA480] =	vst v63  }
0x47: {  	s13 =	smov.u32 s0  }
0x48: {  	p0 =	sne.s32 s0, $0x12800;
	s0 =	sadd.s32 $0x800, s0;
	_ =	swait.ge [sflag:s22], $0x40  }
0x49: {  	s13 =	sshra.s32 s13, $0x2;
	[sflag:s22] =	ssyncset.done $0x0  }
0x4a: {  	s16 =	sadd.s32 $0x5000, s13;
	[sflag:s22] =	ssyncadd.s32 $0xFFFFFFC0  }
0x4b: {  	[spmem:s2] =	stream.indirect.scatter.add.f32 [tilespmem:s15], [sflag:$0x5], $0x1, s16, s14, $0xb8;
	[tilespmem:$0xA480] =	vst v63  }
0x4c: {  	_ =	swait.ge [sflag:s23], $0x40  }
0x4d: {  	[sflag:s23] =	ssyncset.done $0x0  }
0x4e: {  	s16 =	sadd.s32 $0x5080, s13;
	[sflag:s23] =	ssyncadd.s32 $0xFFFFFFC0  }
0x4f: {  	[spmem:s2] =	stream.indirect.scatter.add.f32 [tilespmem:s17], [sflag:$0x6], $0x1, s16, s14, $0xb8;
	[tilespmem:$0xA480] =	vst v63  }
0x50: {  	_ =	swait.ge [sflag:s24], $0x40  }
0x51: {  	[sflag:s24] =	ssyncset.done $0x0  }
0x52: {  	s16 =	sadd.s32 $0x5100, s13;
	[sflag:s24] =	ssyncadd.s32 $0xFFFFFFC0  }
0x53: {  	[spmem:s2] =	stream.indirect.scatter.add.f32 [tilespmem:s19], [sflag:$0x7], $0x1, s16, s14, $0xb8;
	[tilespmem:$0xA480] =	vst v63  }
0x54: {  	_ =	swait.ge [sflag:s25], $0x40  }
0x55: {  	[sflag:s25] =	ssyncset.done $0x0  }
0x56: {  	s16 =	sadd.s32 $0x5180, s13;
	[sflag:s25] =	ssyncadd.s32 $0xFFFFFFC0  }
0x57: {  	[spmem:s2] =	stream.indirect.scatter.add.f32 [tilespmem:s21], [sflag:$0x8], $0x1, s16, s14, $0xb8;
	[tilespmem:$0xA480] =	vst v63  }
0x58: {  	_ =	swait.ge [sflag:s26], $0x40  }
0x59: {  	[sflag:s26] =	ssyncset.done $0x0  }
0x5a: {  	s16 =	sadd.s32 $0x200, s13;
	[sflag:s26] =	ssyncadd.s32 $0xFFFFFFC0  }
0x5b: {  	[tilespmem:s15], [sflag:$0x1] =	stream.indirect.gather [hbm4b:s4+s14], $0x1, s16, s14, $0xb8;
	[tilespmem:$0xA480] =	vst v63  }
0x5c: {  	_ =	swait.ge [sflag:s28], $0x40  }
0x5d: {  	[sflag:s28] =	ssyncset.done $0x0  }
0x5e: {  	s16 =	sadd.s32 $0x280, s13;
	[sflag:s28] =	ssyncadd.s32 $0xFFFFFFC0  }
0x5f: {  	[tilespmem:s17], [sflag:$0x2] =	stream.indirect.gather [hbm4b:s4+s14], $0x1, s16, s14, $0xb8;
	[tilespmem:$0xA480] =	vst v63  }
0x60: {  	_ =	swait.ge [sflag:s29], $0x40  }
0x61: {  	[sflag:s29] =	ssyncset.done $0x0  }
.Ltmp0:
0x62: {  	s16 =	sadd.s32 $0x300, s13;
	[sflag:s29] =	ssyncadd.s32 $0xFFFFFFC0;
	(pc) =	sbr.rel @p0 .LBB2_2-.Ltmp0, $4  }
0x63: {  	[tilespmem:s19], [sflag:$0x3] =	stream.indirect.gather [hbm4b:s4+s14], $0x1, s16, s14, $0xb8;
	[tilespmem:$0xA480] =	vst v63  }
0x64: {  	_ =	swait.ge [sflag:s30], $0x40  }
0x65: {  	[sflag:s30] =	ssyncset.done $0x0  }
0x66: {  	s13 =	sadd.s32 $0x380, s13;
	[sflag:s30] =	ssyncadd.s32 $0xFFFFFFC0  }
0x67: {  	[tilespmem:s21], [sflag:$0x4] =	stream.indirect.gather [hbm4b:s4+s14], $0x1, s13, s14, $0xb8;
	[tilespmem:$0xA480] =	vst v63  }
0x68: {  	_ =	swait.ge [sflag:s22], $0x40  }
0x69: {  	[sflag:s22] =	ssyncset.done $0x0  }
0x6a: {  	s0 =	simm.s32 $0x9C00;
	[sflag:s22] =	ssyncadd.s32 $0xFFFFFFC0  }
0x6b: {  	[spmem:s2] =	stream.indirect.scatter.add.f32 [tilespmem:s15], [sflag:$0x5], $0x1, s0, s14, $0xb8;
	[tilespmem:$0xA480] =	vst v63  }
0x6c: {  	_ =	swait.ge [sflag:s23], $0x40  }
0x6d: {  	[sflag:s23] =	ssyncset.done $0x0  }
0x6e: {  	s13 =	simm.s32 $0x9C80;
	[sflag:s23] =	ssyncadd.s32 $0xFFFFFFC0  }
0x6f: {  	[spmem:s2] =	stream.indirect.scatter.add.f32 [tilespmem:s17], [sflag:$0x6], $0x1, s13, s14, $0xb8;
	[tilespmem:$0xA480] =	vst v63  }
0x70: {  	_ =	swait.ge [sflag:s24], $0x40  }
0x71: {  	[sflag:s24] =	ssyncset.done $0x0  }
0x72: {  	s16 =	simm.s32 $0x9D00;
	[sflag:s24] =	ssyncadd.s32 $0xFFFFFFC0  }
0x73: {  	[spmem:s2] =	stream.indirect.scatter.add.f32 [tilespmem:s19], [sflag:$0x7], $0x1, s16, s14, $0xb8;
	[tilespmem:$0xA480] =	vst v63  }
0x74: {  	_ =	swait.ge [sflag:s25], $0x40  }
0x75: {  	[sflag:s25] =	ssyncset.done $0x0  }
0x76: {  	s13 =	simm.s32 $0x9D80;
	[sflag:s25] =	ssyncadd.s32 $0xFFFFFFC0  }
0x77: {  	[spmem:s2] =	stream.indirect.scatter.add.f32 [tilespmem:s21], [sflag:$0x8], $0x1, s13, s14, $0xb8;
	[tilespmem:$0xA480] =	vst v63  }
0x78: {  	_ =	swait.ge [sflag:s26], $0x40  }
0x79: {  	[sflag:s26] =	ssyncset.done $0x0  }
0x7a: {  	s16 =	simm.s32 $0x4E00;
	[sflag:s26] =	ssyncadd.s32 $0xFFFFFFC0  }
0x7b: {  	[tilespmem:s15], [sflag:$0x1] =	stream.indirect.gather [hbm4b:s4+s14], $0x1, s16, s14, $0xb8;
	[tilespmem:$0xA480] =	vst v63  }
0x7c: {  	_ =	swait.ge [sflag:s28], $0x40  }
0x7d: {  	[sflag:s28] =	ssyncset.done $0x0  }
0x7e: {  	s13 =	simm.s32 $0x4E80;
	[sflag:s28] =	ssyncadd.s32 $0xFFFFFFC0  }
0x7f: {  	[tilespmem:s17], [sflag:$0x2] =	stream.indirect.gather [hbm4b:s4+s14], $0x1, s13, s14, $0xb8;
	[tilespmem:$0xA480] =	vst v63  }
0x80: {  	_ =	swait.ge [sflag:s29], $0x40  }
0x81: {  	[sflag:s29] =	ssyncset.done $0x0  }
0x82: {  	s16 =	simm.s32 $0x4F00;
	[sflag:s29] =	ssyncadd.s32 $0xFFFFFFC0  }
0x83: {  	[tilespmem:s19], [sflag:$0x3] =	stream.indirect.gather [hbm4b:s4+s14], $0x1, s16, s14, $0xb8;
	[tilespmem:$0xA480] =	vst v63  }
0x84: {  	_ =	swait.ge [sflag:s30], $0x40  }
0x85: {  	[sflag:s30] =	ssyncset.done $0x0  }
0x86: {  	[sflag:s30] =	ssyncadd.s32 $0xFFFFFFC0  }
0x87: {  	[tilespmem:s21], [sflag:$0x4] =	stream.indirect.gather [hbm4b:s4+s14], $0x1, s31, s14, $0xb8;
	[tilespmem:$0xA480] =	vst v63  }
0x88: {  	_ =	swait.ge [sflag:s22], $0x40  }
0x89: {  	[sflag:s22] =	ssyncset.done $0x0  }
0x8a: {  	s13 =	simm.s32 $0x9E00;
	[sflag:s22] =	ssyncadd.s32 $0xFFFFFFC0  }
0x8b: {  	[spmem:s2] =	stream.indirect.scatter.add.f32 [tilespmem:s15], [sflag:$0x5], $0x1, s13, s14, $0xb8;
	[tilespmem:$0xA480] =	vst v63  }
0x8c: {  	_ =	swait.ge [sflag:s23], $0x40  }
0x8d: {  	[sflag:s23] =	ssyncset.done $0x0  }
0x8e: {  	s16 =	simm.s32 $0x9E80;
	[sflag:s23] =	ssyncadd.s32 $0xFFFFFFC0  }
0x8f: {  	[spmem:s2] =	stream.indirect.scatter.add.f32 [tilespmem:s17], [sflag:$0x6], $0x1, s16, s14, $0xb8;
	[tilespmem:$0xA480] =	vst v63  }
0x90: {  	_ =	swait.ge [sflag:s24], $0x40  }
0x91: {  	[sflag:s24] =	ssyncset.done $0x0  }
0x92: {  	s13 =	simm.s32 $0x9F00;
	[sflag:s24] =	ssyncadd.s32 $0xFFFFFFC0  }
0x93: {  	[spmem:s2] =	stream.indirect.scatter.add.f32 [tilespmem:s19], [sflag:$0x7], $0x1, s13, s14, $0xb8;
	[tilespmem:$0xA480] =	vst v63  }
0x94: {  	_ =	swait.ge [sflag:s25], $0x40  }
0x95: {  	[sflag:s25] =	ssyncset.done $0x0  }
0x96: {  	s16 =	simm.s32 $0x9F80;
	[sflag:s25] =	ssyncadd.s32 $0xFFFFFFC0  }
0x97: {  	[spmem:s2] =	stream.indirect.scatter.add.f32 [tilespmem:s21], [sflag:$0x8], $0x1, s16, s14, $0xb8;
	[tilespmem:$0xA480] =	vst v63  }
0x98: {  	_ =	swait.ge [sflag:s26], $0x40  }
0x99: {  	[sflag:s26] =	ssyncset.done $0x0  }
0x9a: {  	[sflag:s26] =	ssyncadd.s32 $0xFFFFFFC0  }
0x9b: {  	[tilespmem:s15], [sflag:$0x1] =	stream.indirect.gather [hbm4b:s4+s14], $0x1, s31, s14, $0xb8;
	[tilespmem:$0xA480] =	vst v63  }
0x9c: {  	_ =	swait.ge [sflag:s28], $0x40  }
0x9d: {  	[sflag:s28] =	ssyncset.done $0x0  }
0x9e: {  	[sflag:s28] =	ssyncadd.s32 $0xFFFFFFC0  }
0x9f: {  	[tilespmem:s17], [sflag:$0x2] =	stream.indirect.gather [hbm4b:s4+s14], $0x1, s31, s14, $0xb8;
	[tilespmem:$0xA480] =	vst v63  }
0xa0: {  	_ =	swait.ge [sflag:s29], $0x40  }
0xa1: {  	[sflag:s29] =	ssyncset.done $0x0  }
0xa2: {  	[sflag:s29] =	ssyncadd.s32 $0xFFFFFFC0  }
0xa3: {  	[tilespmem:s19], [sflag:$0x3] =	stream.indirect.gather [hbm4b:s4+s14], $0x1, s31, s14, $0xb8;
	[tilespmem:$0xA480] =	vst v63  }
0xa4: {  	_ =	swait.ge [sflag:s30], $0x40  }
0xa5: {  	[sflag:s30] =	ssyncset.done $0x0  }
0xa6: {  	[sflag:s30] =	ssyncadd.s32 $0xFFFFFFC0  }
0xa7: {  	[tilespmem:s21], [sflag:$0x4] =	stream.indirect.gather [hbm4b:s4+s14], $0x1, s31, s14, $0xb8;
	[tilespmem:$0xA480] =	vst v63  }
0xa8: {  	_ =	swait.ge [sflag:s22], $0x40  }
0xa9: {  	[sflag:s22] =	ssyncset.done $0x0  }
0xaa: {  	[sflag:s22] =	ssyncadd.s32 $0xFFFFFFC0  }
0xab: {  	_ =	swait.ge [sflag:s23], $0x40  }
0xac: {  	[sflag:s23] =	ssyncset.done $0x0  }
0xad: {  	[sflag:s23] =	ssyncadd.s32 $0xFFFFFFC0  }
0xae: {  	_ =	swait.ge [sflag:s24], $0x40  }
0xaf: {  	[sflag:s24] =	ssyncset.done $0x0  }
0xb0: {  	[sflag:s24] =	ssyncadd.s32 $0xFFFFFFC0  }
0xb1: {  	_ =	swait.ge [sflag:s25], $0x40  }
0xb2: {  	s1 =	sadd.s32 $0x1, s1;
	[sflag:s25] =	ssyncset.done $0x0  }
0xb3: {  	p0 =	sne.s32 s1, s10;
	[sflag:s25] =	ssyncadd.s32 $0xFFFFFFC0  }
.Ltmp1:
0xb4: {  	[bflag:$0x0] =	sbarrier.arrive $0xFFFF;
	(pc) =	sbr.rel @p0 .LBB2_1-.Ltmp1, $4  }
0xb5: {  	[hbm:s9@s18], [sflag:s6] =	dma.strided [spmem:s11@s20], $0x50, s22, $0x10   }
0xb6: {  	_ =	swait.ge [sflag:s12], $0x50  }
0xb7: {  	[sflag:s12] =	ssyncset.done $0x0  }
0xb8: {  	[sflag:s12] =	ssyncadd.s32 $0xFFFFFFB0  }
0xb9: {  	_ =	sfence.sel $0x180000  }
0xba: {  	[bflag:$0x0] =	sbarrier.arrive $0xFFFF  }
0xbb: {  	_ =	strace $0x90000053  }
0xbc: {  	s0 =	stileid.u32;
	[bflag:$0x2] =	sbarrier.arrive $0xFFFF  }
0xbd: {  	p0 =	sne.s32 s0, $0x0;
	s0 =	rddreg [dreg:$0x3]  }
0xbe: {  	s0 =	sadd.s32 @!p0 $0x100000, s0  }
0xbf: {  	[sflag:s0] =	ssyncadd.tile.s32 @!p0 $0x1;
	_ =	shalt  }
.Lfunc_end2:
_tile_overlayer_lowered:
.L_overlay_start_2:
0xc0: {  	(tag) =	ssettag $0x2  }
0xc1: {  	s0 =	rddreg [dreg:$0x0];
	s2 =	stileid.u32  }
0xc2: {  	s1 =	rddreg [dreg:$0x1];
	p0 =	sne.s32 s2, $0x0  }
0xc3: {  	s3 =	rddreg [dreg:$0x2];
	[bflag:$0x3] =	sbarrier.arrive $0xFFFF;
	s2 =	simm.s32 @!p0 $0x1C09  }
0xc4: {  	[timem:s3], [sflag:s2] =	dma.local @!p0 [hbm:s0], s1  }
0xc5: {  	s0 =	simm.s32 @!p0 $0x9  }
0xc6: {  	_ =	swait.ge @!p0 [sflag:s0], s1  }
0xc7: {  	s1 =	ssub.s32 @!p0 $0x0, s1;
	[sflag:s0] =	ssyncset.done @!p0 $0x0  }
0xc8: {  	[sflag:s0] =	ssyncadd.s32 @!p0 s1  }
0xc9: {  	[bflag:$0x3] =	sbarrier.arrive $0xFFFF  }
0xca: {  	_ =	shalt  }

</sc_bundles>
